<compile_context>
chip_gen: v7x
topology: tpu7x:2x2x1
jax: 0.10.2.dev20260603
libtpu: 0.0.44.dev20260713+nightly
codegen_flags: <defaults>
</compile_context>

<pallas_src>
import functools

import jax
import jax.numpy as jnp
from jax import lax
from jax.experimental import pallas as pl
from jax.experimental.pallas import tpu as pltpu
from jax.experimental.pallas import tpu_sc as plsc

N = 10000
D = 128
E = 320000
LANES = 16
NC = 2
NS = 16
NW = NC * NS
CHUNK = 80
CH = 126
EPT = CH * CHUNK
EPAD = EPT * NW
NPAD = 10240
RPT = NPAD // NS
BR = 1024

_mesh = plsc.VectorSubcoreMesh(core_axis_name="c", subcore_axis_name="s")

_SC_PARAMS = pltpu.CompilerParams(needs_layout_passes=False,
                                  use_tc_tiling_on_sc=False)

_GDN = lax.GatherDimensionNumbers(
    offset_dims=(), collapsed_slice_dims=(0,), start_index_map=(0,))


def _bcast_lane(v16, lane):
    idx = jnp.full((LANES, 1), lane, jnp.int32)
    return lax.gather(v16, idx, _GDN, (1,),
                      mode=lax.GatherScatterMode.PROMISE_IN_BOUNDS)


@functools.partial(
    pl.kernel,
    out_type=jax.ShapeDtypeStruct((NC, NPAD), jnp.float32),
    mesh=_mesh,
    scratch_types=[
        pltpu.VMEM((3, CHUNK), jnp.int32),
        pltpu.VMEM((3, CHUNK), jnp.float32),
        pltpu.VMEM_SHARED((NPAD,), jnp.float32),
        pltpu.SemaphoreType.DMA,
        pltpu.SemaphoreType.DMA,
        pltpu.SemaphoreType.DMA,
        pltpu.SemaphoreType.DMA,
        pltpu.SemaphoreType.DMA,
        pltpu.SemaphoreType.DMA,
    ],
)
def _deg_kernel(col_hbm, ew_hbm, z1_hbm, out_hbm, colv, ewv, deg_sh,
                q0, q1, q2, m0, m1, m2):
    c = lax.axis_index("c")
    s = lax.axis_index("s")
    qs = [q0, q1, q2]
    ms = [m0, m1, m2]
    pltpu.sync_copy(z1_hbm.at[pl.ds(s * RPT, RPT)],
                    deg_sh.at[pl.ds(s * RPT, RPT)])
    plsc.subcore_barrier()
    base = (c * NS + s) * EPT

    def issue_md(ch, b):
        off = base + ch * CHUNK
        pltpu.async_copy(col_hbm.at[pl.ds(off, CHUNK)], colv.at[b], ms[b])
        pltpu.async_copy(ew_hbm.at[pl.ds(off, CHUNK)], ewv.at[b], ms[b])

    def wait_md(b):
        pltpu.make_async_copy(col_hbm.at[pl.ds(0, CHUNK)], colv.at[b],
                              ms[b]).wait()
        pltpu.make_async_copy(ew_hbm.at[pl.ds(0, CHUNK)], ewv.at[b],
                              ms[b]).wait()

    def wait_scatter(b):
        pltpu.make_async_copy(ewv.at[b], deg_sh.at[colv.at[b]], qs[b]).wait()

    for p in range(2):
        issue_md(p, p)

    @pl.loop(0, CH // 3)
    def _grp(i):
        for r in range(3):
            ch = i * 3 + r
            b = r
            nb = (r + 2) % 3

            @pl.when(ch >= 1)
            def _():
                wait_scatter(nb)

            @pl.when(ch + 2 < CH)
            def _():
                issue_md(ch + 2, nb)

            wait_md(b)
            pltpu.async_copy(ewv.at[b], deg_sh.at[colv.at[b]], qs[b],
                             add=True)

    wait_scatter((CH - 1) % 3)
    plsc.subcore_barrier()
    pltpu.sync_copy(deg_sh.at[pl.ds(s * RPT, RPT)],
                    out_hbm.at[c, pl.ds(s * RPT, RPT)])


@functools.partial(
    pl.kernel,
    out_type=jax.ShapeDtypeStruct((NC, NPAD, D), jnp.float32),
    mesh=_mesh,
    scratch_types=[
        pltpu.VMEM((EPT,), jnp.int32),
        pltpu.VMEM((6, CHUNK), jnp.int32),
        pltpu.VMEM((6, CHUNK), jnp.float32),
        pltpu.VMEM((3, CHUNK, D // 2), jnp.int32),
        pltpu.VMEM((2, CHUNK, D), jnp.float32),
        pltpu.VMEM_SHARED((NPAD, D), jnp.float32),
        pltpu.SemaphoreType.DMA,
        pltpu.SemaphoreType.DMA,
        pltpu.SemaphoreType.DMA,
        pltpu.SemaphoreType.DMA,
        pltpu.SemaphoreType.DMA,
        pltpu.SemaphoreType.DMA,
        pltpu.SemaphoreType.DMA,
        pltpu.SemaphoreType.DMA,
        pltpu.SemaphoreType.DMA,
        pltpu.SemaphoreType.DMA,
        pltpu.SemaphoreType.DMA,
    ],
    compiler_params=_SC_PARAMS,
)
def _agg_kernel(hp_hbm, row_hbm, col_hbm, ew_hbm, z2_hbm, out_hbm,
                rowv, colv, ewv, rows_g, rows_s, acc_sh,
                g0, g1, g2, s0, s1, m0, m1, m2, m3, m4, m5):
    c = lax.axis_index("c")
    s = lax.axis_index("s")
    gsems = [g0, g1, g2]
    ssems = [s0, s1]
    msems = [m0, m1, m2, m3, m4, m5]
    pltpu.sync_copy(z2_hbm.at[pl.ds(s * RPT, RPT)],
                    acc_sh.at[pl.ds(s * RPT, RPT)])
    base = (c * NS + s) * EPT
    pltpu.async_copy(row_hbm.at[pl.ds(base, EPT)], rowv, g0)
    pltpu.make_async_copy(row_hbm.at[pl.ds(base, EPT)], rowv, g0).wait()
    plsc.subcore_barrier()

    def issue_gather(ch, b):
        pltpu.async_copy(hp_hbm.at[rowv.at[pl.ds(ch * CHUNK, CHUNK)]],
                         rows_g.at[b], gsems[b])

    def issue_md(ch, b):
        off = base + ch * CHUNK
        pltpu.async_copy(col_hbm.at[pl.ds(off, CHUNK)], colv.at[b], msems[b])
        pltpu.async_copy(ew_hbm.at[pl.ds(off, CHUNK)], ewv.at[b], msems[b])

    def wait_md(b):
        pltpu.make_async_copy(col_hbm.at[pl.ds(0, CHUNK)], colv.at[b],
                              msems[b]).wait()
        pltpu.make_async_copy(ew_hbm.at[pl.ds(0, CHUNK)], ewv.at[b],
                              msems[b]).wait()

    def wait_gather(b):
        pltpu.make_async_copy(
            hp_hbm.at[rowv.at[pl.ds(0, CHUNK)]], rows_g.at[b],
            gsems[b]).wait()

    def wait_scatter(sb):
        pltpu.make_async_copy(
            rows_s.at[sb], acc_sh.at[colv.at[0]], ssems[sb]).wait()

    lane = lax.iota(jnp.int32, LANES)
    idx_even = [k * 2 * LANES + 2 * lane for k in range(D // (2 * LANES))]
    idx_odd = [k * 2 * LANES + 2 * lane + 1 for k in range(D // (2 * LANES))]

    for p in range(2):
        issue_gather(p, p)
        issue_md(p, p)

    @pl.loop(0, CH // 6)
    def _outer(i):
        for r in range(6):
            ch = i * 6 + r
            b = r % 3
            sb = r % 2
            mb = r

            @pl.when(ch >= 2)
            def _():
                wait_scatter(sb)

            @pl.when(ch + 2 < CH)
            def _():
                issue_gather(ch + 2, (r + 2) % 3)
                issue_md(ch + 2, (r + 2) % 6)

            wait_gather(b)
            wait_md(mb)

            @pl.loop(0, 1)
            def _group(g):
                pass

            pltpu.async_copy(rows_s.at[sb], acc_sh.at[colv.at[mb]],
                             ssems[sb], add=True)

    wait_scatter(0)
    wait_scatter(1)
    plsc.subcore_barrier()
    pltpu.sync_copy(acc_sh.at[pl.ds(s * RPT, RPT)],
                    out_hbm.at[c, pl.ds(s * RPT, RPT)])


def _mm_body(dega_ref, degb_ref, x_ref, w_ref, hp_ref, dis_ref):
    deg = dega_ref[...] + degb_ref[...] + 1.0
    dis = lax.rsqrt(deg)
    h = jnp.dot(x_ref[...], w_ref[...], preferred_element_type=jnp.float32)
    hp = h * dis[:, None]
    hp_ref[...] = hp
    dis_ref[...] = dis


_mm_call = pl.pallas_call(
    _mm_body,
    grid=(NPAD // BR,),
    in_specs=[
        pl.BlockSpec((BR,), lambda i: (i,)),
        pl.BlockSpec((BR,), lambda i: (i,)),
        pl.BlockSpec((BR, D), lambda i: (i, 0)),
        pl.BlockSpec((D, D), lambda i: (0, 0)),
    ],
    out_specs=[
        pl.BlockSpec((BR, D), lambda i: (i, 0)),
        pl.BlockSpec((BR,), lambda i: (i,)),
    ],
    out_shape=[
        jax.ShapeDtypeStruct((NPAD, D), jnp.float32),
        jax.ShapeDtypeStruct((NPAD,), jnp.float32),
    ],
)


def _mid_body(a0_ref, a1_ref, hp_ref, dis_ref, b_ref, w_ref, out_ref):
    dis = dis_ref[...]
    pre = dis[:, None] * (a0_ref[...] + a1_ref[...] + hp_ref[...])
    h1 = jnp.maximum(pre + b_ref[...][None, :], 0.0)
    h2 = jnp.dot(h1, w_ref[...], preferred_element_type=jnp.float32)
    out_ref[...] = h2 * dis[:, None]


_mid_call = pl.pallas_call(
    _mid_body,
    grid=(NPAD // BR,),
    in_specs=[
        pl.BlockSpec((BR, D), lambda i: (i, 0)),
        pl.BlockSpec((BR, D), lambda i: (i, 0)),
        pl.BlockSpec((BR, D), lambda i: (i, 0)),
        pl.BlockSpec((BR,), lambda i: (i,)),
        pl.BlockSpec((D,), lambda i: (0,)),
        pl.BlockSpec((D, D), lambda i: (0, 0)),
    ],
    out_specs=pl.BlockSpec((BR, D), lambda i: (i, 0)),
    out_shape=jax.ShapeDtypeStruct((NPAD, D), jnp.float32),
)


def _final_body(a0_ref, a1_ref, hp_ref, dis_ref, b_ref, out_ref):
    dis = dis_ref[...]
    pre = dis[:, None] * (a0_ref[...] + a1_ref[...] + hp_ref[...])
    out_ref[...] = jnp.maximum(pre + b_ref[...][None, :], 0.0)


_final_call = pl.pallas_call(
    _final_body,
    grid=(NPAD // BR,),
    in_specs=[
        pl.BlockSpec((BR, D), lambda i: (i, 0)),
        pl.BlockSpec((BR, D), lambda i: (i, 0)),
        pl.BlockSpec((BR, D), lambda i: (i, 0)),
        pl.BlockSpec((BR,), lambda i: (i,)),
        pl.BlockSpec((D,), lambda i: (0,)),
    ],
    out_specs=pl.BlockSpec((BR, D), lambda i: (i, 0)),
    out_shape=jax.ShapeDtypeStruct((NPAD, D), jnp.float32),
)


def kernel(x, edge_index, edge_attr, W1, b1, W2, b2):
    row = edge_index[0].astype(jnp.int32)
    col = edge_index[1].astype(jnp.int32)
    ew = edge_attr.astype(jnp.float32)
    pad = EPAD - E
    fill = (jnp.arange(pad, dtype=jnp.int32) * 97) % N
    row_p = jnp.concatenate([row, fill])
    col_p = jnp.concatenate([col, fill])
    ew_p = jnp.concatenate([ew, jnp.zeros((pad,), jnp.float32)])
    x_p = jnp.zeros((NPAD, D), jnp.float32).at[:N].set(x)
    z1 = jnp.zeros((NPAD,), jnp.float32)
    z2 = jnp.zeros((NPAD, D), jnp.float32)

    def pack_bf16(a):
        return lax.bitcast_convert_type(
            a.astype(jnp.bfloat16).reshape(NPAD, D // 2, 2), jnp.int32)

    deg2 = _deg_kernel(col_p, ew_p, z1)
    hp1, dis = _mm_call(deg2[0], deg2[1], x_p, W1)
    acc1 = _agg_kernel(pack_bf16(hp1), row_p, col_p, ew_p, z2)
    hp2 = _mid_call(acc1[0], acc1[1], hp1, dis, b1, W2)
    acc2 = _agg_kernel(pack_bf16(hp2), row_p, col_p, ew_p, z2)
    out = _final_call(acc2[0], acc2[1], hp2, dis, b2)
    return out[:N]

# --- scband reference (transcript-rebuilt; emitter-appended) ---
"""Pipeline reference for scband-gcn-75943611728724 (READ-ONLY COPY).

The authoritative reference and input builder live on the scoring server;
editing this copy changes nothing except your own understanding.
"""

import jax, jax.numpy as jnp
import numpy as np

N_NODES = 10000
N_EDGES = 320000
D_IN = 128
D_HID = 128
D_OUT = 128


def glorot(key, shape):
    limit = jnp.sqrt(6.0 / (shape[0] + shape[1]))
    return jax.random.uniform(key, shape, dtype=jnp.float32, minval=-limit, maxval=limit)


def setup_inputs(seed: int = 0) -> dict:
    key = jax.random.key(seed)
    k1, k2, k3, k4, k5 = jax.random.split(key, 5)
    x = jax.random.normal(k1, (N_NODES, D_IN), dtype=jnp.float32)
    edge_index = jax.random.randint(k2, (2, N_EDGES), 0, N_NODES, dtype=jnp.int64)
    edge_attr = jax.random.uniform(k3, (N_EDGES,), dtype=jnp.float32)
    W1 = glorot(k4, (D_IN, D_HID))
    b1 = jnp.zeros((D_HID,), dtype=jnp.float32)
    W2 = glorot(k5, (D_HID, D_OUT))
    b2 = jnp.zeros((D_OUT,), dtype=jnp.float32)
    return {"x": x, "edge_index": edge_index, "edge_attr": edge_attr,
            "W1": W1, "b1": b1, "W2": W2, "b2": b2}


def gcn_conv(x, edge_index, edge_weight, W, b):
    # Faithful PyG GCNConv: add self loops, symmetric normalization, scatter-add aggregation.
    N = x.shape[0]
    loop = jnp.arange(N, dtype=edge_index.dtype)
    ei = jnp.concatenate([edge_index, jnp.stack([loop, loop], axis=0)], axis=1)
    ew = jnp.concatenate([edge_weight, jnp.ones((N,), dtype=edge_weight.dtype)], axis=0)
    row, col = ei[0], ei[1]
    deg = jnp.zeros((N,), dtype=x.dtype).at[col].add(ew)
    deg_inv_sqrt = jnp.where(deg > 0, 1.0 / jnp.sqrt(jnp.where(deg > 0, deg, 1.0)), 0.0)
    norm = deg_inv_sqrt[row] * ew * deg_inv_sqrt[col]
    h = x @ W
    msg = norm[:, None] * jnp.take(h, row, axis=0)
    out = jnp.zeros_like(h).at[col].add(msg)
    return out + b


def reference(x, edge_index, edge_attr, W1, b1, W2, b2):
    # dropout is identity in eval mode
    h = gcn_conv(x, edge_index, edge_attr, W1, b1)
    h = jax.nn.relu(h)
    h = gcn_conv(h, edge_index, edge_attr, W2, b2)
    h = jax.nn.relu(h)
    return h

if __name__ == "__main__":
    import jax
    _d = setup_inputs()
    print(jax.jit(kernel)(*tuple(_d.values())))

</pallas_src>

<mosaic_0001>
#map = affine_map<(d0, d1) -> (0, 0)>
#map1 = affine_map<(d0, d1) -> (0)>
#map2 = affine_map<(d0, d1) -> (0, 0, 0)>
module attributes {stable_mosaic.version = 14 : i64} {
  func.func @_agg_kernel(%arg0: i32, %arg1: i32, %arg2: memref<10240x64xi32, #tpu.memory_space<hbm>>, %arg3: memref<322560xi32, #tpu.memory_space<hbm>>, %arg4: memref<322560xi32, #tpu.memory_space<hbm>>, %arg5: memref<322560xf32, #tpu.memory_space<hbm>>, %arg6: memref<10240x128xf32, #tpu.memory_space<hbm>>, %arg7: memref<2x10240x128xf32, #tpu.memory_space<hbm>>, %arg8: memref<10080xi32, #tpu.memory_space<vmem>>, %arg9: memref<6x80xi32, #tpu.memory_space<vmem>>, %arg10: memref<6x80xf32, #tpu.memory_space<vmem>>, %arg11: memref<3x80x64xi32, #tpu.memory_space<vmem>>, %arg12: memref<2x80x128xf32, #tpu.memory_space<vmem>>, %arg13: memref<10240x128xf32, #tpu.memory_space<vmem_shared>>, %arg14: memref<!tpu.dma_semaphore, #tpu.memory_space<semaphore_mem>>, %arg15: memref<!tpu.dma_semaphore, #tpu.memory_space<semaphore_mem>>, %arg16: memref<!tpu.dma_semaphore, #tpu.memory_space<semaphore_mem>>, %arg17: memref<!tpu.dma_semaphore, #tpu.memory_space<semaphore_mem>>, %arg18: memref<!tpu.dma_semaphore, #tpu.memory_space<semaphore_mem>>, %arg19: memref<!tpu.dma_semaphore, #tpu.memory_space<semaphore_mem>>, %arg20: memref<!tpu.dma_semaphore, #tpu.memory_space<semaphore_mem>>, %arg21: memref<!tpu.dma_semaphore, #tpu.memory_space<semaphore_mem>>, %arg22: memref<!tpu.dma_semaphore, #tpu.memory_space<semaphore_mem>>, %arg23: memref<!tpu.dma_semaphore, #tpu.memory_space<semaphore_mem>>, %arg24: memref<!tpu.dma_semaphore, #tpu.memory_space<semaphore_mem>>) attributes {dimension_semantics = [#tpu.dimension_semantics<core_parallel>, #tpu.dimension_semantics<subcore_parallel>], iteration_bounds = array<i64: 2, 16>, scalar_prefetch = 0 : i64, scratch_operands = 17 : i64, tpu.core_type = #tpu.core_type<sc_vector_subcore>, window_params = [{transform_indices = #map}, {transform_indices = #map1}, {transform_indices = #map1}, {transform_indices = #map1}, {transform_indices = #map}, {transform_indices = #map2}]} {
    %mul3A = arith.constant 640 : i32
    %mul3A_0 = arith.muli %arg1, %mul3A : i32
    %mul3A_1 = arith.constant 640 : i32
    %mul3A_2 = arith.muli %arg1, %mul3A_1 : i32
    "tpu.region"() ({
      %run_scoped3A = tpu.sem_alloc : memref<!tpu.dma_semaphore, #tpu.memory_space<semaphore_mem>>
      %dma_start3A_162 = arith.constant 0 : i32
      %dma_start3A_163 = tpu.memref_slice %arg13[%mul3A_2, %dma_start3A_162] : memref<10240x128xf32, #tpu.memory_space<vmem_shared>> -> memref<640x128xf32, #tpu.memory_space<vmem_shared>>
      %dma_start3A_164 = arith.constant 0 : i32
      %dma_start3A_165 = tpu.memref_slice %arg6[%mul3A_0, %dma_start3A_164] : memref<10240x128xf32, #tpu.memory_space<hbm>> -> memref<640x128xf32, #tpu.memory_space<hbm>>
      tpu.enqueue_dma source(%dma_start3A_165 : memref<640x128xf32, #tpu.memory_space<hbm>>) target(%dma_start3A_163 : memref<640x128xf32, #tpu.memory_space<vmem_shared>>) target_semaphore(%run_scoped3A : memref<!tpu.dma_semaphore, #tpu.memory_space<semaphore_mem>>)
      %dma_wait3A_166 = arith.constant 0 : i32
      %dma_wait3A_167 = tpu.memref_slice %arg13[%mul3A_2, %dma_wait3A_166] : memref<10240x128xf32, #tpu.memory_space<vmem_shared>> -> memref<640x128xf32, #tpu.memory_space<vmem_shared>>
      %dma_wait3A_168 = arith.constant 0 : i32
      %dma_wait3A_169 = tpu.memref_slice %arg6[%mul3A_0, %dma_wait3A_168] : memref<10240x128xf32, #tpu.memory_space<hbm>> -> memref<640x128xf32, #tpu.memory_space<hbm>>
      tpu.wait_dma2 semaphore(%run_scoped3A : memref<!tpu.dma_semaphore, #tpu.memory_space<semaphore_mem>>) src(%dma_wait3A_169 : memref<640x128xf32, #tpu.memory_space<hbm>>) dst(%dma_wait3A_167 : memref<640x128xf32, #tpu.memory_space<vmem_shared>>)
      tpu.yield
    }) : () -> ()
    %mul3A_3 = arith.constant 16 : i32
    %mul3A_4 = arith.muli %arg0, %mul3A_3 : i32
    %add3A = arith.addi %mul3A_4, %arg1 : i32
    %mul3A_5 = arith.constant 10080 : i32
    %mul3A_6 = arith.muli %add3A, %mul3A_5 : i32
    %dma_start3A = tpu.memref_slice %arg3[%mul3A_6] : memref<322560xi32, #tpu.memory_space<hbm>> -> memref<10080xi32, #tpu.memory_space<hbm>>
    %dma_start3A_7 = tpu.memref_slice %arg3[%mul3A_6] : memref<322560xi32, #tpu.memory_space<hbm>> -> memref<10080xi32, #tpu.memory_space<hbm>>
    tpu.enqueue_dma source(%dma_start3A_7 : memref<10080xi32, #tpu.memory_space<hbm>>) target(%arg8 : memref<10080xi32, #tpu.memory_space<vmem>>) target_semaphore(%arg14 : memref<!tpu.dma_semaphore, #tpu.memory_space<semaphore_mem>>)
    %dma_wait3A = tpu.memref_slice %arg3[%mul3A_6] : memref<322560xi32, #tpu.memory_space<hbm>> -> memref<10080xi32, #tpu.memory_space<hbm>>
    %dma_wait3A_8 = tpu.memref_slice %arg3[%mul3A_6] : memref<322560xi32, #tpu.memory_space<hbm>> -> memref<10080xi32, #tpu.memory_space<hbm>>
    tpu.wait_dma2 semaphore(%arg14 : memref<!tpu.dma_semaphore, #tpu.memory_space<semaphore_mem>>) src(%dma_wait3A_8 : memref<10080xi32, #tpu.memory_space<hbm>>) dst(%arg8 : memref<10080xi32, #tpu.memory_space<vmem>>)
    %barrier3A = arith.constant 0 : index
    tpu.barrier barrier_id(%barrier3A)
    %iota3A = tpu.iota {dimensions = array<i32: 0>} : vector<16xi32>
    %mul3A_9 = arith.constant 2 : i32
    %mul3A_10 = vector.broadcast %mul3A_9 : i32 to vector<16xi32>
    %mul3A_11 = arith.muli %mul3A_10, %iota3A : vector<16xi32>
    %add3A_12 = arith.constant 0 : i32
    %add3A_13 = vector.broadcast %add3A_12 : i32 to vector<16xi32>
    %add3A_14 = arith.addi %add3A_13, %mul3A_11 : vector<16xi32>
    %mul3A_15 = arith.constant 2 : i32
    %mul3A_16 = vector.broadcast %mul3A_15 : i32 to vector<16xi32>
    %mul3A_17 = arith.muli %mul3A_16, %iota3A : vector<16xi32>
    %add3A_18 = arith.constant 32 : i32
    %add3A_19 = vector.broadcast %add3A_18 : i32 to vector<16xi32>
    %add3A_20 = arith.addi %add3A_19, %mul3A_17 : vector<16xi32>
    %mul3A_21 = arith.constant 2 : i32
    %mul3A_22 = vector.broadcast %mul3A_21 : i32 to vector<16xi32>
    %mul3A_23 = arith.muli %mul3A_22, %iota3A : vector<16xi32>
    %add3A_24 = arith.constant 64 : i32
    %add3A_25 = vector.broadcast %add3A_24 : i32 to vector<16xi32>
    %add3A_26 = arith.addi %add3A_25, %mul3A_23 : vector<16xi32>
    %mul3A_27 = arith.constant 2 : i32
    %mul3A_28 = vector.broadcast %mul3A_27 : i32 to vector<16xi32>
    %mul3A_29 = arith.muli %mul3A_28, %iota3A : vector<16xi32>
    %add3A_30 = arith.constant 96 : i32
    %add3A_31 = vector.broadcast %add3A_30 : i32 to vector<16xi32>
    %add3A_32 = arith.addi %add3A_31, %mul3A_29 : vector<16xi32>
    %mul3A_33 = arith.constant 2 : i32
    %mul3A_34 = vector.broadcast %mul3A_33 : i32 to vector<16xi32>
    %mul3A_35 = arith.muli %mul3A_34, %iota3A : vector<16xi32>
    %add3A_36 = arith.constant 0 : i32
    %add3A_37 = vector.broadcast %add3A_36 : i32 to vector<16xi32>
    %add3A_38 = arith.addi %add3A_37, %mul3A_35 : vector<16xi32>
    %add3A_39 = arith.constant 1 : i32
    %add3A_40 = vector.broadcast %add3A_39 : i32 to vector<16xi32>
    %add3A_41 = arith.addi %add3A_38, %add3A_40 : vector<16xi32>
    %mul3A_42 = arith.constant 2 : i32
    %mul3A_43 = vector.broadcast %mul3A_42 : i32 to vector<16xi32>
    %mul3A_44 = arith.muli %mul3A_43, %iota3A : vector<16xi32>
    %add3A_45 = arith.constant 32 : i32
    %add3A_46 = vector.broadcast %add3A_45 : i32 to vector<16xi32>
    %add3A_47 = arith.addi %add3A_46, %mul3A_44 : vector<16xi32>
    %add3A_48 = arith.constant 1 : i32
    %add3A_49 = vector.broadcast %add3A_48 : i32 to vector<16xi32>
    %add3A_50 = arith.addi %add3A_47, %add3A_49 : vector<16xi32>
    %mul3A_51 = arith.constant 2 : i32
    %mul3A_52 = vector.broadcast %mul3A_51 : i32 to vector<16xi32>
    %mul3A_53 = arith.muli %mul3A_52, %iota3A : vector<16xi32>
    %add3A_54 = arith.constant 64 : i32
    %add3A_55 = vector.broadcast %add3A_54 : i32 to vector<16xi32>
    %add3A_56 = arith.addi %add3A_55, %mul3A_53 : vector<16xi32>
    %add3A_57 = arith.constant 1 : i32
    %add3A_58 = vector.broadcast %add3A_57 : i32 to vector<16xi32>
    %add3A_59 = arith.addi %add3A_56, %add3A_58 : vector<16xi32>
    %mul3A_60 = arith.constant 2 : i32
    %mul3A_61 = vector.broadcast %mul3A_60 : i32 to vector<16xi32>
    %mul3A_62 = arith.muli %mul3A_61, %iota3A : vector<16xi32>
    %add3A_63 = arith.constant 96 : i32
    %add3A_64 = vector.broadcast %add3A_63 : i32 to vector<16xi32>
    %add3A_65 = arith.addi %add3A_64, %mul3A_62 : vector<16xi32>
    %add3A_66 = arith.constant 1 : i32
    %add3A_67 = vector.broadcast %add3A_66 : i32 to vector<16xi32>
    %add3A_68 = arith.addi %add3A_65, %add3A_67 : vector<16xi32>
    %dma_start3A_69 = arith.constant 0 : i32
    %dma_start3A_70 = arith.constant 0 : i32
    %dma_start3A_71 = arith.constant 0 : i32
    %dma_start3A_72 = tpu.memref_slice %arg11[%dma_start3A_69, %dma_start3A_70, %dma_start3A_71] : memref<3x80x64xi32, #tpu.memory_space<vmem>> -> memref<1x80x64xi32, #tpu.memory_space<vmem>>
    %dma_start3A_73 = tpu.memref_squeeze %dma_start3A_72 : memref<1x80x64xi32, #tpu.memory_space<vmem>> -> memref<80x64xi32, #tpu.memory_space<vmem>>
    %dma_start3A_74 = arith.constant 0 : i32
    %dma_start3A_75 = tpu.memref_slice %arg8[%dma_start3A_74] : memref<10080xi32, #tpu.memory_space<vmem>> -> memref<80xi32, #tpu.memory_space<vmem>>
    %dma_start3A_76 = arith.constant 0 : i32
    %dma_start3A_77 = arith.constant 0 : i32
    %dma_start3A_78 = tpu.memref_slice %arg2[%dma_start3A_76, %dma_start3A_77] : memref<10240x64xi32, #tpu.memory_space<hbm>> -> memref<10240x64xi32, #tpu.memory_space<hbm>>
    tpu.enqueue_indirect_dma source(%dma_start3A_78 : memref<10240x64xi32, #tpu.memory_space<hbm>>) target(%dma_start3A_73 : memref<80x64xi32, #tpu.memory_space<vmem>>) offsets(%dma_start3A_75 : memref<80xi32, #tpu.memory_space<vmem>>) semaphore(%arg14 : memref<!tpu.dma_semaphore, #tpu.memory_space<semaphore_mem>>)
    %add3A_79 = arith.constant 0 : i32
    %add3A_80 = arith.addi %mul3A_6, %add3A_79 : i32
    %dma_start3A_81 = arith.constant 0 : i32
    %dma_start3A_82 = arith.constant 0 : i32
    %dma_start3A_83 = tpu.memref_slice %arg9[%dma_start3A_81, %dma_start3A_82] : memref<6x80xi32, #tpu.memory_space<vmem>> -> memref<1x80xi32, #tpu.memory_space<vmem>>
    %dma_start3A_84 = tpu.memref_squeeze %dma_start3A_83 : memref<1x80xi32, #tpu.memory_space<vmem>> -> memref<80xi32, #tpu.memory_space<vmem>>
    %dma_start3A_85 = tpu.memref_slice %arg4[%add3A_80] : memref<322560xi32, #tpu.memory_space<hbm>> -> memref<80xi32, #tpu.memory_space<hbm>>
    %dma_start3A_86 = arith.constant 0 : i32
    %dma_start3A_87 = tpu.memref_slice %arg9[%dma_start3A_81, %dma_start3A_86] : memref<6x80xi32, #tpu.memory_space<vmem>> -> memref<1x80xi32, #tpu.memory_space<vmem>>
    %dma_start3A_88 = tpu.memref_squeeze %dma_start3A_87 : memref<1x80xi32, #tpu.memory_space<vmem>> -> memref<80xi32, #tpu.memory_space<vmem>>
    %dma_start3A_89 = tpu.memref_slice %arg4[%add3A_80] : memref<322560xi32, #tpu.memory_space<hbm>> -> memref<80xi32, #tpu.memory_space<hbm>>
    tpu.enqueue_dma source(%dma_start3A_89 : memref<80xi32, #tpu.memory_space<hbm>>) target(%dma_start3A_88 : memref<80xi32, #tpu.memory_space<vmem>>) target_semaphore(%arg19 : memref<!tpu.dma_semaphore, #tpu.memory_space<semaphore_mem>>)
    %dma_start3A_90 = arith.constant 0 : i32
    %dma_start3A_91 = arith.constant 0 : i32
    %dma_start3A_92 = tpu.memref_slice %arg10[%dma_start3A_90, %dma_start3A_91] : memref<6x80xf32, #tpu.memory_space<vmem>> -> memref<1x80xf32, #tpu.memory_space<vmem>>
    %dma_start3A_93 = tpu.memref_squeeze %dma_start3A_92 : memref<1x80xf32, #tpu.memory_space<vmem>> -> memref<80xf32, #tpu.memory_space<vmem>>
    %dma_start3A_94 = tpu.memref_slice %arg5[%add3A_80] : memref<322560xf32, #tpu.memory_space<hbm>> -> memref<80xf32, #tpu.memory_space<hbm>>
    %dma_start3A_95 = arith.constant 0 : i32
    %dma_start3A_96 = tpu.memref_slice %arg10[%dma_start3A_90, %dma_start3A_95] : memref<6x80xf32, #tpu.memory_space<vmem>> -> memref<1x80xf32, #tpu.memory_space<vmem>>
    %dma_start3A_97 = tpu.memref_squeeze %dma_start3A_96 : memref<1x80xf32, #tpu.memory_space<vmem>> -> memref<80xf32, #tpu.memory_space<vmem>>
    %dma_start3A_98 = tpu.memref_slice %arg5[%add3A_80] : memref<322560xf32, #tpu.memory_space<hbm>> -> memref<80xf32, #tpu.memory_space<hbm>>
    tpu.enqueue_dma source(%dma_start3A_98 : memref<80xf32, #tpu.memory_space<hbm>>) target(%dma_start3A_97 : memref<80xf32, #tpu.memory_space<vmem>>) target_semaphore(%arg19 : memref<!tpu.dma_semaphore, #tpu.memory_space<semaphore_mem>>)
    %dma_start3A_99 = arith.constant 1 : i32
    %dma_start3A_100 = arith.constant 0 : i32
    %dma_start3A_101 = arith.constant 0 : i32
    %dma_start3A_102 = tpu.memref_slice %arg11[%dma_start3A_99, %dma_start3A_100, %dma_start3A_101] : memref<3x80x64xi32, #tpu.memory_space<vmem>> -> memref<1x80x64xi32, #tpu.memory_space<vmem>>
    %dma_start3A_103 = tpu.memref_squeeze %dma_start3A_102 : memref<1x80x64xi32, #tpu.memory_space<vmem>> -> memref<80x64xi32, #tpu.memory_space<vmem>>
    %dma_start3A_104 = arith.constant 80 : i32
    %dma_start3A_105 = tpu.memref_slice %arg8[%dma_start3A_104] : memref<10080xi32, #tpu.memory_space<vmem>> -> memref<80xi32, #tpu.memory_space<vmem>>
    %dma_start3A_106 = arith.constant 0 : i32
    %dma_start3A_107 = arith.constant 0 : i32
    %dma_start3A_108 = tpu.memref_slice %arg2[%dma_start3A_106, %dma_start3A_107] : memref<10240x64xi32, #tpu.memory_space<hbm>> -> memref<10240x64xi32, #tpu.memory_space<hbm>>
    tpu.enqueue_indirect_dma source(%dma_start3A_108 : memref<10240x64xi32, #tpu.memory_space<hbm>>) target(%dma_start3A_103 : memref<80x64xi32, #tpu.memory_space<vmem>>) offsets(%dma_start3A_105 : memref<80xi32, #tpu.memory_space<vmem>>) semaphore(%arg15 : memref<!tpu.dma_semaphore, #tpu.memory_space<semaphore_mem>>)
    %add3A_109 = arith.constant 80 : i32
    %add3A_110 = arith.addi %mul3A_6, %add3A_109 : i32
    %dma_start3A_111 = arith.constant 1 : i32
    %dma_start3A_112 = arith.constant 0 : i32
    %dma_start3A_113 = tpu.memref_slice %arg9[%dma_start3A_111, %dma_start3A_112] : memref<6x80xi32, #tpu.memory_space<vmem>> -> memref<1x80xi32, #tpu.memory_space<vmem>>
    %dma_start3A_114 = tpu.memref_squeeze %dma_start3A_113 : memref<1x80xi32, #tpu.memory_space<vmem>> -> memref<80xi32, #tpu.memory_space<vmem>>
    %dma_start3A_115 = tpu.memref_slice %arg4[%add3A_110] : memref<322560xi32, #tpu.memory_space<hbm>> -> memref<80xi32, #tpu.memory_space<hbm>>
    %dma_start3A_116 = arith.constant 0 : i32
    %dma_start3A_117 = tpu.memref_slice %arg9[%dma_start3A_111, %dma_start3A_116] : memref<6x80xi32, #tpu.memory_space<vmem>> -> memref<1x80xi32, #tpu.memory_space<vmem>>
    %dma_start3A_118 = tpu.memref_squeeze %dma_start3A_117 : memref<1x80xi32, #tpu.memory_space<vmem>> -> memref<80xi32, #tpu.memory_space<vmem>>
    %dma_start3A_119 = tpu.memref_slice %arg4[%add3A_110] : memref<322560xi32, #tpu.memory_space<hbm>> -> memref<80xi32, #tpu.memory_space<hbm>>
    tpu.enqueue_dma source(%dma_start3A_119 : memref<80xi32, #tpu.memory_space<hbm>>) target(%dma_start3A_118 : memref<80xi32, #tpu.memory_space<vmem>>) target_semaphore(%arg20 : memref<!tpu.dma_semaphore, #tpu.memory_space<semaphore_mem>>)
    %dma_start3A_120 = arith.constant 1 : i32
    %dma_start3A_121 = arith.constant 0 : i32
    %dma_start3A_122 = tpu.memref_slice %arg10[%dma_start3A_120, %dma_start3A_121] : memref<6x80xf32, #tpu.memory_space<vmem>> -> memref<1x80xf32, #tpu.memory_space<vmem>>
    %dma_start3A_123 = tpu.memref_squeeze %dma_start3A_122 : memref<1x80xf32, #tpu.memory_space<vmem>> -> memref<80xf32, #tpu.memory_space<vmem>>
    %dma_start3A_124 = tpu.memref_slice %arg5[%add3A_110] : memref<322560xf32, #tpu.memory_space<hbm>> -> memref<80xf32, #tpu.memory_space<hbm>>
    %dma_start3A_125 = arith.constant 0 : i32
    %dma_start3A_126 = tpu.memref_slice %arg10[%dma_start3A_120, %dma_start3A_125] : memref<6x80xf32, #tpu.memory_space<vmem>> -> memref<1x80xf32, #tpu.memory_space<vmem>>
    %dma_start3A_127 = tpu.memref_squeeze %dma_start3A_126 : memref<1x80xf32, #tpu.memory_space<vmem>> -> memref<80xf32, #tpu.memory_space<vmem>>
    %dma_start3A_128 = tpu.memref_slice %arg5[%add3A_110] : memref<322560xf32, #tpu.memory_space<hbm>> -> memref<80xf32, #tpu.memory_space<hbm>>
    tpu.enqueue_dma source(%dma_start3A_128 : memref<80xf32, #tpu.memory_space<hbm>>) target(%dma_start3A_127 : memref<80xf32, #tpu.memory_space<vmem>>) target_semaphore(%arg20 : memref<!tpu.dma_semaphore, #tpu.memory_space<semaphore_mem>>)
    %scan3A = arith.constant 0 : i32
    %scan3A_129 = arith.constant 21 : i32
    %scan3A_130 = arith.addi %scan3A, %scan3A_129 : i32
    %scan3A_131 = arith.constant 1 : i32
    scf.for %scan3A_162 = %scan3A to %scan3A_130 step %scan3A_131  : i32 {
      %mul3A_163 = arith.constant 1 : i32
      %mul3A_164 = arith.muli %scan3A_162, %mul3A_163 : i32
      %add3A_165 = arith.constant 0 : i32
      %add3A_166 = arith.addi %add3A_165, %mul3A_164 : i32
      %mul3A_167 = arith.constant 6 : i32
      %mul3A_168 = arith.muli %add3A_166, %mul3A_167 : i32
      %add3A_169 = arith.constant 0 : i32
      %add3A_170 = arith.addi %mul3A_168, %add3A_169 : i32
      %ge3A = arith.constant 2 : i32
      %ge3A_171 = arith.cmpi sge, %add3A_170, %ge3A : i32
      %convert_element_type3A = arith.extui %ge3A_171 : i1 to i32
      %cond3A = arith.constant 0 : i32
      %cond3A_172 = arith.cmpi ne, %convert_element_type3A, %cond3A : i32
      scf.if %cond3A_172 {
        %dma_wait3A_559 = arith.constant 0 : i32
        %dma_wait3A_560 = arith.constant 0 : i32
        %dma_wait3A_561 = arith.constant 0 : i32
        %dma_wait3A_562 = arith.constant 0 : i32
        %dma_wait3A_563 = tpu.memref_slice %arg12[%dma_wait3A_559, %dma_wait3A_561, %dma_wait3A_562] : memref<2x80x128xf32, #tpu.memory_space<vmem>> -> memref<1x80x128xf32, #tpu.memory_space<vmem>>
        %dma_wait3A_564 = tpu.memref_squeeze %dma_wait3A_563 : memref<1x80x128xf32, #tpu.memory_space<vmem>> -> memref<80x128xf32, #tpu.memory_space<vmem>>
        %dma_wait3A_565 = arith.constant 0 : i32
        %dma_wait3A_566 = tpu.memref_slice %arg9[%dma_wait3A_560, %dma_wait3A_565] : memref<6x80xi32, #tpu.memory_space<vmem>> -> memref<1x80xi32, #tpu.memory_space<vmem>>
        %dma_wait3A_567 = tpu.memref_squeeze %dma_wait3A_566 : memref<1x80xi32, #tpu.memory_space<vmem>> -> memref<80xi32, #tpu.memory_space<vmem>>
        %dma_wait3A_568 = arith.constant 0 : i32
        %dma_wait3A_569 = arith.constant 0 : i32
        %dma_wait3A_570 = tpu.memref_slice %arg13[%dma_wait3A_568, %dma_wait3A_569] : memref<10240x128xf32, #tpu.memory_space<vmem_shared>> -> memref<10240x128xf32, #tpu.memory_space<vmem_shared>>
        tpu.wait_indirect_dma semaphore(%arg17 : memref<!tpu.dma_semaphore, #tpu.memory_space<semaphore_mem>>) src(%dma_wait3A_564 : memref<80x128xf32, #tpu.memory_space<vmem>>) dst(%dma_wait3A_570 : memref<10240x128xf32, #tpu.memory_space<vmem_shared>>)
      } else {
      }
      %add3A_173 = arith.constant 2 : i32
      %add3A_174 = arith.addi %add3A_170, %add3A_173 : i32
      %lt3A = arith.constant 126 : i32
      %lt3A_175 = arith.cmpi slt, %add3A_174, %lt3A : i32
      %convert_element_type3A_176 = arith.extui %lt3A_175 : i1 to i32
      %cond3A_177 = arith.constant 0 : i32
      %cond3A_178 = arith.cmpi ne, %convert_element_type3A_176, %cond3A_177 : i32
      scf.if %cond3A_178 {
        %add3A_559 = arith.constant 2 : i32
        %add3A_560 = arith.addi %add3A_170, %add3A_559 : i32
        %mul3A_561 = arith.constant 80 : i32
        %mul3A_562 = arith.muli %add3A_560, %mul3A_561 : i32
        %dma_start3A_563 = arith.constant 2 : i32
        %dma_start3A_564 = arith.constant 0 : i32
        %dma_start3A_565 = arith.constant 0 : i32
        %dma_start3A_566 = tpu.memref_slice %arg11[%dma_start3A_563, %dma_start3A_564, %dma_start3A_565] : memref<3x80x64xi32, #tpu.memory_space<vmem>> -> memref<1x80x64xi32, #tpu.memory_space<vmem>>
        %dma_start3A_567 = tpu.memref_squeeze %dma_start3A_566 : memref<1x80x64xi32, #tpu.memory_space<vmem>> -> memref<80x64xi32, #tpu.memory_space<vmem>>
        %dma_start3A_568 = tpu.memref_slice %arg8[%mul3A_562] : memref<10080xi32, #tpu.memory_space<vmem>> -> memref<80xi32, #tpu.memory_space<vmem>>
        %dma_start3A_569 = arith.constant 0 : i32
        %dma_start3A_570 = arith.constant 0 : i32
        %dma_start3A_571 = tpu.memref_slice %arg2[%dma_start3A_569, %dma_start3A_570] : memref<10240x64xi32, #tpu.memory_space<hbm>> -> memref<10240x64xi32, #tpu.memory_space<hbm>>
        tpu.enqueue_indirect_dma source(%dma_start3A_571 : memref<10240x64xi32, #tpu.memory_space<hbm>>) target(%dma_start3A_567 : memref<80x64xi32, #tpu.memory_space<vmem>>) offsets(%dma_start3A_568 : memref<80xi32, #tpu.memory_space<vmem>>) semaphore(%arg16 : memref<!tpu.dma_semaphore, #tpu.memory_space<semaphore_mem>>)
        %add3A_572 = arith.constant 2 : i32
        %add3A_573 = arith.addi %add3A_170, %add3A_572 : i32
        %mul3A_574 = arith.constant 80 : i32
        %mul3A_575 = arith.muli %add3A_573, %mul3A_574 : i32
        %add3A_576 = arith.addi %mul3A_6, %mul3A_575 : i32
        %dma_start3A_577 = arith.constant 2 : i32
        %dma_start3A_578 = arith.constant 0 : i32
        %dma_start3A_579 = tpu.memref_slice %arg9[%dma_start3A_577, %dma_start3A_578] : memref<6x80xi32, #tpu.memory_space<vmem>> -> memref<1x80xi32, #tpu.memory_space<vmem>>
        %dma_start3A_580 = tpu.memref_squeeze %dma_start3A_579 : memref<1x80xi32, #tpu.memory_space<vmem>> -> memref<80xi32, #tpu.memory_space<vmem>>
        %dma_start3A_581 = tpu.memref_slice %arg4[%add3A_576] : memref<322560xi32, #tpu.memory_space<hbm>> -> memref<80xi32, #tpu.memory_space<hbm>>
        %dma_start3A_582 = arith.constant 0 : i32
        %dma_start3A_583 = tpu.memref_slice %arg9[%dma_start3A_577, %dma_start3A_582] : memref<6x80xi32, #tpu.memory_space<vmem>> -> memref<1x80xi32, #tpu.memory_space<vmem>>
        %dma_start3A_584 = tpu.memref_squeeze %dma_start3A_583 : memref<1x80xi32, #tpu.memory_space<vmem>> -> memref<80xi32, #tpu.memory_space<vmem>>
        %dma_start3A_585 = tpu.memref_slice %arg4[%add3A_576] : memref<322560xi32, #tpu.memory_space<hbm>> -> memref<80xi32, #tpu.memory_space<hbm>>
        tpu.enqueue_dma source(%dma_start3A_585 : memref<80xi32, #tpu.memory_space<hbm>>) target(%dma_start3A_584 : memref<80xi32, #tpu.memory_space<vmem>>) target_semaphore(%arg21 : memref<!tpu.dma_semaphore, #tpu.memory_space<semaphore_mem>>)
        %dma_start3A_586 = arith.constant 2 : i32
        %dma_start3A_587 = arith.constant 0 : i32
        %dma_start3A_588 = tpu.memref_slice %arg10[%dma_start3A_586, %dma_start3A_587] : memref<6x80xf32, #tpu.memory_space<vmem>> -> memref<1x80xf32, #tpu.memory_space<vmem>>
        %dma_start3A_589 = tpu.memref_squeeze %dma_start3A_588 : memref<1x80xf32, #tpu.memory_space<vmem>> -> memref<80xf32, #tpu.memory_space<vmem>>
        %dma_start3A_590 = tpu.memref_slice %arg5[%add3A_576] : memref<322560xf32, #tpu.memory_space<hbm>> -> memref<80xf32, #tpu.memory_space<hbm>>
        %dma_start3A_591 = arith.constant 0 : i32
        %dma_start3A_592 = tpu.memref_slice %arg10[%dma_start3A_586, %dma_start3A_591] : memref<6x80xf32, #tpu.memory_space<vmem>> -> memref<1x80xf32, #tpu.memory_space<vmem>>
        %dma_start3A_593 = tpu.memref_squeeze %dma_start3A_592 : memref<1x80xf32, #tpu.memory_space<vmem>> -> memref<80xf32, #tpu.memory_space<vmem>>
        %dma_start3A_594 = tpu.memref_slice %arg5[%add3A_576] : memref<322560xf32, #tpu.memory_space<hbm>> -> memref<80xf32, #tpu.memory_space<hbm>>
        tpu.enqueue_dma source(%dma_start3A_594 : memref<80xf32, #tpu.memory_space<hbm>>) target(%dma_start3A_593 : memref<80xf32, #tpu.memory_space<vmem>>) target_semaphore(%arg21 : memref<!tpu.dma_semaphore, #tpu.memory_space<semaphore_mem>>)
      } else {
      }
      %dma_wait3A_179 = arith.constant 0 : i32
      %dma_wait3A_180 = arith.constant 0 : i32
      %dma_wait3A_181 = arith.constant 0 : i32
      %dma_wait3A_182 = tpu.memref_slice %arg11[%dma_wait3A_179, %dma_wait3A_180, %dma_wait3A_181] : memref<3x80x64xi32, #tpu.memory_space<vmem>> -> memref<1x80x64xi32, #tpu.memory_space<vmem>>
      %dma_wait3A_183 = tpu.memref_squeeze %dma_wait3A_182 : memref<1x80x64xi32, #tpu.memory_space<vmem>> -> memref<80x64xi32, #tpu.memory_space<vmem>>
      %dma_wait3A_184 = arith.constant 0 : i32
      %dma_wait3A_185 = tpu.memref_slice %arg8[%dma_wait3A_184] : memref<10080xi32, #tpu.memory_space<vmem>> -> memref<80xi32, #tpu.memory_space<vmem>>
      %dma_wait3A_186 = arith.constant 0 : i32
      %dma_wait3A_187 = arith.constant 0 : i32
      %dma_wait3A_188 = tpu.memref_slice %arg2[%dma_wait3A_186, %dma_wait3A_187] : memref<10240x64xi32, #tpu.memory_space<hbm>> -> memref<10240x64xi32, #tpu.memory_space<hbm>>
      tpu.wait_indirect_dma semaphore(%arg14 : memref<!tpu.dma_semaphore, #tpu.memory_space<semaphore_mem>>) src(%dma_wait3A_188 : memref<10240x64xi32, #tpu.memory_space<hbm>>) dst(%dma_wait3A_183 : memref<80x64xi32, #tpu.memory_space<vmem>>)
      %dma_wait3A_189 = arith.constant 0 : i32
      %dma_wait3A_190 = arith.constant 0 : i32
      %dma_wait3A_191 = tpu.memref_slice %arg9[%dma_wait3A_189, %dma_wait3A_190] : memref<6x80xi32, #tpu.memory_space<vmem>> -> memref<1x80xi32, #tpu.memory_space<vmem>>
      %dma_wait3A_192 = tpu.memref_squeeze %dma_wait3A_191 : memref<1x80xi32, #tpu.memory_space<vmem>> -> memref<80xi32, #tpu.memory_space<vmem>>
      %dma_wait3A_193 = arith.constant 0 : i32
      %dma_wait3A_194 = tpu.memref_slice %arg4[%dma_wait3A_193] : memref<322560xi32, #tpu.memory_space<hbm>> -> memref<80xi32, #tpu.memory_space<hbm>>
      %dma_wait3A_195 = arith.constant 0 : i32
      %dma_wait3A_196 = tpu.memref_slice %arg9[%dma_wait3A_189, %dma_wait3A_195] : memref<6x80xi32, #tpu.memory_space<vmem>> -> memref<1x80xi32, #tpu.memory_space<vmem>>
      %dma_wait3A_197 = tpu.memref_squeeze %dma_wait3A_196 : memref<1x80xi32, #tpu.memory_space<vmem>> -> memref<80xi32, #tpu.memory_space<vmem>>
      %dma_wait3A_198 = arith.constant 0 : i32
      %dma_wait3A_199 = tpu.memref_slice %arg4[%dma_wait3A_198] : memref<322560xi32, #tpu.memory_space<hbm>> -> memref<80xi32, #tpu.memory_space<hbm>>
      tpu.wait_dma2 semaphore(%arg19 : memref<!tpu.dma_semaphore, #tpu.memory_space<semaphore_mem>>) src(%dma_wait3A_199 : memref<80xi32, #tpu.memory_space<hbm>>) dst(%dma_wait3A_197 : memref<80xi32, #tpu.memory_space<vmem>>)
      %dma_wait3A_200 = arith.constant 0 : i32
      %dma_wait3A_201 = arith.constant 0 : i32
      %dma_wait3A_202 = tpu.memref_slice %arg10[%dma_wait3A_200, %dma_wait3A_201] : memref<6x80xf32, #tpu.memory_space<vmem>> -> memref<1x80xf32, #tpu.memory_space<vmem>>
      %dma_wait3A_203 = tpu.memref_squeeze %dma_wait3A_202 : memref<1x80xf32, #tpu.memory_space<vmem>> -> memref<80xf32, #tpu.memory_space<vmem>>
      %dma_wait3A_204 = arith.constant 0 : i32
      %dma_wait3A_205 = tpu.memref_slice %arg5[%dma_wait3A_204] : memref<322560xf32, #tpu.memory_space<hbm>> -> memref<80xf32, #tpu.memory_space<hbm>>
      %dma_wait3A_206 = arith.constant 0 : i32
      %dma_wait3A_207 = tpu.memref_slice %arg10[%dma_wait3A_200, %dma_wait3A_206] : memref<6x80xf32, #tpu.memory_space<vmem>> -> memref<1x80xf32, #tpu.memory_space<vmem>>
      %dma_wait3A_208 = tpu.memref_squeeze %dma_wait3A_207 : memref<1x80xf32, #tpu.memory_space<vmem>> -> memref<80xf32, #tpu.memory_space<vmem>>
      %dma_wait3A_209 = arith.constant 0 : i32
      %dma_wait3A_210 = tpu.memref_slice %arg5[%dma_wait3A_209] : memref<322560xf32, #tpu.memory_space<hbm>> -> memref<80xf32, #tpu.memory_space<hbm>>
      tpu.wait_dma2 semaphore(%arg19 : memref<!tpu.dma_semaphore, #tpu.memory_space<semaphore_mem>>) src(%dma_wait3A_210 : memref<80xf32, #tpu.memory_space<hbm>>) dst(%dma_wait3A_208 : memref<80xf32, #tpu.memory_space<vmem>>)
      %scan3A_211 = arith.constant 0 : i32
      %mul3A_212 = arith.constant 1 : i32
      %mul3A_213 = arith.muli %scan3A_211, %mul3A_212 : i32
      %add3A_214 = arith.constant 0 : i32
      %add3A_215 = arith.addi %add3A_214, %mul3A_213 : i32
      %scan3A_216 = arith.constant 1 : i32
      %dma_start3A_217 = arith.constant 0 : i32
      %dma_start3A_218 = arith.constant 0 : i32
      %dma_start3A_219 = arith.constant 0 : i32
      %dma_start3A_220 = arith.constant 0 : i32
      %dma_start3A_221 = tpu.memref_slice %arg12[%dma_start3A_217, %dma_start3A_219, %dma_start3A_220] : memref<2x80x128xf32, #tpu.memory_space<vmem>> -> memref<1x80x128xf32, #tpu.memory_space<vmem>>
      %dma_start3A_222 = tpu.memref_squeeze %dma_start3A_221 : memref<1x80x128xf32, #tpu.memory_space<vmem>> -> memref<80x128xf32, #tpu.memory_space<vmem>>
      %dma_start3A_223 = arith.constant 0 : i32
      %dma_start3A_224 = tpu.memref_slice %arg9[%dma_start3A_218, %dma_start3A_223] : memref<6x80xi32, #tpu.memory_space<vmem>> -> memref<1x80xi32, #tpu.memory_space<vmem>>
      %dma_start3A_225 = tpu.memref_squeeze %dma_start3A_224 : memref<1x80xi32, #tpu.memory_space<vmem>> -> memref<80xi32, #tpu.memory_space<vmem>>
      %dma_start3A_226 = arith.constant 0 : i32
      %dma_start3A_227 = arith.constant 0 : i32
      %dma_start3A_228 = tpu.memref_slice %arg13[%dma_start3A_226, %dma_start3A_227] : memref<10240x128xf32, #tpu.memory_space<vmem_shared>> -> memref<10240x128xf32, #tpu.memory_space<vmem_shared>>
      tpu.enqueue_indirect_dma source(%dma_start3A_222 : memref<80x128xf32, #tpu.memory_space<vmem>>) target(%dma_start3A_228 : memref<10240x128xf32, #tpu.memory_space<vmem_shared>>) offsets(%dma_start3A_225 : memref<80xi32, #tpu.memory_space<vmem>>) semaphore(%arg17 : memref<!tpu.dma_semaphore, #tpu.memory_space<semaphore_mem>>) {add = true}
      %mul3A_229 = arith.constant 6 : i32
      %mul3A_230 = arith.muli %add3A_166, %mul3A_229 : i32
      %add3A_231 = arith.constant 1 : i32
      %add3A_232 = arith.addi %mul3A_230, %add3A_231 : i32
      %ge3A_233 = arith.constant 2 : i32
      %ge3A_234 = arith.cmpi sge, %add3A_232, %ge3A_233 : i32
      %convert_element_type3A_235 = arith.extui %ge3A_234 : i1 to i32
      %cond3A_236 = arith.constant 0 : i32
      %cond3A_237 = arith.cmpi ne, %convert_element_type3A_235, %cond3A_236 : i32
      scf.if %cond3A_237 {
        %dma_wait3A_559 = arith.constant 1 : i32
        %dma_wait3A_560 = arith.constant 0 : i32
        %dma_wait3A_561 = arith.constant 0 : i32
        %dma_wait3A_562 = arith.constant 0 : i32
        %dma_wait3A_563 = tpu.memref_slice %arg12[%dma_wait3A_559, %dma_wait3A_561, %dma_wait3A_562] : memref<2x80x128xf32, #tpu.memory_space<vmem>> -> memref<1x80x128xf32, #tpu.memory_space<vmem>>
        %dma_wait3A_564 = tpu.memref_squeeze %dma_wait3A_563 : memref<1x80x128xf32, #tpu.memory_space<vmem>> -> memref<80x128xf32, #tpu.memory_space<vmem>>
        %dma_wait3A_565 = arith.constant 0 : i32
        %dma_wait3A_566 = tpu.memref_slice %arg9[%dma_wait3A_560, %dma_wait3A_565] : memref<6x80xi32, #tpu.memory_space<vmem>> -> memref<1x80xi32, #tpu.memory_space<vmem>>
        %dma_wait3A_567 = tpu.memref_squeeze %dma_wait3A_566 : memref<1x80xi32, #tpu.memory_space<vmem>> -> memref<80xi32, #tpu.memory_space<vmem>>
        %dma_wait3A_568 = arith.constant 0 : i32
        %dma_wait3A_569 = arith.constant 0 : i32
        %dma_wait3A_570 = tpu.memref_slice %arg13[%dma_wait3A_568, %dma_wait3A_569] : memref<10240x128xf32, #tpu.memory_space<vmem_shared>> -> memref<10240x128xf32, #tpu.memory_space<vmem_shared>>
        tpu.wait_indirect_dma semaphore(%arg18 : memref<!tpu.dma_semaphore, #tpu.memory_space<semaphore_mem>>) src(%dma_wait3A_564 : memref<80x128xf32, #tpu.memory_space<vmem>>) dst(%dma_wait3A_570 : memref<10240x128xf32, #tpu.memory_space<vmem_shared>>)
      } else {
      }
      %add3A_238 = arith.constant 2 : i32
      %add3A_239 = arith.addi %add3A_232, %add3A_238 : i32
      %lt3A_240 = arith.constant 126 : i32
      %lt3A_241 = arith.cmpi slt, %add3A_239, %lt3A_240 : i32
      %convert_element_type3A_242 = arith.extui %lt3A_241 : i1 to i32
      %cond3A_243 = arith.constant 0 : i32
      %cond3A_244 = arith.cmpi ne, %convert_element_type3A_242, %cond3A_243 : i32
      scf.if %cond3A_244 {
        %add3A_559 = arith.constant 2 : i32
        %add3A_560 = arith.addi %add3A_232, %add3A_559 : i32
        %mul3A_561 = arith.constant 80 : i32
        %mul3A_562 = arith.muli %add3A_560, %mul3A_561 : i32
        %dma_start3A_563 = arith.constant 0 : i32
        %dma_start3A_564 = arith.constant 0 : i32
        %dma_start3A_565 = arith.constant 0 : i32
        %dma_start3A_566 = tpu.memref_slice %arg11[%dma_start3A_563, %dma_start3A_564, %dma_start3A_565] : memref<3x80x64xi32, #tpu.memory_space<vmem>> -> memref<1x80x64xi32, #tpu.memory_space<vmem>>
        %dma_start3A_567 = tpu.memref_squeeze %dma_start3A_566 : memref<1x80x64xi32, #tpu.memory_space<vmem>> -> memref<80x64xi32, #tpu.memory_space<vmem>>
        %dma_start3A_568 = tpu.memref_slice %arg8[%mul3A_562] : memref<10080xi32, #tpu.memory_space<vmem>> -> memref<80xi32, #tpu.memory_space<vmem>>
        %dma_start3A_569 = arith.constant 0 : i32
        %dma_start3A_570 = arith.constant 0 : i32
        %dma_start3A_571 = tpu.memref_slice %arg2[%dma_start3A_569, %dma_start3A_570] : memref<10240x64xi32, #tpu.memory_space<hbm>> -> memref<10240x64xi32, #tpu.memory_space<hbm>>
        tpu.enqueue_indirect_dma source(%dma_start3A_571 : memref<10240x64xi32, #tpu.memory_space<hbm>>) target(%dma_start3A_567 : memref<80x64xi32, #tpu.memory_space<vmem>>) offsets(%dma_start3A_568 : memref<80xi32, #tpu.memory_space<vmem>>) semaphore(%arg14 : memref<!tpu.dma_semaphore, #tpu.memory_space<semaphore_mem>>)
        %add3A_572 = arith.constant 2 : i32
        %add3A_573 = arith.addi %add3A_232, %add3A_572 : i32
        %mul3A_574 = arith.constant 80 : i32
        %mul3A_575 = arith.muli %add3A_573, %mul3A_574 : i32
        %add3A_576 = arith.addi %mul3A_6, %mul3A_575 : i32
        %dma_start3A_577 = arith.constant 3 : i32
        %dma_start3A_578 = arith.constant 0 : i32
        %dma_start3A_579 = tpu.memref_slice %arg9[%dma_start3A_577, %dma_start3A_578] : memref<6x80xi32, #tpu.memory_space<vmem>> -> memref<1x80xi32, #tpu.memory_space<vmem>>
        %dma_start3A_580 = tpu.memref_squeeze %dma_start3A_579 : memref<1x80xi32, #tpu.memory_space<vmem>> -> memref<80xi32, #tpu.memory_space<vmem>>
        %dma_start3A_581 = tpu.memref_slice %arg4[%add3A_576] : memref<322560xi32, #tpu.memory_space<hbm>> -> memref<80xi32, #tpu.memory_space<hbm>>
        %dma_start3A_582 = arith.constant 0 : i32
        %dma_start3A_583 = tpu.memref_slice %arg9[%dma_start3A_577, %dma_start3A_582] : memref<6x80xi32, #tpu.memory_space<vmem>> -> memref<1x80xi32, #tpu.memory_space<vmem>>
        %dma_start3A_584 = tpu.memref_squeeze %dma_start3A_583 : memref<1x80xi32, #tpu.memory_space<vmem>> -> memref<80xi32, #tpu.memory_space<vmem>>
        %dma_start3A_585 = tpu.memref_slice %arg4[%add3A_576] : memref<322560xi32, #tpu.memory_space<hbm>> -> memref<80xi32, #tpu.memory_space<hbm>>
        tpu.enqueue_dma source(%dma_start3A_585 : memref<80xi32, #tpu.memory_space<hbm>>) target(%dma_start3A_584 : memref<80xi32, #tpu.memory_space<vmem>>) target_semaphore(%arg22 : memref<!tpu.dma_semaphore, #tpu.memory_space<semaphore_mem>>)
        %dma_start3A_586 = arith.constant 3 : i32
        %dma_start3A_587 = arith.constant 0 : i32
        %dma_start3A_588 = tpu.memref_slice %arg10[%dma_start3A_586, %dma_start3A_587] : memref<6x80xf32, #tpu.memory_space<vmem>> -> memref<1x80xf32, #tpu.memory_space<vmem>>
        %dma_start3A_589 = tpu.memref_squeeze %dma_start3A_588 : memref<1x80xf32, #tpu.memory_space<vmem>> -> memref<80xf32, #tpu.memory_space<vmem>>
        %dma_start3A_590 = tpu.memref_slice %arg5[%add3A_576] : memref<322560xf32, #tpu.memory_space<hbm>> -> memref<80xf32, #tpu.memory_space<hbm>>
        %dma_start3A_591 = arith.constant 0 : i32
        %dma_start3A_592 = tpu.memref_slice %arg10[%dma_start3A_586, %dma_start3A_591] : memref<6x80xf32, #tpu.memory_space<vmem>> -> memref<1x80xf32, #tpu.memory_space<vmem>>
        %dma_start3A_593 = tpu.memref_squeeze %dma_start3A_592 : memref<1x80xf32, #tpu.memory_space<vmem>> -> memref<80xf32, #tpu.memory_space<vmem>>
        %dma_start3A_594 = tpu.memref_slice %arg5[%add3A_576] : memref<322560xf32, #tpu.memory_space<hbm>> -> memref<80xf32, #tpu.memory_space<hbm>>
        tpu.enqueue_dma source(%dma_start3A_594 : memref<80xf32, #tpu.memory_space<hbm>>) target(%dma_start3A_593 : memref<80xf32, #tpu.memory_space<vmem>>) target_semaphore(%arg22 : memref<!tpu.dma_semaphore, #tpu.memory_space<semaphore_mem>>)
      } else {
      }
      %dma_wait3A_245 = arith.constant 1 : i32
      %dma_wait3A_246 = arith.constant 0 : i32
      %dma_wait3A_247 = arith.constant 0 : i32
      %dma_wait3A_248 = tpu.memref_slice %arg11[%dma_wait3A_245, %dma_wait3A_246, %dma_wait3A_247] : memref<3x80x64xi32, #tpu.memory_space<vmem>> -> memref<1x80x64xi32, #tpu.memory_space<vmem>>
      %dma_wait3A_249 = tpu.memref_squeeze %dma_wait3A_248 : memref<1x80x64xi32, #tpu.memory_space<vmem>> -> memref<80x64xi32, #tpu.memory_space<vmem>>
      %dma_wait3A_250 = arith.constant 0 : i32
      %dma_wait3A_251 = tpu.memref_slice %arg8[%dma_wait3A_250] : memref<10080xi32, #tpu.memory_space<vmem>> -> memref<80xi32, #tpu.memory_space<vmem>>
      %dma_wait3A_252 = arith.constant 0 : i32
      %dma_wait3A_253 = arith.constant 0 : i32
      %dma_wait3A_254 = tpu.memref_slice %arg2[%dma_wait3A_252, %dma_wait3A_253] : memref<10240x64xi32, #tpu.memory_space<hbm>> -> memref<10240x64xi32, #tpu.memory_space<hbm>>
      tpu.wait_indirect_dma semaphore(%arg15 : memref<!tpu.dma_semaphore, #tpu.memory_space<semaphore_mem>>) src(%dma_wait3A_254 : memref<10240x64xi32, #tpu.memory_space<hbm>>) dst(%dma_wait3A_249 : memref<80x64xi32, #tpu.memory_space<vmem>>)
      %dma_wait3A_255 = arith.constant 1 : i32
      %dma_wait3A_256 = arith.constant 0 : i32
      %dma_wait3A_257 = tpu.memref_slice %arg9[%dma_wait3A_255, %dma_wait3A_256] : memref<6x80xi32, #tpu.memory_space<vmem>> -> memref<1x80xi32, #tpu.memory_space<vmem>>
      %dma_wait3A_258 = tpu.memref_squeeze %dma_wait3A_257 : memref<1x80xi32, #tpu.memory_space<vmem>> -> memref<80xi32, #tpu.memory_space<vmem>>
      %dma_wait3A_259 = arith.constant 0 : i32
      %dma_wait3A_260 = tpu.memref_slice %arg4[%dma_wait3A_259] : memref<322560xi32, #tpu.memory_space<hbm>> -> memref<80xi32, #tpu.memory_space<hbm>>
      %dma_wait3A_261 = arith.constant 0 : i32
      %dma_wait3A_262 = tpu.memref_slice %arg9[%dma_wait3A_255, %dma_wait3A_261] : memref<6x80xi32, #tpu.memory_space<vmem>> -> memref<1x80xi32, #tpu.memory_space<vmem>>
      %dma_wait3A_263 = tpu.memref_squeeze %dma_wait3A_262 : memref<1x80xi32, #tpu.memory_space<vmem>> -> memref<80xi32, #tpu.memory_space<vmem>>
      %dma_wait3A_264 = arith.constant 0 : i32
      %dma_wait3A_265 = tpu.memref_slice %arg4[%dma_wait3A_264] : memref<322560xi32, #tpu.memory_space<hbm>> -> memref<80xi32, #tpu.memory_space<hbm>>
      tpu.wait_dma2 semaphore(%arg20 : memref<!tpu.dma_semaphore, #tpu.memory_space<semaphore_mem>>) src(%dma_wait3A_265 : memref<80xi32, #tpu.memory_space<hbm>>) dst(%dma_wait3A_263 : memref<80xi32, #tpu.memory_space<vmem>>)
      %dma_wait3A_266 = arith.constant 1 : i32
      %dma_wait3A_267 = arith.constant 0 : i32
      %dma_wait3A_268 = tpu.memref_slice %arg10[%dma_wait3A_266, %dma_wait3A_267] : memref<6x80xf32, #tpu.memory_space<vmem>> -> memref<1x80xf32, #tpu.memory_space<vmem>>
      %dma_wait3A_269 = tpu.memref_squeeze %dma_wait3A_268 : memref<1x80xf32, #tpu.memory_space<vmem>> -> memref<80xf32, #tpu.memory_space<vmem>>
      %dma_wait3A_270 = arith.constant 0 : i32
      %dma_wait3A_271 = tpu.memref_slice %arg5[%dma_wait3A_270] : memref<322560xf32, #tpu.memory_space<hbm>> -> memref<80xf32, #tpu.memory_space<hbm>>
      %dma_wait3A_272 = arith.constant 0 : i32
      %dma_wait3A_273 = tpu.memref_slice %arg10[%dma_wait3A_266, %dma_wait3A_272] : memref<6x80xf32, #tpu.memory_space<vmem>> -> memref<1x80xf32, #tpu.memory_space<vmem>>
      %dma_wait3A_274 = tpu.memref_squeeze %dma_wait3A_273 : memref<1x80xf32, #tpu.memory_space<vmem>> -> memref<80xf32, #tpu.memory_space<vmem>>
      %dma_wait3A_275 = arith.constant 0 : i32
      %dma_wait3A_276 = tpu.memref_slice %arg5[%dma_wait3A_275] : memref<322560xf32, #tpu.memory_space<hbm>> -> memref<80xf32, #tpu.memory_space<hbm>>
      tpu.wait_dma2 semaphore(%arg20 : memref<!tpu.dma_semaphore, #tpu.memory_space<semaphore_mem>>) src(%dma_wait3A_276 : memref<80xf32, #tpu.memory_space<hbm>>) dst(%dma_wait3A_274 : memref<80xf32, #tpu.memory_space<vmem>>)
      %scan3A_277 = arith.constant 0 : i32
      %mul3A_278 = arith.constant 1 : i32
      %mul3A_279 = arith.muli %scan3A_277, %mul3A_278 : i32
      %add3A_280 = arith.constant 0 : i32
      %add3A_281 = arith.addi %add3A_280, %mul3A_279 : i32
      %scan3A_282 = arith.constant 1 : i32
      %dma_start3A_283 = arith.constant 1 : i32
      %dma_start3A_284 = arith.constant 1 : i32
      %dma_start3A_285 = arith.constant 0 : i32
      %dma_start3A_286 = arith.constant 0 : i32
      %dma_start3A_287 = tpu.memref_slice %arg12[%dma_start3A_283, %dma_start3A_285, %dma_start3A_286] : memref<2x80x128xf32, #tpu.memory_space<vmem>> -> memref<1x80x128xf32, #tpu.memory_space<vmem>>
      %dma_start3A_288 = tpu.memref_squeeze %dma_start3A_287 : memref<1x80x128xf32, #tpu.memory_space<vmem>> -> memref<80x128xf32, #tpu.memory_space<vmem>>
      %dma_start3A_289 = arith.constant 0 : i32
      %dma_start3A_290 = tpu.memref_slice %arg9[%dma_start3A_284, %dma_start3A_289] : memref<6x80xi32, #tpu.memory_space<vmem>> -> memref<1x80xi32, #tpu.memory_space<vmem>>
      %dma_start3A_291 = tpu.memref_squeeze %dma_start3A_290 : memref<1x80xi32, #tpu.memory_space<vmem>> -> memref<80xi32, #tpu.memory_space<vmem>>
      %dma_start3A_292 = arith.constant 0 : i32
      %dma_start3A_293 = arith.constant 0 : i32
      %dma_start3A_294 = tpu.memref_slice %arg13[%dma_start3A_292, %dma_start3A_293] : memref<10240x128xf32, #tpu.memory_space<vmem_shared>> -> memref<10240x128xf32, #tpu.memory_space<vmem_shared>>
      tpu.enqueue_indirect_dma source(%dma_start3A_288 : memref<80x128xf32, #tpu.memory_space<vmem>>) target(%dma_start3A_294 : memref<10240x128xf32, #tpu.memory_space<vmem_shared>>) offsets(%dma_start3A_291 : memref<80xi32, #tpu.memory_space<vmem>>) semaphore(%arg18 : memref<!tpu.dma_semaphore, #tpu.memory_space<semaphore_mem>>) {add = true}
      %mul3A_295 = arith.constant 6 : i32
      %mul3A_296 = arith.muli %add3A_166, %mul3A_295 : i32
      %add3A_297 = arith.constant 2 : i32
      %add3A_298 = arith.addi %mul3A_296, %add3A_297 : i32
      %ge3A_299 = arith.constant 2 : i32
      %ge3A_300 = arith.cmpi sge, %add3A_298, %ge3A_299 : i32
      %convert_element_type3A_301 = arith.extui %ge3A_300 : i1 to i32
      %cond3A_302 = arith.constant 0 : i32
      %cond3A_303 = arith.cmpi ne, %convert_element_type3A_301, %cond3A_302 : i32
      scf.if %cond3A_303 {
        %dma_wait3A_559 = arith.constant 0 : i32
        %dma_wait3A_560 = arith.constant 0 : i32
        %dma_wait3A_561 = arith.constant 0 : i32
        %dma_wait3A_562 = arith.constant 0 : i32
        %dma_wait3A_563 = tpu.memref_slice %arg12[%dma_wait3A_559, %dma_wait3A_561, %dma_wait3A_562] : memref<2x80x128xf32, #tpu.memory_space<vmem>> -> memref<1x80x128xf32, #tpu.memory_space<vmem>>
        %dma_wait3A_564 = tpu.memref_squeeze %dma_wait3A_563 : memref<1x80x128xf32, #tpu.memory_space<vmem>> -> memref<80x128xf32, #tpu.memory_space<vmem>>
        %dma_wait3A_565 = arith.constant 0 : i32
        %dma_wait3A_566 = tpu.memref_slice %arg9[%dma_wait3A_560, %dma_wait3A_565] : memref<6x80xi32, #tpu.memory_space<vmem>> -> memref<1x80xi32, #tpu.memory_space<vmem>>
        %dma_wait3A_567 = tpu.memref_squeeze %dma_wait3A_566 : memref<1x80xi32, #tpu.memory_space<vmem>> -> memref<80xi32, #tpu.memory_space<vmem>>
        %dma_wait3A_568 = arith.constant 0 : i32
        %dma_wait3A_569 = arith.constant 0 : i32
        %dma_wait3A_570 = tpu.memref_slice %arg13[%dma_wait3A_568, %dma_wait3A_569] : memref<10240x128xf32, #tpu.memory_space<vmem_shared>> -> memref<10240x128xf32, #tpu.memory_space<vmem_shared>>
        tpu.wait_indirect_dma semaphore(%arg17 : memref<!tpu.dma_semaphore, #tpu.memory_space<semaphore_mem>>) src(%dma_wait3A_564 : memref<80x128xf32, #tpu.memory_space<vmem>>) dst(%dma_wait3A_570 : memref<10240x128xf32, #tpu.memory_space<vmem_shared>>)
      } else {
      }
      %add3A_304 = arith.constant 2 : i32
      %add3A_305 = arith.addi %add3A_298, %add3A_304 : i32
      %lt3A_306 = arith.constant 126 : i32
      %lt3A_307 = arith.cmpi slt, %add3A_305, %lt3A_306 : i32
      %convert_element_type3A_308 = arith.extui %lt3A_307 : i1 to i32
      %cond3A_309 = arith.constant 0 : i32
      %cond3A_310 = arith.cmpi ne, %convert_element_type3A_308, %cond3A_309 : i32
      scf.if %cond3A_310 {
        %add3A_559 = arith.constant 2 : i32
        %add3A_560 = arith.addi %add3A_298, %add3A_559 : i32
        %mul3A_561 = arith.constant 80 : i32
        %mul3A_562 = arith.muli %add3A_560, %mul3A_561 : i32
        %dma_start3A_563 = arith.constant 1 : i32
        %dma_start3A_564 = arith.constant 0 : i32
        %dma_start3A_565 = arith.constant 0 : i32
        %dma_start3A_566 = tpu.memref_slice %arg11[%dma_start3A_563, %dma_start3A_564, %dma_start3A_565] : memref<3x80x64xi32, #tpu.memory_space<vmem>> -> memref<1x80x64xi32, #tpu.memory_space<vmem>>
        %dma_start3A_567 = tpu.memref_squeeze %dma_start3A_566 : memref<1x80x64xi32, #tpu.memory_space<vmem>> -> memref<80x64xi32, #tpu.memory_space<vmem>>
        %dma_start3A_568 = tpu.memref_slice %arg8[%mul3A_562] : memref<10080xi32, #tpu.memory_space<vmem>> -> memref<80xi32, #tpu.memory_space<vmem>>
        %dma_start3A_569 = arith.constant 0 : i32
        %dma_start3A_570 = arith.constant 0 : i32
        %dma_start3A_571 = tpu.memref_slice %arg2[%dma_start3A_569, %dma_start3A_570] : memref<10240x64xi32, #tpu.memory_space<hbm>> -> memref<10240x64xi32, #tpu.memory_space<hbm>>
        tpu.enqueue_indirect_dma source(%dma_start3A_571 : memref<10240x64xi32, #tpu.memory_space<hbm>>) target(%dma_start3A_567 : memref<80x64xi32, #tpu.memory_space<vmem>>) offsets(%dma_start3A_568 : memref<80xi32, #tpu.memory_space<vmem>>) semaphore(%arg15 : memref<!tpu.dma_semaphore, #tpu.memory_space<semaphore_mem>>)
        %add3A_572 = arith.constant 2 : i32
        %add3A_573 = arith.addi %add3A_298, %add3A_572 : i32
        %mul3A_574 = arith.constant 80 : i32
        %mul3A_575 = arith.muli %add3A_573, %mul3A_574 : i32
        %add3A_576 = arith.addi %mul3A_6, %mul3A_575 : i32
        %dma_start3A_577 = arith.constant 4 : i32
        %dma_start3A_578 = arith.constant 0 : i32
        %dma_start3A_579 = tpu.memref_slice %arg9[%dma_start3A_577, %dma_start3A_578] : memref<6x80xi32, #tpu.memory_space<vmem>> -> memref<1x80xi32, #tpu.memory_space<vmem>>
        %dma_start3A_580 = tpu.memref_squeeze %dma_start3A_579 : memref<1x80xi32, #tpu.memory_space<vmem>> -> memref<80xi32, #tpu.memory_space<vmem>>
        %dma_start3A_581 = tpu.memref_slice %arg4[%add3A_576] : memref<322560xi32, #tpu.memory_space<hbm>> -> memref<80xi32, #tpu.memory_space<hbm>>
        %dma_start3A_582 = arith.constant 0 : i32
        %dma_start3A_583 = tpu.memref_slice %arg9[%dma_start3A_577, %dma_start3A_582] : memref<6x80xi32, #tpu.memory_space<vmem>> -> memref<1x80xi32, #tpu.memory_space<vmem>>
        %dma_start3A_584 = tpu.memref_squeeze %dma_start3A_583 : memref<1x80xi32, #tpu.memory_space<vmem>> -> memref<80xi32, #tpu.memory_space<vmem>>
        %dma_start3A_585 = tpu.memref_slice %arg4[%add3A_576] : memref<322560xi32, #tpu.memory_space<hbm>> -> memref<80xi32, #tpu.memory_space<hbm>>
        tpu.enqueue_dma source(%dma_start3A_585 : memref<80xi32, #tpu.memory_space<hbm>>) target(%dma_start3A_584 : memref<80xi32, #tpu.memory_space<vmem>>) target_semaphore(%arg23 : memref<!tpu.dma_semaphore, #tpu.memory_space<semaphore_mem>>)
        %dma_start3A_586 = arith.constant 4 : i32
        %dma_start3A_587 = arith.constant 0 : i32
        %dma_start3A_588 = tpu.memref_slice %arg10[%dma_start3A_586, %dma_start3A_587] : memref<6x80xf32, #tpu.memory_space<vmem>> -> memref<1x80xf32, #tpu.memory_space<vmem>>
        %dma_start3A_589 = tpu.memref_squeeze %dma_start3A_588 : memref<1x80xf32, #tpu.memory_space<vmem>> -> memref<80xf32, #tpu.memory_space<vmem>>
        %dma_start3A_590 = tpu.memref_slice %arg5[%add3A_576] : memref<322560xf32, #tpu.memory_space<hbm>> -> memref<80xf32, #tpu.memory_space<hbm>>
        %dma_start3A_591 = arith.constant 0 : i32
        %dma_start3A_592 = tpu.memref_slice %arg10[%dma_start3A_586, %dma_start3A_591] : memref<6x80xf32, #tpu.memory_space<vmem>> -> memref<1x80xf32, #tpu.memory_space<vmem>>
        %dma_start3A_593 = tpu.memref_squeeze %dma_start3A_592 : memref<1x80xf32, #tpu.memory_space<vmem>> -> memref<80xf32, #tpu.memory_space<vmem>>
        %dma_start3A_594 = tpu.memref_slice %arg5[%add3A_576] : memref<322560xf32, #tpu.memory_space<hbm>> -> memref<80xf32, #tpu.memory_space<hbm>>
        tpu.enqueue_dma source(%dma_start3A_594 : memref<80xf32, #tpu.memory_space<hbm>>) target(%dma_start3A_593 : memref<80xf32, #tpu.memory_space<vmem>>) target_semaphore(%arg23 : memref<!tpu.dma_semaphore, #tpu.memory_space<semaphore_mem>>)
      } else {
      }
      %dma_wait3A_311 = arith.constant 2 : i32
      %dma_wait3A_312 = arith.constant 0 : i32
      %dma_wait3A_313 = arith.constant 0 : i32
      %dma_wait3A_314 = tpu.memref_slice %arg11[%dma_wait3A_311, %dma_wait3A_312, %dma_wait3A_313] : memref<3x80x64xi32, #tpu.memory_space<vmem>> -> memref<1x80x64xi32, #tpu.memory_space<vmem>>
      %dma_wait3A_315 = tpu.memref_squeeze %dma_wait3A_314 : memref<1x80x64xi32, #tpu.memory_space<vmem>> -> memref<80x64xi32, #tpu.memory_space<vmem>>
      %dma_wait3A_316 = arith.constant 0 : i32
      %dma_wait3A_317 = tpu.memref_slice %arg8[%dma_wait3A_316] : memref<10080xi32, #tpu.memory_space<vmem>> -> memref<80xi32, #tpu.memory_space<vmem>>
      %dma_wait3A_318 = arith.constant 0 : i32
      %dma_wait3A_319 = arith.constant 0 : i32
      %dma_wait3A_320 = tpu.memref_slice %arg2[%dma_wait3A_318, %dma_wait3A_319] : memref<10240x64xi32, #tpu.memory_space<hbm>> -> memref<10240x64xi32, #tpu.memory_space<hbm>>
      tpu.wait_indirect_dma semaphore(%arg16 : memref<!tpu.dma_semaphore, #tpu.memory_space<semaphore_mem>>) src(%dma_wait3A_320 : memref<10240x64xi32, #tpu.memory_space<hbm>>) dst(%dma_wait3A_315 : memref<80x64xi32, #tpu.memory_space<vmem>>)
      %dma_wait3A_321 = arith.constant 2 : i32
      %dma_wait3A_322 = arith.constant 0 : i32
      %dma_wait3A_323 = tpu.memref_slice %arg9[%dma_wait3A_321, %dma_wait3A_322] : memref<6x80xi32, #tpu.memory_space<vmem>> -> memref<1x80xi32, #tpu.memory_space<vmem>>
      %dma_wait3A_324 = tpu.memref_squeeze %dma_wait3A_323 : memref<1x80xi32, #tpu.memory_space<vmem>> -> memref<80xi32, #tpu.memory_space<vmem>>
      %dma_wait3A_325 = arith.constant 0 : i32
      %dma_wait3A_326 = tpu.memref_slice %arg4[%dma_wait3A_325] : memref<322560xi32, #tpu.memory_space<hbm>> -> memref<80xi32, #tpu.memory_space<hbm>>
      %dma_wait3A_327 = arith.constant 0 : i32
      %dma_wait3A_328 = tpu.memref_slice %arg9[%dma_wait3A_321, %dma_wait3A_327] : memref<6x80xi32, #tpu.memory_space<vmem>> -> memref<1x80xi32, #tpu.memory_space<vmem>>
      %dma_wait3A_329 = tpu.memref_squeeze %dma_wait3A_328 : memref<1x80xi32, #tpu.memory_space<vmem>> -> memref<80xi32, #tpu.memory_space<vmem>>
      %dma_wait3A_330 = arith.constant 0 : i32
      %dma_wait3A_331 = tpu.memref_slice %arg4[%dma_wait3A_330] : memref<322560xi32, #tpu.memory_space<hbm>> -> memref<80xi32, #tpu.memory_space<hbm>>
      tpu.wait_dma2 semaphore(%arg21 : memref<!tpu.dma_semaphore, #tpu.memory_space<semaphore_mem>>) src(%dma_wait3A_331 : memref<80xi32, #tpu.memory_space<hbm>>) dst(%dma_wait3A_329 : memref<80xi32, #tpu.memory_space<vmem>>)
      %dma_wait3A_332 = arith.constant 2 : i32
      %dma_wait3A_333 = arith.constant 0 : i32
      %dma_wait3A_334 = tpu.memref_slice %arg10[%dma_wait3A_332, %dma_wait3A_333] : memref<6x80xf32, #tpu.memory_space<vmem>> -> memref<1x80xf32, #tpu.memory_space<vmem>>
      %dma_wait3A_335 = tpu.memref_squeeze %dma_wait3A_334 : memref<1x80xf32, #tpu.memory_space<vmem>> -> memref<80xf32, #tpu.memory_space<vmem>>
      %dma_wait3A_336 = arith.constant 0 : i32
      %dma_wait3A_337 = tpu.memref_slice %arg5[%dma_wait3A_336] : memref<322560xf32, #tpu.memory_space<hbm>> -> memref<80xf32, #tpu.memory_space<hbm>>
      %dma_wait3A_338 = arith.constant 0 : i32
      %dma_wait3A_339 = tpu.memref_slice %arg10[%dma_wait3A_332, %dma_wait3A_338] : memref<6x80xf32, #tpu.memory_space<vmem>> -> memref<1x80xf32, #tpu.memory_space<vmem>>
      %dma_wait3A_340 = tpu.memref_squeeze %dma_wait3A_339 : memref<1x80xf32, #tpu.memory_space<vmem>> -> memref<80xf32, #tpu.memory_space<vmem>>
      %dma_wait3A_341 = arith.constant 0 : i32
      %dma_wait3A_342 = tpu.memref_slice %arg5[%dma_wait3A_341] : memref<322560xf32, #tpu.memory_space<hbm>> -> memref<80xf32, #tpu.memory_space<hbm>>
      tpu.wait_dma2 semaphore(%arg21 : memref<!tpu.dma_semaphore, #tpu.memory_space<semaphore_mem>>) src(%dma_wait3A_342 : memref<80xf32, #tpu.memory_space<hbm>>) dst(%dma_wait3A_340 : memref<80xf32, #tpu.memory_space<vmem>>)
      %scan3A_343 = arith.constant 0 : i32
      %mul3A_344 = arith.constant 1 : i32
      %mul3A_345 = arith.muli %scan3A_343, %mul3A_344 : i32
      %add3A_346 = arith.constant 0 : i32
      %add3A_347 = arith.addi %add3A_346, %mul3A_345 : i32
      %scan3A_348 = arith.constant 1 : i32
      %dma_start3A_349 = arith.constant 0 : i32
      %dma_start3A_350 = arith.constant 2 : i32
      %dma_start3A_351 = arith.constant 0 : i32
      %dma_start3A_352 = arith.constant 0 : i32
      %dma_start3A_353 = tpu.memref_slice %arg12[%dma_start3A_349, %dma_start3A_351, %dma_start3A_352] : memref<2x80x128xf32, #tpu.memory_space<vmem>> -> memref<1x80x128xf32, #tpu.memory_space<vmem>>
      %dma_start3A_354 = tpu.memref_squeeze %dma_start3A_353 : memref<1x80x128xf32, #tpu.memory_space<vmem>> -> memref<80x128xf32, #tpu.memory_space<vmem>>
      %dma_start3A_355 = arith.constant 0 : i32
      %dma_start3A_356 = tpu.memref_slice %arg9[%dma_start3A_350, %dma_start3A_355] : memref<6x80xi32, #tpu.memory_space<vmem>> -> memref<1x80xi32, #tpu.memory_space<vmem>>
      %dma_start3A_357 = tpu.memref_squeeze %dma_start3A_356 : memref<1x80xi32, #tpu.memory_space<vmem>> -> memref<80xi32, #tpu.memory_space<vmem>>
      %dma_start3A_358 = arith.constant 0 : i32
      %dma_start3A_359 = arith.constant 0 : i32
      %dma_start3A_360 = tpu.memref_slice %arg13[%dma_start3A_358, %dma_start3A_359] : memref<10240x128xf32, #tpu.memory_space<vmem_shared>> -> memref<10240x128xf32, #tpu.memory_space<vmem_shared>>
      tpu.enqueue_indirect_dma source(%dma_start3A_354 : memref<80x128xf32, #tpu.memory_space<vmem>>) target(%dma_start3A_360 : memref<10240x128xf32, #tpu.memory_space<vmem_shared>>) offsets(%dma_start3A_357 : memref<80xi32, #tpu.memory_space<vmem>>) semaphore(%arg17 : memref<!tpu.dma_semaphore, #tpu.memory_space<semaphore_mem>>) {add = true}
      %mul3A_361 = arith.constant 6 : i32
      %mul3A_362 = arith.muli %add3A_166, %mul3A_361 : i32
      %add3A_363 = arith.constant 3 : i32
      %add3A_364 = arith.addi %mul3A_362, %add3A_363 : i32
      %ge3A_365 = arith.constant 2 : i32
      %ge3A_366 = arith.cmpi sge, %add3A_364, %ge3A_365 : i32
      %convert_element_type3A_367 = arith.extui %ge3A_366 : i1 to i32
      %cond3A_368 = arith.constant 0 : i32
      %cond3A_369 = arith.cmpi ne, %convert_element_type3A_367, %cond3A_368 : i32
      scf.if %cond3A_369 {
        %dma_wait3A_559 = arith.constant 1 : i32
        %dma_wait3A_560 = arith.constant 0 : i32
        %dma_wait3A_561 = arith.constant 0 : i32
        %dma_wait3A_562 = arith.constant 0 : i32
        %dma_wait3A_563 = tpu.memref_slice %arg12[%dma_wait3A_559, %dma_wait3A_561, %dma_wait3A_562] : memref<2x80x128xf32, #tpu.memory_space<vmem>> -> memref<1x80x128xf32, #tpu.memory_space<vmem>>
        %dma_wait3A_564 = tpu.memref_squeeze %dma_wait3A_563 : memref<1x80x128xf32, #tpu.memory_space<vmem>> -> memref<80x128xf32, #tpu.memory_space<vmem>>
        %dma_wait3A_565 = arith.constant 0 : i32
        %dma_wait3A_566 = tpu.memref_slice %arg9[%dma_wait3A_560, %dma_wait3A_565] : memref<6x80xi32, #tpu.memory_space<vmem>> -> memref<1x80xi32, #tpu.memory_space<vmem>>
        %dma_wait3A_567 = tpu.memref_squeeze %dma_wait3A_566 : memref<1x80xi32, #tpu.memory_space<vmem>> -> memref<80xi32, #tpu.memory_space<vmem>>
        %dma_wait3A_568 = arith.constant 0 : i32
        %dma_wait3A_569 = arith.constant 0 : i32
        %dma_wait3A_570 = tpu.memref_slice %arg13[%dma_wait3A_568, %dma_wait3A_569] : memref<10240x128xf32, #tpu.memory_space<vmem_shared>> -> memref<10240x128xf32, #tpu.memory_space<vmem_shared>>
        tpu.wait_indirect_dma semaphore(%arg18 : memref<!tpu.dma_semaphore, #tpu.memory_space<semaphore_mem>>) src(%dma_wait3A_564 : memref<80x128xf32, #tpu.memory_space<vmem>>) dst(%dma_wait3A_570 : memref<10240x128xf32, #tpu.memory_space<vmem_shared>>)
      } else {
      }
      %add3A_370 = arith.constant 2 : i32
      %add3A_371 = arith.addi %add3A_364, %add3A_370 : i32
      %lt3A_372 = arith.constant 126 : i32
      %lt3A_373 = arith.cmpi slt, %add3A_371, %lt3A_372 : i32
      %convert_element_type3A_374 = arith.extui %lt3A_373 : i1 to i32
      %cond3A_375 = arith.constant 0 : i32
      %cond3A_376 = arith.cmpi ne, %convert_element_type3A_374, %cond3A_375 : i32
      scf.if %cond3A_376 {
        %add3A_559 = arith.constant 2 : i32
        %add3A_560 = arith.addi %add3A_364, %add3A_559 : i32
        %mul3A_561 = arith.constant 80 : i32
        %mul3A_562 = arith.muli %add3A_560, %mul3A_561 : i32
        %dma_start3A_563 = arith.constant 2 : i32
        %dma_start3A_564 = arith.constant 0 : i32
        %dma_start3A_565 = arith.constant 0 : i32
        %dma_start3A_566 = tpu.memref_slice %arg11[%dma_start3A_563, %dma_start3A_564, %dma_start3A_565] : memref<3x80x64xi32, #tpu.memory_space<vmem>> -> memref<1x80x64xi32, #tpu.memory_space<vmem>>
        %dma_start3A_567 = tpu.memref_squeeze %dma_start3A_566 : memref<1x80x64xi32, #tpu.memory_space<vmem>> -> memref<80x64xi32, #tpu.memory_space<vmem>>
        %dma_start3A_568 = tpu.memref_slice %arg8[%mul3A_562] : memref<10080xi32, #tpu.memory_space<vmem>> -> memref<80xi32, #tpu.memory_space<vmem>>
        %dma_start3A_569 = arith.constant 0 : i32
        %dma_start3A_570 = arith.constant 0 : i32
        %dma_start3A_571 = tpu.memref_slice %arg2[%dma_start3A_569, %dma_start3A_570] : memref<10240x64xi32, #tpu.memory_space<hbm>> -> memref<10240x64xi32, #tpu.memory_space<hbm>>
        tpu.enqueue_indirect_dma source(%dma_start3A_571 : memref<10240x64xi32, #tpu.memory_space<hbm>>) target(%dma_start3A_567 : memref<80x64xi32, #tpu.memory_space<vmem>>) offsets(%dma_start3A_568 : memref<80xi32, #tpu.memory_space<vmem>>) semaphore(%arg16 : memref<!tpu.dma_semaphore, #tpu.memory_space<semaphore_mem>>)
        %add3A_572 = arith.constant 2 : i32
        %add3A_573 = arith.addi %add3A_364, %add3A_572 : i32
        %mul3A_574 = arith.constant 80 : i32
        %mul3A_575 = arith.muli %add3A_573, %mul3A_574 : i32
        %add3A_576 = arith.addi %mul3A_6, %mul3A_575 : i32
        %dma_start3A_577 = arith.constant 5 : i32
        %dma_start3A_578 = arith.constant 0 : i32
        %dma_start3A_579 = tpu.memref_slice %arg9[%dma_start3A_577, %dma_start3A_578] : memref<6x80xi32, #tpu.memory_space<vmem>> -> memref<1x80xi32, #tpu.memory_space<vmem>>
        %dma_start3A_580 = tpu.memref_squeeze %dma_start3A_579 : memref<1x80xi32, #tpu.memory_space<vmem>> -> memref<80xi32, #tpu.memory_space<vmem>>
        %dma_start3A_581 = tpu.memref_slice %arg4[%add3A_576] : memref<322560xi32, #tpu.memory_space<hbm>> -> memref<80xi32, #tpu.memory_space<hbm>>
        %dma_start3A_582 = arith.constant 0 : i32
        %dma_start3A_583 = tpu.memref_slice %arg9[%dma_start3A_577, %dma_start3A_582] : memref<6x80xi32, #tpu.memory_space<vmem>> -> memref<1x80xi32, #tpu.memory_space<vmem>>
        %dma_start3A_584 = tpu.memref_squeeze %dma_start3A_583 : memref<1x80xi32, #tpu.memory_space<vmem>> -> memref<80xi32, #tpu.memory_space<vmem>>
        %dma_start3A_585 = tpu.memref_slice %arg4[%add3A_576] : memref<322560xi32, #tpu.memory_space<hbm>> -> memref<80xi32, #tpu.memory_space<hbm>>
        tpu.enqueue_dma source(%dma_start3A_585 : memref<80xi32, #tpu.memory_space<hbm>>) target(%dma_start3A_584 : memref<80xi32, #tpu.memory_space<vmem>>) target_semaphore(%arg24 : memref<!tpu.dma_semaphore, #tpu.memory_space<semaphore_mem>>)
        %dma_start3A_586 = arith.constant 5 : i32
        %dma_start3A_587 = arith.constant 0 : i32
        %dma_start3A_588 = tpu.memref_slice %arg10[%dma_start3A_586, %dma_start3A_587] : memref<6x80xf32, #tpu.memory_space<vmem>> -> memref<1x80xf32, #tpu.memory_space<vmem>>
        %dma_start3A_589 = tpu.memref_squeeze %dma_start3A_588 : memref<1x80xf32, #tpu.memory_space<vmem>> -> memref<80xf32, #tpu.memory_space<vmem>>
        %dma_start3A_590 = tpu.memref_slice %arg5[%add3A_576] : memref<322560xf32, #tpu.memory_space<hbm>> -> memref<80xf32, #tpu.memory_space<hbm>>
        %dma_start3A_591 = arith.constant 0 : i32
        %dma_start3A_592 = tpu.memref_slice %arg10[%dma_start3A_586, %dma_start3A_591] : memref<6x80xf32, #tpu.memory_space<vmem>> -> memref<1x80xf32, #tpu.memory_space<vmem>>
        %dma_start3A_593 = tpu.memref_squeeze %dma_start3A_592 : memref<1x80xf32, #tpu.memory_space<vmem>> -> memref<80xf32, #tpu.memory_space<vmem>>
        %dma_start3A_594 = tpu.memref_slice %arg5[%add3A_576] : memref<322560xf32, #tpu.memory_space<hbm>> -> memref<80xf32, #tpu.memory_space<hbm>>
        tpu.enqueue_dma source(%dma_start3A_594 : memref<80xf32, #tpu.memory_space<hbm>>) target(%dma_start3A_593 : memref<80xf32, #tpu.memory_space<vmem>>) target_semaphore(%arg24 : memref<!tpu.dma_semaphore, #tpu.memory_space<semaphore_mem>>)
      } else {
      }
      %dma_wait3A_377 = arith.constant 0 : i32
      %dma_wait3A_378 = arith.constant 0 : i32
      %dma_wait3A_379 = arith.constant 0 : i32
      %dma_wait3A_380 = tpu.memref_slice %arg11[%dma_wait3A_377, %dma_wait3A_378, %dma_wait3A_379] : memref<3x80x64xi32, #tpu.memory_space<vmem>> -> memref<1x80x64xi32, #tpu.memory_space<vmem>>
      %dma_wait3A_381 = tpu.memref_squeeze %dma_wait3A_380 : memref<1x80x64xi32, #tpu.memory_space<vmem>> -> memref<80x64xi32, #tpu.memory_space<vmem>>
      %dma_wait3A_382 = arith.constant 0 : i32
      %dma_wait3A_383 = tpu.memref_slice %arg8[%dma_wait3A_382] : memref<10080xi32, #tpu.memory_space<vmem>> -> memref<80xi32, #tpu.memory_space<vmem>>
      %dma_wait3A_384 = arith.constant 0 : i32
      %dma_wait3A_385 = arith.constant 0 : i32
      %dma_wait3A_386 = tpu.memref_slice %arg2[%dma_wait3A_384, %dma_wait3A_385] : memref<10240x64xi32, #tpu.memory_space<hbm>> -> memref<10240x64xi32, #tpu.memory_space<hbm>>
      tpu.wait_indirect_dma semaphore(%arg14 : memref<!tpu.dma_semaphore, #tpu.memory_space<semaphore_mem>>) src(%dma_wait3A_386 : memref<10240x64xi32, #tpu.memory_space<hbm>>) dst(%dma_wait3A_381 : memref<80x64xi32, #tpu.memory_space<vmem>>)
      %dma_wait3A_387 = arith.constant 3 : i32
      %dma_wait3A_388 = arith.constant 0 : i32
      %dma_wait3A_389 = tpu.memref_slice %arg9[%dma_wait3A_387, %dma_wait3A_388] : memref<6x80xi32, #tpu.memory_space<vmem>> -> memref<1x80xi32, #tpu.memory_space<vmem>>
      %dma_wait3A_390 = tpu.memref_squeeze %dma_wait3A_389 : memref<1x80xi32, #tpu.memory_space<vmem>> -> memref<80xi32, #tpu.memory_space<vmem>>
      %dma_wait3A_391 = arith.constant 0 : i32
      %dma_wait3A_392 = tpu.memref_slice %arg4[%dma_wait3A_391] : memref<322560xi32, #tpu.memory_space<hbm>> -> memref<80xi32, #tpu.memory_space<hbm>>
      %dma_wait3A_393 = arith.constant 0 : i32
      %dma_wait3A_394 = tpu.memref_slice %arg9[%dma_wait3A_387, %dma_wait3A_393] : memref<6x80xi32, #tpu.memory_space<vmem>> -> memref<1x80xi32, #tpu.memory_space<vmem>>
      %dma_wait3A_395 = tpu.memref_squeeze %dma_wait3A_394 : memref<1x80xi32, #tpu.memory_space<vmem>> -> memref<80xi32, #tpu.memory_space<vmem>>
      %dma_wait3A_396 = arith.constant 0 : i32
      %dma_wait3A_397 = tpu.memref_slice %arg4[%dma_wait3A_396] : memref<322560xi32, #tpu.memory_space<hbm>> -> memref<80xi32, #tpu.memory_space<hbm>>
      tpu.wait_dma2 semaphore(%arg22 : memref<!tpu.dma_semaphore, #tpu.memory_space<semaphore_mem>>) src(%dma_wait3A_397 : memref<80xi32, #tpu.memory_space<hbm>>) dst(%dma_wait3A_395 : memref<80xi32, #tpu.memory_space<vmem>>)
      %dma_wait3A_398 = arith.constant 3 : i32
      %dma_wait3A_399 = arith.constant 0 : i32
      %dma_wait3A_400 = tpu.memref_slice %arg10[%dma_wait3A_398, %dma_wait3A_399] : memref<6x80xf32, #tpu.memory_space<vmem>> -> memref<1x80xf32, #tpu.memory_space<vmem>>
      %dma_wait3A_401 = tpu.memref_squeeze %dma_wait3A_400 : memref<1x80xf32, #tpu.memory_space<vmem>> -> memref<80xf32, #tpu.memory_space<vmem>>
      %dma_wait3A_402 = arith.constant 0 : i32
      %dma_wait3A_403 = tpu.memref_slice %arg5[%dma_wait3A_402] : memref<322560xf32, #tpu.memory_space<hbm>> -> memref<80xf32, #tpu.memory_space<hbm>>
      %dma_wait3A_404 = arith.constant 0 : i32
      %dma_wait3A_405 = tpu.memref_slice %arg10[%dma_wait3A_398, %dma_wait3A_404] : memref<6x80xf32, #tpu.memory_space<vmem>> -> memref<1x80xf32, #tpu.memory_space<vmem>>
      %dma_wait3A_406 = tpu.memref_squeeze %dma_wait3A_405 : memref<1x80xf32, #tpu.memory_space<vmem>> -> memref<80xf32, #tpu.memory_space<vmem>>
      %dma_wait3A_407 = arith.constant 0 : i32
      %dma_wait3A_408 = tpu.memref_slice %arg5[%dma_wait3A_407] : memref<322560xf32, #tpu.memory_space<hbm>> -> memref<80xf32, #tpu.memory_space<hbm>>
      tpu.wait_dma2 semaphore(%arg22 : memref<!tpu.dma_semaphore, #tpu.memory_space<semaphore_mem>>) src(%dma_wait3A_408 : memref<80xf32, #tpu.memory_space<hbm>>) dst(%dma_wait3A_406 : memref<80xf32, #tpu.memory_space<vmem>>)
      %scan3A_409 = arith.constant 0 : i32
      %mul3A_410 = arith.constant 1 : i32
      %mul3A_411 = arith.muli %scan3A_409, %mul3A_410 : i32
      %add3A_412 = arith.constant 0 : i32
      %add3A_413 = arith.addi %add3A_412, %mul3A_411 : i32
      %scan3A_414 = arith.constant 1 : i32
      %dma_start3A_415 = arith.constant 1 : i32
      %dma_start3A_416 = arith.constant 3 : i32
      %dma_start3A_417 = arith.constant 0 : i32
      %dma_start3A_418 = arith.constant 0 : i32
      %dma_start3A_419 = tpu.memref_slice %arg12[%dma_start3A_415, %dma_start3A_417, %dma_start3A_418] : memref<2x80x128xf32, #tpu.memory_space<vmem>> -> memref<1x80x128xf32, #tpu.memory_space<vmem>>
      %dma_start3A_420 = tpu.memref_squeeze %dma_start3A_419 : memref<1x80x128xf32, #tpu.memory_space<vmem>> -> memref<80x128xf32, #tpu.memory_space<vmem>>
      %dma_start3A_421 = arith.constant 0 : i32
      %dma_start3A_422 = tpu.memref_slice %arg9[%dma_start3A_416, %dma_start3A_421] : memref<6x80xi32, #tpu.memory_space<vmem>> -> memref<1x80xi32, #tpu.memory_space<vmem>>
      %dma_start3A_423 = tpu.memref_squeeze %dma_start3A_422 : memref<1x80xi32, #tpu.memory_space<vmem>> -> memref<80xi32, #tpu.memory_space<vmem>>
      %dma_start3A_424 = arith.constant 0 : i32
      %dma_start3A_425 = arith.constant 0 : i32
      %dma_start3A_426 = tpu.memref_slice %arg13[%dma_start3A_424, %dma_start3A_425] : memref<10240x128xf32, #tpu.memory_space<vmem_shared>> -> memref<10240x128xf32, #tpu.memory_space<vmem_shared>>
      tpu.enqueue_indirect_dma source(%dma_start3A_420 : memref<80x128xf32, #tpu.memory_space<vmem>>) target(%dma_start3A_426 : memref<10240x128xf32, #tpu.memory_space<vmem_shared>>) offsets(%dma_start3A_423 : memref<80xi32, #tpu.memory_space<vmem>>) semaphore(%arg18 : memref<!tpu.dma_semaphore, #tpu.memory_space<semaphore_mem>>) {add = true}
      %mul3A_427 = arith.constant 6 : i32
      %mul3A_428 = arith.muli %add3A_166, %mul3A_427 : i32
      %add3A_429 = arith.constant 4 : i32
      %add3A_430 = arith.addi %mul3A_428, %add3A_429 : i32
      %ge3A_431 = arith.constant 2 : i32
      %ge3A_432 = arith.cmpi sge, %add3A_430, %ge3A_431 : i32
      %convert_element_type3A_433 = arith.extui %ge3A_432 : i1 to i32
      %cond3A_434 = arith.constant 0 : i32
      %cond3A_435 = arith.cmpi ne, %convert_element_type3A_433, %cond3A_434 : i32
      scf.if %cond3A_435 {
        %dma_wait3A_559 = arith.constant 0 : i32
        %dma_wait3A_560 = arith.constant 0 : i32
        %dma_wait3A_561 = arith.constant 0 : i32
        %dma_wait3A_562 = arith.constant 0 : i32
        %dma_wait3A_563 = tpu.memref_slice %arg12[%dma_wait3A_559, %dma_wait3A_561, %dma_wait3A_562] : memref<2x80x128xf32, #tpu.memory_space<vmem>> -> memref<1x80x128xf32, #tpu.memory_space<vmem>>
        %dma_wait3A_564 = tpu.memref_squeeze %dma_wait3A_563 : memref<1x80x128xf32, #tpu.memory_space<vmem>> -> memref<80x128xf32, #tpu.memory_space<vmem>>
        %dma_wait3A_565 = arith.constant 0 : i32
        %dma_wait3A_566 = tpu.memref_slice %arg9[%dma_wait3A_560, %dma_wait3A_565] : memref<6x80xi32, #tpu.memory_space<vmem>> -> memref<1x80xi32, #tpu.memory_space<vmem>>
        %dma_wait3A_567 = tpu.memref_squeeze %dma_wait3A_566 : memref<1x80xi32, #tpu.memory_space<vmem>> -> memref<80xi32, #tpu.memory_space<vmem>>
        %dma_wait3A_568 = arith.constant 0 : i32
        %dma_wait3A_569 = arith.constant 0 : i32
        %dma_wait3A_570 = tpu.memref_slice %arg13[%dma_wait3A_568, %dma_wait3A_569] : memref<10240x128xf32, #tpu.memory_space<vmem_shared>> -> memref<10240x128xf32, #tpu.memory_space<vmem_shared>>
        tpu.wait_indirect_dma semaphore(%arg17 : memref<!tpu.dma_semaphore, #tpu.memory_space<semaphore_mem>>) src(%dma_wait3A_564 : memref<80x128xf32, #tpu.memory_space<vmem>>) dst(%dma_wait3A_570 : memref<10240x128xf32, #tpu.memory_space<vmem_shared>>)
      } else {
      }
      %add3A_436 = arith.constant 2 : i32
      %add3A_437 = arith.addi %add3A_430, %add3A_436 : i32
      %lt3A_438 = arith.constant 126 : i32
      %lt3A_439 = arith.cmpi slt, %add3A_437, %lt3A_438 : i32
      %convert_element_type3A_440 = arith.extui %lt3A_439 : i1 to i32
      %cond3A_441 = arith.constant 0 : i32
      %cond3A_442 = arith.cmpi ne, %convert_element_type3A_440, %cond3A_441 : i32
      scf.if %cond3A_442 {
        %add3A_559 = arith.constant 2 : i32
        %add3A_560 = arith.addi %add3A_430, %add3A_559 : i32
        %mul3A_561 = arith.constant 80 : i32
        %mul3A_562 = arith.muli %add3A_560, %mul3A_561 : i32
        %dma_start3A_563 = arith.constant 0 : i32
        %dma_start3A_564 = arith.constant 0 : i32
        %dma_start3A_565 = arith.constant 0 : i32
        %dma_start3A_566 = tpu.memref_slice %arg11[%dma_start3A_563, %dma_start3A_564, %dma_start3A_565] : memref<3x80x64xi32, #tpu.memory_space<vmem>> -> memref<1x80x64xi32, #tpu.memory_space<vmem>>
        %dma_start3A_567 = tpu.memref_squeeze %dma_start3A_566 : memref<1x80x64xi32, #tpu.memory_space<vmem>> -> memref<80x64xi32, #tpu.memory_space<vmem>>
        %dma_start3A_568 = tpu.memref_slice %arg8[%mul3A_562] : memref<10080xi32, #tpu.memory_space<vmem>> -> memref<80xi32, #tpu.memory_space<vmem>>
        %dma_start3A_569 = arith.constant 0 : i32
        %dma_start3A_570 = arith.constant 0 : i32
        %dma_start3A_571 = tpu.memref_slice %arg2[%dma_start3A_569, %dma_start3A_570] : memref<10240x64xi32, #tpu.memory_space<hbm>> -> memref<10240x64xi32, #tpu.memory_space<hbm>>
        tpu.enqueue_indirect_dma source(%dma_start3A_571 : memref<10240x64xi32, #tpu.memory_space<hbm>>) target(%dma_start3A_567 : memref<80x64xi32, #tpu.memory_space<vmem>>) offsets(%dma_start3A_568 : memref<80xi32, #tpu.memory_space<vmem>>) semaphore(%arg14 : memref<!tpu.dma_semaphore, #tpu.memory_space<semaphore_mem>>)
        %add3A_572 = arith.constant 2 : i32
        %add3A_573 = arith.addi %add3A_430, %add3A_572 : i32
        %mul3A_574 = arith.constant 80 : i32
        %mul3A_575 = arith.muli %add3A_573, %mul3A_574 : i32
        %add3A_576 = arith.addi %mul3A_6, %mul3A_575 : i32
        %dma_start3A_577 = arith.constant 0 : i32
        %dma_start3A_578 = arith.constant 0 : i32
        %dma_start3A_579 = tpu.memref_slice %arg9[%dma_start3A_577, %dma_start3A_578] : memref<6x80xi32, #tpu.memory_space<vmem>> -> memref<1x80xi32, #tpu.memory_space<vmem>>
        %dma_start3A_580 = tpu.memref_squeeze %dma_start3A_579 : memref<1x80xi32, #tpu.memory_space<vmem>> -> memref<80xi32, #tpu.memory_space<vmem>>
        %dma_start3A_581 = tpu.memref_slice %arg4[%add3A_576] : memref<322560xi32, #tpu.memory_space<hbm>> -> memref<80xi32, #tpu.memory_space<hbm>>
        %dma_start3A_582 = arith.constant 0 : i32
        %dma_start3A_583 = tpu.memref_slice %arg9[%dma_start3A_577, %dma_start3A_582] : memref<6x80xi32, #tpu.memory_space<vmem>> -> memref<1x80xi32, #tpu.memory_space<vmem>>
        %dma_start3A_584 = tpu.memref_squeeze %dma_start3A_583 : memref<1x80xi32, #tpu.memory_space<vmem>> -> memref<80xi32, #tpu.memory_space<vmem>>
        %dma_start3A_585 = tpu.memref_slice %arg4[%add3A_576] : memref<322560xi32, #tpu.memory_space<hbm>> -> memref<80xi32, #tpu.memory_space<hbm>>
        tpu.enqueue_dma source(%dma_start3A_585 : memref<80xi32, #tpu.memory_space<hbm>>) target(%dma_start3A_584 : memref<80xi32, #tpu.memory_space<vmem>>) target_semaphore(%arg19 : memref<!tpu.dma_semaphore, #tpu.memory_space<semaphore_mem>>)
        %dma_start3A_586 = arith.constant 0 : i32
        %dma_start3A_587 = arith.constant 0 : i32
        %dma_start3A_588 = tpu.memref_slice %arg10[%dma_start3A_586, %dma_start3A_587] : memref<6x80xf32, #tpu.memory_space<vmem>> -> memref<1x80xf32, #tpu.memory_space<vmem>>
        %dma_start3A_589 = tpu.memref_squeeze %dma_start3A_588 : memref<1x80xf32, #tpu.memory_space<vmem>> -> memref<80xf32, #tpu.memory_space<vmem>>
        %dma_start3A_590 = tpu.memref_slice %arg5[%add3A_576] : memref<322560xf32, #tpu.memory_space<hbm>> -> memref<80xf32, #tpu.memory_space<hbm>>
        %dma_start3A_591 = arith.constant 0 : i32
        %dma_start3A_592 = tpu.memref_slice %arg10[%dma_start3A_586, %dma_start3A_591] : memref<6x80xf32, #tpu.memory_space<vmem>> -> memref<1x80xf32, #tpu.memory_space<vmem>>
        %dma_start3A_593 = tpu.memref_squeeze %dma_start3A_592 : memref<1x80xf32, #tpu.memory_space<vmem>> -> memref<80xf32, #tpu.memory_space<vmem>>
        %dma_start3A_594 = tpu.memref_slice %arg5[%add3A_576] : memref<322560xf32, #tpu.memory_space<hbm>> -> memref<80xf32, #tpu.memory_space<hbm>>
        tpu.enqueue_dma source(%dma_start3A_594 : memref<80xf32, #tpu.memory_space<hbm>>) target(%dma_start3A_593 : memref<80xf32, #tpu.memory_space<vmem>>) target_semaphore(%arg19 : memref<!tpu.dma_semaphore, #tpu.memory_space<semaphore_mem>>)
      } else {
      }
      %dma_wait3A_443 = arith.constant 1 : i32
      %dma_wait3A_444 = arith.constant 0 : i32
      %dma_wait3A_445 = arith.constant 0 : i32
      %dma_wait3A_446 = tpu.memref_slice %arg11[%dma_wait3A_443, %dma_wait3A_444, %dma_wait3A_445] : memref<3x80x64xi32, #tpu.memory_space<vmem>> -> memref<1x80x64xi32, #tpu.memory_space<vmem>>
      %dma_wait3A_447 = tpu.memref_squeeze %dma_wait3A_446 : memref<1x80x64xi32, #tpu.memory_space<vmem>> -> memref<80x64xi32, #tpu.memory_space<vmem>>
      %dma_wait3A_448 = arith.constant 0 : i32
      %dma_wait3A_449 = tpu.memref_slice %arg8[%dma_wait3A_448] : memref<10080xi32, #tpu.memory_space<vmem>> -> memref<80xi32, #tpu.memory_space<vmem>>
      %dma_wait3A_450 = arith.constant 0 : i32
      %dma_wait3A_451 = arith.constant 0 : i32
      %dma_wait3A_452 = tpu.memref_slice %arg2[%dma_wait3A_450, %dma_wait3A_451] : memref<10240x64xi32, #tpu.memory_space<hbm>> -> memref<10240x64xi32, #tpu.memory_space<hbm>>
      tpu.wait_indirect_dma semaphore(%arg15 : memref<!tpu.dma_semaphore, #tpu.memory_space<semaphore_mem>>) src(%dma_wait3A_452 : memref<10240x64xi32, #tpu.memory_space<hbm>>) dst(%dma_wait3A_447 : memref<80x64xi32, #tpu.memory_space<vmem>>)
      %dma_wait3A_453 = arith.constant 4 : i32
      %dma_wait3A_454 = arith.constant 0 : i32
      %dma_wait3A_455 = tpu.memref_slice %arg9[%dma_wait3A_453, %dma_wait3A_454] : memref<6x80xi32, #tpu.memory_space<vmem>> -> memref<1x80xi32, #tpu.memory_space<vmem>>
      %dma_wait3A_456 = tpu.memref_squeeze %dma_wait3A_455 : memref<1x80xi32, #tpu.memory_space<vmem>> -> memref<80xi32, #tpu.memory_space<vmem>>
      %dma_wait3A_457 = arith.constant 0 : i32
      %dma_wait3A_458 = tpu.memref_slice %arg4[%dma_wait3A_457] : memref<322560xi32, #tpu.memory_space<hbm>> -> memref<80xi32, #tpu.memory_space<hbm>>
      %dma_wait3A_459 = arith.constant 0 : i32
      %dma_wait3A_460 = tpu.memref_slice %arg9[%dma_wait3A_453, %dma_wait3A_459] : memref<6x80xi32, #tpu.memory_space<vmem>> -> memref<1x80xi32, #tpu.memory_space<vmem>>
      %dma_wait3A_461 = tpu.memref_squeeze %dma_wait3A_460 : memref<1x80xi32, #tpu.memory_space<vmem>> -> memref<80xi32, #tpu.memory_space<vmem>>
      %dma_wait3A_462 = arith.constant 0 : i32
      %dma_wait3A_463 = tpu.memref_slice %arg4[%dma_wait3A_462] : memref<322560xi32, #tpu.memory_space<hbm>> -> memref<80xi32, #tpu.memory_space<hbm>>
      tpu.wait_dma2 semaphore(%arg23 : memref<!tpu.dma_semaphore, #tpu.memory_space<semaphore_mem>>) src(%dma_wait3A_463 : memref<80xi32, #tpu.memory_space<hbm>>) dst(%dma_wait3A_461 : memref<80xi32, #tpu.memory_space<vmem>>)
      %dma_wait3A_464 = arith.constant 4 : i32
      %dma_wait3A_465 = arith.constant 0 : i32
      %dma_wait3A_466 = tpu.memref_slice %arg10[%dma_wait3A_464, %dma_wait3A_465] : memref<6x80xf32, #tpu.memory_space<vmem>> -> memref<1x80xf32, #tpu.memory_space<vmem>>
      %dma_wait3A_467 = tpu.memref_squeeze %dma_wait3A_466 : memref<1x80xf32, #tpu.memory_space<vmem>> -> memref<80xf32, #tpu.memory_space<vmem>>
      %dma_wait3A_468 = arith.constant 0 : i32
      %dma_wait3A_469 = tpu.memref_slice %arg5[%dma_wait3A_468] : memref<322560xf32, #tpu.memory_space<hbm>> -> memref<80xf32, #tpu.memory_space<hbm>>
      %dma_wait3A_470 = arith.constant 0 : i32
      %dma_wait3A_471 = tpu.memref_slice %arg10[%dma_wait3A_464, %dma_wait3A_470] : memref<6x80xf32, #tpu.memory_space<vmem>> -> memref<1x80xf32, #tpu.memory_space<vmem>>
      %dma_wait3A_472 = tpu.memref_squeeze %dma_wait3A_471 : memref<1x80xf32, #tpu.memory_space<vmem>> -> memref<80xf32, #tpu.memory_space<vmem>>
      %dma_wait3A_473 = arith.constant 0 : i32
      %dma_wait3A_474 = tpu.memref_slice %arg5[%dma_wait3A_473] : memref<322560xf32, #tpu.memory_space<hbm>> -> memref<80xf32, #tpu.memory_space<hbm>>
      tpu.wait_dma2 semaphore(%arg23 : memref<!tpu.dma_semaphore, #tpu.memory_space<semaphore_mem>>) src(%dma_wait3A_474 : memref<80xf32, #tpu.memory_space<hbm>>) dst(%dma_wait3A_472 : memref<80xf32, #tpu.memory_space<vmem>>)
      %scan3A_475 = arith.constant 0 : i32
      %mul3A_476 = arith.constant 1 : i32
      %mul3A_477 = arith.muli %scan3A_475, %mul3A_476 : i32
      %add3A_478 = arith.constant 0 : i32
      %add3A_479 = arith.addi %add3A_478, %mul3A_477 : i32
      %scan3A_480 = arith.constant 1 : i32
      %dma_start3A_481 = arith.constant 0 : i32
      %dma_start3A_482 = arith.constant 4 : i32
      %dma_start3A_483 = arith.constant 0 : i32
      %dma_start3A_484 = arith.constant 0 : i32
      %dma_start3A_485 = tpu.memref_slice %arg12[%dma_start3A_481, %dma_start3A_483, %dma_start3A_484] : memref<2x80x128xf32, #tpu.memory_space<vmem>> -> memref<1x80x128xf32, #tpu.memory_space<vmem>>
      %dma_start3A_486 = tpu.memref_squeeze %dma_start3A_485 : memref<1x80x128xf32, #tpu.memory_space<vmem>> -> memref<80x128xf32, #tpu.memory_space<vmem>>
      %dma_start3A_487 = arith.constant 0 : i32
      %dma_start3A_488 = tpu.memref_slice %arg9[%dma_start3A_482, %dma_start3A_487] : memref<6x80xi32, #tpu.memory_space<vmem>> -> memref<1x80xi32, #tpu.memory_space<vmem>>
      %dma_start3A_489 = tpu.memref_squeeze %dma_start3A_488 : memref<1x80xi32, #tpu.memory_space<vmem>> -> memref<80xi32, #tpu.memory_space<vmem>>
      %dma_start3A_490 = arith.constant 0 : i32
      %dma_start3A_491 = arith.constant 0 : i32
      %dma_start3A_492 = tpu.memref_slice %arg13[%dma_start3A_490, %dma_start3A_491] : memref<10240x128xf32, #tpu.memory_space<vmem_shared>> -> memref<10240x128xf32, #tpu.memory_space<vmem_shared>>
      tpu.enqueue_indirect_dma source(%dma_start3A_486 : memref<80x128xf32, #tpu.memory_space<vmem>>) target(%dma_start3A_492 : memref<10240x128xf32, #tpu.memory_space<vmem_shared>>) offsets(%dma_start3A_489 : memref<80xi32, #tpu.memory_space<vmem>>) semaphore(%arg17 : memref<!tpu.dma_semaphore, #tpu.memory_space<semaphore_mem>>) {add = true}
      %mul3A_493 = arith.constant 6 : i32
      %mul3A_494 = arith.muli %add3A_166, %mul3A_493 : i32
      %add3A_495 = arith.constant 5 : i32
      %add3A_496 = arith.addi %mul3A_494, %add3A_495 : i32
      %ge3A_497 = arith.constant 2 : i32
      %ge3A_498 = arith.cmpi sge, %add3A_496, %ge3A_497 : i32
      %convert_element_type3A_499 = arith.extui %ge3A_498 : i1 to i32
      %cond3A_500 = arith.constant 0 : i32
      %cond3A_501 = arith.cmpi ne, %convert_element_type3A_499, %cond3A_500 : i32
      scf.if %cond3A_501 {
        %dma_wait3A_559 = arith.constant 1 : i32
        %dma_wait3A_560 = arith.constant 0 : i32
        %dma_wait3A_561 = arith.constant 0 : i32
        %dma_wait3A_562 = arith.constant 0 : i32
        %dma_wait3A_563 = tpu.memref_slice %arg12[%dma_wait3A_559, %dma_wait3A_561, %dma_wait3A_562] : memref<2x80x128xf32, #tpu.memory_space<vmem>> -> memref<1x80x128xf32, #tpu.memory_space<vmem>>
        %dma_wait3A_564 = tpu.memref_squeeze %dma_wait3A_563 : memref<1x80x128xf32, #tpu.memory_space<vmem>> -> memref<80x128xf32, #tpu.memory_space<vmem>>
        %dma_wait3A_565 = arith.constant 0 : i32
        %dma_wait3A_566 = tpu.memref_slice %arg9[%dma_wait3A_560, %dma_wait3A_565] : memref<6x80xi32, #tpu.memory_space<vmem>> -> memref<1x80xi32, #tpu.memory_space<vmem>>
        %dma_wait3A_567 = tpu.memref_squeeze %dma_wait3A_566 : memref<1x80xi32, #tpu.memory_space<vmem>> -> memref<80xi32, #tpu.memory_space<vmem>>
        %dma_wait3A_568 = arith.constant 0 : i32
        %dma_wait3A_569 = arith.constant 0 : i32
        %dma_wait3A_570 = tpu.memref_slice %arg13[%dma_wait3A_568, %dma_wait3A_569] : memref<10240x128xf32, #tpu.memory_space<vmem_shared>> -> memref<10240x128xf32, #tpu.memory_space<vmem_shared>>
        tpu.wait_indirect_dma semaphore(%arg18 : memref<!tpu.dma_semaphore, #tpu.memory_space<semaphore_mem>>) src(%dma_wait3A_564 : memref<80x128xf32, #tpu.memory_space<vmem>>) dst(%dma_wait3A_570 : memref<10240x128xf32, #tpu.memory_space<vmem_shared>>)
      } else {
      }
      %add3A_502 = arith.constant 2 : i32
      %add3A_503 = arith.addi %add3A_496, %add3A_502 : i32
      %lt3A_504 = arith.constant 126 : i32
      %lt3A_505 = arith.cmpi slt, %add3A_503, %lt3A_504 : i32
      %convert_element_type3A_506 = arith.extui %lt3A_505 : i1 to i32
      %cond3A_507 = arith.constant 0 : i32
      %cond3A_508 = arith.cmpi ne, %convert_element_type3A_506, %cond3A_507 : i32
      scf.if %cond3A_508 {
        %add3A_559 = arith.constant 2 : i32
        %add3A_560 = arith.addi %add3A_496, %add3A_559 : i32
        %mul3A_561 = arith.constant 80 : i32
        %mul3A_562 = arith.muli %add3A_560, %mul3A_561 : i32
        %dma_start3A_563 = arith.constant 1 : i32
        %dma_start3A_564 = arith.constant 0 : i32
        %dma_start3A_565 = arith.constant 0 : i32
        %dma_start3A_566 = tpu.memref_slice %arg11[%dma_start3A_563, %dma_start3A_564, %dma_start3A_565] : memref<3x80x64xi32, #tpu.memory_space<vmem>> -> memref<1x80x64xi32, #tpu.memory_space<vmem>>
        %dma_start3A_567 = tpu.memref_squeeze %dma_start3A_566 : memref<1x80x64xi32, #tpu.memory_space<vmem>> -> memref<80x64xi32, #tpu.memory_space<vmem>>
        %dma_start3A_568 = tpu.memref_slice %arg8[%mul3A_562] : memref<10080xi32, #tpu.memory_space<vmem>> -> memref<80xi32, #tpu.memory_space<vmem>>
        %dma_start3A_569 = arith.constant 0 : i32
        %dma_start3A_570 = arith.constant 0 : i32
        %dma_start3A_571 = tpu.memref_slice %arg2[%dma_start3A_569, %dma_start3A_570] : memref<10240x64xi32, #tpu.memory_space<hbm>> -> memref<10240x64xi32, #tpu.memory_space<hbm>>
        tpu.enqueue_indirect_dma source(%dma_start3A_571 : memref<10240x64xi32, #tpu.memory_space<hbm>>) target(%dma_start3A_567 : memref<80x64xi32, #tpu.memory_space<vmem>>) offsets(%dma_start3A_568 : memref<80xi32, #tpu.memory_space<vmem>>) semaphore(%arg15 : memref<!tpu.dma_semaphore, #tpu.memory_space<semaphore_mem>>)
        %add3A_572 = arith.constant 2 : i32
        %add3A_573 = arith.addi %add3A_496, %add3A_572 : i32
        %mul3A_574 = arith.constant 80 : i32
        %mul3A_575 = arith.muli %add3A_573, %mul3A_574 : i32
        %add3A_576 = arith.addi %mul3A_6, %mul3A_575 : i32
        %dma_start3A_577 = arith.constant 1 : i32
        %dma_start3A_578 = arith.constant 0 : i32
        %dma_start3A_579 = tpu.memref_slice %arg9[%dma_start3A_577, %dma_start3A_578] : memref<6x80xi32, #tpu.memory_space<vmem>> -> memref<1x80xi32, #tpu.memory_space<vmem>>
        %dma_start3A_580 = tpu.memref_squeeze %dma_start3A_579 : memref<1x80xi32, #tpu.memory_space<vmem>> -> memref<80xi32, #tpu.memory_space<vmem>>
        %dma_start3A_581 = tpu.memref_slice %arg4[%add3A_576] : memref<322560xi32, #tpu.memory_space<hbm>> -> memref<80xi32, #tpu.memory_space<hbm>>
        %dma_start3A_582 = arith.constant 0 : i32
        %dma_start3A_583 = tpu.memref_slice %arg9[%dma_start3A_577, %dma_start3A_582] : memref<6x80xi32, #tpu.memory_space<vmem>> -> memref<1x80xi32, #tpu.memory_space<vmem>>
        %dma_start3A_584 = tpu.memref_squeeze %dma_start3A_583 : memref<1x80xi32, #tpu.memory_space<vmem>> -> memref<80xi32, #tpu.memory_space<vmem>>
        %dma_start3A_585 = tpu.memref_slice %arg4[%add3A_576] : memref<322560xi32, #tpu.memory_space<hbm>> -> memref<80xi32, #tpu.memory_space<hbm>>
        tpu.enqueue_dma source(%dma_start3A_585 : memref<80xi32, #tpu.memory_space<hbm>>) target(%dma_start3A_584 : memref<80xi32, #tpu.memory_space<vmem>>) target_semaphore(%arg20 : memref<!tpu.dma_semaphore, #tpu.memory_space<semaphore_mem>>)
        %dma_start3A_586 = arith.constant 1 : i32
        %dma_start3A_587 = arith.constant 0 : i32
        %dma_start3A_588 = tpu.memref_slice %arg10[%dma_start3A_586, %dma_start3A_587] : memref<6x80xf32, #tpu.memory_space<vmem>> -> memref<1x80xf32, #tpu.memory_space<vmem>>
        %dma_start3A_589 = tpu.memref_squeeze %dma_start3A_588 : memref<1x80xf32, #tpu.memory_space<vmem>> -> memref<80xf32, #tpu.memory_space<vmem>>
        %dma_start3A_590 = tpu.memref_slice %arg5[%add3A_576] : memref<322560xf32, #tpu.memory_space<hbm>> -> memref<80xf32, #tpu.memory_space<hbm>>
        %dma_start3A_591 = arith.constant 0 : i32
        %dma_start3A_592 = tpu.memref_slice %arg10[%dma_start3A_586, %dma_start3A_591] : memref<6x80xf32, #tpu.memory_space<vmem>> -> memref<1x80xf32, #tpu.memory_space<vmem>>
        %dma_start3A_593 = tpu.memref_squeeze %dma_start3A_592 : memref<1x80xf32, #tpu.memory_space<vmem>> -> memref<80xf32, #tpu.memory_space<vmem>>
        %dma_start3A_594 = tpu.memref_slice %arg5[%add3A_576] : memref<322560xf32, #tpu.memory_space<hbm>> -> memref<80xf32, #tpu.memory_space<hbm>>
        tpu.enqueue_dma source(%dma_start3A_594 : memref<80xf32, #tpu.memory_space<hbm>>) target(%dma_start3A_593 : memref<80xf32, #tpu.memory_space<vmem>>) target_semaphore(%arg20 : memref<!tpu.dma_semaphore, #tpu.memory_space<semaphore_mem>>)
      } else {
      }
      %dma_wait3A_509 = arith.constant 2 : i32
      %dma_wait3A_510 = arith.constant 0 : i32
      %dma_wait3A_511 = arith.constant 0 : i32
      %dma_wait3A_512 = tpu.memref_slice %arg11[%dma_wait3A_509, %dma_wait3A_510, %dma_wait3A_511] : memref<3x80x64xi32, #tpu.memory_space<vmem>> -> memref<1x80x64xi32, #tpu.memory_space<vmem>>
      %dma_wait3A_513 = tpu.memref_squeeze %dma_wait3A_512 : memref<1x80x64xi32, #tpu.memory_space<vmem>> -> memref<80x64xi32, #tpu.memory_space<vmem>>
      %dma_wait3A_514 = arith.constant 0 : i32
      %dma_wait3A_515 = tpu.memref_slice %arg8[%dma_wait3A_514] : memref<10080xi32, #tpu.memory_space<vmem>> -> memref<80xi32, #tpu.memory_space<vmem>>
      %dma_wait3A_516 = arith.constant 0 : i32
      %dma_wait3A_517 = arith.constant 0 : i32
      %dma_wait3A_518 = tpu.memref_slice %arg2[%dma_wait3A_516, %dma_wait3A_517] : memref<10240x64xi32, #tpu.memory_space<hbm>> -> memref<10240x64xi32, #tpu.memory_space<hbm>>
      tpu.wait_indirect_dma semaphore(%arg16 : memref<!tpu.dma_semaphore, #tpu.memory_space<semaphore_mem>>) src(%dma_wait3A_518 : memref<10240x64xi32, #tpu.memory_space<hbm>>) dst(%dma_wait3A_513 : memref<80x64xi32, #tpu.memory_space<vmem>>)
      %dma_wait3A_519 = arith.constant 5 : i32
      %dma_wait3A_520 = arith.constant 0 : i32
      %dma_wait3A_521 = tpu.memref_slice %arg9[%dma_wait3A_519, %dma_wait3A_520] : memref<6x80xi32, #tpu.memory_space<vmem>> -> memref<1x80xi32, #tpu.memory_space<vmem>>
      %dma_wait3A_522 = tpu.memref_squeeze %dma_wait3A_521 : memref<1x80xi32, #tpu.memory_space<vmem>> -> memref<80xi32, #tpu.memory_space<vmem>>
      %dma_wait3A_523 = arith.constant 0 : i32
      %dma_wait3A_524 = tpu.memref_slice %arg4[%dma_wait3A_523] : memref<322560xi32, #tpu.memory_space<hbm>> -> memref<80xi32, #tpu.memory_space<hbm>>
      %dma_wait3A_525 = arith.constant 0 : i32
      %dma_wait3A_526 = tpu.memref_slice %arg9[%dma_wait3A_519, %dma_wait3A_525] : memref<6x80xi32, #tpu.memory_space<vmem>> -> memref<1x80xi32, #tpu.memory_space<vmem>>
      %dma_wait3A_527 = tpu.memref_squeeze %dma_wait3A_526 : memref<1x80xi32, #tpu.memory_space<vmem>> -> memref<80xi32, #tpu.memory_space<vmem>>
      %dma_wait3A_528 = arith.constant 0 : i32
      %dma_wait3A_529 = tpu.memref_slice %arg4[%dma_wait3A_528] : memref<322560xi32, #tpu.memory_space<hbm>> -> memref<80xi32, #tpu.memory_space<hbm>>
      tpu.wait_dma2 semaphore(%arg24 : memref<!tpu.dma_semaphore, #tpu.memory_space<semaphore_mem>>) src(%dma_wait3A_529 : memref<80xi32, #tpu.memory_space<hbm>>) dst(%dma_wait3A_527 : memref<80xi32, #tpu.memory_space<vmem>>)
      %dma_wait3A_530 = arith.constant 5 : i32
      %dma_wait3A_531 = arith.constant 0 : i32
      %dma_wait3A_532 = tpu.memref_slice %arg10[%dma_wait3A_530, %dma_wait3A_531] : memref<6x80xf32, #tpu.memory_space<vmem>> -> memref<1x80xf32, #tpu.memory_space<vmem>>
      %dma_wait3A_533 = tpu.memref_squeeze %dma_wait3A_532 : memref<1x80xf32, #tpu.memory_space<vmem>> -> memref<80xf32, #tpu.memory_space<vmem>>
      %dma_wait3A_534 = arith.constant 0 : i32
      %dma_wait3A_535 = tpu.memref_slice %arg5[%dma_wait3A_534] : memref<322560xf32, #tpu.memory_space<hbm>> -> memref<80xf32, #tpu.memory_space<hbm>>
      %dma_wait3A_536 = arith.constant 0 : i32
      %dma_wait3A_537 = tpu.memref_slice %arg10[%dma_wait3A_530, %dma_wait3A_536] : memref<6x80xf32, #tpu.memory_space<vmem>> -> memref<1x80xf32, #tpu.memory_space<vmem>>
      %dma_wait3A_538 = tpu.memref_squeeze %dma_wait3A_537 : memref<1x80xf32, #tpu.memory_space<vmem>> -> memref<80xf32, #tpu.memory_space<vmem>>
      %dma_wait3A_539 = arith.constant 0 : i32
      %dma_wait3A_540 = tpu.memref_slice %arg5[%dma_wait3A_539] : memref<322560xf32, #tpu.memory_space<hbm>> -> memref<80xf32, #tpu.memory_space<hbm>>
      tpu.wait_dma2 semaphore(%arg24 : memref<!tpu.dma_semaphore, #tpu.memory_space<semaphore_mem>>) src(%dma_wait3A_540 : memref<80xf32, #tpu.memory_space<hbm>>) dst(%dma_wait3A_538 : memref<80xf32, #tpu.memory_space<vmem>>)
      %scan3A_541 = arith.constant 0 : i32
      %mul3A_542 = arith.constant 1 : i32
      %mul3A_543 = arith.muli %scan3A_541, %mul3A_542 : i32
      %add3A_544 = arith.constant 0 : i32
      %add3A_545 = arith.addi %add3A_544, %mul3A_543 : i32
      %scan3A_546 = arith.constant 1 : i32
      %dma_start3A_547 = arith.constant 1 : i32
      %dma_start3A_548 = arith.constant 5 : i32
      %dma_start3A_549 = arith.constant 0 : i32
      %dma_start3A_550 = arith.constant 0 : i32
      %dma_start3A_551 = tpu.memref_slice %arg12[%dma_start3A_547, %dma_start3A_549, %dma_start3A_550] : memref<2x80x128xf32, #tpu.memory_space<vmem>> -> memref<1x80x128xf32, #tpu.memory_space<vmem>>
      %dma_start3A_552 = tpu.memref_squeeze %dma_start3A_551 : memref<1x80x128xf32, #tpu.memory_space<vmem>> -> memref<80x128xf32, #tpu.memory_space<vmem>>
      %dma_start3A_553 = arith.constant 0 : i32
      %dma_start3A_554 = tpu.memref_slice %arg9[%dma_start3A_548, %dma_start3A_553] : memref<6x80xi32, #tpu.memory_space<vmem>> -> memref<1x80xi32, #tpu.memory_space<vmem>>
      %dma_start3A_555 = tpu.memref_squeeze %dma_start3A_554 : memref<1x80xi32, #tpu.memory_space<vmem>> -> memref<80xi32, #tpu.memory_space<vmem>>
      %dma_start3A_556 = arith.constant 0 : i32
      %dma_start3A_557 = arith.constant 0 : i32
      %dma_start3A_558 = tpu.memref_slice %arg13[%dma_start3A_556, %dma_start3A_557] : memref<10240x128xf32, #tpu.memory_space<vmem_shared>> -> memref<10240x128xf32, #tpu.memory_space<vmem_shared>>
      tpu.enqueue_indirect_dma source(%dma_start3A_552 : memref<80x128xf32, #tpu.memory_space<vmem>>) target(%dma_start3A_558 : memref<10240x128xf32, #tpu.memory_space<vmem_shared>>) offsets(%dma_start3A_555 : memref<80xi32, #tpu.memory_space<vmem>>) semaphore(%arg18 : memref<!tpu.dma_semaphore, #tpu.memory_space<semaphore_mem>>) {add = true}
    }
    %scan3A_132 = arith.constant 21 : i32
    %dma_wait3A_133 = arith.constant 0 : i32
    %dma_wait3A_134 = arith.constant 0 : i32
    %dma_wait3A_135 = arith.constant 0 : i32
    %dma_wait3A_136 = arith.constant 0 : i32
    %dma_wait3A_137 = tpu.memref_slice %arg12[%dma_wait3A_133, %dma_wait3A_135, %dma_wait3A_136] : memref<2x80x128xf32, #tpu.memory_space<vmem>> -> memref<1x80x128xf32, #tpu.memory_space<vmem>>
    %dma_wait3A_138 = tpu.memref_squeeze %dma_wait3A_137 : memref<1x80x128xf32, #tpu.memory_space<vmem>> -> memref<80x128xf32, #tpu.memory_space<vmem>>
    %dma_wait3A_139 = arith.constant 0 : i32
    %dma_wait3A_140 = tpu.memref_slice %arg9[%dma_wait3A_134, %dma_wait3A_139] : memref<6x80xi32, #tpu.memory_space<vmem>> -> memref<1x80xi32, #tpu.memory_space<vmem>>
    %dma_wait3A_141 = tpu.memref_squeeze %dma_wait3A_140 : memref<1x80xi32, #tpu.memory_space<vmem>> -> memref<80xi32, #tpu.memory_space<vmem>>
    %dma_wait3A_142 = arith.constant 0 : i32
    %dma_wait3A_143 = arith.constant 0 : i32
    %dma_wait3A_144 = tpu.memref_slice %arg13[%dma_wait3A_142, %dma_wait3A_143] : memref<10240x128xf32, #tpu.memory_space<vmem_shared>> -> memref<10240x128xf32, #tpu.memory_space<vmem_shared>>
    tpu.wait_indirect_dma semaphore(%arg17 : memref<!tpu.dma_semaphore, #tpu.memory_space<semaphore_mem>>) src(%dma_wait3A_138 : memref<80x128xf32, #tpu.memory_space<vmem>>) dst(%dma_wait3A_144 : memref<10240x128xf32, #tpu.memory_space<vmem_shared>>)
    %dma_wait3A_145 = arith.constant 1 : i32
    %dma_wait3A_146 = arith.constant 0 : i32
    %dma_wait3A_147 = arith.constant 0 : i32
    %dma_wait3A_148 = arith.constant 0 : i32
    %dma_wait3A_149 = tpu.memref_slice %arg12[%dma_wait3A_145, %dma_wait3A_147, %dma_wait3A_148] : memref<2x80x128xf32, #tpu.memory_space<vmem>> -> memref<1x80x128xf32, #tpu.memory_space<vmem>>
    %dma_wait3A_150 = tpu.memref_squeeze %dma_wait3A_149 : memref<1x80x128xf32, #tpu.memory_space<vmem>> -> memref<80x128xf32, #tpu.memory_space<vmem>>
    %dma_wait3A_151 = arith.constant 0 : i32
    %dma_wait3A_152 = tpu.memref_slice %arg9[%dma_wait3A_146, %dma_wait3A_151] : memref<6x80xi32, #tpu.memory_space<vmem>> -> memref<1x80xi32, #tpu.memory_space<vmem>>
    %dma_wait3A_153 = tpu.memref_squeeze %dma_wait3A_152 : memref<1x80xi32, #tpu.memory_space<vmem>> -> memref<80xi32, #tpu.memory_space<vmem>>
    %dma_wait3A_154 = arith.constant 0 : i32
    %dma_wait3A_155 = arith.constant 0 : i32
    %dma_wait3A_156 = tpu.memref_slice %arg13[%dma_wait3A_154, %dma_wait3A_155] : memref<10240x128xf32, #tpu.memory_space<vmem_shared>> -> memref<10240x128xf32, #tpu.memory_space<vmem_shared>>
    tpu.wait_indirect_dma semaphore(%arg18 : memref<!tpu.dma_semaphore, #tpu.memory_space<semaphore_mem>>) src(%dma_wait3A_150 : memref<80x128xf32, #tpu.memory_space<vmem>>) dst(%dma_wait3A_156 : memref<10240x128xf32, #tpu.memory_space<vmem_shared>>)
    %barrier3A_157 = arith.constant 0 : index
    tpu.barrier barrier_id(%barrier3A_157)
    %mul3A_158 = arith.constant 640 : i32
    %mul3A_159 = arith.muli %arg1, %mul3A_158 : i32
    %mul3A_160 = arith.constant 640 : i32
    %mul3A_161 = arith.muli %arg1, %mul3A_160 : i32
    "tpu.region"() ({
      %run_scoped3A = tpu.sem_alloc : memref<!tpu.dma_semaphore, #tpu.memory_space<semaphore_mem>>
      %dma_start3A_162 = arith.constant 0 : i32
      %dma_start3A_163 = tpu.memref_slice %arg7[%arg0, %mul3A_161, %dma_start3A_162] : memref<2x10240x128xf32, #tpu.memory_space<hbm>> -> memref<1x640x128xf32, #tpu.memory_space<hbm>>
      %dma_start3A_164 = tpu.memref_squeeze %dma_start3A_163 : memref<1x640x128xf32, #tpu.memory_space<hbm>> -> memref<640x128xf32, #tpu.memory_space<hbm>>
      %dma_start3A_165 = arith.constant 0 : i32
      %dma_start3A_166 = tpu.memref_slice %arg13[%mul3A_159, %dma_start3A_165] : memref<10240x128xf32, #tpu.memory_space<vmem_shared>> -> memref<640x128xf32, #tpu.memory_space<vmem_shared>>
      tpu.enqueue_dma source(%dma_start3A_166 : memref<640x128xf32, #tpu.memory_space<vmem_shared>>) target(%dma_start3A_164 : memref<640x128xf32, #tpu.memory_space<hbm>>) target_semaphore(%run_scoped3A : memref<!tpu.dma_semaphore, #tpu.memory_space<semaphore_mem>>)
      %dma_wait3A_167 = arith.constant 0 : i32
      %dma_wait3A_168 = tpu.memref_slice %arg7[%arg0, %mul3A_161, %dma_wait3A_167] : memref<2x10240x128xf32, #tpu.memory_space<hbm>> -> memref<1x640x128xf32, #tpu.memory_space<hbm>>
      %dma_wait3A_169 = tpu.memref_squeeze %dma_wait3A_168 : memref<1x640x128xf32, #tpu.memory_space<hbm>> -> memref<640x128xf32, #tpu.memory_space<hbm>>
      %dma_wait3A_170 = arith.constant 0 : i32
      %dma_wait3A_171 = tpu.memref_slice %arg13[%mul3A_159, %dma_wait3A_170] : memref<10240x128xf32, #tpu.memory_space<vmem_shared>> -> memref<640x128xf32, #tpu.memory_space<vmem_shared>>
      tpu.wait_dma2 semaphore(%run_scoped3A : memref<!tpu.dma_semaphore, #tpu.memory_space<semaphore_mem>>) src(%dma_wait3A_171 : memref<640x128xf32, #tpu.memory_space<vmem_shared>>) dst(%dma_wait3A_169 : memref<640x128xf32, #tpu.memory_space<hbm>>)
      tpu.yield
    }) : () -> ()
    return
  }
}

#map = affine_map<(d0, d1) -> (0)>
#map1 = affine_map<(d0, d1) -> (0, 0)>
module attributes {stable_mosaic.version = 14 : i64} {
  func.func @_deg_kernel(%arg0: i32, %arg1: i32, %arg2: memref<322560xi32, #tpu.memory_space<hbm>>, %arg3: memref<322560xf32, #tpu.memory_space<hbm>>, %arg4: memref<10240xf32, #tpu.memory_space<hbm>>, %arg5: memref<2x10240xf32, #tpu.memory_space<hbm>>, %arg6: memref<3x80xi32, #tpu.memory_space<vmem>>, %arg7: memref<3x80xf32, #tpu.memory_space<vmem>>, %arg8: memref<10240xf32, #tpu.memory_space<vmem_shared>>, %arg9: memref<!tpu.dma_semaphore, #tpu.memory_space<semaphore_mem>>, %arg10: memref<!tpu.dma_semaphore, #tpu.memory_space<semaphore_mem>>, %arg11: memref<!tpu.dma_semaphore, #tpu.memory_space<semaphore_mem>>, %arg12: memref<!tpu.dma_semaphore, #tpu.memory_space<semaphore_mem>>, %arg13: memref<!tpu.dma_semaphore, #tpu.memory_space<semaphore_mem>>, %arg14: memref<!tpu.dma_semaphore, #tpu.memory_space<semaphore_mem>>) attributes {dimension_semantics = [#tpu.dimension_semantics<core_parallel>, #tpu.dimension_semantics<subcore_parallel>], iteration_bounds = array<i64: 2, 16>, scalar_prefetch = 0 : i64, scratch_operands = 9 : i64, tpu.core_type = #tpu.core_type<sc_vector_subcore>, window_params = [{transform_indices = #map}, {transform_indices = #map}, {transform_indices = #map}, {transform_indices = #map1}]} {
    %mul3A = arith.constant 640 : i32
    %mul3A_0 = arith.muli %arg1, %mul3A : i32
    %mul3A_1 = arith.constant 640 : i32
    %mul3A_2 = arith.muli %arg1, %mul3A_1 : i32
    "tpu.region"() ({
      %run_scoped3A = tpu.sem_alloc : memref<!tpu.dma_semaphore, #tpu.memory_space<semaphore_mem>>
      %dma_start3A_64 = tpu.memref_slice %arg8[%mul3A_2] : memref<10240xf32, #tpu.memory_space<vmem_shared>> -> memref<640xf32, #tpu.memory_space<vmem_shared>>
      %dma_start3A_65 = tpu.memref_slice %arg4[%mul3A_0] : memref<10240xf32, #tpu.memory_space<hbm>> -> memref<640xf32, #tpu.memory_space<hbm>>
      tpu.enqueue_dma source(%dma_start3A_65 : memref<640xf32, #tpu.memory_space<hbm>>) target(%dma_start3A_64 : memref<640xf32, #tpu.memory_space<vmem_shared>>) target_semaphore(%run_scoped3A : memref<!tpu.dma_semaphore, #tpu.memory_space<semaphore_mem>>)
      %dma_wait3A_66 = tpu.memref_slice %arg8[%mul3A_2] : memref<10240xf32, #tpu.memory_space<vmem_shared>> -> memref<640xf32, #tpu.memory_space<vmem_shared>>
      %dma_wait3A_67 = tpu.memref_slice %arg4[%mul3A_0] : memref<10240xf32, #tpu.memory_space<hbm>> -> memref<640xf32, #tpu.memory_space<hbm>>
      tpu.wait_dma2 semaphore(%run_scoped3A : memref<!tpu.dma_semaphore, #tpu.memory_space<semaphore_mem>>) src(%dma_wait3A_67 : memref<640xf32, #tpu.memory_space<hbm>>) dst(%dma_wait3A_66 : memref<640xf32, #tpu.memory_space<vmem_shared>>)
      tpu.yield
    }) : () -> ()
    %barrier3A = arith.constant 0 : index
    tpu.barrier barrier_id(%barrier3A)
    %mul3A_3 = arith.constant 16 : i32
    %mul3A_4 = arith.muli %arg0, %mul3A_3 : i32
    %add3A = arith.addi %mul3A_4, %arg1 : i32
    %mul3A_5 = arith.constant 10080 : i32
    %mul3A_6 = arith.muli %add3A, %mul3A_5 : i32
    %add3A_7 = arith.constant 0 : i32
    %add3A_8 = arith.addi %mul3A_6, %add3A_7 : i32
    %dma_start3A = arith.constant 0 : i32
    %dma_start3A_9 = arith.constant 0 : i32
    %dma_start3A_10 = tpu.memref_slice %arg6[%dma_start3A, %dma_start3A_9] : memref<3x80xi32, #tpu.memory_space<vmem>> -> memref<1x80xi32, #tpu.memory_space<vmem>>
    %dma_start3A_11 = tpu.memref_squeeze %dma_start3A_10 : memref<1x80xi32, #tpu.memory_space<vmem>> -> memref<80xi32, #tpu.memory_space<vmem>>
    %dma_start3A_12 = tpu.memref_slice %arg2[%add3A_8] : memref<322560xi32, #tpu.memory_space<hbm>> -> memref<80xi32, #tpu.memory_space<hbm>>
    %dma_start3A_13 = arith.constant 0 : i32
    %dma_start3A_14 = tpu.memref_slice %arg6[%dma_start3A, %dma_start3A_13] : memref<3x80xi32, #tpu.memory_space<vmem>> -> memref<1x80xi32, #tpu.memory_space<vmem>>
    %dma_start3A_15 = tpu.memref_squeeze %dma_start3A_14 : memref<1x80xi32, #tpu.memory_space<vmem>> -> memref<80xi32, #tpu.memory_space<vmem>>
    %dma_start3A_16 = tpu.memref_slice %arg2[%add3A_8] : memref<322560xi32, #tpu.memory_space<hbm>> -> memref<80xi32, #tpu.memory_space<hbm>>
    tpu.enqueue_dma source(%dma_start3A_16 : memref<80xi32, #tpu.memory_space<hbm>>) target(%dma_start3A_15 : memref<80xi32, #tpu.memory_space<vmem>>) target_semaphore(%arg12 : memref<!tpu.dma_semaphore, #tpu.memory_space<semaphore_mem>>)
    %dma_start3A_17 = arith.constant 0 : i32
    %dma_start3A_18 = arith.constant 0 : i32
    %dma_start3A_19 = tpu.memref_slice %arg7[%dma_start3A_17, %dma_start3A_18] : memref<3x80xf32, #tpu.memory_space<vmem>> -> memref<1x80xf32, #tpu.memory_space<vmem>>
    %dma_start3A_20 = tpu.memref_squeeze %dma_start3A_19 : memref<1x80xf32, #tpu.memory_space<vmem>> -> memref<80xf32, #tpu.memory_space<vmem>>
    %dma_start3A_21 = tpu.memref_slice %arg3[%add3A_8] : memref<322560xf32, #tpu.memory_space<hbm>> -> memref<80xf32, #tpu.memory_space<hbm>>
    %dma_start3A_22 = arith.constant 0 : i32
    %dma_start3A_23 = tpu.memref_slice %arg7[%dma_start3A_17, %dma_start3A_22] : memref<3x80xf32, #tpu.memory_space<vmem>> -> memref<1x80xf32, #tpu.memory_space<vmem>>
    %dma_start3A_24 = tpu.memref_squeeze %dma_start3A_23 : memref<1x80xf32, #tpu.memory_space<vmem>> -> memref<80xf32, #tpu.memory_space<vmem>>
    %dma_start3A_25 = tpu.memref_slice %arg3[%add3A_8] : memref<322560xf32, #tpu.memory_space<hbm>> -> memref<80xf32, #tpu.memory_space<hbm>>
    tpu.enqueue_dma source(%dma_start3A_25 : memref<80xf32, #tpu.memory_space<hbm>>) target(%dma_start3A_24 : memref<80xf32, #tpu.memory_space<vmem>>) target_semaphore(%arg12 : memref<!tpu.dma_semaphore, #tpu.memory_space<semaphore_mem>>)
    %add3A_26 = arith.constant 80 : i32
    %add3A_27 = arith.addi %mul3A_6, %add3A_26 : i32
    %dma_start3A_28 = arith.constant 1 : i32
    %dma_start3A_29 = arith.constant 0 : i32
    %dma_start3A_30 = tpu.memref_slice %arg6[%dma_start3A_28, %dma_start3A_29] : memref<3x80xi32, #tpu.memory_space<vmem>> -> memref<1x80xi32, #tpu.memory_space<vmem>>
    %dma_start3A_31 = tpu.memref_squeeze %dma_start3A_30 : memref<1x80xi32, #tpu.memory_space<vmem>> -> memref<80xi32, #tpu.memory_space<vmem>>
    %dma_start3A_32 = tpu.memref_slice %arg2[%add3A_27] : memref<322560xi32, #tpu.memory_space<hbm>> -> memref<80xi32, #tpu.memory_space<hbm>>
    %dma_start3A_33 = arith.constant 0 : i32
    %dma_start3A_34 = tpu.memref_slice %arg6[%dma_start3A_28, %dma_start3A_33] : memref<3x80xi32, #tpu.memory_space<vmem>> -> memref<1x80xi32, #tpu.memory_space<vmem>>
    %dma_start3A_35 = tpu.memref_squeeze %dma_start3A_34 : memref<1x80xi32, #tpu.memory_space<vmem>> -> memref<80xi32, #tpu.memory_space<vmem>>
    %dma_start3A_36 = tpu.memref_slice %arg2[%add3A_27] : memref<322560xi32, #tpu.memory_space<hbm>> -> memref<80xi32, #tpu.memory_space<hbm>>
    tpu.enqueue_dma source(%dma_start3A_36 : memref<80xi32, #tpu.memory_space<hbm>>) target(%dma_start3A_35 : memref<80xi32, #tpu.memory_space<vmem>>) target_semaphore(%arg13 : memref<!tpu.dma_semaphore, #tpu.memory_space<semaphore_mem>>)
    %dma_start3A_37 = arith.constant 1 : i32
    %dma_start3A_38 = arith.constant 0 : i32
    %dma_start3A_39 = tpu.memref_slice %arg7[%dma_start3A_37, %dma_start3A_38] : memref<3x80xf32, #tpu.memory_space<vmem>> -> memref<1x80xf32, #tpu.memory_space<vmem>>
    %dma_start3A_40 = tpu.memref_squeeze %dma_start3A_39 : memref<1x80xf32, #tpu.memory_space<vmem>> -> memref<80xf32, #tpu.memory_space<vmem>>
    %dma_start3A_41 = tpu.memref_slice %arg3[%add3A_27] : memref<322560xf32, #tpu.memory_space<hbm>> -> memref<80xf32, #tpu.memory_space<hbm>>
    %dma_start3A_42 = arith.constant 0 : i32
    %dma_start3A_43 = tpu.memref_slice %arg7[%dma_start3A_37, %dma_start3A_42] : memref<3x80xf32, #tpu.memory_space<vmem>> -> memref<1x80xf32, #tpu.memory_space<vmem>>
    %dma_start3A_44 = tpu.memref_squeeze %dma_start3A_43 : memref<1x80xf32, #tpu.memory_space<vmem>> -> memref<80xf32, #tpu.memory_space<vmem>>
    %dma_start3A_45 = tpu.memref_slice %arg3[%add3A_27] : memref<322560xf32, #tpu.memory_space<hbm>> -> memref<80xf32, #tpu.memory_space<hbm>>
    tpu.enqueue_dma source(%dma_start3A_45 : memref<80xf32, #tpu.memory_space<hbm>>) target(%dma_start3A_44 : memref<80xf32, #tpu.memory_space<vmem>>) target_semaphore(%arg13 : memref<!tpu.dma_semaphore, #tpu.memory_space<semaphore_mem>>)
    %scan3A = arith.constant 0 : i32
    %scan3A_46 = arith.constant 42 : i32
    %scan3A_47 = arith.addi %scan3A, %scan3A_46 : i32
    %scan3A_48 = arith.constant 1 : i32
    scf.for %scan3A_64 = %scan3A to %scan3A_47 step %scan3A_48  : i32 {
      %mul3A_65 = arith.constant 1 : i32
      %mul3A_66 = arith.muli %scan3A_64, %mul3A_65 : i32
      %add3A_67 = arith.constant 0 : i32
      %add3A_68 = arith.addi %add3A_67, %mul3A_66 : i32
      %mul3A_69 = arith.constant 3 : i32
      %mul3A_70 = arith.muli %add3A_68, %mul3A_69 : i32
      %add3A_71 = arith.constant 0 : i32
      %add3A_72 = arith.addi %mul3A_70, %add3A_71 : i32
      %ge3A = arith.constant 1 : i32
      %ge3A_73 = arith.cmpi sge, %add3A_72, %ge3A : i32
      %convert_element_type3A = arith.extui %ge3A_73 : i1 to i32
      %cond3A = arith.constant 0 : i32
      %cond3A_74 = arith.cmpi ne, %convert_element_type3A, %cond3A : i32
      scf.if %cond3A_74 {
        %dma_wait3A_209 = arith.constant 2 : i32
        %dma_wait3A_210 = arith.constant 2 : i32
        %dma_wait3A_211 = arith.constant 0 : i32
        %dma_wait3A_212 = tpu.memref_slice %arg7[%dma_wait3A_209, %dma_wait3A_211] : memref<3x80xf32, #tpu.memory_space<vmem>> -> memref<1x80xf32, #tpu.memory_space<vmem>>
        %dma_wait3A_213 = tpu.memref_squeeze %dma_wait3A_212 : memref<1x80xf32, #tpu.memory_space<vmem>> -> memref<80xf32, #tpu.memory_space<vmem>>
        %dma_wait3A_214 = arith.constant 0 : i32
        %dma_wait3A_215 = tpu.memref_slice %arg6[%dma_wait3A_210, %dma_wait3A_214] : memref<3x80xi32, #tpu.memory_space<vmem>> -> memref<1x80xi32, #tpu.memory_space<vmem>>
        %dma_wait3A_216 = tpu.memref_squeeze %dma_wait3A_215 : memref<1x80xi32, #tpu.memory_space<vmem>> -> memref<80xi32, #tpu.memory_space<vmem>>
        %dma_wait3A_217 = arith.constant 0 : i32
        %dma_wait3A_218 = tpu.memref_slice %arg8[%dma_wait3A_217] : memref<10240xf32, #tpu.memory_space<vmem_shared>> -> memref<10240xf32, #tpu.memory_space<vmem_shared>>
        tpu.wait_indirect_dma semaphore(%arg11 : memref<!tpu.dma_semaphore, #tpu.memory_space<semaphore_mem>>) src(%dma_wait3A_213 : memref<80xf32, #tpu.memory_space<vmem>>) dst(%dma_wait3A_218 : memref<10240xf32, #tpu.memory_space<vmem_shared>>)
      } else {
      }
      %add3A_75 = arith.constant 2 : i32
      %add3A_76 = arith.addi %add3A_72, %add3A_75 : i32
      %lt3A = arith.constant 126 : i32
      %lt3A_77 = arith.cmpi slt, %add3A_76, %lt3A : i32
      %convert_element_type3A_78 = arith.extui %lt3A_77 : i1 to i32
      %cond3A_79 = arith.constant 0 : i32
      %cond3A_80 = arith.cmpi ne, %convert_element_type3A_78, %cond3A_79 : i32
      scf.if %cond3A_80 {
        %add3A_209 = arith.constant 2 : i32
        %add3A_210 = arith.addi %add3A_72, %add3A_209 : i32
        %mul3A_211 = arith.constant 80 : i32
        %mul3A_212 = arith.muli %add3A_210, %mul3A_211 : i32
        %add3A_213 = arith.addi %mul3A_6, %mul3A_212 : i32
        %dma_start3A_214 = arith.constant 2 : i32
        %dma_start3A_215 = arith.constant 0 : i32
        %dma_start3A_216 = tpu.memref_slice %arg6[%dma_start3A_214, %dma_start3A_215] : memref<3x80xi32, #tpu.memory_space<vmem>> -> memref<1x80xi32, #tpu.memory_space<vmem>>
        %dma_start3A_217 = tpu.memref_squeeze %dma_start3A_216 : memref<1x80xi32, #tpu.memory_space<vmem>> -> memref<80xi32, #tpu.memory_space<vmem>>
        %dma_start3A_218 = tpu.memref_slice %arg2[%add3A_213] : memref<322560xi32, #tpu.memory_space<hbm>> -> memref<80xi32, #tpu.memory_space<hbm>>
        %dma_start3A_219 = arith.constant 0 : i32
        %dma_start3A_220 = tpu.memref_slice %arg6[%dma_start3A_214, %dma_start3A_219] : memref<3x80xi32, #tpu.memory_space<vmem>> -> memref<1x80xi32, #tpu.memory_space<vmem>>
        %dma_start3A_221 = tpu.memref_squeeze %dma_start3A_220 : memref<1x80xi32, #tpu.memory_space<vmem>> -> memref<80xi32, #tpu.memory_space<vmem>>
        %dma_start3A_222 = tpu.memref_slice %arg2[%add3A_213] : memref<322560xi32, #tpu.memory_space<hbm>> -> memref<80xi32, #tpu.memory_space<hbm>>
        tpu.enqueue_dma source(%dma_start3A_222 : memref<80xi32, #tpu.memory_space<hbm>>) target(%dma_start3A_221 : memref<80xi32, #tpu.memory_space<vmem>>) target_semaphore(%arg14 : memref<!tpu.dma_semaphore, #tpu.memory_space<semaphore_mem>>)
        %dma_start3A_223 = arith.constant 2 : i32
        %dma_start3A_224 = arith.constant 0 : i32
        %dma_start3A_225 = tpu.memref_slice %arg7[%dma_start3A_223, %dma_start3A_224] : memref<3x80xf32, #tpu.memory_space<vmem>> -> memref<1x80xf32, #tpu.memory_space<vmem>>
        %dma_start3A_226 = tpu.memref_squeeze %dma_start3A_225 : memref<1x80xf32, #tpu.memory_space<vmem>> -> memref<80xf32, #tpu.memory_space<vmem>>
        %dma_start3A_227 = tpu.memref_slice %arg3[%add3A_213] : memref<322560xf32, #tpu.memory_space<hbm>> -> memref<80xf32, #tpu.memory_space<hbm>>
        %dma_start3A_228 = arith.constant 0 : i32
        %dma_start3A_229 = tpu.memref_slice %arg7[%dma_start3A_223, %dma_start3A_228] : memref<3x80xf32, #tpu.memory_space<vmem>> -> memref<1x80xf32, #tpu.memory_space<vmem>>
        %dma_start3A_230 = tpu.memref_squeeze %dma_start3A_229 : memref<1x80xf32, #tpu.memory_space<vmem>> -> memref<80xf32, #tpu.memory_space<vmem>>
        %dma_start3A_231 = tpu.memref_slice %arg3[%add3A_213] : memref<322560xf32, #tpu.memory_space<hbm>> -> memref<80xf32, #tpu.memory_space<hbm>>
        tpu.enqueue_dma source(%dma_start3A_231 : memref<80xf32, #tpu.memory_space<hbm>>) target(%dma_start3A_230 : memref<80xf32, #tpu.memory_space<vmem>>) target_semaphore(%arg14 : memref<!tpu.dma_semaphore, #tpu.memory_space<semaphore_mem>>)
      } else {
      }
      %dma_wait3A_81 = arith.constant 0 : i32
      %dma_wait3A_82 = arith.constant 0 : i32
      %dma_wait3A_83 = tpu.memref_slice %arg6[%dma_wait3A_81, %dma_wait3A_82] : memref<3x80xi32, #tpu.memory_space<vmem>> -> memref<1x80xi32, #tpu.memory_space<vmem>>
      %dma_wait3A_84 = tpu.memref_squeeze %dma_wait3A_83 : memref<1x80xi32, #tpu.memory_space<vmem>> -> memref<80xi32, #tpu.memory_space<vmem>>
      %dma_wait3A_85 = arith.constant 0 : i32
      %dma_wait3A_86 = tpu.memref_slice %arg2[%dma_wait3A_85] : memref<322560xi32, #tpu.memory_space<hbm>> -> memref<80xi32, #tpu.memory_space<hbm>>
      %dma_wait3A_87 = arith.constant 0 : i32
      %dma_wait3A_88 = tpu.memref_slice %arg6[%dma_wait3A_81, %dma_wait3A_87] : memref<3x80xi32, #tpu.memory_space<vmem>> -> memref<1x80xi32, #tpu.memory_space<vmem>>
      %dma_wait3A_89 = tpu.memref_squeeze %dma_wait3A_88 : memref<1x80xi32, #tpu.memory_space<vmem>> -> memref<80xi32, #tpu.memory_space<vmem>>
      %dma_wait3A_90 = arith.constant 0 : i32
      %dma_wait3A_91 = tpu.memref_slice %arg2[%dma_wait3A_90] : memref<322560xi32, #tpu.memory_space<hbm>> -> memref<80xi32, #tpu.memory_space<hbm>>
      tpu.wait_dma2 semaphore(%arg12 : memref<!tpu.dma_semaphore, #tpu.memory_space<semaphore_mem>>) src(%dma_wait3A_91 : memref<80xi32, #tpu.memory_space<hbm>>) dst(%dma_wait3A_89 : memref<80xi32, #tpu.memory_space<vmem>>)
      %dma_wait3A_92 = arith.constant 0 : i32
      %dma_wait3A_93 = arith.constant 0 : i32
      %dma_wait3A_94 = tpu.memref_slice %arg7[%dma_wait3A_92, %dma_wait3A_93] : memref<3x80xf32, #tpu.memory_space<vmem>> -> memref<1x80xf32, #tpu.memory_space<vmem>>
      %dma_wait3A_95 = tpu.memref_squeeze %dma_wait3A_94 : memref<1x80xf32, #tpu.memory_space<vmem>> -> memref<80xf32, #tpu.memory_space<vmem>>
      %dma_wait3A_96 = arith.constant 0 : i32
      %dma_wait3A_97 = tpu.memref_slice %arg3[%dma_wait3A_96] : memref<322560xf32, #tpu.memory_space<hbm>> -> memref<80xf32, #tpu.memory_space<hbm>>
      %dma_wait3A_98 = arith.constant 0 : i32
      %dma_wait3A_99 = tpu.memref_slice %arg7[%dma_wait3A_92, %dma_wait3A_98] : memref<3x80xf32, #tpu.memory_space<vmem>> -> memref<1x80xf32, #tpu.memory_space<vmem>>
      %dma_wait3A_100 = tpu.memref_squeeze %dma_wait3A_99 : memref<1x80xf32, #tpu.memory_space<vmem>> -> memref<80xf32, #tpu.memory_space<vmem>>
      %dma_wait3A_101 = arith.constant 0 : i32
      %dma_wait3A_102 = tpu.memref_slice %arg3[%dma_wait3A_101] : memref<322560xf32, #tpu.memory_space<hbm>> -> memref<80xf32, #tpu.memory_space<hbm>>
      tpu.wait_dma2 semaphore(%arg12 : memref<!tpu.dma_semaphore, #tpu.memory_space<semaphore_mem>>) src(%dma_wait3A_102 : memref<80xf32, #tpu.memory_space<hbm>>) dst(%dma_wait3A_100 : memref<80xf32, #tpu.memory_space<vmem>>)
      %dma_start3A_103 = arith.constant 0 : i32
      %dma_start3A_104 = arith.constant 0 : i32
      %dma_start3A_105 = arith.constant 0 : i32
      %dma_start3A_106 = tpu.memref_slice %arg7[%dma_start3A_103, %dma_start3A_105] : memref<3x80xf32, #tpu.memory_space<vmem>> -> memref<1x80xf32, #tpu.memory_space<vmem>>
      %dma_start3A_107 = tpu.memref_squeeze %dma_start3A_106 : memref<1x80xf32, #tpu.memory_space<vmem>> -> memref<80xf32, #tpu.memory_space<vmem>>
      %dma_start3A_108 = arith.constant 0 : i32
      %dma_start3A_109 = tpu.memref_slice %arg6[%dma_start3A_104, %dma_start3A_108] : memref<3x80xi32, #tpu.memory_space<vmem>> -> memref<1x80xi32, #tpu.memory_space<vmem>>
      %dma_start3A_110 = tpu.memref_squeeze %dma_start3A_109 : memref<1x80xi32, #tpu.memory_space<vmem>> -> memref<80xi32, #tpu.memory_space<vmem>>
      %dma_start3A_111 = arith.constant 0 : i32
      %dma_start3A_112 = tpu.memref_slice %arg8[%dma_start3A_111] : memref<10240xf32, #tpu.memory_space<vmem_shared>> -> memref<10240xf32, #tpu.memory_space<vmem_shared>>
      tpu.enqueue_indirect_dma source(%dma_start3A_107 : memref<80xf32, #tpu.memory_space<vmem>>) target(%dma_start3A_112 : memref<10240xf32, #tpu.memory_space<vmem_shared>>) offsets(%dma_start3A_110 : memref<80xi32, #tpu.memory_space<vmem>>) semaphore(%arg9 : memref<!tpu.dma_semaphore, #tpu.memory_space<semaphore_mem>>) {add = true}
      %mul3A_113 = arith.constant 3 : i32
      %mul3A_114 = arith.muli %add3A_68, %mul3A_113 : i32
      %add3A_115 = arith.constant 1 : i32
      %add3A_116 = arith.addi %mul3A_114, %add3A_115 : i32
      %ge3A_117 = arith.constant 1 : i32
      %ge3A_118 = arith.cmpi sge, %add3A_116, %ge3A_117 : i32
      %convert_element_type3A_119 = arith.extui %ge3A_118 : i1 to i32
      %cond3A_120 = arith.constant 0 : i32
      %cond3A_121 = arith.cmpi ne, %convert_element_type3A_119, %cond3A_120 : i32
      scf.if %cond3A_121 {
        %dma_wait3A_209 = arith.constant 0 : i32
        %dma_wait3A_210 = arith.constant 0 : i32
        %dma_wait3A_211 = arith.constant 0 : i32
        %dma_wait3A_212 = tpu.memref_slice %arg7[%dma_wait3A_209, %dma_wait3A_211] : memref<3x80xf32, #tpu.memory_space<vmem>> -> memref<1x80xf32, #tpu.memory_space<vmem>>
        %dma_wait3A_213 = tpu.memref_squeeze %dma_wait3A_212 : memref<1x80xf32, #tpu.memory_space<vmem>> -> memref<80xf32, #tpu.memory_space<vmem>>
        %dma_wait3A_214 = arith.constant 0 : i32
        %dma_wait3A_215 = tpu.memref_slice %arg6[%dma_wait3A_210, %dma_wait3A_214] : memref<3x80xi32, #tpu.memory_space<vmem>> -> memref<1x80xi32, #tpu.memory_space<vmem>>
        %dma_wait3A_216 = tpu.memref_squeeze %dma_wait3A_215 : memref<1x80xi32, #tpu.memory_space<vmem>> -> memref<80xi32, #tpu.memory_space<vmem>>
        %dma_wait3A_217 = arith.constant 0 : i32
        %dma_wait3A_218 = tpu.memref_slice %arg8[%dma_wait3A_217] : memref<10240xf32, #tpu.memory_space<vmem_shared>> -> memref<10240xf32, #tpu.memory_space<vmem_shared>>
        tpu.wait_indirect_dma semaphore(%arg9 : memref<!tpu.dma_semaphore, #tpu.memory_space<semaphore_mem>>) src(%dma_wait3A_213 : memref<80xf32, #tpu.memory_space<vmem>>) dst(%dma_wait3A_218 : memref<10240xf32, #tpu.memory_space<vmem_shared>>)
      } else {
      }
      %add3A_122 = arith.constant 2 : i32
      %add3A_123 = arith.addi %add3A_116, %add3A_122 : i32
      %lt3A_124 = arith.constant 126 : i32
      %lt3A_125 = arith.cmpi slt, %add3A_123, %lt3A_124 : i32
      %convert_element_type3A_126 = arith.extui %lt3A_125 : i1 to i32
      %cond3A_127 = arith.constant 0 : i32
      %cond3A_128 = arith.cmpi ne, %convert_element_type3A_126, %cond3A_127 : i32
      scf.if %cond3A_128 {
        %add3A_209 = arith.constant 2 : i32
        %add3A_210 = arith.addi %add3A_116, %add3A_209 : i32
        %mul3A_211 = arith.constant 80 : i32
        %mul3A_212 = arith.muli %add3A_210, %mul3A_211 : i32
        %add3A_213 = arith.addi %mul3A_6, %mul3A_212 : i32
        %dma_start3A_214 = arith.constant 0 : i32
        %dma_start3A_215 = arith.constant 0 : i32
        %dma_start3A_216 = tpu.memref_slice %arg6[%dma_start3A_214, %dma_start3A_215] : memref<3x80xi32, #tpu.memory_space<vmem>> -> memref<1x80xi32, #tpu.memory_space<vmem>>
        %dma_start3A_217 = tpu.memref_squeeze %dma_start3A_216 : memref<1x80xi32, #tpu.memory_space<vmem>> -> memref<80xi32, #tpu.memory_space<vmem>>
        %dma_start3A_218 = tpu.memref_slice %arg2[%add3A_213] : memref<322560xi32, #tpu.memory_space<hbm>> -> memref<80xi32, #tpu.memory_space<hbm>>
        %dma_start3A_219 = arith.constant 0 : i32
        %dma_start3A_220 = tpu.memref_slice %arg6[%dma_start3A_214, %dma_start3A_219] : memref<3x80xi32, #tpu.memory_space<vmem>> -> memref<1x80xi32, #tpu.memory_space<vmem>>
        %dma_start3A_221 = tpu.memref_squeeze %dma_start3A_220 : memref<1x80xi32, #tpu.memory_space<vmem>> -> memref<80xi32, #tpu.memory_space<vmem>>
        %dma_start3A_222 = tpu.memref_slice %arg2[%add3A_213] : memref<322560xi32, #tpu.memory_space<hbm>> -> memref<80xi32, #tpu.memory_space<hbm>>
        tpu.enqueue_dma source(%dma_start3A_222 : memref<80xi32, #tpu.memory_space<hbm>>) target(%dma_start3A_221 : memref<80xi32, #tpu.memory_space<vmem>>) target_semaphore(%arg12 : memref<!tpu.dma_semaphore, #tpu.memory_space<semaphore_mem>>)
        %dma_start3A_223 = arith.constant 0 : i32
        %dma_start3A_224 = arith.constant 0 : i32
        %dma_start3A_225 = tpu.memref_slice %arg7[%dma_start3A_223, %dma_start3A_224] : memref<3x80xf32, #tpu.memory_space<vmem>> -> memref<1x80xf32, #tpu.memory_space<vmem>>
        %dma_start3A_226 = tpu.memref_squeeze %dma_start3A_225 : memref<1x80xf32, #tpu.memory_space<vmem>> -> memref<80xf32, #tpu.memory_space<vmem>>
        %dma_start3A_227 = tpu.memref_slice %arg3[%add3A_213] : memref<322560xf32, #tpu.memory_space<hbm>> -> memref<80xf32, #tpu.memory_space<hbm>>
        %dma_start3A_228 = arith.constant 0 : i32
        %dma_start3A_229 = tpu.memref_slice %arg7[%dma_start3A_223, %dma_start3A_228] : memref<3x80xf32, #tpu.memory_space<vmem>> -> memref<1x80xf32, #tpu.memory_space<vmem>>
        %dma_start3A_230 = tpu.memref_squeeze %dma_start3A_229 : memref<1x80xf32, #tpu.memory_space<vmem>> -> memref<80xf32, #tpu.memory_space<vmem>>
        %dma_start3A_231 = tpu.memref_slice %arg3[%add3A_213] : memref<322560xf32, #tpu.memory_space<hbm>> -> memref<80xf32, #tpu.memory_space<hbm>>
        tpu.enqueue_dma source(%dma_start3A_231 : memref<80xf32, #tpu.memory_space<hbm>>) target(%dma_start3A_230 : memref<80xf32, #tpu.memory_space<vmem>>) target_semaphore(%arg12 : memref<!tpu.dma_semaphore, #tpu.memory_space<semaphore_mem>>)
      } else {
      }
      %dma_wait3A_129 = arith.constant 1 : i32
      %dma_wait3A_130 = arith.constant 0 : i32
      %dma_wait3A_131 = tpu.memref_slice %arg6[%dma_wait3A_129, %dma_wait3A_130] : memref<3x80xi32, #tpu.memory_space<vmem>> -> memref<1x80xi32, #tpu.memory_space<vmem>>
      %dma_wait3A_132 = tpu.memref_squeeze %dma_wait3A_131 : memref<1x80xi32, #tpu.memory_space<vmem>> -> memref<80xi32, #tpu.memory_space<vmem>>
      %dma_wait3A_133 = arith.constant 0 : i32
      %dma_wait3A_134 = tpu.memref_slice %arg2[%dma_wait3A_133] : memref<322560xi32, #tpu.memory_space<hbm>> -> memref<80xi32, #tpu.memory_space<hbm>>
      %dma_wait3A_135 = arith.constant 0 : i32
      %dma_wait3A_136 = tpu.memref_slice %arg6[%dma_wait3A_129, %dma_wait3A_135] : memref<3x80xi32, #tpu.memory_space<vmem>> -> memref<1x80xi32, #tpu.memory_space<vmem>>
      %dma_wait3A_137 = tpu.memref_squeeze %dma_wait3A_136 : memref<1x80xi32, #tpu.memory_space<vmem>> -> memref<80xi32, #tpu.memory_space<vmem>>
      %dma_wait3A_138 = arith.constant 0 : i32
      %dma_wait3A_139 = tpu.memref_slice %arg2[%dma_wait3A_138] : memref<322560xi32, #tpu.memory_space<hbm>> -> memref<80xi32, #tpu.memory_space<hbm>>
      tpu.wait_dma2 semaphore(%arg13 : memref<!tpu.dma_semaphore, #tpu.memory_space<semaphore_mem>>) src(%dma_wait3A_139 : memref<80xi32, #tpu.memory_space<hbm>>) dst(%dma_wait3A_137 : memref<80xi32, #tpu.memory_space<vmem>>)
      %dma_wait3A_140 = arith.constant 1 : i32
      %dma_wait3A_141 = arith.constant 0 : i32
      %dma_wait3A_142 = tpu.memref_slice %arg7[%dma_wait3A_140, %dma_wait3A_141] : memref<3x80xf32, #tpu.memory_space<vmem>> -> memref<1x80xf32, #tpu.memory_space<vmem>>
      %dma_wait3A_143 = tpu.memref_squeeze %dma_wait3A_142 : memref<1x80xf32, #tpu.memory_space<vmem>> -> memref<80xf32, #tpu.memory_space<vmem>>
      %dma_wait3A_144 = arith.constant 0 : i32
      %dma_wait3A_145 = tpu.memref_slice %arg3[%dma_wait3A_144] : memref<322560xf32, #tpu.memory_space<hbm>> -> memref<80xf32, #tpu.memory_space<hbm>>
      %dma_wait3A_146 = arith.constant 0 : i32
      %dma_wait3A_147 = tpu.memref_slice %arg7[%dma_wait3A_140, %dma_wait3A_146] : memref<3x80xf32, #tpu.memory_space<vmem>> -> memref<1x80xf32, #tpu.memory_space<vmem>>
      %dma_wait3A_148 = tpu.memref_squeeze %dma_wait3A_147 : memref<1x80xf32, #tpu.memory_space<vmem>> -> memref<80xf32, #tpu.memory_space<vmem>>
      %dma_wait3A_149 = arith.constant 0 : i32
      %dma_wait3A_150 = tpu.memref_slice %arg3[%dma_wait3A_149] : memref<322560xf32, #tpu.memory_space<hbm>> -> memref<80xf32, #tpu.memory_space<hbm>>
      tpu.wait_dma2 semaphore(%arg13 : memref<!tpu.dma_semaphore, #tpu.memory_space<semaphore_mem>>) src(%dma_wait3A_150 : memref<80xf32, #tpu.memory_space<hbm>>) dst(%dma_wait3A_148 : memref<80xf32, #tpu.memory_space<vmem>>)
      %dma_start3A_151 = arith.constant 1 : i32
      %dma_start3A_152 = arith.constant 1 : i32
      %dma_start3A_153 = arith.constant 0 : i32
      %dma_start3A_154 = tpu.memref_slice %arg7[%dma_start3A_151, %dma_start3A_153] : memref<3x80xf32, #tpu.memory_space<vmem>> -> memref<1x80xf32, #tpu.memory_space<vmem>>
      %dma_start3A_155 = tpu.memref_squeeze %dma_start3A_154 : memref<1x80xf32, #tpu.memory_space<vmem>> -> memref<80xf32, #tpu.memory_space<vmem>>
      %dma_start3A_156 = arith.constant 0 : i32
      %dma_start3A_157 = tpu.memref_slice %arg6[%dma_start3A_152, %dma_start3A_156] : memref<3x80xi32, #tpu.memory_space<vmem>> -> memref<1x80xi32, #tpu.memory_space<vmem>>
      %dma_start3A_158 = tpu.memref_squeeze %dma_start3A_157 : memref<1x80xi32, #tpu.memory_space<vmem>> -> memref<80xi32, #tpu.memory_space<vmem>>
      %dma_start3A_159 = arith.constant 0 : i32
      %dma_start3A_160 = tpu.memref_slice %arg8[%dma_start3A_159] : memref<10240xf32, #tpu.memory_space<vmem_shared>> -> memref<10240xf32, #tpu.memory_space<vmem_shared>>
      tpu.enqueue_indirect_dma source(%dma_start3A_155 : memref<80xf32, #tpu.memory_space<vmem>>) target(%dma_start3A_160 : memref<10240xf32, #tpu.memory_space<vmem_shared>>) offsets(%dma_start3A_158 : memref<80xi32, #tpu.memory_space<vmem>>) semaphore(%arg10 : memref<!tpu.dma_semaphore, #tpu.memory_space<semaphore_mem>>) {add = true}
      %mul3A_161 = arith.constant 3 : i32
      %mul3A_162 = arith.muli %add3A_68, %mul3A_161 : i32
      %add3A_163 = arith.constant 2 : i32
      %add3A_164 = arith.addi %mul3A_162, %add3A_163 : i32
      %ge3A_165 = arith.constant 1 : i32
      %ge3A_166 = arith.cmpi sge, %add3A_164, %ge3A_165 : i32
      %convert_element_type3A_167 = arith.extui %ge3A_166 : i1 to i32
      %cond3A_168 = arith.constant 0 : i32
      %cond3A_169 = arith.cmpi ne, %convert_element_type3A_167, %cond3A_168 : i32
      scf.if %cond3A_169 {
        %dma_wait3A_209 = arith.constant 1 : i32
        %dma_wait3A_210 = arith.constant 1 : i32
        %dma_wait3A_211 = arith.constant 0 : i32
        %dma_wait3A_212 = tpu.memref_slice %arg7[%dma_wait3A_209, %dma_wait3A_211] : memref<3x80xf32, #tpu.memory_space<vmem>> -> memref<1x80xf32, #tpu.memory_space<vmem>>
        %dma_wait3A_213 = tpu.memref_squeeze %dma_wait3A_212 : memref<1x80xf32, #tpu.memory_space<vmem>> -> memref<80xf32, #tpu.memory_space<vmem>>
        %dma_wait3A_214 = arith.constant 0 : i32
        %dma_wait3A_215 = tpu.memref_slice %arg6[%dma_wait3A_210, %dma_wait3A_214] : memref<3x80xi32, #tpu.memory_space<vmem>> -> memref<1x80xi32, #tpu.memory_space<vmem>>
        %dma_wait3A_216 = tpu.memref_squeeze %dma_wait3A_215 : memref<1x80xi32, #tpu.memory_space<vmem>> -> memref<80xi32, #tpu.memory_space<vmem>>
        %dma_wait3A_217 = arith.constant 0 : i32
        %dma_wait3A_218 = tpu.memref_slice %arg8[%dma_wait3A_217] : memref<10240xf32, #tpu.memory_space<vmem_shared>> -> memref<10240xf32, #tpu.memory_space<vmem_shared>>
        tpu.wait_indirect_dma semaphore(%arg10 : memref<!tpu.dma_semaphore, #tpu.memory_space<semaphore_mem>>) src(%dma_wait3A_213 : memref<80xf32, #tpu.memory_space<vmem>>) dst(%dma_wait3A_218 : memref<10240xf32, #tpu.memory_space<vmem_shared>>)
      } else {
      }
      %add3A_170 = arith.constant 2 : i32
      %add3A_171 = arith.addi %add3A_164, %add3A_170 : i32
      %lt3A_172 = arith.constant 126 : i32
      %lt3A_173 = arith.cmpi slt, %add3A_171, %lt3A_172 : i32
      %convert_element_type3A_174 = arith.extui %lt3A_173 : i1 to i32
      %cond3A_175 = arith.constant 0 : i32
      %cond3A_176 = arith.cmpi ne, %convert_element_type3A_174, %cond3A_175 : i32
      scf.if %cond3A_176 {
        %add3A_209 = arith.constant 2 : i32
        %add3A_210 = arith.addi %add3A_164, %add3A_209 : i32
        %mul3A_211 = arith.constant 80 : i32
        %mul3A_212 = arith.muli %add3A_210, %mul3A_211 : i32
        %add3A_213 = arith.addi %mul3A_6, %mul3A_212 : i32
        %dma_start3A_214 = arith.constant 1 : i32
        %dma_start3A_215 = arith.constant 0 : i32
        %dma_start3A_216 = tpu.memref_slice %arg6[%dma_start3A_214, %dma_start3A_215] : memref<3x80xi32, #tpu.memory_space<vmem>> -> memref<1x80xi32, #tpu.memory_space<vmem>>
        %dma_start3A_217 = tpu.memref_squeeze %dma_start3A_216 : memref<1x80xi32, #tpu.memory_space<vmem>> -> memref<80xi32, #tpu.memory_space<vmem>>
        %dma_start3A_218 = tpu.memref_slice %arg2[%add3A_213] : memref<322560xi32, #tpu.memory_space<hbm>> -> memref<80xi32, #tpu.memory_space<hbm>>
        %dma_start3A_219 = arith.constant 0 : i32
        %dma_start3A_220 = tpu.memref_slice %arg6[%dma_start3A_214, %dma_start3A_219] : memref<3x80xi32, #tpu.memory_space<vmem>> -> memref<1x80xi32, #tpu.memory_space<vmem>>
        %dma_start3A_221 = tpu.memref_squeeze %dma_start3A_220 : memref<1x80xi32, #tpu.memory_space<vmem>> -> memref<80xi32, #tpu.memory_space<vmem>>
        %dma_start3A_222 = tpu.memref_slice %arg2[%add3A_213] : memref<322560xi32, #tpu.memory_space<hbm>> -> memref<80xi32, #tpu.memory_space<hbm>>
        tpu.enqueue_dma source(%dma_start3A_222 : memref<80xi32, #tpu.memory_space<hbm>>) target(%dma_start3A_221 : memref<80xi32, #tpu.memory_space<vmem>>) target_semaphore(%arg13 : memref<!tpu.dma_semaphore, #tpu.memory_space<semaphore_mem>>)
        %dma_start3A_223 = arith.constant 1 : i32
        %dma_start3A_224 = arith.constant 0 : i32
        %dma_start3A_225 = tpu.memref_slice %arg7[%dma_start3A_223, %dma_start3A_224] : memref<3x80xf32, #tpu.memory_space<vmem>> -> memref<1x80xf32, #tpu.memory_space<vmem>>
        %dma_start3A_226 = tpu.memref_squeeze %dma_start3A_225 : memref<1x80xf32, #tpu.memory_space<vmem>> -> memref<80xf32, #tpu.memory_space<vmem>>
        %dma_start3A_227 = tpu.memref_slice %arg3[%add3A_213] : memref<322560xf32, #tpu.memory_space<hbm>> -> memref<80xf32, #tpu.memory_space<hbm>>
        %dma_start3A_228 = arith.constant 0 : i32
        %dma_start3A_229 = tpu.memref_slice %arg7[%dma_start3A_223, %dma_start3A_228] : memref<3x80xf32, #tpu.memory_space<vmem>> -> memref<1x80xf32, #tpu.memory_space<vmem>>
        %dma_start3A_230 = tpu.memref_squeeze %dma_start3A_229 : memref<1x80xf32, #tpu.memory_space<vmem>> -> memref<80xf32, #tpu.memory_space<vmem>>
        %dma_start3A_231 = tpu.memref_slice %arg3[%add3A_213] : memref<322560xf32, #tpu.memory_space<hbm>> -> memref<80xf32, #tpu.memory_space<hbm>>
        tpu.enqueue_dma source(%dma_start3A_231 : memref<80xf32, #tpu.memory_space<hbm>>) target(%dma_start3A_230 : memref<80xf32, #tpu.memory_space<vmem>>) target_semaphore(%arg13 : memref<!tpu.dma_semaphore, #tpu.memory_space<semaphore_mem>>)
      } else {
      }
      %dma_wait3A_177 = arith.constant 2 : i32
      %dma_wait3A_178 = arith.constant 0 : i32
      %dma_wait3A_179 = tpu.memref_slice %arg6[%dma_wait3A_177, %dma_wait3A_178] : memref<3x80xi32, #tpu.memory_space<vmem>> -> memref<1x80xi32, #tpu.memory_space<vmem>>
      %dma_wait3A_180 = tpu.memref_squeeze %dma_wait3A_179 : memref<1x80xi32, #tpu.memory_space<vmem>> -> memref<80xi32, #tpu.memory_space<vmem>>
      %dma_wait3A_181 = arith.constant 0 : i32
      %dma_wait3A_182 = tpu.memref_slice %arg2[%dma_wait3A_181] : memref<322560xi32, #tpu.memory_space<hbm>> -> memref<80xi32, #tpu.memory_space<hbm>>
      %dma_wait3A_183 = arith.constant 0 : i32
      %dma_wait3A_184 = tpu.memref_slice %arg6[%dma_wait3A_177, %dma_wait3A_183] : memref<3x80xi32, #tpu.memory_space<vmem>> -> memref<1x80xi32, #tpu.memory_space<vmem>>
      %dma_wait3A_185 = tpu.memref_squeeze %dma_wait3A_184 : memref<1x80xi32, #tpu.memory_space<vmem>> -> memref<80xi32, #tpu.memory_space<vmem>>
      %dma_wait3A_186 = arith.constant 0 : i32
      %dma_wait3A_187 = tpu.memref_slice %arg2[%dma_wait3A_186] : memref<322560xi32, #tpu.memory_space<hbm>> -> memref<80xi32, #tpu.memory_space<hbm>>
      tpu.wait_dma2 semaphore(%arg14 : memref<!tpu.dma_semaphore, #tpu.memory_space<semaphore_mem>>) src(%dma_wait3A_187 : memref<80xi32, #tpu.memory_space<hbm>>) dst(%dma_wait3A_185 : memref<80xi32, #tpu.memory_space<vmem>>)
      %dma_wait3A_188 = arith.constant 2 : i32
      %dma_wait3A_189 = arith.constant 0 : i32
      %dma_wait3A_190 = tpu.memref_slice %arg7[%dma_wait3A_188, %dma_wait3A_189] : memref<3x80xf32, #tpu.memory_space<vmem>> -> memref<1x80xf32, #tpu.memory_space<vmem>>
      %dma_wait3A_191 = tpu.memref_squeeze %dma_wait3A_190 : memref<1x80xf32, #tpu.memory_space<vmem>> -> memref<80xf32, #tpu.memory_space<vmem>>
      %dma_wait3A_192 = arith.constant 0 : i32
      %dma_wait3A_193 = tpu.memref_slice %arg3[%dma_wait3A_192] : memref<322560xf32, #tpu.memory_space<hbm>> -> memref<80xf32, #tpu.memory_space<hbm>>
      %dma_wait3A_194 = arith.constant 0 : i32
      %dma_wait3A_195 = tpu.memref_slice %arg7[%dma_wait3A_188, %dma_wait3A_194] : memref<3x80xf32, #tpu.memory_space<vmem>> -> memref<1x80xf32, #tpu.memory_space<vmem>>
      %dma_wait3A_196 = tpu.memref_squeeze %dma_wait3A_195 : memref<1x80xf32, #tpu.memory_space<vmem>> -> memref<80xf32, #tpu.memory_space<vmem>>
      %dma_wait3A_197 = arith.constant 0 : i32
      %dma_wait3A_198 = tpu.memref_slice %arg3[%dma_wait3A_197] : memref<322560xf32, #tpu.memory_space<hbm>> -> memref<80xf32, #tpu.memory_space<hbm>>
      tpu.wait_dma2 semaphore(%arg14 : memref<!tpu.dma_semaphore, #tpu.memory_space<semaphore_mem>>) src(%dma_wait3A_198 : memref<80xf32, #tpu.memory_space<hbm>>) dst(%dma_wait3A_196 : memref<80xf32, #tpu.memory_space<vmem>>)
      %dma_start3A_199 = arith.constant 2 : i32
      %dma_start3A_200 = arith.constant 2 : i32
      %dma_start3A_201 = arith.constant 0 : i32
      %dma_start3A_202 = tpu.memref_slice %arg7[%dma_start3A_199, %dma_start3A_201] : memref<3x80xf32, #tpu.memory_space<vmem>> -> memref<1x80xf32, #tpu.memory_space<vmem>>
      %dma_start3A_203 = tpu.memref_squeeze %dma_start3A_202 : memref<1x80xf32, #tpu.memory_space<vmem>> -> memref<80xf32, #tpu.memory_space<vmem>>
      %dma_start3A_204 = arith.constant 0 : i32
      %dma_start3A_205 = tpu.memref_slice %arg6[%dma_start3A_200, %dma_start3A_204] : memref<3x80xi32, #tpu.memory_space<vmem>> -> memref<1x80xi32, #tpu.memory_space<vmem>>
      %dma_start3A_206 = tpu.memref_squeeze %dma_start3A_205 : memref<1x80xi32, #tpu.memory_space<vmem>> -> memref<80xi32, #tpu.memory_space<vmem>>
      %dma_start3A_207 = arith.constant 0 : i32
      %dma_start3A_208 = tpu.memref_slice %arg8[%dma_start3A_207] : memref<10240xf32, #tpu.memory_space<vmem_shared>> -> memref<10240xf32, #tpu.memory_space<vmem_shared>>
      tpu.enqueue_indirect_dma source(%dma_start3A_203 : memref<80xf32, #tpu.memory_space<vmem>>) target(%dma_start3A_208 : memref<10240xf32, #tpu.memory_space<vmem_shared>>) offsets(%dma_start3A_206 : memref<80xi32, #tpu.memory_space<vmem>>) semaphore(%arg11 : memref<!tpu.dma_semaphore, #tpu.memory_space<semaphore_mem>>) {add = true}
    }
    %scan3A_49 = arith.constant 42 : i32
    %dma_wait3A = arith.constant 2 : i32
    %dma_wait3A_50 = arith.constant 2 : i32
    %dma_wait3A_51 = arith.constant 0 : i32
    %dma_wait3A_52 = tpu.memref_slice %arg7[%dma_wait3A, %dma_wait3A_51] : memref<3x80xf32, #tpu.memory_space<vmem>> -> memref<1x80xf32, #tpu.memory_space<vmem>>
    %dma_wait3A_53 = tpu.memref_squeeze %dma_wait3A_52 : memref<1x80xf32, #tpu.memory_space<vmem>> -> memref<80xf32, #tpu.memory_space<vmem>>
    %dma_wait3A_54 = arith.constant 0 : i32
    %dma_wait3A_55 = tpu.memref_slice %arg6[%dma_wait3A_50, %dma_wait3A_54] : memref<3x80xi32, #tpu.memory_space<vmem>> -> memref<1x80xi32, #tpu.memory_space<vmem>>
    %dma_wait3A_56 = tpu.memref_squeeze %dma_wait3A_55 : memref<1x80xi32, #tpu.memory_space<vmem>> -> memref<80xi32, #tpu.memory_space<vmem>>
    %dma_wait3A_57 = arith.constant 0 : i32
    %dma_wait3A_58 = tpu.memref_slice %arg8[%dma_wait3A_57] : memref<10240xf32, #tpu.memory_space<vmem_shared>> -> memref<10240xf32, #tpu.memory_space<vmem_shared>>
    tpu.wait_indirect_dma semaphore(%arg11 : memref<!tpu.dma_semaphore, #tpu.memory_space<semaphore_mem>>) src(%dma_wait3A_53 : memref<80xf32, #tpu.memory_space<vmem>>) dst(%dma_wait3A_58 : memref<10240xf32, #tpu.memory_space<vmem_shared>>)
    %barrier3A_59 = arith.constant 0 : index
    tpu.barrier barrier_id(%barrier3A_59)
    %mul3A_60 = arith.constant 640 : i32
    %mul3A_61 = arith.muli %arg1, %mul3A_60 : i32
    %mul3A_62 = arith.constant 640 : i32
    %mul3A_63 = arith.muli %arg1, %mul3A_62 : i32
    "tpu.region"() ({
      %run_scoped3A = tpu.sem_alloc : memref<!tpu.dma_semaphore, #tpu.memory_space<semaphore_mem>>
      %dma_start3A_64 = tpu.memref_slice %arg5[%arg0, %mul3A_63] : memref<2x10240xf32, #tpu.memory_space<hbm>> -> memref<1x640xf32, #tpu.memory_space<hbm>>
      %dma_start3A_65 = tpu.memref_squeeze %dma_start3A_64 : memref<1x640xf32, #tpu.memory_space<hbm>> -> memref<640xf32, #tpu.memory_space<hbm>>
      %dma_start3A_66 = tpu.memref_slice %arg8[%mul3A_61] : memref<10240xf32, #tpu.memory_space<vmem_shared>> -> memref<640xf32, #tpu.memory_space<vmem_shared>>
      tpu.enqueue_dma source(%dma_start3A_66 : memref<640xf32, #tpu.memory_space<vmem_shared>>) target(%dma_start3A_65 : memref<640xf32, #tpu.memory_space<hbm>>) target_semaphore(%run_scoped3A : memref<!tpu.dma_semaphore, #tpu.memory_space<semaphore_mem>>)
      %dma_wait3A_67 = tpu.memref_slice %arg5[%arg0, %mul3A_63] : memref<2x10240xf32, #tpu.memory_space<hbm>> -> memref<1x640xf32, #tpu.memory_space<hbm>>
      %dma_wait3A_68 = tpu.memref_squeeze %dma_wait3A_67 : memref<1x640xf32, #tpu.memory_space<hbm>> -> memref<640xf32, #tpu.memory_space<hbm>>
      %dma_wait3A_69 = tpu.memref_slice %arg8[%mul3A_61] : memref<10240xf32, #tpu.memory_space<vmem_shared>> -> memref<640xf32, #tpu.memory_space<vmem_shared>>
      tpu.wait_dma2 semaphore(%run_scoped3A : memref<!tpu.dma_semaphore, #tpu.memory_space<semaphore_mem>>) src(%dma_wait3A_69 : memref<640xf32, #tpu.memory_space<vmem_shared>>) dst(%dma_wait3A_68 : memref<640xf32, #tpu.memory_space<hbm>>)
      tpu.yield
    }) : () -> ()
    return
  }
}

#map = affine_map<(d0, d1) -> (0, 0)>
#map1 = affine_map<(d0, d1) -> (0)>
#map2 = affine_map<(d0, d1) -> (0, 0, 0)>
module attributes {stable_mosaic.version = 14 : i64} {
  func.func @_agg_kernel(%arg0: i32, %arg1: i32, %arg2: memref<10240x64xi32, #tpu.memory_space<hbm>>, %arg3: memref<322560xi32, #tpu.memory_space<hbm>>, %arg4: memref<322560xi32, #tpu.memory_space<hbm>>, %arg5: memref<322560xf32, #tpu.memory_space<hbm>>, %arg6: memref<10240x128xf32, #tpu.memory_space<hbm>>, %arg7: memref<2x10240x128xf32, #tpu.memory_space<hbm>>, %arg8: memref<10080xi32, #tpu.memory_space<vmem>>, %arg9: memref<6x80xi32, #tpu.memory_space<vmem>>, %arg10: memref<6x80xf32, #tpu.memory_space<vmem>>, %arg11: memref<3x80x64xi32, #tpu.memory_space<vmem>>, %arg12: memref<2x80x128xf32, #tpu.memory_space<vmem>>, %arg13: memref<10240x128xf32, #tpu.memory_space<vmem_shared>>, %arg14: memref<!tpu.dma_semaphore, #tpu.memory_space<semaphore_mem>>, %arg15: memref<!tpu.dma_semaphore, #tpu.memory_space<semaphore_mem>>, %arg16: memref<!tpu.dma_semaphore, #tpu.memory_space<semaphore_mem>>, %arg17: memref<!tpu.dma_semaphore, #tpu.memory_space<semaphore_mem>>, %arg18: memref<!tpu.dma_semaphore, #tpu.memory_space<semaphore_mem>>, %arg19: memref<!tpu.dma_semaphore, #tpu.memory_space<semaphore_mem>>, %arg20: memref<!tpu.dma_semaphore, #tpu.memory_space<semaphore_mem>>, %arg21: memref<!tpu.dma_semaphore, #tpu.memory_space<semaphore_mem>>, %arg22: memref<!tpu.dma_semaphore, #tpu.memory_space<semaphore_mem>>, %arg23: memref<!tpu.dma_semaphore, #tpu.memory_space<semaphore_mem>>, %arg24: memref<!tpu.dma_semaphore, #tpu.memory_space<semaphore_mem>>) attributes {dimension_semantics = [#tpu.dimension_semantics<core_parallel>, #tpu.dimension_semantics<subcore_parallel>], iteration_bounds = array<i64: 2, 16>, scalar_prefetch = 0 : i64, scratch_operands = 17 : i64, tpu.core_type = #tpu.core_type<sc_vector_subcore>, window_params = [{transform_indices = #map}, {transform_indices = #map1}, {transform_indices = #map1}, {transform_indices = #map1}, {transform_indices = #map}, {transform_indices = #map2}]} {
    %mul3A = arith.constant 640 : i32
    %mul3A_0 = arith.muli %arg1, %mul3A : i32
    %mul3A_1 = arith.constant 640 : i32
    %mul3A_2 = arith.muli %arg1, %mul3A_1 : i32
    "tpu.region"() ({
      %run_scoped3A = tpu.sem_alloc : memref<!tpu.dma_semaphore, #tpu.memory_space<semaphore_mem>>
      %dma_start3A_162 = arith.constant 0 : i32
      %dma_start3A_163 = tpu.memref_slice %arg13[%mul3A_2, %dma_start3A_162] : memref<10240x128xf32, #tpu.memory_space<vmem_shared>> -> memref<640x128xf32, #tpu.memory_space<vmem_shared>>
      %dma_start3A_164 = arith.constant 0 : i32
      %dma_start3A_165 = tpu.memref_slice %arg6[%mul3A_0, %dma_start3A_164] : memref<10240x128xf32, #tpu.memory_space<hbm>> -> memref<640x128xf32, #tpu.memory_space<hbm>>
      tpu.enqueue_dma source(%dma_start3A_165 : memref<640x128xf32, #tpu.memory_space<hbm>>) target(%dma_start3A_163 : memref<640x128xf32, #tpu.memory_space<vmem_shared>>) target_semaphore(%run_scoped3A : memref<!tpu.dma_semaphore, #tpu.memory_space<semaphore_mem>>)
      %dma_wait3A_166 = arith.constant 0 : i32
      %dma_wait3A_167 = tpu.memref_slice %arg13[%mul3A_2, %dma_wait3A_166] : memref<10240x128xf32, #tpu.memory_space<vmem_shared>> -> memref<640x128xf32, #tpu.memory_space<vmem_shared>>
      %dma_wait3A_168 = arith.constant 0 : i32
      %dma_wait3A_169 = tpu.memref_slice %arg6[%mul3A_0, %dma_wait3A_168] : memref<10240x128xf32, #tpu.memory_space<hbm>> -> memref<640x128xf32, #tpu.memory_space<hbm>>
      tpu.wait_dma2 semaphore(%run_scoped3A : memref<!tpu.dma_semaphore, #tpu.memory_space<semaphore_mem>>) src(%dma_wait3A_169 : memref<640x128xf32, #tpu.memory_space<hbm>>) dst(%dma_wait3A_167 : memref<640x128xf32, #tpu.memory_space<vmem_shared>>)
      tpu.yield
    }) : () -> ()
    %mul3A_3 = arith.constant 16 : i32
    %mul3A_4 = arith.muli %arg0, %mul3A_3 : i32
    %add3A = arith.addi %mul3A_4, %arg1 : i32
    %mul3A_5 = arith.constant 10080 : i32
    %mul3A_6 = arith.muli %add3A, %mul3A_5 : i32
    %dma_start3A = tpu.memref_slice %arg3[%mul3A_6] : memref<322560xi32, #tpu.memory_space<hbm>> -> memref<10080xi32, #tpu.memory_space<hbm>>
    %dma_start3A_7 = tpu.memref_slice %arg3[%mul3A_6] : memref<322560xi32, #tpu.memory_space<hbm>> -> memref<10080xi32, #tpu.memory_space<hbm>>
    tpu.enqueue_dma source(%dma_start3A_7 : memref<10080xi32, #tpu.memory_space<hbm>>) target(%arg8 : memref<10080xi32, #tpu.memory_space<vmem>>) target_semaphore(%arg14 : memref<!tpu.dma_semaphore, #tpu.memory_space<semaphore_mem>>)
    %dma_wait3A = tpu.memref_slice %arg3[%mul3A_6] : memref<322560xi32, #tpu.memory_space<hbm>> -> memref<10080xi32, #tpu.memory_space<hbm>>
    %dma_wait3A_8 = tpu.memref_slice %arg3[%mul3A_6] : memref<322560xi32, #tpu.memory_space<hbm>> -> memref<10080xi32, #tpu.memory_space<hbm>>
    tpu.wait_dma2 semaphore(%arg14 : memref<!tpu.dma_semaphore, #tpu.memory_space<semaphore_mem>>) src(%dma_wait3A_8 : memref<10080xi32, #tpu.memory_space<hbm>>) dst(%arg8 : memref<10080xi32, #tpu.memory_space<vmem>>)
    %barrier3A = arith.constant 0 : index
    tpu.barrier barrier_id(%barrier3A)
    %iota3A = tpu.iota {dimensions = array<i32: 0>} : vector<16xi32>
    %mul3A_9 = arith.constant 2 : i32
    %mul3A_10 = vector.broadcast %mul3A_9 : i32 to vector<16xi32>
    %mul3A_11 = arith.muli %mul3A_10, %iota3A : vector<16xi32>
    %add3A_12 = arith.constant 0 : i32
    %add3A_13 = vector.broadcast %add3A_12 : i32 to vector<16xi32>
    %add3A_14 = arith.addi %add3A_13, %mul3A_11 : vector<16xi32>
    %mul3A_15 = arith.constant 2 : i32
    %mul3A_16 = vector.broadcast %mul3A_15 : i32 to vector<16xi32>
    %mul3A_17 = arith.muli %mul3A_16, %iota3A : vector<16xi32>
    %add3A_18 = arith.constant 32 : i32
    %add3A_19 = vector.broadcast %add3A_18 : i32 to vector<16xi32>
    %add3A_20 = arith.addi %add3A_19, %mul3A_17 : vector<16xi32>
    %mul3A_21 = arith.constant 2 : i32
    %mul3A_22 = vector.broadcast %mul3A_21 : i32 to vector<16xi32>
    %mul3A_23 = arith.muli %mul3A_22, %iota3A : vector<16xi32>
    %add3A_24 = arith.constant 64 : i32
    %add3A_25 = vector.broadcast %add3A_24 : i32 to vector<16xi32>
    %add3A_26 = arith.addi %add3A_25, %mul3A_23 : vector<16xi32>
    %mul3A_27 = arith.constant 2 : i32
    %mul3A_28 = vector.broadcast %mul3A_27 : i32 to vector<16xi32>
    %mul3A_29 = arith.muli %mul3A_28, %iota3A : vector<16xi32>
    %add3A_30 = arith.constant 96 : i32
    %add3A_31 = vector.broadcast %add3A_30 : i32 to vector<16xi32>
    %add3A_32 = arith.addi %add3A_31, %mul3A_29 : vector<16xi32>
    %mul3A_33 = arith.constant 2 : i32
    %mul3A_34 = vector.broadcast %mul3A_33 : i32 to vector<16xi32>
    %mul3A_35 = arith.muli %mul3A_34, %iota3A : vector<16xi32>
    %add3A_36 = arith.constant 0 : i32
    %add3A_37 = vector.broadcast %add3A_36 : i32 to vector<16xi32>
    %add3A_38 = arith.addi %add3A_37, %mul3A_35 : vector<16xi32>
    %add3A_39 = arith.constant 1 : i32
    %add3A_40 = vector.broadcast %add3A_39 : i32 to vector<16xi32>
    %add3A_41 = arith.addi %add3A_38, %add3A_40 : vector<16xi32>
    %mul3A_42 = arith.constant 2 : i32
    %mul3A_43 = vector.broadcast %mul3A_42 : i32 to vector<16xi32>
    %mul3A_44 = arith.muli %mul3A_43, %iota3A : vector<16xi32>
    %add3A_45 = arith.constant 32 : i32
    %add3A_46 = vector.broadcast %add3A_45 : i32 to vector<16xi32>
    %add3A_47 = arith.addi %add3A_46, %mul3A_44 : vector<16xi32>
    %add3A_48 = arith.constant 1 : i32
    %add3A_49 = vector.broadcast %add3A_48 : i32 to vector<16xi32>
    %add3A_50 = arith.addi %add3A_47, %add3A_49 : vector<16xi32>
    %mul3A_51 = arith.constant 2 : i32
    %mul3A_52 = vector.broadcast %mul3A_51 : i32 to vector<16xi32>
    %mul3A_53 = arith.muli %mul3A_52, %iota3A : vector<16xi32>
    %add3A_54 = arith.constant 64 : i32
    %add3A_55 = vector.broadcast %add3A_54 : i32 to vector<16xi32>
    %add3A_56 = arith.addi %add3A_55, %mul3A_53 : vector<16xi32>
    %add3A_57 = arith.constant 1 : i32
    %add3A_58 = vector.broadcast %add3A_57 : i32 to vector<16xi32>
    %add3A_59 = arith.addi %add3A_56, %add3A_58 : vector<16xi32>
    %mul3A_60 = arith.constant 2 : i32
    %mul3A_61 = vector.broadcast %mul3A_60 : i32 to vector<16xi32>
    %mul3A_62 = arith.muli %mul3A_61, %iota3A : vector<16xi32>
    %add3A_63 = arith.constant 96 : i32
    %add3A_64 = vector.broadcast %add3A_63 : i32 to vector<16xi32>
    %add3A_65 = arith.addi %add3A_64, %mul3A_62 : vector<16xi32>
    %add3A_66 = arith.constant 1 : i32
    %add3A_67 = vector.broadcast %add3A_66 : i32 to vector<16xi32>
    %add3A_68 = arith.addi %add3A_65, %add3A_67 : vector<16xi32>
    %dma_start3A_69 = arith.constant 0 : i32
    %dma_start3A_70 = arith.constant 0 : i32
    %dma_start3A_71 = arith.constant 0 : i32
    %dma_start3A_72 = tpu.memref_slice %arg11[%dma_start3A_69, %dma_start3A_70, %dma_start3A_71] : memref<3x80x64xi32, #tpu.memory_space<vmem>> -> memref<1x80x64xi32, #tpu.memory_space<vmem>>
    %dma_start3A_73 = tpu.memref_squeeze %dma_start3A_72 : memref<1x80x64xi32, #tpu.memory_space<vmem>> -> memref<80x64xi32, #tpu.memory_space<vmem>>
    %dma_start3A_74 = arith.constant 0 : i32
    %dma_start3A_75 = tpu.memref_slice %arg8[%dma_start3A_74] : memref<10080xi32, #tpu.memory_space<vmem>> -> memref<80xi32, #tpu.memory_space<vmem>>
    %dma_start3A_76 = arith.constant 0 : i32
    %dma_start3A_77 = arith.constant 0 : i32
    %dma_start3A_78 = tpu.memref_slice %arg2[%dma_start3A_76, %dma_start3A_77] : memref<10240x64xi32, #tpu.memory_space<hbm>> -> memref<10240x64xi32, #tpu.memory_space<hbm>>
    tpu.enqueue_indirect_dma source(%dma_start3A_78 : memref<10240x64xi32, #tpu.memory_space<hbm>>) target(%dma_start3A_73 : memref<80x64xi32, #tpu.memory_space<vmem>>) offsets(%dma_start3A_75 : memref<80xi32, #tpu.memory_space<vmem>>) semaphore(%arg14 : memref<!tpu.dma_semaphore, #tpu.memory_space<semaphore_mem>>)
    %add3A_79 = arith.constant 0 : i32
    %add3A_80 = arith.addi %mul3A_6, %add3A_79 : i32
    %dma_start3A_81 = arith.constant 0 : i32
    %dma_start3A_82 = arith.constant 0 : i32
    %dma_start3A_83 = tpu.memref_slice %arg9[%dma_start3A_81, %dma_start3A_82] : memref<6x80xi32, #tpu.memory_space<vmem>> -> memref<1x80xi32, #tpu.memory_space<vmem>>
    %dma_start3A_84 = tpu.memref_squeeze %dma_start3A_83 : memref<1x80xi32, #tpu.memory_space<vmem>> -> memref<80xi32, #tpu.memory_space<vmem>>
    %dma_start3A_85 = tpu.memref_slice %arg4[%add3A_80] : memref<322560xi32, #tpu.memory_space<hbm>> -> memref<80xi32, #tpu.memory_space<hbm>>
    %dma_start3A_86 = arith.constant 0 : i32
    %dma_start3A_87 = tpu.memref_slice %arg9[%dma_start3A_81, %dma_start3A_86] : memref<6x80xi32, #tpu.memory_space<vmem>> -> memref<1x80xi32, #tpu.memory_space<vmem>>
    %dma_start3A_88 = tpu.memref_squeeze %dma_start3A_87 : memref<1x80xi32, #tpu.memory_space<vmem>> -> memref<80xi32, #tpu.memory_space<vmem>>
    %dma_start3A_89 = tpu.memref_slice %arg4[%add3A_80] : memref<322560xi32, #tpu.memory_space<hbm>> -> memref<80xi32, #tpu.memory_space<hbm>>
    tpu.enqueue_dma source(%dma_start3A_89 : memref<80xi32, #tpu.memory_space<hbm>>) target(%dma_start3A_88 : memref<80xi32, #tpu.memory_space<vmem>>) target_semaphore(%arg19 : memref<!tpu.dma_semaphore, #tpu.memory_space<semaphore_mem>>)
    %dma_start3A_90 = arith.constant 0 : i32
    %dma_start3A_91 = arith.constant 0 : i32
    %dma_start3A_92 = tpu.memref_slice %arg10[%dma_start3A_90, %dma_start3A_91] : memref<6x80xf32, #tpu.memory_space<vmem>> -> memref<1x80xf32, #tpu.memory_space<vmem>>
    %dma_start3A_93 = tpu.memref_squeeze %dma_start3A_92 : memref<1x80xf32, #tpu.memory_space<vmem>> -> memref<80xf32, #tpu.memory_space<vmem>>
    %dma_start3A_94 = tpu.memref_slice %arg5[%add3A_80] : memref<322560xf32, #tpu.memory_space<hbm>> -> memref<80xf32, #tpu.memory_space<hbm>>
    %dma_start3A_95 = arith.constant 0 : i32
    %dma_start3A_96 = tpu.memref_slice %arg10[%dma_start3A_90, %dma_start3A_95] : memref<6x80xf32, #tpu.memory_space<vmem>> -> memref<1x80xf32, #tpu.memory_space<vmem>>
    %dma_start3A_97 = tpu.memref_squeeze %dma_start3A_96 : memref<1x80xf32, #tpu.memory_space<vmem>> -> memref<80xf32, #tpu.memory_space<vmem>>
    %dma_start3A_98 = tpu.memref_slice %arg5[%add3A_80] : memref<322560xf32, #tpu.memory_space<hbm>> -> memref<80xf32, #tpu.memory_space<hbm>>
    tpu.enqueue_dma source(%dma_start3A_98 : memref<80xf32, #tpu.memory_space<hbm>>) target(%dma_start3A_97 : memref<80xf32, #tpu.memory_space<vmem>>) target_semaphore(%arg19 : memref<!tpu.dma_semaphore, #tpu.memory_space<semaphore_mem>>)
    %dma_start3A_99 = arith.constant 1 : i32
    %dma_start3A_100 = arith.constant 0 : i32
    %dma_start3A_101 = arith.constant 0 : i32
    %dma_start3A_102 = tpu.memref_slice %arg11[%dma_start3A_99, %dma_start3A_100, %dma_start3A_101] : memref<3x80x64xi32, #tpu.memory_space<vmem>> -> memref<1x80x64xi32, #tpu.memory_space<vmem>>
    %dma_start3A_103 = tpu.memref_squeeze %dma_start3A_102 : memref<1x80x64xi32, #tpu.memory_space<vmem>> -> memref<80x64xi32, #tpu.memory_space<vmem>>
    %dma_start3A_104 = arith.constant 80 : i32
    %dma_start3A_105 = tpu.memref_slice %arg8[%dma_start3A_104] : memref<10080xi32, #tpu.memory_space<vmem>> -> memref<80xi32, #tpu.memory_space<vmem>>
    %dma_start3A_106 = arith.constant 0 : i32
    %dma_start3A_107 = arith.constant 0 : i32
    %dma_start3A_108 = tpu.memref_slice %arg2[%dma_start3A_106, %dma_start3A_107] : memref<10240x64xi32, #tpu.memory_space<hbm>> -> memref<10240x64xi32, #tpu.memory_space<hbm>>
    tpu.enqueue_indirect_dma source(%dma_start3A_108 : memref<10240x64xi32, #tpu.memory_space<hbm>>) target(%dma_start3A_103 : memref<80x64xi32, #tpu.memory_space<vmem>>) offsets(%dma_start3A_105 : memref<80xi32, #tpu.memory_space<vmem>>) semaphore(%arg15 : memref<!tpu.dma_semaphore, #tpu.memory_space<semaphore_mem>>)
    %add3A_109 = arith.constant 80 : i32
    %add3A_110 = arith.addi %mul3A_6, %add3A_109 : i32
    %dma_start3A_111 = arith.constant 1 : i32
    %dma_start3A_112 = arith.constant 0 : i32
    %dma_start3A_113 = tpu.memref_slice %arg9[%dma_start3A_111, %dma_start3A_112] : memref<6x80xi32, #tpu.memory_space<vmem>> -> memref<1x80xi32, #tpu.memory_space<vmem>>
    %dma_start3A_114 = tpu.memref_squeeze %dma_start3A_113 : memref<1x80xi32, #tpu.memory_space<vmem>> -> memref<80xi32, #tpu.memory_space<vmem>>
    %dma_start3A_115 = tpu.memref_slice %arg4[%add3A_110] : memref<322560xi32, #tpu.memory_space<hbm>> -> memref<80xi32, #tpu.memory_space<hbm>>
    %dma_start3A_116 = arith.constant 0 : i32
    %dma_start3A_117 = tpu.memref_slice %arg9[%dma_start3A_111, %dma_start3A_116] : memref<6x80xi32, #tpu.memory_space<vmem>> -> memref<1x80xi32, #tpu.memory_space<vmem>>
    %dma_start3A_118 = tpu.memref_squeeze %dma_start3A_117 : memref<1x80xi32, #tpu.memory_space<vmem>> -> memref<80xi32, #tpu.memory_space<vmem>>
    %dma_start3A_119 = tpu.memref_slice %arg4[%add3A_110] : memref<322560xi32, #tpu.memory_space<hbm>> -> memref<80xi32, #tpu.memory_space<hbm>>
    tpu.enqueue_dma source(%dma_start3A_119 : memref<80xi32, #tpu.memory_space<hbm>>) target(%dma_start3A_118 : memref<80xi32, #tpu.memory_space<vmem>>) target_semaphore(%arg20 : memref<!tpu.dma_semaphore, #tpu.memory_space<semaphore_mem>>)
    %dma_start3A_120 = arith.constant 1 : i32
    %dma_start3A_121 = arith.constant 0 : i32
    %dma_start3A_122 = tpu.memref_slice %arg10[%dma_start3A_120, %dma_start3A_121] : memref<6x80xf32, #tpu.memory_space<vmem>> -> memref<1x80xf32, #tpu.memory_space<vmem>>
    %dma_start3A_123 = tpu.memref_squeeze %dma_start3A_122 : memref<1x80xf32, #tpu.memory_space<vmem>> -> memref<80xf32, #tpu.memory_space<vmem>>
    %dma_start3A_124 = tpu.memref_slice %arg5[%add3A_110] : memref<322560xf32, #tpu.memory_space<hbm>> -> memref<80xf32, #tpu.memory_space<hbm>>
    %dma_start3A_125 = arith.constant 0 : i32
    %dma_start3A_126 = tpu.memref_slice %arg10[%dma_start3A_120, %dma_start3A_125] : memref<6x80xf32, #tpu.memory_space<vmem>> -> memref<1x80xf32, #tpu.memory_space<vmem>>
    %dma_start3A_127 = tpu.memref_squeeze %dma_start3A_126 : memref<1x80xf32, #tpu.memory_space<vmem>> -> memref<80xf32, #tpu.memory_space<vmem>>
    %dma_start3A_128 = tpu.memref_slice %arg5[%add3A_110] : memref<322560xf32, #tpu.memory_space<hbm>> -> memref<80xf32, #tpu.memory_space<hbm>>
    tpu.enqueue_dma source(%dma_start3A_128 : memref<80xf32, #tpu.memory_space<hbm>>) target(%dma_start3A_127 : memref<80xf32, #tpu.memory_space<vmem>>) target_semaphore(%arg20 : memref<!tpu.dma_semaphore, #tpu.memory_space<semaphore_mem>>)
    %scan3A = arith.constant 0 : i32
    %scan3A_129 = arith.constant 21 : i32
    %scan3A_130 = arith.addi %scan3A, %scan3A_129 : i32
    %scan3A_131 = arith.constant 1 : i32
    scf.for %scan3A_162 = %scan3A to %scan3A_130 step %scan3A_131  : i32 {
      %mul3A_163 = arith.constant 1 : i32
      %mul3A_164 = arith.muli %scan3A_162, %mul3A_163 : i32
      %add3A_165 = arith.constant 0 : i32
      %add3A_166 = arith.addi %add3A_165, %mul3A_164 : i32
      %mul3A_167 = arith.constant 6 : i32
      %mul3A_168 = arith.muli %add3A_166, %mul3A_167 : i32
      %add3A_169 = arith.constant 0 : i32
      %add3A_170 = arith.addi %mul3A_168, %add3A_169 : i32
      %ge3A = arith.constant 2 : i32
      %ge3A_171 = arith.cmpi sge, %add3A_170, %ge3A : i32
      %convert_element_type3A = arith.extui %ge3A_171 : i1 to i32
      %cond3A = arith.constant 0 : i32
      %cond3A_172 = arith.cmpi ne, %convert_element_type3A, %cond3A : i32
      scf.if %cond3A_172 {
        %dma_wait3A_559 = arith.constant 0 : i32
        %dma_wait3A_560 = arith.constant 0 : i32
        %dma_wait3A_561 = arith.constant 0 : i32
        %dma_wait3A_562 = arith.constant 0 : i32
        %dma_wait3A_563 = tpu.memref_slice %arg12[%dma_wait3A_559, %dma_wait3A_561, %dma_wait3A_562] : memref<2x80x128xf32, #tpu.memory_space<vmem>> -> memref<1x80x128xf32, #tpu.memory_space<vmem>>
        %dma_wait3A_564 = tpu.memref_squeeze %dma_wait3A_563 : memref<1x80x128xf32, #tpu.memory_space<vmem>> -> memref<80x128xf32, #tpu.memory_space<vmem>>
        %dma_wait3A_565 = arith.constant 0 : i32
        %dma_wait3A_566 = tpu.memref_slice %arg9[%dma_wait3A_560, %dma_wait3A_565] : memref<6x80xi32, #tpu.memory_space<vmem>> -> memref<1x80xi32, #tpu.memory_space<vmem>>
        %dma_wait3A_567 = tpu.memref_squeeze %dma_wait3A_566 : memref<1x80xi32, #tpu.memory_space<vmem>> -> memref<80xi32, #tpu.memory_space<vmem>>
        %dma_wait3A_568 = arith.constant 0 : i32
        %dma_wait3A_569 = arith.constant 0 : i32
        %dma_wait3A_570 = tpu.memref_slice %arg13[%dma_wait3A_568, %dma_wait3A_569] : memref<10240x128xf32, #tpu.memory_space<vmem_shared>> -> memref<10240x128xf32, #tpu.memory_space<vmem_shared>>
        tpu.wait_indirect_dma semaphore(%arg17 : memref<!tpu.dma_semaphore, #tpu.memory_space<semaphore_mem>>) src(%dma_wait3A_564 : memref<80x128xf32, #tpu.memory_space<vmem>>) dst(%dma_wait3A_570 : memref<10240x128xf32, #tpu.memory_space<vmem_shared>>)
      } else {
      }
      %add3A_173 = arith.constant 2 : i32
      %add3A_174 = arith.addi %add3A_170, %add3A_173 : i32
      %lt3A = arith.constant 126 : i32
      %lt3A_175 = arith.cmpi slt, %add3A_174, %lt3A : i32
      %convert_element_type3A_176 = arith.extui %lt3A_175 : i1 to i32
      %cond3A_177 = arith.constant 0 : i32
      %cond3A_178 = arith.cmpi ne, %convert_element_type3A_176, %cond3A_177 : i32
      scf.if %cond3A_178 {
        %add3A_559 = arith.constant 2 : i32
        %add3A_560 = arith.addi %add3A_170, %add3A_559 : i32
        %mul3A_561 = arith.constant 80 : i32
        %mul3A_562 = arith.muli %add3A_560, %mul3A_561 : i32
        %dma_start3A_563 = arith.constant 2 : i32
        %dma_start3A_564 = arith.constant 0 : i32
        %dma_start3A_565 = arith.constant 0 : i32
        %dma_start3A_566 = tpu.memref_slice %arg11[%dma_start3A_563, %dma_start3A_564, %dma_start3A_565] : memref<3x80x64xi32, #tpu.memory_space<vmem>> -> memref<1x80x64xi32, #tpu.memory_space<vmem>>
        %dma_start3A_567 = tpu.memref_squeeze %dma_start3A_566 : memref<1x80x64xi32, #tpu.memory_space<vmem>> -> memref<80x64xi32, #tpu.memory_space<vmem>>
        %dma_start3A_568 = tpu.memref_slice %arg8[%mul3A_562] : memref<10080xi32, #tpu.memory_space<vmem>> -> memref<80xi32, #tpu.memory_space<vmem>>
        %dma_start3A_569 = arith.constant 0 : i32
        %dma_start3A_570 = arith.constant 0 : i32
        %dma_start3A_571 = tpu.memref_slice %arg2[%dma_start3A_569, %dma_start3A_570] : memref<10240x64xi32, #tpu.memory_space<hbm>> -> memref<10240x64xi32, #tpu.memory_space<hbm>>
        tpu.enqueue_indirect_dma source(%dma_start3A_571 : memref<10240x64xi32, #tpu.memory_space<hbm>>) target(%dma_start3A_567 : memref<80x64xi32, #tpu.memory_space<vmem>>) offsets(%dma_start3A_568 : memref<80xi32, #tpu.memory_space<vmem>>) semaphore(%arg16 : memref<!tpu.dma_semaphore, #tpu.memory_space<semaphore_mem>>)
        %add3A_572 = arith.constant 2 : i32
        %add3A_573 = arith.addi %add3A_170, %add3A_572 : i32
        %mul3A_574 = arith.constant 80 : i32
        %mul3A_575 = arith.muli %add3A_573, %mul3A_574 : i32
        %add3A_576 = arith.addi %mul3A_6, %mul3A_575 : i32
        %dma_start3A_577 = arith.constant 2 : i32
        %dma_start3A_578 = arith.constant 0 : i32
        %dma_start3A_579 = tpu.memref_slice %arg9[%dma_start3A_577, %dma_start3A_578] : memref<6x80xi32, #tpu.memory_space<vmem>> -> memref<1x80xi32, #tpu.memory_space<vmem>>
        %dma_start3A_580 = tpu.memref_squeeze %dma_start3A_579 : memref<1x80xi32, #tpu.memory_space<vmem>> -> memref<80xi32, #tpu.memory_space<vmem>>
        %dma_start3A_581 = tpu.memref_slice %arg4[%add3A_576] : memref<322560xi32, #tpu.memory_space<hbm>> -> memref<80xi32, #tpu.memory_space<hbm>>
        %dma_start3A_582 = arith.constant 0 : i32
        %dma_start3A_583 = tpu.memref_slice %arg9[%dma_start3A_577, %dma_start3A_582] : memref<6x80xi32, #tpu.memory_space<vmem>> -> memref<1x80xi32, #tpu.memory_space<vmem>>
        %dma_start3A_584 = tpu.memref_squeeze %dma_start3A_583 : memref<1x80xi32, #tpu.memory_space<vmem>> -> memref<80xi32, #tpu.memory_space<vmem>>
        %dma_start3A_585 = tpu.memref_slice %arg4[%add3A_576] : memref<322560xi32, #tpu.memory_space<hbm>> -> memref<80xi32, #tpu.memory_space<hbm>>
        tpu.enqueue_dma source(%dma_start3A_585 : memref<80xi32, #tpu.memory_space<hbm>>) target(%dma_start3A_584 : memref<80xi32, #tpu.memory_space<vmem>>) target_semaphore(%arg21 : memref<!tpu.dma_semaphore, #tpu.memory_space<semaphore_mem>>)
        %dma_start3A_586 = arith.constant 2 : i32
        %dma_start3A_587 = arith.constant 0 : i32
        %dma_start3A_588 = tpu.memref_slice %arg10[%dma_start3A_586, %dma_start3A_587] : memref<6x80xf32, #tpu.memory_space<vmem>> -> memref<1x80xf32, #tpu.memory_space<vmem>>
        %dma_start3A_589 = tpu.memref_squeeze %dma_start3A_588 : memref<1x80xf32, #tpu.memory_space<vmem>> -> memref<80xf32, #tpu.memory_space<vmem>>
        %dma_start3A_590 = tpu.memref_slice %arg5[%add3A_576] : memref<322560xf32, #tpu.memory_space<hbm>> -> memref<80xf32, #tpu.memory_space<hbm>>
        %dma_start3A_591 = arith.constant 0 : i32
        %dma_start3A_592 = tpu.memref_slice %arg10[%dma_start3A_586, %dma_start3A_591] : memref<6x80xf32, #tpu.memory_space<vmem>> -> memref<1x80xf32, #tpu.memory_space<vmem>>
        %dma_start3A_593 = tpu.memref_squeeze %dma_start3A_592 : memref<1x80xf32, #tpu.memory_space<vmem>> -> memref<80xf32, #tpu.memory_space<vmem>>
        %dma_start3A_594 = tpu.memref_slice %arg5[%add3A_576] : memref<322560xf32, #tpu.memory_space<hbm>> -> memref<80xf32, #tpu.memory_space<hbm>>
        tpu.enqueue_dma source(%dma_start3A_594 : memref<80xf32, #tpu.memory_space<hbm>>) target(%dma_start3A_593 : memref<80xf32, #tpu.memory_space<vmem>>) target_semaphore(%arg21 : memref<!tpu.dma_semaphore, #tpu.memory_space<semaphore_mem>>)
      } else {
      }
      %dma_wait3A_179 = arith.constant 0 : i32
      %dma_wait3A_180 = arith.constant 0 : i32
      %dma_wait3A_181 = arith.constant 0 : i32
      %dma_wait3A_182 = tpu.memref_slice %arg11[%dma_wait3A_179, %dma_wait3A_180, %dma_wait3A_181] : memref<3x80x64xi32, #tpu.memory_space<vmem>> -> memref<1x80x64xi32, #tpu.memory_space<vmem>>
      %dma_wait3A_183 = tpu.memref_squeeze %dma_wait3A_182 : memref<1x80x64xi32, #tpu.memory_space<vmem>> -> memref<80x64xi32, #tpu.memory_space<vmem>>
      %dma_wait3A_184 = arith.constant 0 : i32
      %dma_wait3A_185 = tpu.memref_slice %arg8[%dma_wait3A_184] : memref<10080xi32, #tpu.memory_space<vmem>> -> memref<80xi32, #tpu.memory_space<vmem>>
      %dma_wait3A_186 = arith.constant 0 : i32
      %dma_wait3A_187 = arith.constant 0 : i32
      %dma_wait3A_188 = tpu.memref_slice %arg2[%dma_wait3A_186, %dma_wait3A_187] : memref<10240x64xi32, #tpu.memory_space<hbm>> -> memref<10240x64xi32, #tpu.memory_space<hbm>>
      tpu.wait_indirect_dma semaphore(%arg14 : memref<!tpu.dma_semaphore, #tpu.memory_space<semaphore_mem>>) src(%dma_wait3A_188 : memref<10240x64xi32, #tpu.memory_space<hbm>>) dst(%dma_wait3A_183 : memref<80x64xi32, #tpu.memory_space<vmem>>)
      %dma_wait3A_189 = arith.constant 0 : i32
      %dma_wait3A_190 = arith.constant 0 : i32
      %dma_wait3A_191 = tpu.memref_slice %arg9[%dma_wait3A_189, %dma_wait3A_190] : memref<6x80xi32, #tpu.memory_space<vmem>> -> memref<1x80xi32, #tpu.memory_space<vmem>>
      %dma_wait3A_192 = tpu.memref_squeeze %dma_wait3A_191 : memref<1x80xi32, #tpu.memory_space<vmem>> -> memref<80xi32, #tpu.memory_space<vmem>>
      %dma_wait3A_193 = arith.constant 0 : i32
      %dma_wait3A_194 = tpu.memref_slice %arg4[%dma_wait3A_193] : memref<322560xi32, #tpu.memory_space<hbm>> -> memref<80xi32, #tpu.memory_space<hbm>>
      %dma_wait3A_195 = arith.constant 0 : i32
      %dma_wait3A_196 = tpu.memref_slice %arg9[%dma_wait3A_189, %dma_wait3A_195] : memref<6x80xi32, #tpu.memory_space<vmem>> -> memref<1x80xi32, #tpu.memory_space<vmem>>
      %dma_wait3A_197 = tpu.memref_squeeze %dma_wait3A_196 : memref<1x80xi32, #tpu.memory_space<vmem>> -> memref<80xi32, #tpu.memory_space<vmem>>
      %dma_wait3A_198 = arith.constant 0 : i32
      %dma_wait3A_199 = tpu.memref_slice %arg4[%dma_wait3A_198] : memref<322560xi32, #tpu.memory_space<hbm>> -> memref<80xi32, #tpu.memory_space<hbm>>
      tpu.wait_dma2 semaphore(%arg19 : memref<!tpu.dma_semaphore, #tpu.memory_space<semaphore_mem>>) src(%dma_wait3A_199 : memref<80xi32, #tpu.memory_space<hbm>>) dst(%dma_wait3A_197 : memref<80xi32, #tpu.memory_space<vmem>>)
      %dma_wait3A_200 = arith.constant 0 : i32
      %dma_wait3A_201 = arith.constant 0 : i32
      %dma_wait3A_202 = tpu.memref_slice %arg10[%dma_wait3A_200, %dma_wait3A_201] : memref<6x80xf32, #tpu.memory_space<vmem>> -> memref<1x80xf32, #tpu.memory_space<vmem>>
      %dma_wait3A_203 = tpu.memref_squeeze %dma_wait3A_202 : memref<1x80xf32, #tpu.memory_space<vmem>> -> memref<80xf32, #tpu.memory_space<vmem>>
      %dma_wait3A_204 = arith.constant 0 : i32
      %dma_wait3A_205 = tpu.memref_slice %arg5[%dma_wait3A_204] : memref<322560xf32, #tpu.memory_space<hbm>> -> memref<80xf32, #tpu.memory_space<hbm>>
      %dma_wait3A_206 = arith.constant 0 : i32
      %dma_wait3A_207 = tpu.memref_slice %arg10[%dma_wait3A_200, %dma_wait3A_206] : memref<6x80xf32, #tpu.memory_space<vmem>> -> memref<1x80xf32, #tpu.memory_space<vmem>>
      %dma_wait3A_208 = tpu.memref_squeeze %dma_wait3A_207 : memref<1x80xf32, #tpu.memory_space<vmem>> -> memref<80xf32, #tpu.memory_space<vmem>>
      %dma_wait3A_209 = arith.constant 0 : i32
      %dma_wait3A_210 = tpu.memref_slice %arg5[%dma_wait3A_209] : memref<322560xf32, #tpu.memory_space<hbm>> -> memref<80xf32, #tpu.memory_space<hbm>>
      tpu.wait_dma2 semaphore(%arg19 : memref<!tpu.dma_semaphore, #tpu.memory_space<semaphore_mem>>) src(%dma_wait3A_210 : memref<80xf32, #tpu.memory_space<hbm>>) dst(%dma_wait3A_208 : memref<80xf32, #tpu.memory_space<vmem>>)
      %scan3A_211 = arith.constant 0 : i32
      %mul3A_212 = arith.constant 1 : i32
      %mul3A_213 = arith.muli %scan3A_211, %mul3A_212 : i32
      %add3A_214 = arith.constant 0 : i32
      %add3A_215 = arith.addi %add3A_214, %mul3A_213 : i32
      %scan3A_216 = arith.constant 1 : i32
      %dma_start3A_217 = arith.constant 0 : i32
      %dma_start3A_218 = arith.constant 0 : i32
      %dma_start3A_219 = arith.constant 0 : i32
      %dma_start3A_220 = arith.constant 0 : i32
      %dma_start3A_221 = tpu.memref_slice %arg12[%dma_start3A_217, %dma_start3A_219, %dma_start3A_220] : memref<2x80x128xf32, #tpu.memory_space<vmem>> -> memref<1x80x128xf32, #tpu.memory_space<vmem>>
      %dma_start3A_222 = tpu.memref_squeeze %dma_start3A_221 : memref<1x80x128xf32, #tpu.memory_space<vmem>> -> memref<80x128xf32, #tpu.memory_space<vmem>>
      %dma_start3A_223 = arith.constant 0 : i32
      %dma_start3A_224 = tpu.memref_slice %arg9[%dma_start3A_218, %dma_start3A_223] : memref<6x80xi32, #tpu.memory_space<vmem>> -> memref<1x80xi32, #tpu.memory_space<vmem>>
      %dma_start3A_225 = tpu.memref_squeeze %dma_start3A_224 : memref<1x80xi32, #tpu.memory_space<vmem>> -> memref<80xi32, #tpu.memory_space<vmem>>
      %dma_start3A_226 = arith.constant 0 : i32
      %dma_start3A_227 = arith.constant 0 : i32
      %dma_start3A_228 = tpu.memref_slice %arg13[%dma_start3A_226, %dma_start3A_227] : memref<10240x128xf32, #tpu.memory_space<vmem_shared>> -> memref<10240x128xf32, #tpu.memory_space<vmem_shared>>
      tpu.enqueue_indirect_dma source(%dma_start3A_222 : memref<80x128xf32, #tpu.memory_space<vmem>>) target(%dma_start3A_228 : memref<10240x128xf32, #tpu.memory_space<vmem_shared>>) offsets(%dma_start3A_225 : memref<80xi32, #tpu.memory_space<vmem>>) semaphore(%arg17 : memref<!tpu.dma_semaphore, #tpu.memory_space<semaphore_mem>>) {add = true}
      %mul3A_229 = arith.constant 6 : i32
      %mul3A_230 = arith.muli %add3A_166, %mul3A_229 : i32
      %add3A_231 = arith.constant 1 : i32
      %add3A_232 = arith.addi %mul3A_230, %add3A_231 : i32
      %ge3A_233 = arith.constant 2 : i32
      %ge3A_234 = arith.cmpi sge, %add3A_232, %ge3A_233 : i32
      %convert_element_type3A_235 = arith.extui %ge3A_234 : i1 to i32
      %cond3A_236 = arith.constant 0 : i32
      %cond3A_237 = arith.cmpi ne, %convert_element_type3A_235, %cond3A_236 : i32
      scf.if %cond3A_237 {
        %dma_wait3A_559 = arith.constant 1 : i32
        %dma_wait3A_560 = arith.constant 0 : i32
        %dma_wait3A_561 = arith.constant 0 : i32
        %dma_wait3A_562 = arith.constant 0 : i32
        %dma_wait3A_563 = tpu.memref_slice %arg12[%dma_wait3A_559, %dma_wait3A_561, %dma_wait3A_562] : memref<2x80x128xf32, #tpu.memory_space<vmem>> -> memref<1x80x128xf32, #tpu.memory_space<vmem>>
        %dma_wait3A_564 = tpu.memref_squeeze %dma_wait3A_563 : memref<1x80x128xf32, #tpu.memory_space<vmem>> -> memref<80x128xf32, #tpu.memory_space<vmem>>
        %dma_wait3A_565 = arith.constant 0 : i32
        %dma_wait3A_566 = tpu.memref_slice %arg9[%dma_wait3A_560, %dma_wait3A_565] : memref<6x80xi32, #tpu.memory_space<vmem>> -> memref<1x80xi32, #tpu.memory_space<vmem>>
        %dma_wait3A_567 = tpu.memref_squeeze %dma_wait3A_566 : memref<1x80xi32, #tpu.memory_space<vmem>> -> memref<80xi32, #tpu.memory_space<vmem>>
        %dma_wait3A_568 = arith.constant 0 : i32
        %dma_wait3A_569 = arith.constant 0 : i32
        %dma_wait3A_570 = tpu.memref_slice %arg13[%dma_wait3A_568, %dma_wait3A_569] : memref<10240x128xf32, #tpu.memory_space<vmem_shared>> -> memref<10240x128xf32, #tpu.memory_space<vmem_shared>>
        tpu.wait_indirect_dma semaphore(%arg18 : memref<!tpu.dma_semaphore, #tpu.memory_space<semaphore_mem>>) src(%dma_wait3A_564 : memref<80x128xf32, #tpu.memory_space<vmem>>) dst(%dma_wait3A_570 : memref<10240x128xf32, #tpu.memory_space<vmem_shared>>)
      } else {
      }
      %add3A_238 = arith.constant 2 : i32
      %add3A_239 = arith.addi %add3A_232, %add3A_238 : i32
      %lt3A_240 = arith.constant 126 : i32
      %lt3A_241 = arith.cmpi slt, %add3A_239, %lt3A_240 : i32
      %convert_element_type3A_242 = arith.extui %lt3A_241 : i1 to i32
      %cond3A_243 = arith.constant 0 : i32
      %cond3A_244 = arith.cmpi ne, %convert_element_type3A_242, %cond3A_243 : i32
      scf.if %cond3A_244 {
        %add3A_559 = arith.constant 2 : i32
        %add3A_560 = arith.addi %add3A_232, %add3A_559 : i32
        %mul3A_561 = arith.constant 80 : i32
        %mul3A_562 = arith.muli %add3A_560, %mul3A_561 : i32
        %dma_start3A_563 = arith.constant 0 : i32
        %dma_start3A_564 = arith.constant 0 : i32
        %dma_start3A_565 = arith.constant 0 : i32
        %dma_start3A_566 = tpu.memref_slice %arg11[%dma_start3A_563, %dma_start3A_564, %dma_start3A_565] : memref<3x80x64xi32, #tpu.memory_space<vmem>> -> memref<1x80x64xi32, #tpu.memory_space<vmem>>
        %dma_start3A_567 = tpu.memref_squeeze %dma_start3A_566 : memref<1x80x64xi32, #tpu.memory_space<vmem>> -> memref<80x64xi32, #tpu.memory_space<vmem>>
        %dma_start3A_568 = tpu.memref_slice %arg8[%mul3A_562] : memref<10080xi32, #tpu.memory_space<vmem>> -> memref<80xi32, #tpu.memory_space<vmem>>
        %dma_start3A_569 = arith.constant 0 : i32
        %dma_start3A_570 = arith.constant 0 : i32
        %dma_start3A_571 = tpu.memref_slice %arg2[%dma_start3A_569, %dma_start3A_570] : memref<10240x64xi32, #tpu.memory_space<hbm>> -> memref<10240x64xi32, #tpu.memory_space<hbm>>
        tpu.enqueue_indirect_dma source(%dma_start3A_571 : memref<10240x64xi32, #tpu.memory_space<hbm>>) target(%dma_start3A_567 : memref<80x64xi32, #tpu.memory_space<vmem>>) offsets(%dma_start3A_568 : memref<80xi32, #tpu.memory_space<vmem>>) semaphore(%arg14 : memref<!tpu.dma_semaphore, #tpu.memory_space<semaphore_mem>>)
        %add3A_572 = arith.constant 2 : i32
        %add3A_573 = arith.addi %add3A_232, %add3A_572 : i32
        %mul3A_574 = arith.constant 80 : i32
        %mul3A_575 = arith.muli %add3A_573, %mul3A_574 : i32
        %add3A_576 = arith.addi %mul3A_6, %mul3A_575 : i32
        %dma_start3A_577 = arith.constant 3 : i32
        %dma_start3A_578 = arith.constant 0 : i32
        %dma_start3A_579 = tpu.memref_slice %arg9[%dma_start3A_577, %dma_start3A_578] : memref<6x80xi32, #tpu.memory_space<vmem>> -> memref<1x80xi32, #tpu.memory_space<vmem>>
        %dma_start3A_580 = tpu.memref_squeeze %dma_start3A_579 : memref<1x80xi32, #tpu.memory_space<vmem>> -> memref<80xi32, #tpu.memory_space<vmem>>
        %dma_start3A_581 = tpu.memref_slice %arg4[%add3A_576] : memref<322560xi32, #tpu.memory_space<hbm>> -> memref<80xi32, #tpu.memory_space<hbm>>
        %dma_start3A_582 = arith.constant 0 : i32
        %dma_start3A_583 = tpu.memref_slice %arg9[%dma_start3A_577, %dma_start3A_582] : memref<6x80xi32, #tpu.memory_space<vmem>> -> memref<1x80xi32, #tpu.memory_space<vmem>>
        %dma_start3A_584 = tpu.memref_squeeze %dma_start3A_583 : memref<1x80xi32, #tpu.memory_space<vmem>> -> memref<80xi32, #tpu.memory_space<vmem>>
        %dma_start3A_585 = tpu.memref_slice %arg4[%add3A_576] : memref<322560xi32, #tpu.memory_space<hbm>> -> memref<80xi32, #tpu.memory_space<hbm>>
        tpu.enqueue_dma source(%dma_start3A_585 : memref<80xi32, #tpu.memory_space<hbm>>) target(%dma_start3A_584 : memref<80xi32, #tpu.memory_space<vmem>>) target_semaphore(%arg22 : memref<!tpu.dma_semaphore, #tpu.memory_space<semaphore_mem>>)
        %dma_start3A_586 = arith.constant 3 : i32
        %dma_start3A_587 = arith.constant 0 : i32
        %dma_start3A_588 = tpu.memref_slice %arg10[%dma_start3A_586, %dma_start3A_587] : memref<6x80xf32, #tpu.memory_space<vmem>> -> memref<1x80xf32, #tpu.memory_space<vmem>>
        %dma_start3A_589 = tpu.memref_squeeze %dma_start3A_588 : memref<1x80xf32, #tpu.memory_space<vmem>> -> memref<80xf32, #tpu.memory_space<vmem>>
        %dma_start3A_590 = tpu.memref_slice %arg5[%add3A_576] : memref<322560xf32, #tpu.memory_space<hbm>> -> memref<80xf32, #tpu.memory_space<hbm>>
        %dma_start3A_591 = arith.constant 0 : i32
        %dma_start3A_592 = tpu.memref_slice %arg10[%dma_start3A_586, %dma_start3A_591] : memref<6x80xf32, #tpu.memory_space<vmem>> -> memref<1x80xf32, #tpu.memory_space<vmem>>
        %dma_start3A_593 = tpu.memref_squeeze %dma_start3A_592 : memref<1x80xf32, #tpu.memory_space<vmem>> -> memref<80xf32, #tpu.memory_space<vmem>>
        %dma_start3A_594 = tpu.memref_slice %arg5[%add3A_576] : memref<322560xf32, #tpu.memory_space<hbm>> -> memref<80xf32, #tpu.memory_space<hbm>>
        tpu.enqueue_dma source(%dma_start3A_594 : memref<80xf32, #tpu.memory_space<hbm>>) target(%dma_start3A_593 : memref<80xf32, #tpu.memory_space<vmem>>) target_semaphore(%arg22 : memref<!tpu.dma_semaphore, #tpu.memory_space<semaphore_mem>>)
      } else {
      }
      %dma_wait3A_245 = arith.constant 1 : i32
      %dma_wait3A_246 = arith.constant 0 : i32
      %dma_wait3A_247 = arith.constant 0 : i32
      %dma_wait3A_248 = tpu.memref_slice %arg11[%dma_wait3A_245, %dma_wait3A_246, %dma_wait3A_247] : memref<3x80x64xi32, #tpu.memory_space<vmem>> -> memref<1x80x64xi32, #tpu.memory_space<vmem>>
      %dma_wait3A_249 = tpu.memref_squeeze %dma_wait3A_248 : memref<1x80x64xi32, #tpu.memory_space<vmem>> -> memref<80x64xi32, #tpu.memory_space<vmem>>
      %dma_wait3A_250 = arith.constant 0 : i32
      %dma_wait3A_251 = tpu.memref_slice %arg8[%dma_wait3A_250] : memref<10080xi32, #tpu.memory_space<vmem>> -> memref<80xi32, #tpu.memory_space<vmem>>
      %dma_wait3A_252 = arith.constant 0 : i32
      %dma_wait3A_253 = arith.constant 0 : i32
      %dma_wait3A_254 = tpu.memref_slice %arg2[%dma_wait3A_252, %dma_wait3A_253] : memref<10240x64xi32, #tpu.memory_space<hbm>> -> memref<10240x64xi32, #tpu.memory_space<hbm>>
      tpu.wait_indirect_dma semaphore(%arg15 : memref<!tpu.dma_semaphore, #tpu.memory_space<semaphore_mem>>) src(%dma_wait3A_254 : memref<10240x64xi32, #tpu.memory_space<hbm>>) dst(%dma_wait3A_249 : memref<80x64xi32, #tpu.memory_space<vmem>>)
      %dma_wait3A_255 = arith.constant 1 : i32
      %dma_wait3A_256 = arith.constant 0 : i32
      %dma_wait3A_257 = tpu.memref_slice %arg9[%dma_wait3A_255, %dma_wait3A_256] : memref<6x80xi32, #tpu.memory_space<vmem>> -> memref<1x80xi32, #tpu.memory_space<vmem>>
      %dma_wait3A_258 = tpu.memref_squeeze %dma_wait3A_257 : memref<1x80xi32, #tpu.memory_space<vmem>> -> memref<80xi32, #tpu.memory_space<vmem>>
      %dma_wait3A_259 = arith.constant 0 : i32
      %dma_wait3A_260 = tpu.memref_slice %arg4[%dma_wait3A_259] : memref<322560xi32, #tpu.memory_space<hbm>> -> memref<80xi32, #tpu.memory_space<hbm>>
      %dma_wait3A_261 = arith.constant 0 : i32
      %dma_wait3A_262 = tpu.memref_slice %arg9[%dma_wait3A_255, %dma_wait3A_261] : memref<6x80xi32, #tpu.memory_space<vmem>> -> memref<1x80xi32, #tpu.memory_space<vmem>>
      %dma_wait3A_263 = tpu.memref_squeeze %dma_wait3A_262 : memref<1x80xi32, #tpu.memory_space<vmem>> -> memref<80xi32, #tpu.memory_space<vmem>>
      %dma_wait3A_264 = arith.constant 0 : i32
      %dma_wait3A_265 = tpu.memref_slice %arg4[%dma_wait3A_264] : memref<322560xi32, #tpu.memory_space<hbm>> -> memref<80xi32, #tpu.memory_space<hbm>>
      tpu.wait_dma2 semaphore(%arg20 : memref<!tpu.dma_semaphore, #tpu.memory_space<semaphore_mem>>) src(%dma_wait3A_265 : memref<80xi32, #tpu.memory_space<hbm>>) dst(%dma_wait3A_263 : memref<80xi32, #tpu.memory_space<vmem>>)
      %dma_wait3A_266 = arith.constant 1 : i32
      %dma_wait3A_267 = arith.constant 0 : i32
      %dma_wait3A_268 = tpu.memref_slice %arg10[%dma_wait3A_266, %dma_wait3A_267] : memref<6x80xf32, #tpu.memory_space<vmem>> -> memref<1x80xf32, #tpu.memory_space<vmem>>
      %dma_wait3A_269 = tpu.memref_squeeze %dma_wait3A_268 : memref<1x80xf32, #tpu.memory_space<vmem>> -> memref<80xf32, #tpu.memory_space<vmem>>
      %dma_wait3A_270 = arith.constant 0 : i32
      %dma_wait3A_271 = tpu.memref_slice %arg5[%dma_wait3A_270] : memref<322560xf32, #tpu.memory_space<hbm>> -> memref<80xf32, #tpu.memory_space<hbm>>
      %dma_wait3A_272 = arith.constant 0 : i32
      %dma_wait3A_273 = tpu.memref_slice %arg10[%dma_wait3A_266, %dma_wait3A_272] : memref<6x80xf32, #tpu.memory_space<vmem>> -> memref<1x80xf32, #tpu.memory_space<vmem>>
      %dma_wait3A_274 = tpu.memref_squeeze %dma_wait3A_273 : memref<1x80xf32, #tpu.memory_space<vmem>> -> memref<80xf32, #tpu.memory_space<vmem>>
      %dma_wait3A_275 = arith.constant 0 : i32
      %dma_wait3A_276 = tpu.memref_slice %arg5[%dma_wait3A_275] : memref<322560xf32, #tpu.memory_space<hbm>> -> memref<80xf32, #tpu.memory_space<hbm>>
      tpu.wait_dma2 semaphore(%arg20 : memref<!tpu.dma_semaphore, #tpu.memory_space<semaphore_mem>>) src(%dma_wait3A_276 : memref<80xf32, #tpu.memory_space<hbm>>) dst(%dma_wait3A_274 : memref<80xf32, #tpu.memory_space<vmem>>)
      %scan3A_277 = arith.constant 0 : i32
      %mul3A_278 = arith.constant 1 : i32
      %mul3A_279 = arith.muli %scan3A_277, %mul3A_278 : i32
      %add3A_280 = arith.constant 0 : i32
      %add3A_281 = arith.addi %add3A_280, %mul3A_279 : i32
      %scan3A_282 = arith.constant 1 : i32
      %dma_start3A_283 = arith.constant 1 : i32
      %dma_start3A_284 = arith.constant 1 : i32
      %dma_start3A_285 = arith.constant 0 : i32
      %dma_start3A_286 = arith.constant 0 : i32
      %dma_start3A_287 = tpu.memref_slice %arg12[%dma_start3A_283, %dma_start3A_285, %dma_start3A_286] : memref<2x80x128xf32, #tpu.memory_space<vmem>> -> memref<1x80x128xf32, #tpu.memory_space<vmem>>
      %dma_start3A_288 = tpu.memref_squeeze %dma_start3A_287 : memref<1x80x128xf32, #tpu.memory_space<vmem>> -> memref<80x128xf32, #tpu.memory_space<vmem>>
      %dma_start3A_289 = arith.constant 0 : i32
      %dma_start3A_290 = tpu.memref_slice %arg9[%dma_start3A_284, %dma_start3A_289] : memref<6x80xi32, #tpu.memory_space<vmem>> -> memref<1x80xi32, #tpu.memory_space<vmem>>
      %dma_start3A_291 = tpu.memref_squeeze %dma_start3A_290 : memref<1x80xi32, #tpu.memory_space<vmem>> -> memref<80xi32, #tpu.memory_space<vmem>>
      %dma_start3A_292 = arith.constant 0 : i32
      %dma_start3A_293 = arith.constant 0 : i32
      %dma_start3A_294 = tpu.memref_slice %arg13[%dma_start3A_292, %dma_start3A_293] : memref<10240x128xf32, #tpu.memory_space<vmem_shared>> -> memref<10240x128xf32, #tpu.memory_space<vmem_shared>>
      tpu.enqueue_indirect_dma source(%dma_start3A_288 : memref<80x128xf32, #tpu.memory_space<vmem>>) target(%dma_start3A_294 : memref<10240x128xf32, #tpu.memory_space<vmem_shared>>) offsets(%dma_start3A_291 : memref<80xi32, #tpu.memory_space<vmem>>) semaphore(%arg18 : memref<!tpu.dma_semaphore, #tpu.memory_space<semaphore_mem>>) {add = true}
      %mul3A_295 = arith.constant 6 : i32
      %mul3A_296 = arith.muli %add3A_166, %mul3A_295 : i32
      %add3A_297 = arith.constant 2 : i32
      %add3A_298 = arith.addi %mul3A_296, %add3A_297 : i32
      %ge3A_299 = arith.constant 2 : i32
      %ge3A_300 = arith.cmpi sge, %add3A_298, %ge3A_299 : i32
      %convert_element_type3A_301 = arith.extui %ge3A_300 : i1 to i32
      %cond3A_302 = arith.constant 0 : i32
      %cond3A_303 = arith.cmpi ne, %convert_element_type3A_301, %cond3A_302 : i32
      scf.if %cond3A_303 {
        %dma_wait3A_559 = arith.constant 0 : i32
        %dma_wait3A_560 = arith.constant 0 : i32
        %dma_wait3A_561 = arith.constant 0 : i32
        %dma_wait3A_562 = arith.constant 0 : i32
        %dma_wait3A_563 = tpu.memref_slice %arg12[%dma_wait3A_559, %dma_wait3A_561, %dma_wait3A_562] : memref<2x80x128xf32, #tpu.memory_space<vmem>> -> memref<1x80x128xf32, #tpu.memory_space<vmem>>
        %dma_wait3A_564 = tpu.memref_squeeze %dma_wait3A_563 : memref<1x80x128xf32, #tpu.memory_space<vmem>> -> memref<80x128xf32, #tpu.memory_space<vmem>>
        %dma_wait3A_565 = arith.constant 0 : i32
        %dma_wait3A_566 = tpu.memref_slice %arg9[%dma_wait3A_560, %dma_wait3A_565] : memref<6x80xi32, #tpu.memory_space<vmem>> -> memref<1x80xi32, #tpu.memory_space<vmem>>
        %dma_wait3A_567 = tpu.memref_squeeze %dma_wait3A_566 : memref<1x80xi32, #tpu.memory_space<vmem>> -> memref<80xi32, #tpu.memory_space<vmem>>
        %dma_wait3A_568 = arith.constant 0 : i32
        %dma_wait3A_569 = arith.constant 0 : i32
        %dma_wait3A_570 = tpu.memref_slice %arg13[%dma_wait3A_568, %dma_wait3A_569] : memref<10240x128xf32, #tpu.memory_space<vmem_shared>> -> memref<10240x128xf32, #tpu.memory_space<vmem_shared>>
        tpu.wait_indirect_dma semaphore(%arg17 : memref<!tpu.dma_semaphore, #tpu.memory_space<semaphore_mem>>) src(%dma_wait3A_564 : memref<80x128xf32, #tpu.memory_space<vmem>>) dst(%dma_wait3A_570 : memref<10240x128xf32, #tpu.memory_space<vmem_shared>>)
      } else {
      }
      %add3A_304 = arith.constant 2 : i32
      %add3A_305 = arith.addi %add3A_298, %add3A_304 : i32
      %lt3A_306 = arith.constant 126 : i32
      %lt3A_307 = arith.cmpi slt, %add3A_305, %lt3A_306 : i32
      %convert_element_type3A_308 = arith.extui %lt3A_307 : i1 to i32
      %cond3A_309 = arith.constant 0 : i32
      %cond3A_310 = arith.cmpi ne, %convert_element_type3A_308, %cond3A_309 : i32
      scf.if %cond3A_310 {
        %add3A_559 = arith.constant 2 : i32
        %add3A_560 = arith.addi %add3A_298, %add3A_559 : i32
        %mul3A_561 = arith.constant 80 : i32
        %mul3A_562 = arith.muli %add3A_560, %mul3A_561 : i32
        %dma_start3A_563 = arith.constant 1 : i32
        %dma_start3A_564 = arith.constant 0 : i32
        %dma_start3A_565 = arith.constant 0 : i32
        %dma_start3A_566 = tpu.memref_slice %arg11[%dma_start3A_563, %dma_start3A_564, %dma_start3A_565] : memref<3x80x64xi32, #tpu.memory_space<vmem>> -> memref<1x80x64xi32, #tpu.memory_space<vmem>>
        %dma_start3A_567 = tpu.memref_squeeze %dma_start3A_566 : memref<1x80x64xi32, #tpu.memory_space<vmem>> -> memref<80x64xi32, #tpu.memory_space<vmem>>
        %dma_start3A_568 = tpu.memref_slice %arg8[%mul3A_562] : memref<10080xi32, #tpu.memory_space<vmem>> -> memref<80xi32, #tpu.memory_space<vmem>>
        %dma_start3A_569 = arith.constant 0 : i32
        %dma_start3A_570 = arith.constant 0 : i32
        %dma_start3A_571 = tpu.memref_slice %arg2[%dma_start3A_569, %dma_start3A_570] : memref<10240x64xi32, #tpu.memory_space<hbm>> -> memref<10240x64xi32, #tpu.memory_space<hbm>>
        tpu.enqueue_indirect_dma source(%dma_start3A_571 : memref<10240x64xi32, #tpu.memory_space<hbm>>) target(%dma_start3A_567 : memref<80x64xi32, #tpu.memory_space<vmem>>) offsets(%dma_start3A_568 : memref<80xi32, #tpu.memory_space<vmem>>) semaphore(%arg15 : memref<!tpu.dma_semaphore, #tpu.memory_space<semaphore_mem>>)
        %add3A_572 = arith.constant 2 : i32
        %add3A_573 = arith.addi %add3A_298, %add3A_572 : i32
        %mul3A_574 = arith.constant 80 : i32
        %mul3A_575 = arith.muli %add3A_573, %mul3A_574 : i32
        %add3A_576 = arith.addi %mul3A_6, %mul3A_575 : i32
        %dma_start3A_577 = arith.constant 4 : i32
        %dma_start3A_578 = arith.constant 0 : i32
        %dma_start3A_579 = tpu.memref_slice %arg9[%dma_start3A_577, %dma_start3A_578] : memref<6x80xi32, #tpu.memory_space<vmem>> -> memref<1x80xi32, #tpu.memory_space<vmem>>
        %dma_start3A_580 = tpu.memref_squeeze %dma_start3A_579 : memref<1x80xi32, #tpu.memory_space<vmem>> -> memref<80xi32, #tpu.memory_space<vmem>>
        %dma_start3A_581 = tpu.memref_slice %arg4[%add3A_576] : memref<322560xi32, #tpu.memory_space<hbm>> -> memref<80xi32, #tpu.memory_space<hbm>>
        %dma_start3A_582 = arith.constant 0 : i32
        %dma_start3A_583 = tpu.memref_slice %arg9[%dma_start3A_577, %dma_start3A_582] : memref<6x80xi32, #tpu.memory_space<vmem>> -> memref<1x80xi32, #tpu.memory_space<vmem>>
        %dma_start3A_584 = tpu.memref_squeeze %dma_start3A_583 : memref<1x80xi32, #tpu.memory_space<vmem>> -> memref<80xi32, #tpu.memory_space<vmem>>
        %dma_start3A_585 = tpu.memref_slice %arg4[%add3A_576] : memref<322560xi32, #tpu.memory_space<hbm>> -> memref<80xi32, #tpu.memory_space<hbm>>
        tpu.enqueue_dma source(%dma_start3A_585 : memref<80xi32, #tpu.memory_space<hbm>>) target(%dma_start3A_584 : memref<80xi32, #tpu.memory_space<vmem>>) target_semaphore(%arg23 : memref<!tpu.dma_semaphore, #tpu.memory_space<semaphore_mem>>)
        %dma_start3A_586 = arith.constant 4 : i32
        %dma_start3A_587 = arith.constant 0 : i32
        %dma_start3A_588 = tpu.memref_slice %arg10[%dma_start3A_586, %dma_start3A_587] : memref<6x80xf32, #tpu.memory_space<vmem>> -> memref<1x80xf32, #tpu.memory_space<vmem>>
        %dma_start3A_589 = tpu.memref_squeeze %dma_start3A_588 : memref<1x80xf32, #tpu.memory_space<vmem>> -> memref<80xf32, #tpu.memory_space<vmem>>
        %dma_start3A_590 = tpu.memref_slice %arg5[%add3A_576] : memref<322560xf32, #tpu.memory_space<hbm>> -> memref<80xf32, #tpu.memory_space<hbm>>
        %dma_start3A_591 = arith.constant 0 : i32
        %dma_start3A_592 = tpu.memref_slice %arg10[%dma_start3A_586, %dma_start3A_591] : memref<6x80xf32, #tpu.memory_space<vmem>> -> memref<1x80xf32, #tpu.memory_space<vmem>>
        %dma_start3A_593 = tpu.memref_squeeze %dma_start3A_592 : memref<1x80xf32, #tpu.memory_space<vmem>> -> memref<80xf32, #tpu.memory_space<vmem>>
        %dma_start3A_594 = tpu.memref_slice %arg5[%add3A_576] : memref<322560xf32, #tpu.memory_space<hbm>> -> memref<80xf32, #tpu.memory_space<hbm>>
        tpu.enqueue_dma source(%dma_start3A_594 : memref<80xf32, #tpu.memory_space<hbm>>) target(%dma_start3A_593 : memref<80xf32, #tpu.memory_space<vmem>>) target_semaphore(%arg23 : memref<!tpu.dma_semaphore, #tpu.memory_space<semaphore_mem>>)
      } else {
      }
      %dma_wait3A_311 = arith.constant 2 : i32
      %dma_wait3A_312 = arith.constant 0 : i32
      %dma_wait3A_313 = arith.constant 0 : i32
      %dma_wait3A_314 = tpu.memref_slice %arg11[%dma_wait3A_311, %dma_wait3A_312, %dma_wait3A_313] : memref<3x80x64xi32, #tpu.memory_space<vmem>> -> memref<1x80x64xi32, #tpu.memory_space<vmem>>
      %dma_wait3A_315 = tpu.memref_squeeze %dma_wait3A_314 : memref<1x80x64xi32, #tpu.memory_space<vmem>> -> memref<80x64xi32, #tpu.memory_space<vmem>>
      %dma_wait3A_316 = arith.constant 0 : i32
      %dma_wait3A_317 = tpu.memref_slice %arg8[%dma_wait3A_316] : memref<10080xi32, #tpu.memory_space<vmem>> -> memref<80xi32, #tpu.memory_space<vmem>>
      %dma_wait3A_318 = arith.constant 0 : i32
      %dma_wait3A_319 = arith.constant 0 : i32
      %dma_wait3A_320 = tpu.memref_slice %arg2[%dma_wait3A_318, %dma_wait3A_319] : memref<10240x64xi32, #tpu.memory_space<hbm>> -> memref<10240x64xi32, #tpu.memory_space<hbm>>
      tpu.wait_indirect_dma semaphore(%arg16 : memref<!tpu.dma_semaphore, #tpu.memory_space<semaphore_mem>>) src(%dma_wait3A_320 : memref<10240x64xi32, #tpu.memory_space<hbm>>) dst(%dma_wait3A_315 : memref<80x64xi32, #tpu.memory_space<vmem>>)
      %dma_wait3A_321 = arith.constant 2 : i32
      %dma_wait3A_322 = arith.constant 0 : i32
      %dma_wait3A_323 = tpu.memref_slice %arg9[%dma_wait3A_321, %dma_wait3A_322] : memref<6x80xi32, #tpu.memory_space<vmem>> -> memref<1x80xi32, #tpu.memory_space<vmem>>
      %dma_wait3A_324 = tpu.memref_squeeze %dma_wait3A_323 : memref<1x80xi32, #tpu.memory_space<vmem>> -> memref<80xi32, #tpu.memory_space<vmem>>
      %dma_wait3A_325 = arith.constant 0 : i32
      %dma_wait3A_326 = tpu.memref_slice %arg4[%dma_wait3A_325] : memref<322560xi32, #tpu.memory_space<hbm>> -> memref<80xi32, #tpu.memory_space<hbm>>
      %dma_wait3A_327 = arith.constant 0 : i32
      %dma_wait3A_328 = tpu.memref_slice %arg9[%dma_wait3A_321, %dma_wait3A_327] : memref<6x80xi32, #tpu.memory_space<vmem>> -> memref<1x80xi32, #tpu.memory_space<vmem>>
      %dma_wait3A_329 = tpu.memref_squeeze %dma_wait3A_328 : memref<1x80xi32, #tpu.memory_space<vmem>> -> memref<80xi32, #tpu.memory_space<vmem>>
      %dma_wait3A_330 = arith.constant 0 : i32
      %dma_wait3A_331 = tpu.memref_slice %arg4[%dma_wait3A_330] : memref<322560xi32, #tpu.memory_space<hbm>> -> memref<80xi32, #tpu.memory_space<hbm>>
      tpu.wait_dma2 semaphore(%arg21 : memref<!tpu.dma_semaphore, #tpu.memory_space<semaphore_mem>>) src(%dma_wait3A_331 : memref<80xi32, #tpu.memory_space<hbm>>) dst(%dma_wait3A_329 : memref<80xi32, #tpu.memory_space<vmem>>)
      %dma_wait3A_332 = arith.constant 2 : i32
      %dma_wait3A_333 = arith.constant 0 : i32
      %dma_wait3A_334 = tpu.memref_slice %arg10[%dma_wait3A_332, %dma_wait3A_333] : memref<6x80xf32, #tpu.memory_space<vmem>> -> memref<1x80xf32, #tpu.memory_space<vmem>>
      %dma_wait3A_335 = tpu.memref_squeeze %dma_wait3A_334 : memref<1x80xf32, #tpu.memory_space<vmem>> -> memref<80xf32, #tpu.memory_space<vmem>>
      %dma_wait3A_336 = arith.constant 0 : i32
      %dma_wait3A_337 = tpu.memref_slice %arg5[%dma_wait3A_336] : memref<322560xf32, #tpu.memory_space<hbm>> -> memref<80xf32, #tpu.memory_space<hbm>>
      %dma_wait3A_338 = arith.constant 0 : i32
      %dma_wait3A_339 = tpu.memref_slice %arg10[%dma_wait3A_332, %dma_wait3A_338] : memref<6x80xf32, #tpu.memory_space<vmem>> -> memref<1x80xf32, #tpu.memory_space<vmem>>
      %dma_wait3A_340 = tpu.memref_squeeze %dma_wait3A_339 : memref<1x80xf32, #tpu.memory_space<vmem>> -> memref<80xf32, #tpu.memory_space<vmem>>
      %dma_wait3A_341 = arith.constant 0 : i32
      %dma_wait3A_342 = tpu.memref_slice %arg5[%dma_wait3A_341] : memref<322560xf32, #tpu.memory_space<hbm>> -> memref<80xf32, #tpu.memory_space<hbm>>
      tpu.wait_dma2 semaphore(%arg21 : memref<!tpu.dma_semaphore, #tpu.memory_space<semaphore_mem>>) src(%dma_wait3A_342 : memref<80xf32, #tpu.memory_space<hbm>>) dst(%dma_wait3A_340 : memref<80xf32, #tpu.memory_space<vmem>>)
      %scan3A_343 = arith.constant 0 : i32
      %mul3A_344 = arith.constant 1 : i32
      %mul3A_345 = arith.muli %scan3A_343, %mul3A_344 : i32
      %add3A_346 = arith.constant 0 : i32
      %add3A_347 = arith.addi %add3A_346, %mul3A_345 : i32
      %scan3A_348 = arith.constant 1 : i32
      %dma_start3A_349 = arith.constant 0 : i32
      %dma_start3A_350 = arith.constant 2 : i32
      %dma_start3A_351 = arith.constant 0 : i32
      %dma_start3A_352 = arith.constant 0 : i32
      %dma_start3A_353 = tpu.memref_slice %arg12[%dma_start3A_349, %dma_start3A_351, %dma_start3A_352] : memref<2x80x128xf32, #tpu.memory_space<vmem>> -> memref<1x80x128xf32, #tpu.memory_space<vmem>>
      %dma_start3A_354 = tpu.memref_squeeze %dma_start3A_353 : memref<1x80x128xf32, #tpu.memory_space<vmem>> -> memref<80x128xf32, #tpu.memory_space<vmem>>
      %dma_start3A_355 = arith.constant 0 : i32
      %dma_start3A_356 = tpu.memref_slice %arg9[%dma_start3A_350, %dma_start3A_355] : memref<6x80xi32, #tpu.memory_space<vmem>> -> memref<1x80xi32, #tpu.memory_space<vmem>>
      %dma_start3A_357 = tpu.memref_squeeze %dma_start3A_356 : memref<1x80xi32, #tpu.memory_space<vmem>> -> memref<80xi32, #tpu.memory_space<vmem>>
      %dma_start3A_358 = arith.constant 0 : i32
      %dma_start3A_359 = arith.constant 0 : i32
      %dma_start3A_360 = tpu.memref_slice %arg13[%dma_start3A_358, %dma_start3A_359] : memref<10240x128xf32, #tpu.memory_space<vmem_shared>> -> memref<10240x128xf32, #tpu.memory_space<vmem_shared>>
      tpu.enqueue_indirect_dma source(%dma_start3A_354 : memref<80x128xf32, #tpu.memory_space<vmem>>) target(%dma_start3A_360 : memref<10240x128xf32, #tpu.memory_space<vmem_shared>>) offsets(%dma_start3A_357 : memref<80xi32, #tpu.memory_space<vmem>>) semaphore(%arg17 : memref<!tpu.dma_semaphore, #tpu.memory_space<semaphore_mem>>) {add = true}
      %mul3A_361 = arith.constant 6 : i32
      %mul3A_362 = arith.muli %add3A_166, %mul3A_361 : i32
      %add3A_363 = arith.constant 3 : i32
      %add3A_364 = arith.addi %mul3A_362, %add3A_363 : i32
      %ge3A_365 = arith.constant 2 : i32
      %ge3A_366 = arith.cmpi sge, %add3A_364, %ge3A_365 : i32
      %convert_element_type3A_367 = arith.extui %ge3A_366 : i1 to i32
      %cond3A_368 = arith.constant 0 : i32
      %cond3A_369 = arith.cmpi ne, %convert_element_type3A_367, %cond3A_368 : i32
      scf.if %cond3A_369 {
        %dma_wait3A_559 = arith.constant 1 : i32
        %dma_wait3A_560 = arith.constant 0 : i32
        %dma_wait3A_561 = arith.constant 0 : i32
        %dma_wait3A_562 = arith.constant 0 : i32
        %dma_wait3A_563 = tpu.memref_slice %arg12[%dma_wait3A_559, %dma_wait3A_561, %dma_wait3A_562] : memref<2x80x128xf32, #tpu.memory_space<vmem>> -> memref<1x80x128xf32, #tpu.memory_space<vmem>>
        %dma_wait3A_564 = tpu.memref_squeeze %dma_wait3A_563 : memref<1x80x128xf32, #tpu.memory_space<vmem>> -> memref<80x128xf32, #tpu.memory_space<vmem>>
        %dma_wait3A_565 = arith.constant 0 : i32
        %dma_wait3A_566 = tpu.memref_slice %arg9[%dma_wait3A_560, %dma_wait3A_565] : memref<6x80xi32, #tpu.memory_space<vmem>> -> memref<1x80xi32, #tpu.memory_space<vmem>>
        %dma_wait3A_567 = tpu.memref_squeeze %dma_wait3A_566 : memref<1x80xi32, #tpu.memory_space<vmem>> -> memref<80xi32, #tpu.memory_space<vmem>>
        %dma_wait3A_568 = arith.constant 0 : i32
        %dma_wait3A_569 = arith.constant 0 : i32
        %dma_wait3A_570 = tpu.memref_slice %arg13[%dma_wait3A_568, %dma_wait3A_569] : memref<10240x128xf32, #tpu.memory_space<vmem_shared>> -> memref<10240x128xf32, #tpu.memory_space<vmem_shared>>
        tpu.wait_indirect_dma semaphore(%arg18 : memref<!tpu.dma_semaphore, #tpu.memory_space<semaphore_mem>>) src(%dma_wait3A_564 : memref<80x128xf32, #tpu.memory_space<vmem>>) dst(%dma_wait3A_570 : memref<10240x128xf32, #tpu.memory_space<vmem_shared>>)
      } else {
      }
      %add3A_370 = arith.constant 2 : i32
      %add3A_371 = arith.addi %add3A_364, %add3A_370 : i32
      %lt3A_372 = arith.constant 126 : i32
      %lt3A_373 = arith.cmpi slt, %add3A_371, %lt3A_372 : i32
      %convert_element_type3A_374 = arith.extui %lt3A_373 : i1 to i32
      %cond3A_375 = arith.constant 0 : i32
      %cond3A_376 = arith.cmpi ne, %convert_element_type3A_374, %cond3A_375 : i32
      scf.if %cond3A_376 {
        %add3A_559 = arith.constant 2 : i32
        %add3A_560 = arith.addi %add3A_364, %add3A_559 : i32
        %mul3A_561 = arith.constant 80 : i32
        %mul3A_562 = arith.muli %add3A_560, %mul3A_561 : i32
        %dma_start3A_563 = arith.constant 2 : i32
        %dma_start3A_564 = arith.constant 0 : i32
        %dma_start3A_565 = arith.constant 0 : i32
        %dma_start3A_566 = tpu.memref_slice %arg11[%dma_start3A_563, %dma_start3A_564, %dma_start3A_565] : memref<3x80x64xi32, #tpu.memory_space<vmem>> -> memref<1x80x64xi32, #tpu.memory_space<vmem>>
        %dma_start3A_567 = tpu.memref_squeeze %dma_start3A_566 : memref<1x80x64xi32, #tpu.memory_space<vmem>> -> memref<80x64xi32, #tpu.memory_space<vmem>>
        %dma_start3A_568 = tpu.memref_slice %arg8[%mul3A_562] : memref<10080xi32, #tpu.memory_space<vmem>> -> memref<80xi32, #tpu.memory_space<vmem>>
        %dma_start3A_569 = arith.constant 0 : i32
        %dma_start3A_570 = arith.constant 0 : i32
        %dma_start3A_571 = tpu.memref_slice %arg2[%dma_start3A_569, %dma_start3A_570] : memref<10240x64xi32, #tpu.memory_space<hbm>> -> memref<10240x64xi32, #tpu.memory_space<hbm>>
        tpu.enqueue_indirect_dma source(%dma_start3A_571 : memref<10240x64xi32, #tpu.memory_space<hbm>>) target(%dma_start3A_567 : memref<80x64xi32, #tpu.memory_space<vmem>>) offsets(%dma_start3A_568 : memref<80xi32, #tpu.memory_space<vmem>>) semaphore(%arg16 : memref<!tpu.dma_semaphore, #tpu.memory_space<semaphore_mem>>)
        %add3A_572 = arith.constant 2 : i32
        %add3A_573 = arith.addi %add3A_364, %add3A_572 : i32
        %mul3A_574 = arith.constant 80 : i32
        %mul3A_575 = arith.muli %add3A_573, %mul3A_574 : i32
        %add3A_576 = arith.addi %mul3A_6, %mul3A_575 : i32
        %dma_start3A_577 = arith.constant 5 : i32
        %dma_start3A_578 = arith.constant 0 : i32
        %dma_start3A_579 = tpu.memref_slice %arg9[%dma_start3A_577, %dma_start3A_578] : memref<6x80xi32, #tpu.memory_space<vmem>> -> memref<1x80xi32, #tpu.memory_space<vmem>>
        %dma_start3A_580 = tpu.memref_squeeze %dma_start3A_579 : memref<1x80xi32, #tpu.memory_space<vmem>> -> memref<80xi32, #tpu.memory_space<vmem>>
        %dma_start3A_581 = tpu.memref_slice %arg4[%add3A_576] : memref<322560xi32, #tpu.memory_space<hbm>> -> memref<80xi32, #tpu.memory_space<hbm>>
        %dma_start3A_582 = arith.constant 0 : i32
        %dma_start3A_583 = tpu.memref_slice %arg9[%dma_start3A_577, %dma_start3A_582] : memref<6x80xi32, #tpu.memory_space<vmem>> -> memref<1x80xi32, #tpu.memory_space<vmem>>
        %dma_start3A_584 = tpu.memref_squeeze %dma_start3A_583 : memref<1x80xi32, #tpu.memory_space<vmem>> -> memref<80xi32, #tpu.memory_space<vmem>>
        %dma_start3A_585 = tpu.memref_slice %arg4[%add3A_576] : memref<322560xi32, #tpu.memory_space<hbm>> -> memref<80xi32, #tpu.memory_space<hbm>>
        tpu.enqueue_dma source(%dma_start3A_585 : memref<80xi32, #tpu.memory_space<hbm>>) target(%dma_start3A_584 : memref<80xi32, #tpu.memory_space<vmem>>) target_semaphore(%arg24 : memref<!tpu.dma_semaphore, #tpu.memory_space<semaphore_mem>>)
        %dma_start3A_586 = arith.constant 5 : i32
        %dma_start3A_587 = arith.constant 0 : i32
        %dma_start3A_588 = tpu.memref_slice %arg10[%dma_start3A_586, %dma_start3A_587] : memref<6x80xf32, #tpu.memory_space<vmem>> -> memref<1x80xf32, #tpu.memory_space<vmem>>
        %dma_start3A_589 = tpu.memref_squeeze %dma_start3A_588 : memref<1x80xf32, #tpu.memory_space<vmem>> -> memref<80xf32, #tpu.memory_space<vmem>>
        %dma_start3A_590 = tpu.memref_slice %arg5[%add3A_576] : memref<322560xf32, #tpu.memory_space<hbm>> -> memref<80xf32, #tpu.memory_space<hbm>>
        %dma_start3A_591 = arith.constant 0 : i32
        %dma_start3A_592 = tpu.memref_slice %arg10[%dma_start3A_586, %dma_start3A_591] : memref<6x80xf32, #tpu.memory_space<vmem>> -> memref<1x80xf32, #tpu.memory_space<vmem>>
        %dma_start3A_593 = tpu.memref_squeeze %dma_start3A_592 : memref<1x80xf32, #tpu.memory_space<vmem>> -> memref<80xf32, #tpu.memory_space<vmem>>
        %dma_start3A_594 = tpu.memref_slice %arg5[%add3A_576] : memref<322560xf32, #tpu.memory_space<hbm>> -> memref<80xf32, #tpu.memory_space<hbm>>
        tpu.enqueue_dma source(%dma_start3A_594 : memref<80xf32, #tpu.memory_space<hbm>>) target(%dma_start3A_593 : memref<80xf32, #tpu.memory_space<vmem>>) target_semaphore(%arg24 : memref<!tpu.dma_semaphore, #tpu.memory_space<semaphore_mem>>)
      } else {
      }
      %dma_wait3A_377 = arith.constant 0 : i32
      %dma_wait3A_378 = arith.constant 0 : i32
      %dma_wait3A_379 = arith.constant 0 : i32
      %dma_wait3A_380 = tpu.memref_slice %arg11[%dma_wait3A_377, %dma_wait3A_378, %dma_wait3A_379] : memref<3x80x64xi32, #tpu.memory_space<vmem>> -> memref<1x80x64xi32, #tpu.memory_space<vmem>>
      %dma_wait3A_381 = tpu.memref_squeeze %dma_wait3A_380 : memref<1x80x64xi32, #tpu.memory_space<vmem>> -> memref<80x64xi32, #tpu.memory_space<vmem>>
      %dma_wait3A_382 = arith.constant 0 : i32
      %dma_wait3A_383 = tpu.memref_slice %arg8[%dma_wait3A_382] : memref<10080xi32, #tpu.memory_space<vmem>> -> memref<80xi32, #tpu.memory_space<vmem>>
      %dma_wait3A_384 = arith.constant 0 : i32
      %dma_wait3A_385 = arith.constant 0 : i32
      %dma_wait3A_386 = tpu.memref_slice %arg2[%dma_wait3A_384, %dma_wait3A_385] : memref<10240x64xi32, #tpu.memory_space<hbm>> -> memref<10240x64xi32, #tpu.memory_space<hbm>>
      tpu.wait_indirect_dma semaphore(%arg14 : memref<!tpu.dma_semaphore, #tpu.memory_space<semaphore_mem>>) src(%dma_wait3A_386 : memref<10240x64xi32, #tpu.memory_space<hbm>>) dst(%dma_wait3A_381 : memref<80x64xi32, #tpu.memory_space<vmem>>)
      %dma_wait3A_387 = arith.constant 3 : i32
      %dma_wait3A_388 = arith.constant 0 : i32
      %dma_wait3A_389 = tpu.memref_slice %arg9[%dma_wait3A_387, %dma_wait3A_388] : memref<6x80xi32, #tpu.memory_space<vmem>> -> memref<1x80xi32, #tpu.memory_space<vmem>>
      %dma_wait3A_390 = tpu.memref_squeeze %dma_wait3A_389 : memref<1x80xi32, #tpu.memory_space<vmem>> -> memref<80xi32, #tpu.memory_space<vmem>>
      %dma_wait3A_391 = arith.constant 0 : i32
      %dma_wait3A_392 = tpu.memref_slice %arg4[%dma_wait3A_391] : memref<322560xi32, #tpu.memory_space<hbm>> -> memref<80xi32, #tpu.memory_space<hbm>>
      %dma_wait3A_393 = arith.constant 0 : i32
      %dma_wait3A_394 = tpu.memref_slice %arg9[%dma_wait3A_387, %dma_wait3A_393] : memref<6x80xi32, #tpu.memory_space<vmem>> -> memref<1x80xi32, #tpu.memory_space<vmem>>
      %dma_wait3A_395 = tpu.memref_squeeze %dma_wait3A_394 : memref<1x80xi32, #tpu.memory_space<vmem>> -> memref<80xi32, #tpu.memory_space<vmem>>
      %dma_wait3A_396 = arith.constant 0 : i32
      %dma_wait3A_397 = tpu.memref_slice %arg4[%dma_wait3A_396] : memref<322560xi32, #tpu.memory_space<hbm>> -> memref<80xi32, #tpu.memory_space<hbm>>
      tpu.wait_dma2 semaphore(%arg22 : memref<!tpu.dma_semaphore, #tpu.memory_space<semaphore_mem>>) src(%dma_wait3A_397 : memref<80xi32, #tpu.memory_space<hbm>>) dst(%dma_wait3A_395 : memref<80xi32, #tpu.memory_space<vmem>>)
      %dma_wait3A_398 = arith.constant 3 : i32
      %dma_wait3A_399 = arith.constant 0 : i32
      %dma_wait3A_400 = tpu.memref_slice %arg10[%dma_wait3A_398, %dma_wait3A_399] : memref<6x80xf32, #tpu.memory_space<vmem>> -> memref<1x80xf32, #tpu.memory_space<vmem>>
      %dma_wait3A_401 = tpu.memref_squeeze %dma_wait3A_400 : memref<1x80xf32, #tpu.memory_space<vmem>> -> memref<80xf32, #tpu.memory_space<vmem>>
      %dma_wait3A_402 = arith.constant 0 : i32
      %dma_wait3A_403 = tpu.memref_slice %arg5[%dma_wait3A_402] : memref<322560xf32, #tpu.memory_space<hbm>> -> memref<80xf32, #tpu.memory_space<hbm>>
      %dma_wait3A_404 = arith.constant 0 : i32
      %dma_wait3A_405 = tpu.memref_slice %arg10[%dma_wait3A_398, %dma_wait3A_404] : memref<6x80xf32, #tpu.memory_space<vmem>> -> memref<1x80xf32, #tpu.memory_space<vmem>>
      %dma_wait3A_406 = tpu.memref_squeeze %dma_wait3A_405 : memref<1x80xf32, #tpu.memory_space<vmem>> -> memref<80xf32, #tpu.memory_space<vmem>>
      %dma_wait3A_407 = arith.constant 0 : i32
      %dma_wait3A_408 = tpu.memref_slice %arg5[%dma_wait3A_407] : memref<322560xf32, #tpu.memory_space<hbm>> -> memref<80xf32, #tpu.memory_space<hbm>>
      tpu.wait_dma2 semaphore(%arg22 : memref<!tpu.dma_semaphore, #tpu.memory_space<semaphore_mem>>) src(%dma_wait3A_408 : memref<80xf32, #tpu.memory_space<hbm>>) dst(%dma_wait3A_406 : memref<80xf32, #tpu.memory_space<vmem>>)
      %scan3A_409 = arith.constant 0 : i32
      %mul3A_410 = arith.constant 1 : i32
      %mul3A_411 = arith.muli %scan3A_409, %mul3A_410 : i32
      %add3A_412 = arith.constant 0 : i32
      %add3A_413 = arith.addi %add3A_412, %mul3A_411 : i32
      %scan3A_414 = arith.constant 1 : i32
      %dma_start3A_415 = arith.constant 1 : i32
      %dma_start3A_416 = arith.constant 3 : i32
      %dma_start3A_417 = arith.constant 0 : i32
      %dma_start3A_418 = arith.constant 0 : i32
      %dma_start3A_419 = tpu.memref_slice %arg12[%dma_start3A_415, %dma_start3A_417, %dma_start3A_418] : memref<2x80x128xf32, #tpu.memory_space<vmem>> -> memref<1x80x128xf32, #tpu.memory_space<vmem>>
      %dma_start3A_420 = tpu.memref_squeeze %dma_start3A_419 : memref<1x80x128xf32, #tpu.memory_space<vmem>> -> memref<80x128xf32, #tpu.memory_space<vmem>>
      %dma_start3A_421 = arith.constant 0 : i32
      %dma_start3A_422 = tpu.memref_slice %arg9[%dma_start3A_416, %dma_start3A_421] : memref<6x80xi32, #tpu.memory_space<vmem>> -> memref<1x80xi32, #tpu.memory_space<vmem>>
      %dma_start3A_423 = tpu.memref_squeeze %dma_start3A_422 : memref<1x80xi32, #tpu.memory_space<vmem>> -> memref<80xi32, #tpu.memory_space<vmem>>
      %dma_start3A_424 = arith.constant 0 : i32
      %dma_start3A_425 = arith.constant 0 : i32
      %dma_start3A_426 = tpu.memref_slice %arg13[%dma_start3A_424, %dma_start3A_425] : memref<10240x128xf32, #tpu.memory_space<vmem_shared>> -> memref<10240x128xf32, #tpu.memory_space<vmem_shared>>
      tpu.enqueue_indirect_dma source(%dma_start3A_420 : memref<80x128xf32, #tpu.memory_space<vmem>>) target(%dma_start3A_426 : memref<10240x128xf32, #tpu.memory_space<vmem_shared>>) offsets(%dma_start3A_423 : memref<80xi32, #tpu.memory_space<vmem>>) semaphore(%arg18 : memref<!tpu.dma_semaphore, #tpu.memory_space<semaphore_mem>>) {add = true}
      %mul3A_427 = arith.constant 6 : i32
      %mul3A_428 = arith.muli %add3A_166, %mul3A_427 : i32
      %add3A_429 = arith.constant 4 : i32
      %add3A_430 = arith.addi %mul3A_428, %add3A_429 : i32
      %ge3A_431 = arith.constant 2 : i32
      %ge3A_432 = arith.cmpi sge, %add3A_430, %ge3A_431 : i32
      %convert_element_type3A_433 = arith.extui %ge3A_432 : i1 to i32
      %cond3A_434 = arith.constant 0 : i32
      %cond3A_435 = arith.cmpi ne, %convert_element_type3A_433, %cond3A_434 : i32
      scf.if %cond3A_435 {
        %dma_wait3A_559 = arith.constant 0 : i32
        %dma_wait3A_560 = arith.constant 0 : i32
        %dma_wait3A_561 = arith.constant 0 : i32
        %dma_wait3A_562 = arith.constant 0 : i32
        %dma_wait3A_563 = tpu.memref_slice %arg12[%dma_wait3A_559, %dma_wait3A_561, %dma_wait3A_562] : memref<2x80x128xf32, #tpu.memory_space<vmem>> -> memref<1x80x128xf32, #tpu.memory_space<vmem>>
        %dma_wait3A_564 = tpu.memref_squeeze %dma_wait3A_563 : memref<1x80x128xf32, #tpu.memory_space<vmem>> -> memref<80x128xf32, #tpu.memory_space<vmem>>
        %dma_wait3A_565 = arith.constant 0 : i32
        %dma_wait3A_566 = tpu.memref_slice %arg9[%dma_wait3A_560, %dma_wait3A_565] : memref<6x80xi32, #tpu.memory_space<vmem>> -> memref<1x80xi32, #tpu.memory_space<vmem>>
        %dma_wait3A_567 = tpu.memref_squeeze %dma_wait3A_566 : memref<1x80xi32, #tpu.memory_space<vmem>> -> memref<80xi32, #tpu.memory_space<vmem>>
        %dma_wait3A_568 = arith.constant 0 : i32
        %dma_wait3A_569 = arith.constant 0 : i32
        %dma_wait3A_570 = tpu.memref_slice %arg13[%dma_wait3A_568, %dma_wait3A_569] : memref<10240x128xf32, #tpu.memory_space<vmem_shared>> -> memref<10240x128xf32, #tpu.memory_space<vmem_shared>>
        tpu.wait_indirect_dma semaphore(%arg17 : memref<!tpu.dma_semaphore, #tpu.memory_space<semaphore_mem>>) src(%dma_wait3A_564 : memref<80x128xf32, #tpu.memory_space<vmem>>) dst(%dma_wait3A_570 : memref<10240x128xf32, #tpu.memory_space<vmem_shared>>)
      } else {
      }
      %add3A_436 = arith.constant 2 : i32
      %add3A_437 = arith.addi %add3A_430, %add3A_436 : i32
      %lt3A_438 = arith.constant 126 : i32
      %lt3A_439 = arith.cmpi slt, %add3A_437, %lt3A_438 : i32
      %convert_element_type3A_440 = arith.extui %lt3A_439 : i1 to i32
      %cond3A_441 = arith.constant 0 : i32
      %cond3A_442 = arith.cmpi ne, %convert_element_type3A_440, %cond3A_441 : i32
      scf.if %cond3A_442 {
        %add3A_559 = arith.constant 2 : i32
        %add3A_560 = arith.addi %add3A_430, %add3A_559 : i32
        %mul3A_561 = arith.constant 80 : i32
        %mul3A_562 = arith.muli %add3A_560, %mul3A_561 : i32
        %dma_start3A_563 = arith.constant 0 : i32
        %dma_start3A_564 = arith.constant 0 : i32
        %dma_start3A_565 = arith.constant 0 : i32
        %dma_start3A_566 = tpu.memref_slice %arg11[%dma_start3A_563, %dma_start3A_564, %dma_start3A_565] : memref<3x80x64xi32, #tpu.memory_space<vmem>> -> memref<1x80x64xi32, #tpu.memory_space<vmem>>
        %dma_start3A_567 = tpu.memref_squeeze %dma_start3A_566 : memref<1x80x64xi32, #tpu.memory_space<vmem>> -> memref<80x64xi32, #tpu.memory_space<vmem>>
        %dma_start3A_568 = tpu.memref_slice %arg8[%mul3A_562] : memref<10080xi32, #tpu.memory_space<vmem>> -> memref<80xi32, #tpu.memory_space<vmem>>
        %dma_start3A_569 = arith.constant 0 : i32
        %dma_start3A_570 = arith.constant 0 : i32
        %dma_start3A_571 = tpu.memref_slice %arg2[%dma_start3A_569, %dma_start3A_570] : memref<10240x64xi32, #tpu.memory_space<hbm>> -> memref<10240x64xi32, #tpu.memory_space<hbm>>
        tpu.enqueue_indirect_dma source(%dma_start3A_571 : memref<10240x64xi32, #tpu.memory_space<hbm>>) target(%dma_start3A_567 : memref<80x64xi32, #tpu.memory_space<vmem>>) offsets(%dma_start3A_568 : memref<80xi32, #tpu.memory_space<vmem>>) semaphore(%arg14 : memref<!tpu.dma_semaphore, #tpu.memory_space<semaphore_mem>>)
        %add3A_572 = arith.constant 2 : i32
        %add3A_573 = arith.addi %add3A_430, %add3A_572 : i32
        %mul3A_574 = arith.constant 80 : i32
        %mul3A_575 = arith.muli %add3A_573, %mul3A_574 : i32
        %add3A_576 = arith.addi %mul3A_6, %mul3A_575 : i32
        %dma_start3A_577 = arith.constant 0 : i32
        %dma_start3A_578 = arith.constant 0 : i32
        %dma_start3A_579 = tpu.memref_slice %arg9[%dma_start3A_577, %dma_start3A_578] : memref<6x80xi32, #tpu.memory_space<vmem>> -> memref<1x80xi32, #tpu.memory_space<vmem>>
        %dma_start3A_580 = tpu.memref_squeeze %dma_start3A_579 : memref<1x80xi32, #tpu.memory_space<vmem>> -> memref<80xi32, #tpu.memory_space<vmem>>
        %dma_start3A_581 = tpu.memref_slice %arg4[%add3A_576] : memref<322560xi32, #tpu.memory_space<hbm>> -> memref<80xi32, #tpu.memory_space<hbm>>
        %dma_start3A_582 = arith.constant 0 : i32
        %dma_start3A_583 = tpu.memref_slice %arg9[%dma_start3A_577, %dma_start3A_582] : memref<6x80xi32, #tpu.memory_space<vmem>> -> memref<1x80xi32, #tpu.memory_space<vmem>>
        %dma_start3A_584 = tpu.memref_squeeze %dma_start3A_583 : memref<1x80xi32, #tpu.memory_space<vmem>> -> memref<80xi32, #tpu.memory_space<vmem>>
        %dma_start3A_585 = tpu.memref_slice %arg4[%add3A_576] : memref<322560xi32, #tpu.memory_space<hbm>> -> memref<80xi32, #tpu.memory_space<hbm>>
        tpu.enqueue_dma source(%dma_start3A_585 : memref<80xi32, #tpu.memory_space<hbm>>) target(%dma_start3A_584 : memref<80xi32, #tpu.memory_space<vmem>>) target_semaphore(%arg19 : memref<!tpu.dma_semaphore, #tpu.memory_space<semaphore_mem>>)
        %dma_start3A_586 = arith.constant 0 : i32
        %dma_start3A_587 = arith.constant 0 : i32
        %dma_start3A_588 = tpu.memref_slice %arg10[%dma_start3A_586, %dma_start3A_587] : memref<6x80xf32, #tpu.memory_space<vmem>> -> memref<1x80xf32, #tpu.memory_space<vmem>>
        %dma_start3A_589 = tpu.memref_squeeze %dma_start3A_588 : memref<1x80xf32, #tpu.memory_space<vmem>> -> memref<80xf32, #tpu.memory_space<vmem>>
        %dma_start3A_590 = tpu.memref_slice %arg5[%add3A_576] : memref<322560xf32, #tpu.memory_space<hbm>> -> memref<80xf32, #tpu.memory_space<hbm>>
        %dma_start3A_591 = arith.constant 0 : i32
        %dma_start3A_592 = tpu.memref_slice %arg10[%dma_start3A_586, %dma_start3A_591] : memref<6x80xf32, #tpu.memory_space<vmem>> -> memref<1x80xf32, #tpu.memory_space<vmem>>
        %dma_start3A_593 = tpu.memref_squeeze %dma_start3A_592 : memref<1x80xf32, #tpu.memory_space<vmem>> -> memref<80xf32, #tpu.memory_space<vmem>>
        %dma_start3A_594 = tpu.memref_slice %arg5[%add3A_576] : memref<322560xf32, #tpu.memory_space<hbm>> -> memref<80xf32, #tpu.memory_space<hbm>>
        tpu.enqueue_dma source(%dma_start3A_594 : memref<80xf32, #tpu.memory_space<hbm>>) target(%dma_start3A_593 : memref<80xf32, #tpu.memory_space<vmem>>) target_semaphore(%arg19 : memref<!tpu.dma_semaphore, #tpu.memory_space<semaphore_mem>>)
      } else {
      }
      %dma_wait3A_443 = arith.constant 1 : i32
      %dma_wait3A_444 = arith.constant 0 : i32
      %dma_wait3A_445 = arith.constant 0 : i32
      %dma_wait3A_446 = tpu.memref_slice %arg11[%dma_wait3A_443, %dma_wait3A_444, %dma_wait3A_445] : memref<3x80x64xi32, #tpu.memory_space<vmem>> -> memref<1x80x64xi32, #tpu.memory_space<vmem>>
      %dma_wait3A_447 = tpu.memref_squeeze %dma_wait3A_446 : memref<1x80x64xi32, #tpu.memory_space<vmem>> -> memref<80x64xi32, #tpu.memory_space<vmem>>
      %dma_wait3A_448 = arith.constant 0 : i32
      %dma_wait3A_449 = tpu.memref_slice %arg8[%dma_wait3A_448] : memref<10080xi32, #tpu.memory_space<vmem>> -> memref<80xi32, #tpu.memory_space<vmem>>
      %dma_wait3A_450 = arith.constant 0 : i32
      %dma_wait3A_451 = arith.constant 0 : i32
      %dma_wait3A_452 = tpu.memref_slice %arg2[%dma_wait3A_450, %dma_wait3A_451] : memref<10240x64xi32, #tpu.memory_space<hbm>> -> memref<10240x64xi32, #tpu.memory_space<hbm>>
      tpu.wait_indirect_dma semaphore(%arg15 : memref<!tpu.dma_semaphore, #tpu.memory_space<semaphore_mem>>) src(%dma_wait3A_452 : memref<10240x64xi32, #tpu.memory_space<hbm>>) dst(%dma_wait3A_447 : memref<80x64xi32, #tpu.memory_space<vmem>>)
      %dma_wait3A_453 = arith.constant 4 : i32
      %dma_wait3A_454 = arith.constant 0 : i32
      %dma_wait3A_455 = tpu.memref_slice %arg9[%dma_wait3A_453, %dma_wait3A_454] : memref<6x80xi32, #tpu.memory_space<vmem>> -> memref<1x80xi32, #tpu.memory_space<vmem>>
      %dma_wait3A_456 = tpu.memref_squeeze %dma_wait3A_455 : memref<1x80xi32, #tpu.memory_space<vmem>> -> memref<80xi32, #tpu.memory_space<vmem>>
      %dma_wait3A_457 = arith.constant 0 : i32
      %dma_wait3A_458 = tpu.memref_slice %arg4[%dma_wait3A_457] : memref<322560xi32, #tpu.memory_space<hbm>> -> memref<80xi32, #tpu.memory_space<hbm>>
      %dma_wait3A_459 = arith.constant 0 : i32
      %dma_wait3A_460 = tpu.memref_slice %arg9[%dma_wait3A_453, %dma_wait3A_459] : memref<6x80xi32, #tpu.memory_space<vmem>> -> memref<1x80xi32, #tpu.memory_space<vmem>>
      %dma_wait3A_461 = tpu.memref_squeeze %dma_wait3A_460 : memref<1x80xi32, #tpu.memory_space<vmem>> -> memref<80xi32, #tpu.memory_space<vmem>>
      %dma_wait3A_462 = arith.constant 0 : i32
      %dma_wait3A_463 = tpu.memref_slice %arg4[%dma_wait3A_462] : memref<322560xi32, #tpu.memory_space<hbm>> -> memref<80xi32, #tpu.memory_space<hbm>>
      tpu.wait_dma2 semaphore(%arg23 : memref<!tpu.dma_semaphore, #tpu.memory_space<semaphore_mem>>) src(%dma_wait3A_463 : memref<80xi32, #tpu.memory_space<hbm>>) dst(%dma_wait3A_461 : memref<80xi32, #tpu.memory_space<vmem>>)
      %dma_wait3A_464 = arith.constant 4 : i32
      %dma_wait3A_465 = arith.constant 0 : i32
      %dma_wait3A_466 = tpu.memref_slice %arg10[%dma_wait3A_464, %dma_wait3A_465] : memref<6x80xf32, #tpu.memory_space<vmem>> -> memref<1x80xf32, #tpu.memory_space<vmem>>
      %dma_wait3A_467 = tpu.memref_squeeze %dma_wait3A_466 : memref<1x80xf32, #tpu.memory_space<vmem>> -> memref<80xf32, #tpu.memory_space<vmem>>
      %dma_wait3A_468 = arith.constant 0 : i32
      %dma_wait3A_469 = tpu.memref_slice %arg5[%dma_wait3A_468] : memref<322560xf32, #tpu.memory_space<hbm>> -> memref<80xf32, #tpu.memory_space<hbm>>
      %dma_wait3A_470 = arith.constant 0 : i32
      %dma_wait3A_471 = tpu.memref_slice %arg10[%dma_wait3A_464, %dma_wait3A_470] : memref<6x80xf32, #tpu.memory_space<vmem>> -> memref<1x80xf32, #tpu.memory_space<vmem>>
      %dma_wait3A_472 = tpu.memref_squeeze %dma_wait3A_471 : memref<1x80xf32, #tpu.memory_space<vmem>> -> memref<80xf32, #tpu.memory_space<vmem>>
      %dma_wait3A_473 = arith.constant 0 : i32
      %dma_wait3A_474 = tpu.memref_slice %arg5[%dma_wait3A_473] : memref<322560xf32, #tpu.memory_space<hbm>> -> memref<80xf32, #tpu.memory_space<hbm>>
      tpu.wait_dma2 semaphore(%arg23 : memref<!tpu.dma_semaphore, #tpu.memory_space<semaphore_mem>>) src(%dma_wait3A_474 : memref<80xf32, #tpu.memory_space<hbm>>) dst(%dma_wait3A_472 : memref<80xf32, #tpu.memory_space<vmem>>)
      %scan3A_475 = arith.constant 0 : i32
      %mul3A_476 = arith.constant 1 : i32
      %mul3A_477 = arith.muli %scan3A_475, %mul3A_476 : i32
      %add3A_478 = arith.constant 0 : i32
      %add3A_479 = arith.addi %add3A_478, %mul3A_477 : i32
      %scan3A_480 = arith.constant 1 : i32
      %dma_start3A_481 = arith.constant 0 : i32
      %dma_start3A_482 = arith.constant 4 : i32
      %dma_start3A_483 = arith.constant 0 : i32
      %dma_start3A_484 = arith.constant 0 : i32
      %dma_start3A_485 = tpu.memref_slice %arg12[%dma_start3A_481, %dma_start3A_483, %dma_start3A_484] : memref<2x80x128xf32, #tpu.memory_space<vmem>> -> memref<1x80x128xf32, #tpu.memory_space<vmem>>
      %dma_start3A_486 = tpu.memref_squeeze %dma_start3A_485 : memref<1x80x128xf32, #tpu.memory_space<vmem>> -> memref<80x128xf32, #tpu.memory_space<vmem>>
      %dma_start3A_487 = arith.constant 0 : i32
      %dma_start3A_488 = tpu.memref_slice %arg9[%dma_start3A_482, %dma_start3A_487] : memref<6x80xi32, #tpu.memory_space<vmem>> -> memref<1x80xi32, #tpu.memory_space<vmem>>
      %dma_start3A_489 = tpu.memref_squeeze %dma_start3A_488 : memref<1x80xi32, #tpu.memory_space<vmem>> -> memref<80xi32, #tpu.memory_space<vmem>>
      %dma_start3A_490 = arith.constant 0 : i32
      %dma_start3A_491 = arith.constant 0 : i32
      %dma_start3A_492 = tpu.memref_slice %arg13[%dma_start3A_490, %dma_start3A_491] : memref<10240x128xf32, #tpu.memory_space<vmem_shared>> -> memref<10240x128xf32, #tpu.memory_space<vmem_shared>>
      tpu.enqueue_indirect_dma source(%dma_start3A_486 : memref<80x128xf32, #tpu.memory_space<vmem>>) target(%dma_start3A_492 : memref<10240x128xf32, #tpu.memory_space<vmem_shared>>) offsets(%dma_start3A_489 : memref<80xi32, #tpu.memory_space<vmem>>) semaphore(%arg17 : memref<!tpu.dma_semaphore, #tpu.memory_space<semaphore_mem>>) {add = true}
      %mul3A_493 = arith.constant 6 : i32
      %mul3A_494 = arith.muli %add3A_166, %mul3A_493 : i32
      %add3A_495 = arith.constant 5 : i32
      %add3A_496 = arith.addi %mul3A_494, %add3A_495 : i32
      %ge3A_497 = arith.constant 2 : i32
      %ge3A_498 = arith.cmpi sge, %add3A_496, %ge3A_497 : i32
      %convert_element_type3A_499 = arith.extui %ge3A_498 : i1 to i32
      %cond3A_500 = arith.constant 0 : i32
      %cond3A_501 = arith.cmpi ne, %convert_element_type3A_499, %cond3A_500 : i32
      scf.if %cond3A_501 {
        %dma_wait3A_559 = arith.constant 1 : i32
        %dma_wait3A_560 = arith.constant 0 : i32
        %dma_wait3A_561 = arith.constant 0 : i32
        %dma_wait3A_562 = arith.constant 0 : i32
        %dma_wait3A_563 = tpu.memref_slice %arg12[%dma_wait3A_559, %dma_wait3A_561, %dma_wait3A_562] : memref<2x80x128xf32, #tpu.memory_space<vmem>> -> memref<1x80x128xf32, #tpu.memory_space<vmem>>
        %dma_wait3A_564 = tpu.memref_squeeze %dma_wait3A_563 : memref<1x80x128xf32, #tpu.memory_space<vmem>> -> memref<80x128xf32, #tpu.memory_space<vmem>>
        %dma_wait3A_565 = arith.constant 0 : i32
        %dma_wait3A_566 = tpu.memref_slice %arg9[%dma_wait3A_560, %dma_wait3A_565] : memref<6x80xi32, #tpu.memory_space<vmem>> -> memref<1x80xi32, #tpu.memory_space<vmem>>
        %dma_wait3A_567 = tpu.memref_squeeze %dma_wait3A_566 : memref<1x80xi32, #tpu.memory_space<vmem>> -> memref<80xi32, #tpu.memory_space<vmem>>
        %dma_wait3A_568 = arith.constant 0 : i32
        %dma_wait3A_569 = arith.constant 0 : i32
        %dma_wait3A_570 = tpu.memref_slice %arg13[%dma_wait3A_568, %dma_wait3A_569] : memref<10240x128xf32, #tpu.memory_space<vmem_shared>> -> memref<10240x128xf32, #tpu.memory_space<vmem_shared>>
        tpu.wait_indirect_dma semaphore(%arg18 : memref<!tpu.dma_semaphore, #tpu.memory_space<semaphore_mem>>) src(%dma_wait3A_564 : memref<80x128xf32, #tpu.memory_space<vmem>>) dst(%dma_wait3A_570 : memref<10240x128xf32, #tpu.memory_space<vmem_shared>>)
      } else {
      }
      %add3A_502 = arith.constant 2 : i32
      %add3A_503 = arith.addi %add3A_496, %add3A_502 : i32
      %lt3A_504 = arith.constant 126 : i32
      %lt3A_505 = arith.cmpi slt, %add3A_503, %lt3A_504 : i32
      %convert_element_type3A_506 = arith.extui %lt3A_505 : i1 to i32
      %cond3A_507 = arith.constant 0 : i32
      %cond3A_508 = arith.cmpi ne, %convert_element_type3A_506, %cond3A_507 : i32
      scf.if %cond3A_508 {
        %add3A_559 = arith.constant 2 : i32
        %add3A_560 = arith.addi %add3A_496, %add3A_559 : i32
        %mul3A_561 = arith.constant 80 : i32
        %mul3A_562 = arith.muli %add3A_560, %mul3A_561 : i32
        %dma_start3A_563 = arith.constant 1 : i32
        %dma_start3A_564 = arith.constant 0 : i32
        %dma_start3A_565 = arith.constant 0 : i32
        %dma_start3A_566 = tpu.memref_slice %arg11[%dma_start3A_563, %dma_start3A_564, %dma_start3A_565] : memref<3x80x64xi32, #tpu.memory_space<vmem>> -> memref<1x80x64xi32, #tpu.memory_space<vmem>>
        %dma_start3A_567 = tpu.memref_squeeze %dma_start3A_566 : memref<1x80x64xi32, #tpu.memory_space<vmem>> -> memref<80x64xi32, #tpu.memory_space<vmem>>
        %dma_start3A_568 = tpu.memref_slice %arg8[%mul3A_562] : memref<10080xi32, #tpu.memory_space<vmem>> -> memref<80xi32, #tpu.memory_space<vmem>>
        %dma_start3A_569 = arith.constant 0 : i32
        %dma_start3A_570 = arith.constant 0 : i32
        %dma_start3A_571 = tpu.memref_slice %arg2[%dma_start3A_569, %dma_start3A_570] : memref<10240x64xi32, #tpu.memory_space<hbm>> -> memref<10240x64xi32, #tpu.memory_space<hbm>>
        tpu.enqueue_indirect_dma source(%dma_start3A_571 : memref<10240x64xi32, #tpu.memory_space<hbm>>) target(%dma_start3A_567 : memref<80x64xi32, #tpu.memory_space<vmem>>) offsets(%dma_start3A_568 : memref<80xi32, #tpu.memory_space<vmem>>) semaphore(%arg15 : memref<!tpu.dma_semaphore, #tpu.memory_space<semaphore_mem>>)
        %add3A_572 = arith.constant 2 : i32
        %add3A_573 = arith.addi %add3A_496, %add3A_572 : i32
        %mul3A_574 = arith.constant 80 : i32
        %mul3A_575 = arith.muli %add3A_573, %mul3A_574 : i32
        %add3A_576 = arith.addi %mul3A_6, %mul3A_575 : i32
        %dma_start3A_577 = arith.constant 1 : i32
        %dma_start3A_578 = arith.constant 0 : i32
        %dma_start3A_579 = tpu.memref_slice %arg9[%dma_start3A_577, %dma_start3A_578] : memref<6x80xi32, #tpu.memory_space<vmem>> -> memref<1x80xi32, #tpu.memory_space<vmem>>
        %dma_start3A_580 = tpu.memref_squeeze %dma_start3A_579 : memref<1x80xi32, #tpu.memory_space<vmem>> -> memref<80xi32, #tpu.memory_space<vmem>>
        %dma_start3A_581 = tpu.memref_slice %arg4[%add3A_576] : memref<322560xi32, #tpu.memory_space<hbm>> -> memref<80xi32, #tpu.memory_space<hbm>>
        %dma_start3A_582 = arith.constant 0 : i32
        %dma_start3A_583 = tpu.memref_slice %arg9[%dma_start3A_577, %dma_start3A_582] : memref<6x80xi32, #tpu.memory_space<vmem>> -> memref<1x80xi32, #tpu.memory_space<vmem>>
        %dma_start3A_584 = tpu.memref_squeeze %dma_start3A_583 : memref<1x80xi32, #tpu.memory_space<vmem>> -> memref<80xi32, #tpu.memory_space<vmem>>
        %dma_start3A_585 = tpu.memref_slice %arg4[%add3A_576] : memref<322560xi32, #tpu.memory_space<hbm>> -> memref<80xi32, #tpu.memory_space<hbm>>
        tpu.enqueue_dma source(%dma_start3A_585 : memref<80xi32, #tpu.memory_space<hbm>>) target(%dma_start3A_584 : memref<80xi32, #tpu.memory_space<vmem>>) target_semaphore(%arg20 : memref<!tpu.dma_semaphore, #tpu.memory_space<semaphore_mem>>)
        %dma_start3A_586 = arith.constant 1 : i32
        %dma_start3A_587 = arith.constant 0 : i32
        %dma_start3A_588 = tpu.memref_slice %arg10[%dma_start3A_586, %dma_start3A_587] : memref<6x80xf32, #tpu.memory_space<vmem>> -> memref<1x80xf32, #tpu.memory_space<vmem>>
        %dma_start3A_589 = tpu.memref_squeeze %dma_start3A_588 : memref<1x80xf32, #tpu.memory_space<vmem>> -> memref<80xf32, #tpu.memory_space<vmem>>
        %dma_start3A_590 = tpu.memref_slice %arg5[%add3A_576] : memref<322560xf32, #tpu.memory_space<hbm>> -> memref<80xf32, #tpu.memory_space<hbm>>
        %dma_start3A_591 = arith.constant 0 : i32
        %dma_start3A_592 = tpu.memref_slice %arg10[%dma_start3A_586, %dma_start3A_591] : memref<6x80xf32, #tpu.memory_space<vmem>> -> memref<1x80xf32, #tpu.memory_space<vmem>>
        %dma_start3A_593 = tpu.memref_squeeze %dma_start3A_592 : memref<1x80xf32, #tpu.memory_space<vmem>> -> memref<80xf32, #tpu.memory_space<vmem>>
        %dma_start3A_594 = tpu.memref_slice %arg5[%add3A_576] : memref<322560xf32, #tpu.memory_space<hbm>> -> memref<80xf32, #tpu.memory_space<hbm>>
        tpu.enqueue_dma source(%dma_start3A_594 : memref<80xf32, #tpu.memory_space<hbm>>) target(%dma_start3A_593 : memref<80xf32, #tpu.memory_space<vmem>>) target_semaphore(%arg20 : memref<!tpu.dma_semaphore, #tpu.memory_space<semaphore_mem>>)
      } else {
      }
      %dma_wait3A_509 = arith.constant 2 : i32
      %dma_wait3A_510 = arith.constant 0 : i32
      %dma_wait3A_511 = arith.constant 0 : i32
      %dma_wait3A_512 = tpu.memref_slice %arg11[%dma_wait3A_509, %dma_wait3A_510, %dma_wait3A_511] : memref<3x80x64xi32, #tpu.memory_space<vmem>> -> memref<1x80x64xi32, #tpu.memory_space<vmem>>
      %dma_wait3A_513 = tpu.memref_squeeze %dma_wait3A_512 : memref<1x80x64xi32, #tpu.memory_space<vmem>> -> memref<80x64xi32, #tpu.memory_space<vmem>>
      %dma_wait3A_514 = arith.constant 0 : i32
      %dma_wait3A_515 = tpu.memref_slice %arg8[%dma_wait3A_514] : memref<10080xi32, #tpu.memory_space<vmem>> -> memref<80xi32, #tpu.memory_space<vmem>>
      %dma_wait3A_516 = arith.constant 0 : i32
      %dma_wait3A_517 = arith.constant 0 : i32
      %dma_wait3A_518 = tpu.memref_slice %arg2[%dma_wait3A_516, %dma_wait3A_517] : memref<10240x64xi32, #tpu.memory_space<hbm>> -> memref<10240x64xi32, #tpu.memory_space<hbm>>
      tpu.wait_indirect_dma semaphore(%arg16 : memref<!tpu.dma_semaphore, #tpu.memory_space<semaphore_mem>>) src(%dma_wait3A_518 : memref<10240x64xi32, #tpu.memory_space<hbm>>) dst(%dma_wait3A_513 : memref<80x64xi32, #tpu.memory_space<vmem>>)
      %dma_wait3A_519 = arith.constant 5 : i32
      %dma_wait3A_520 = arith.constant 0 : i32
      %dma_wait3A_521 = tpu.memref_slice %arg9[%dma_wait3A_519, %dma_wait3A_520] : memref<6x80xi32, #tpu.memory_space<vmem>> -> memref<1x80xi32, #tpu.memory_space<vmem>>
      %dma_wait3A_522 = tpu.memref_squeeze %dma_wait3A_521 : memref<1x80xi32, #tpu.memory_space<vmem>> -> memref<80xi32, #tpu.memory_space<vmem>>
      %dma_wait3A_523 = arith.constant 0 : i32
      %dma_wait3A_524 = tpu.memref_slice %arg4[%dma_wait3A_523] : memref<322560xi32, #tpu.memory_space<hbm>> -> memref<80xi32, #tpu.memory_space<hbm>>
      %dma_wait3A_525 = arith.constant 0 : i32
      %dma_wait3A_526 = tpu.memref_slice %arg9[%dma_wait3A_519, %dma_wait3A_525] : memref<6x80xi32, #tpu.memory_space<vmem>> -> memref<1x80xi32, #tpu.memory_space<vmem>>
      %dma_wait3A_527 = tpu.memref_squeeze %dma_wait3A_526 : memref<1x80xi32, #tpu.memory_space<vmem>> -> memref<80xi32, #tpu.memory_space<vmem>>
      %dma_wait3A_528 = arith.constant 0 : i32
      %dma_wait3A_529 = tpu.memref_slice %arg4[%dma_wait3A_528] : memref<322560xi32, #tpu.memory_space<hbm>> -> memref<80xi32, #tpu.memory_space<hbm>>
      tpu.wait_dma2 semaphore(%arg24 : memref<!tpu.dma_semaphore, #tpu.memory_space<semaphore_mem>>) src(%dma_wait3A_529 : memref<80xi32, #tpu.memory_space<hbm>>) dst(%dma_wait3A_527 : memref<80xi32, #tpu.memory_space<vmem>>)
      %dma_wait3A_530 = arith.constant 5 : i32
      %dma_wait3A_531 = arith.constant 0 : i32
      %dma_wait3A_532 = tpu.memref_slice %arg10[%dma_wait3A_530, %dma_wait3A_531] : memref<6x80xf32, #tpu.memory_space<vmem>> -> memref<1x80xf32, #tpu.memory_space<vmem>>
      %dma_wait3A_533 = tpu.memref_squeeze %dma_wait3A_532 : memref<1x80xf32, #tpu.memory_space<vmem>> -> memref<80xf32, #tpu.memory_space<vmem>>
      %dma_wait3A_534 = arith.constant 0 : i32
      %dma_wait3A_535 = tpu.memref_slice %arg5[%dma_wait3A_534] : memref<322560xf32, #tpu.memory_space<hbm>> -> memref<80xf32, #tpu.memory_space<hbm>>
      %dma_wait3A_536 = arith.constant 0 : i32
      %dma_wait3A_537 = tpu.memref_slice %arg10[%dma_wait3A_530, %dma_wait3A_536] : memref<6x80xf32, #tpu.memory_space<vmem>> -> memref<1x80xf32, #tpu.memory_space<vmem>>
      %dma_wait3A_538 = tpu.memref_squeeze %dma_wait3A_537 : memref<1x80xf32, #tpu.memory_space<vmem>> -> memref<80xf32, #tpu.memory_space<vmem>>
      %dma_wait3A_539 = arith.constant 0 : i32
      %dma_wait3A_540 = tpu.memref_slice %arg5[%dma_wait3A_539] : memref<322560xf32, #tpu.memory_space<hbm>> -> memref<80xf32, #tpu.memory_space<hbm>>
      tpu.wait_dma2 semaphore(%arg24 : memref<!tpu.dma_semaphore, #tpu.memory_space<semaphore_mem>>) src(%dma_wait3A_540 : memref<80xf32, #tpu.memory_space<hbm>>) dst(%dma_wait3A_538 : memref<80xf32, #tpu.memory_space<vmem>>)
      %scan3A_541 = arith.constant 0 : i32
      %mul3A_542 = arith.constant 1 : i32
      %mul3A_543 = arith.muli %scan3A_541, %mul3A_542 : i32
      %add3A_544 = arith.constant 0 : i32
      %add3A_545 = arith.addi %add3A_544, %mul3A_543 : i32
      %scan3A_546 = arith.constant 1 : i32
      %dma_start3A_547 = arith.constant 1 : i32
      %dma_start3A_548 = arith.constant 5 : i32
      %dma_start3A_549 = arith.constant 0 : i32
      %dma_start3A_550 = arith.constant 0 : i32
      %dma_start3A_551 = tpu.memref_slice %arg12[%dma_start3A_547, %dma_start3A_549, %dma_start3A_550] : memref<2x80x128xf32, #tpu.memory_space<vmem>> -> memref<1x80x128xf32, #tpu.memory_space<vmem>>
      %dma_start3A_552 = tpu.memref_squeeze %dma_start3A_551 : memref<1x80x128xf32, #tpu.memory_space<vmem>> -> memref<80x128xf32, #tpu.memory_space<vmem>>
      %dma_start3A_553 = arith.constant 0 : i32
      %dma_start3A_554 = tpu.memref_slice %arg9[%dma_start3A_548, %dma_start3A_553] : memref<6x80xi32, #tpu.memory_space<vmem>> -> memref<1x80xi32, #tpu.memory_space<vmem>>
      %dma_start3A_555 = tpu.memref_squeeze %dma_start3A_554 : memref<1x80xi32, #tpu.memory_space<vmem>> -> memref<80xi32, #tpu.memory_space<vmem>>
      %dma_start3A_556 = arith.constant 0 : i32
      %dma_start3A_557 = arith.constant 0 : i32
      %dma_start3A_558 = tpu.memref_slice %arg13[%dma_start3A_556, %dma_start3A_557] : memref<10240x128xf32, #tpu.memory_space<vmem_shared>> -> memref<10240x128xf32, #tpu.memory_space<vmem_shared>>
      tpu.enqueue_indirect_dma source(%dma_start3A_552 : memref<80x128xf32, #tpu.memory_space<vmem>>) target(%dma_start3A_558 : memref<10240x128xf32, #tpu.memory_space<vmem_shared>>) offsets(%dma_start3A_555 : memref<80xi32, #tpu.memory_space<vmem>>) semaphore(%arg18 : memref<!tpu.dma_semaphore, #tpu.memory_space<semaphore_mem>>) {add = true}
    }
    %scan3A_132 = arith.constant 21 : i32
    %dma_wait3A_133 = arith.constant 0 : i32
    %dma_wait3A_134 = arith.constant 0 : i32
    %dma_wait3A_135 = arith.constant 0 : i32
    %dma_wait3A_136 = arith.constant 0 : i32
    %dma_wait3A_137 = tpu.memref_slice %arg12[%dma_wait3A_133, %dma_wait3A_135, %dma_wait3A_136] : memref<2x80x128xf32, #tpu.memory_space<vmem>> -> memref<1x80x128xf32, #tpu.memory_space<vmem>>
    %dma_wait3A_138 = tpu.memref_squeeze %dma_wait3A_137 : memref<1x80x128xf32, #tpu.memory_space<vmem>> -> memref<80x128xf32, #tpu.memory_space<vmem>>
    %dma_wait3A_139 = arith.constant 0 : i32
    %dma_wait3A_140 = tpu.memref_slice %arg9[%dma_wait3A_134, %dma_wait3A_139] : memref<6x80xi32, #tpu.memory_space<vmem>> -> memref<1x80xi32, #tpu.memory_space<vmem>>
    %dma_wait3A_141 = tpu.memref_squeeze %dma_wait3A_140 : memref<1x80xi32, #tpu.memory_space<vmem>> -> memref<80xi32, #tpu.memory_space<vmem>>
    %dma_wait3A_142 = arith.constant 0 : i32
    %dma_wait3A_143 = arith.constant 0 : i32
    %dma_wait3A_144 = tpu.memref_slice %arg13[%dma_wait3A_142, %dma_wait3A_143] : memref<10240x128xf32, #tpu.memory_space<vmem_shared>> -> memref<10240x128xf32, #tpu.memory_space<vmem_shared>>
    tpu.wait_indirect_dma semaphore(%arg17 : memref<!tpu.dma_semaphore, #tpu.memory_space<semaphore_mem>>) src(%dma_wait3A_138 : memref<80x128xf32, #tpu.memory_space<vmem>>) dst(%dma_wait3A_144 : memref<10240x128xf32, #tpu.memory_space<vmem_shared>>)
    %dma_wait3A_145 = arith.constant 1 : i32
    %dma_wait3A_146 = arith.constant 0 : i32
    %dma_wait3A_147 = arith.constant 0 : i32
    %dma_wait3A_148 = arith.constant 0 : i32
    %dma_wait3A_149 = tpu.memref_slice %arg12[%dma_wait3A_145, %dma_wait3A_147, %dma_wait3A_148] : memref<2x80x128xf32, #tpu.memory_space<vmem>> -> memref<1x80x128xf32, #tpu.memory_space<vmem>>
    %dma_wait3A_150 = tpu.memref_squeeze %dma_wait3A_149 : memref<1x80x128xf32, #tpu.memory_space<vmem>> -> memref<80x128xf32, #tpu.memory_space<vmem>>
    %dma_wait3A_151 = arith.constant 0 : i32
    %dma_wait3A_152 = tpu.memref_slice %arg9[%dma_wait3A_146, %dma_wait3A_151] : memref<6x80xi32, #tpu.memory_space<vmem>> -> memref<1x80xi32, #tpu.memory_space<vmem>>
    %dma_wait3A_153 = tpu.memref_squeeze %dma_wait3A_152 : memref<1x80xi32, #tpu.memory_space<vmem>> -> memref<80xi32, #tpu.memory_space<vmem>>
    %dma_wait3A_154 = arith.constant 0 : i32
    %dma_wait3A_155 = arith.constant 0 : i32
    %dma_wait3A_156 = tpu.memref_slice %arg13[%dma_wait3A_154, %dma_wait3A_155] : memref<10240x128xf32, #tpu.memory_space<vmem_shared>> -> memref<10240x128xf32, #tpu.memory_space<vmem_shared>>
    tpu.wait_indirect_dma semaphore(%arg18 : memref<!tpu.dma_semaphore, #tpu.memory_space<semaphore_mem>>) src(%dma_wait3A_150 : memref<80x128xf32, #tpu.memory_space<vmem>>) dst(%dma_wait3A_156 : memref<10240x128xf32, #tpu.memory_space<vmem_shared>>)
    %barrier3A_157 = arith.constant 0 : index
    tpu.barrier barrier_id(%barrier3A_157)
    %mul3A_158 = arith.constant 640 : i32
    %mul3A_159 = arith.muli %arg1, %mul3A_158 : i32
    %mul3A_160 = arith.constant 640 : i32
    %mul3A_161 = arith.muli %arg1, %mul3A_160 : i32
    "tpu.region"() ({
      %run_scoped3A = tpu.sem_alloc : memref<!tpu.dma_semaphore, #tpu.memory_space<semaphore_mem>>
      %dma_start3A_162 = arith.constant 0 : i32
      %dma_start3A_163 = tpu.memref_slice %arg7[%arg0, %mul3A_161, %dma_start3A_162] : memref<2x10240x128xf32, #tpu.memory_space<hbm>> -> memref<1x640x128xf32, #tpu.memory_space<hbm>>
      %dma_start3A_164 = tpu.memref_squeeze %dma_start3A_163 : memref<1x640x128xf32, #tpu.memory_space<hbm>> -> memref<640x128xf32, #tpu.memory_space<hbm>>
      %dma_start3A_165 = arith.constant 0 : i32
      %dma_start3A_166 = tpu.memref_slice %arg13[%mul3A_159, %dma_start3A_165] : memref<10240x128xf32, #tpu.memory_space<vmem_shared>> -> memref<640x128xf32, #tpu.memory_space<vmem_shared>>
      tpu.enqueue_dma source(%dma_start3A_166 : memref<640x128xf32, #tpu.memory_space<vmem_shared>>) target(%dma_start3A_164 : memref<640x128xf32, #tpu.memory_space<hbm>>) target_semaphore(%run_scoped3A : memref<!tpu.dma_semaphore, #tpu.memory_space<semaphore_mem>>)
      %dma_wait3A_167 = arith.constant 0 : i32
      %dma_wait3A_168 = tpu.memref_slice %arg7[%arg0, %mul3A_161, %dma_wait3A_167] : memref<2x10240x128xf32, #tpu.memory_space<hbm>> -> memref<1x640x128xf32, #tpu.memory_space<hbm>>
      %dma_wait3A_169 = tpu.memref_squeeze %dma_wait3A_168 : memref<1x640x128xf32, #tpu.memory_space<hbm>> -> memref<640x128xf32, #tpu.memory_space<hbm>>
      %dma_wait3A_170 = arith.constant 0 : i32
      %dma_wait3A_171 = tpu.memref_slice %arg13[%mul3A_159, %dma_wait3A_170] : memref<10240x128xf32, #tpu.memory_space<vmem_shared>> -> memref<640x128xf32, #tpu.memory_space<vmem_shared>>
      tpu.wait_dma2 semaphore(%run_scoped3A : memref<!tpu.dma_semaphore, #tpu.memory_space<semaphore_mem>>) src(%dma_wait3A_171 : memref<640x128xf32, #tpu.memory_space<vmem_shared>>) dst(%dma_wait3A_169 : memref<640x128xf32, #tpu.memory_space<hbm>>)
      tpu.yield
    }) : () -> ()
    return
  }
}

module attributes {stable_mosaic.version = 14 : i64} {
  func.func @_mm_body(%arg0: i32, %arg1: memref<1024xf32, #tpu.memory_space<vmem>>, %arg2: memref<1024xf32, #tpu.memory_space<vmem>>, %arg3: memref<1024x128xf32, #tpu.memory_space<vmem>>, %arg4: memref<128x128xf32, #tpu.memory_space<vmem>>, %arg5: memref<1024x128xf32, #tpu.memory_space<vmem>>, %arg6: memref<1024xf32, #tpu.memory_space<vmem>>) attributes {dimension_semantics = [#tpu.dimension_semantics<arbitrary>], iteration_bounds = array<i64: 10>, scalar_prefetch = 0 : i64, scratch_operands = 0 : i64, tpu.core_type = #tpu.core_type<tc>, window_params = [{transform_indices = @transform_0, window_bounds = array<i64: 1024>}, {transform_indices = @transform_1, window_bounds = array<i64: 1024>}, {transform_indices = @transform_2, window_bounds = array<i64: 1024, 128>}, {pipeline_mode = #tpu.pipeline_mode<synchronous>, transform_indices = @transform_3, window_bounds = array<i64: 128, 128>}, {transform_indices = @transform_4, window_bounds = array<i64: 1024, 128>}, {transform_indices = @transform_5, window_bounds = array<i64: 1024>}]} {
    %get3A = arith.constant 0 : index
    %get3A_0 = vector.load %arg1[%get3A] : memref<1024xf32, #tpu.memory_space<vmem>>, vector<1024xf32>
    %get3A_1 = arith.constant 0 : index
    %get3A_2 = vector.load %arg2[%get3A_1] : memref<1024xf32, #tpu.memory_space<vmem>>, vector<1024xf32>
    %add3A = arith.addf %get3A_0, %get3A_2 : vector<1024xf32>
    %add3A_3 = arith.constant 1.000000e+00 : f32
    %add3A_4 = vector.broadcast %add3A_3 : f32 to vector<1024xf32>
    %add3A_5 = arith.addf %add3A, %add3A_4 : vector<1024xf32>
    %rsqrt3A = math.rsqrt %add3A_5 : vector<1024xf32>
    %get3A_6 = arith.constant 0 : index
    %get3A_7 = arith.constant 0 : index
    %get3A_8 = vector.load %arg3[%get3A_6, %get3A_7] : memref<1024x128xf32, #tpu.memory_space<vmem>>, vector<1024x128xf32>
    %get3A_9 = arith.constant 0 : index
    %get3A_10 = arith.constant 0 : index
    %get3A_11 = vector.load %arg4[%get3A_9, %get3A_10] : memref<128x128xf32, #tpu.memory_space<vmem>>, vector<128x128xf32>
    %dot_general3A = arith.constant dense<0.000000e+00> : vector<1024x128xf32>
    %dot_general3A_12 = tpu.matmul %get3A_8, %get3A_11, %dot_general3A {dimension_numbers = #tpu.dot_dimension_numbers<[1], [0], [0], [1], [0, 0, 1, 1], [], []>, transpose_lhs_hint = false} : vector<1024x128xf32>, vector<128x128xf32>, vector<1024x128xf32> -> vector<1024x128xf32>
    %broadcast_in_dim3A = vector.shape_cast %rsqrt3A : vector<1024xf32> to vector<1024x1xf32>
    %mul3A = vector.broadcast %broadcast_in_dim3A : vector<1024x1xf32> to vector<1024x128xf32>
    %mul3A_13 = arith.mulf %dot_general3A_12, %mul3A : vector<1024x128xf32>
    %swap3A = arith.constant 0 : index
    %swap3A_14 = arith.constant 0 : index
    %swap3A_15 = vector.load %arg5[%swap3A, %swap3A_14] : memref<1024x128xf32, #tpu.memory_space<vmem>>, vector<1024x128xf32>
    tpu.vector_store %arg5[%swap3A, %swap3A_14], %mul3A_13 {strides = array<i32>} : memref<1024x128xf32, #tpu.memory_space<vmem>>, vector<1024x128xf32>,
    %swap3A_16 = arith.constant 0 : index
    %swap3A_17 = vector.load %arg6[%swap3A_16] : memref<1024xf32, #tpu.memory_space<vmem>>, vector<1024xf32>
    tpu.vector_store %arg6[%swap3A_16], %rsqrt3A {strides = array<i32>} : memref<1024xf32, #tpu.memory_space<vmem>>, vector<1024xf32>,
    return
  }
  func.func @transform_0(%arg0: i32) -> i32 {
    %c0_i32 = arith.constant 0 : i32
    return %arg0 : i32
  }
  func.func @transform_1(%arg0: i32) -> i32 {
    %c0_i32 = arith.constant 0 : i32
    return %arg0 : i32
  }
  func.func @transform_2(%arg0: i32) -> (i32, i32) {
    %c0_i32 = arith.constant 0 : i32
    %c0_i32_0 = arith.constant 0 : i32
    return %arg0, %c0_i32 : i32, i32
  }
  func.func @transform_3(%arg0: i32) -> (i32, i32) {
    %c0_i32 = arith.constant 0 : i32
    %c0_i32_0 = arith.constant 0 : i32
    %c0_i32_1 = arith.constant 0 : i32
    return %c0_i32, %c0_i32_0 : i32, i32
  }
  func.func @transform_4(%arg0: i32) -> (i32, i32) {
    %c0_i32 = arith.constant 0 : i32
    %c0_i32_0 = arith.constant 0 : i32
    return %arg0, %c0_i32 : i32, i32
  }
  func.func @transform_5(%arg0: i32) -> i32 {
    %c0_i32 = arith.constant 0 : i32
    return %arg0 : i32
  }
}

module attributes {stable_mosaic.version = 14 : i64} {
  func.func @_mid_body(%arg0: i32, %arg1: memref<1024x128xf32, #tpu.memory_space<vmem>>, %arg2: memref<1024x128xf32, #tpu.memory_space<vmem>>, %arg3: memref<1024x128xf32, #tpu.memory_space<vmem>>, %arg4: memref<1024xf32, #tpu.memory_space<vmem>>, %arg5: memref<128xf32, #tpu.memory_space<vmem>>, %arg6: memref<128x128xf32, #tpu.memory_space<vmem>>, %arg7: memref<1024x128xf32, #tpu.memory_space<vmem>>) attributes {dimension_semantics = [#tpu.dimension_semantics<arbitrary>], iteration_bounds = array<i64: 10>, scalar_prefetch = 0 : i64, scratch_operands = 0 : i64, tpu.core_type = #tpu.core_type<tc>, window_params = [{transform_indices = @transform_0, window_bounds = array<i64: 1024, 128>}, {transform_indices = @transform_1, window_bounds = array<i64: 1024, 128>}, {transform_indices = @transform_2, window_bounds = array<i64: 1024, 128>}, {transform_indices = @transform_3, window_bounds = array<i64: 1024>}, {pipeline_mode = #tpu.pipeline_mode<synchronous>, transform_indices = @transform_4, window_bounds = array<i64: 128>}, {pipeline_mode = #tpu.pipeline_mode<synchronous>, transform_indices = @transform_5, window_bounds = array<i64: 128, 128>}, {transform_indices = @transform_6, window_bounds = array<i64: 1024, 128>}]} {
    %get3A = arith.constant 0 : index
    %get3A_0 = vector.load %arg4[%get3A] : memref<1024xf32, #tpu.memory_space<vmem>>, vector<1024xf32>
    %broadcast_in_dim3A = vector.shape_cast %get3A_0 : vector<1024xf32> to vector<1024x1xf32>
    %get3A_1 = arith.constant 0 : index
    %get3A_2 = arith.constant 0 : index
    %get3A_3 = vector.load %arg1[%get3A_1, %get3A_2] : memref<1024x128xf32, #tpu.memory_space<vmem>>, vector<1024x128xf32>
    %get3A_4 = arith.constant 0 : index
    %get3A_5 = arith.constant 0 : index
    %get3A_6 = vector.load %arg2[%get3A_4, %get3A_5] : memref<1024x128xf32, #tpu.memory_space<vmem>>, vector<1024x128xf32>
    %add3A = arith.addf %get3A_3, %get3A_6 : vector<1024x128xf32>
    %get3A_7 = arith.constant 0 : index
    %get3A_8 = arith.constant 0 : index
    %get3A_9 = vector.load %arg3[%get3A_7, %get3A_8] : memref<1024x128xf32, #tpu.memory_space<vmem>>, vector<1024x128xf32>
    %add3A_10 = arith.addf %add3A, %get3A_9 : vector<1024x128xf32>
    %mul3A = vector.broadcast %broadcast_in_dim3A : vector<1024x1xf32> to vector<1024x128xf32>
    %mul3A_11 = arith.mulf %mul3A, %add3A_10 : vector<1024x128xf32>
    %get3A_12 = arith.constant 0 : index
    %get3A_13 = vector.load %arg5[%get3A_12] : memref<128xf32, #tpu.memory_space<vmem>>, vector<128xf32>
    %broadcast_in_dim3A_14 = vector.shape_cast %get3A_13 : vector<128xf32> to vector<1x128xf32>
    %add3A_15 = vector.broadcast %broadcast_in_dim3A_14 : vector<1x128xf32> to vector<1024x128xf32>
    %add3A_16 = arith.addf %mul3A_11, %add3A_15 : vector<1024x128xf32>
    %max3A = arith.constant 0.000000e+00 : f32
    %max3A_17 = vector.broadcast %max3A : f32 to vector<1024x128xf32>
    %max3A_18 = arith.maximumf %add3A_16, %max3A_17 : vector<1024x128xf32>
    %get3A_19 = arith.constant 0 : index
    %get3A_20 = arith.constant 0 : index
    %get3A_21 = vector.load %arg6[%get3A_19, %get3A_20] : memref<128x128xf32, #tpu.memory_space<vmem>>, vector<128x128xf32>
    %dot_general3A = arith.constant dense<0.000000e+00> : vector<1024x128xf32>
    %dot_general3A_22 = tpu.matmul %max3A_18, %get3A_21, %dot_general3A {dimension_numbers = #tpu.dot_dimension_numbers<[1], [0], [0], [1], [0, 0, 1, 1], [], []>, transpose_lhs_hint = false} : vector<1024x128xf32>, vector<128x128xf32>, vector<1024x128xf32> -> vector<1024x128xf32>
    %broadcast_in_dim3A_23 = vector.shape_cast %get3A_0 : vector<1024xf32> to vector<1024x1xf32>
    %mul3A_24 = vector.broadcast %broadcast_in_dim3A_23 : vector<1024x1xf32> to vector<1024x128xf32>
    %mul3A_25 = arith.mulf %dot_general3A_22, %mul3A_24 : vector<1024x128xf32>
    %swap3A = arith.constant 0 : index
    %swap3A_26 = arith.constant 0 : index
    %swap3A_27 = vector.load %arg7[%swap3A, %swap3A_26] : memref<1024x128xf32, #tpu.memory_space<vmem>>, vector<1024x128xf32>
    tpu.vector_store %arg7[%swap3A, %swap3A_26], %mul3A_25 {strides = array<i32>} : memref<1024x128xf32, #tpu.memory_space<vmem>>, vector<1024x128xf32>,
    return
  }
  func.func @transform_0(%arg0: i32) -> (i32, i32) {
    %c0_i32 = arith.constant 0 : i32
    %c0_i32_0 = arith.constant 0 : i32
    return %arg0, %c0_i32 : i32, i32
  }
  func.func @transform_1(%arg0: i32) -> (i32, i32) {
    %c0_i32 = arith.constant 0 : i32
    %c0_i32_0 = arith.constant 0 : i32
    return %arg0, %c0_i32 : i32, i32
  }
  func.func @transform_2(%arg0: i32) -> (i32, i32) {
    %c0_i32 = arith.constant 0 : i32
    %c0_i32_0 = arith.constant 0 : i32
    return %arg0, %c0_i32 : i32, i32
  }
  func.func @transform_3(%arg0: i32) -> i32 {
    %c0_i32 = arith.constant 0 : i32
    return %arg0 : i32
  }
  func.func @transform_4(%arg0: i32) -> i32 {
    %c0_i32 = arith.constant 0 : i32
    %c0_i32_0 = arith.constant 0 : i32
    return %c0_i32 : i32
  }
  func.func @transform_5(%arg0: i32) -> (i32, i32) {
    %c0_i32 = arith.constant 0 : i32
    %c0_i32_0 = arith.constant 0 : i32
    %c0_i32_1 = arith.constant 0 : i32
    return %c0_i32, %c0_i32_0 : i32, i32
  }
  func.func @transform_6(%arg0: i32) -> (i32, i32) {
    %c0_i32 = arith.constant 0 : i32
    %c0_i32_0 = arith.constant 0 : i32
    return %arg0, %c0_i32 : i32, i32
  }
}

module attributes {stable_mosaic.version = 14 : i64} {
  func.func @_final_body(%arg0: i32, %arg1: memref<1024x128xf32, #tpu.memory_space<vmem>>, %arg2: memref<1024x128xf32, #tpu.memory_space<vmem>>, %arg3: memref<1024x128xf32, #tpu.memory_space<vmem>>, %arg4: memref<1024xf32, #tpu.memory_space<vmem>>, %arg5: memref<128xf32, #tpu.memory_space<vmem>>, %arg6: memref<1024x128xf32, #tpu.memory_space<vmem>>) attributes {dimension_semantics = [#tpu.dimension_semantics<arbitrary>], iteration_bounds = array<i64: 10>, scalar_prefetch = 0 : i64, scratch_operands = 0 : i64, tpu.core_type = #tpu.core_type<tc>, window_params = [{transform_indices = @transform_0, window_bounds = array<i64: 1024, 128>}, {transform_indices = @transform_1, window_bounds = array<i64: 1024, 128>}, {transform_indices = @transform_2, window_bounds = array<i64: 1024, 128>}, {transform_indices = @transform_3, window_bounds = array<i64: 1024>}, {pipeline_mode = #tpu.pipeline_mode<synchronous>, transform_indices = @transform_4, window_bounds = array<i64: 128>}, {transform_indices = @transform_5, window_bounds = array<i64: 1024, 128>}]} {
    %get3A = arith.constant 0 : index
    %get3A_0 = vector.load %arg4[%get3A] : memref<1024xf32, #tpu.memory_space<vmem>>, vector<1024xf32>
    %broadcast_in_dim3A = vector.shape_cast %get3A_0 : vector<1024xf32> to vector<1024x1xf32>
    %get3A_1 = arith.constant 0 : index
    %get3A_2 = arith.constant 0 : index
    %get3A_3 = vector.load %arg1[%get3A_1, %get3A_2] : memref<1024x128xf32, #tpu.memory_space<vmem>>, vector<1024x128xf32>
    %get3A_4 = arith.constant 0 : index
    %get3A_5 = arith.constant 0 : index
    %get3A_6 = vector.load %arg2[%get3A_4, %get3A_5] : memref<1024x128xf32, #tpu.memory_space<vmem>>, vector<1024x128xf32>
    %add3A = arith.addf %get3A_3, %get3A_6 : vector<1024x128xf32>
    %get3A_7 = arith.constant 0 : index
    %get3A_8 = arith.constant 0 : index
    %get3A_9 = vector.load %arg3[%get3A_7, %get3A_8] : memref<1024x128xf32, #tpu.memory_space<vmem>>, vector<1024x128xf32>
    %add3A_10 = arith.addf %add3A, %get3A_9 : vector<1024x128xf32>
    %mul3A = vector.broadcast %broadcast_in_dim3A : vector<1024x1xf32> to vector<1024x128xf32>
    %mul3A_11 = arith.mulf %mul3A, %add3A_10 : vector<1024x128xf32>
    %get3A_12 = arith.constant 0 : index
    %get3A_13 = vector.load %arg5[%get3A_12] : memref<128xf32, #tpu.memory_space<vmem>>, vector<128xf32>
    %broadcast_in_dim3A_14 = vector.shape_cast %get3A_13 : vector<128xf32> to vector<1x128xf32>
    %add3A_15 = vector.broadcast %broadcast_in_dim3A_14 : vector<1x128xf32> to vector<1024x128xf32>
    %add3A_16 = arith.addf %mul3A_11, %add3A_15 : vector<1024x128xf32>
    %max3A = arith.constant 0.000000e+00 : f32
    %max3A_17 = vector.broadcast %max3A : f32 to vector<1024x128xf32>
    %max3A_18 = arith.maximumf %add3A_16, %max3A_17 : vector<1024x128xf32>
    %swap3A = arith.constant 0 : index
    %swap3A_19 = arith.constant 0 : index
    %swap3A_20 = vector.load %arg6[%swap3A, %swap3A_19] : memref<1024x128xf32, #tpu.memory_space<vmem>>, vector<1024x128xf32>
    tpu.vector_store %arg6[%swap3A, %swap3A_19], %max3A_18 {strides = array<i32>} : memref<1024x128xf32, #tpu.memory_space<vmem>>, vector<1024x128xf32>,
    return
  }
  func.func @transform_0(%arg0: i32) -> (i32, i32) {
    %c0_i32 = arith.constant 0 : i32
    %c0_i32_0 = arith.constant 0 : i32
    return %arg0, %c0_i32 : i32, i32
  }
  func.func @transform_1(%arg0: i32) -> (i32, i32) {
    %c0_i32 = arith.constant 0 : i32
    %c0_i32_0 = arith.constant 0 : i32
    return %arg0, %c0_i32 : i32, i32
  }
  func.func @transform_2(%arg0: i32) -> (i32, i32) {
    %c0_i32 = arith.constant 0 : i32
    %c0_i32_0 = arith.constant 0 : i32
    return %arg0, %c0_i32 : i32, i32
  }
  func.func @transform_3(%arg0: i32) -> i32 {
    %c0_i32 = arith.constant 0 : i32
    return %arg0 : i32
  }
  func.func @transform_4(%arg0: i32) -> i32 {
    %c0_i32 = arith.constant 0 : i32
    %c0_i32_0 = arith.constant 0 : i32
    return %c0_i32 : i32
  }
  func.func @transform_5(%arg0: i32) -> (i32, i32) {
    %c0_i32 = arith.constant 0 : i32
    %c0_i32_0 = arith.constant 0 : i32
    return %arg0, %c0_i32 : i32, i32
  }
}

</mosaic_0001>

<sc_bundles>
// kernel: kernel.11.cloned.1.call-start
scs
__scs_entry_jumppad:
0x0: {  	(pc) =	sbr.rel $0x88, $3  }
0x1: {  	(tag) =	ssettag $0x0;
	lr =	simm.s32 $0x1  }
0x2: {  	[smem:$0x3F9A] =	sst lr;
	_ =	strace $0xD0000000  }
0x3: {  	_ = 	snop  }
0x4: {  	_ = 	snop  }
0x5: {  	_ = 	snop  }
0x6: {  	_ = 	snop  }
0x7: {  	_ = 	snop  }
__scs_overlays_trampoline_lowered:
0x8: {  	[smem:$0x3FA9] =	sst s0  }
0x9: {  	[smem:$0x3FAA] =	sst s1  }
0xa: {  	[smem:$0x3FAB] =	sst s2  }
0xb: {  	[smem:$0x3FAC] =	sst s3  }
0xc: {  	[smem:$0x3FAD] =	sst s4  }
0xd: {  	[smem:$0x3FAE] =	sst s5  }
0xe: {  	[smem:$0x3FAF] =	sst s6  }
0xf: {  	[smem:$0x3FB0] =	sst s7  }
0x10: {  	[smem:$0x3FB1] =	sst s8  }
0x11: {  	[smem:$0x3FB2] =	sst s9;
	s0 =	simm.s32 @!p0 $0x0  }
0x12: {  	s1 =	sld [smem:$0x3F98];
	s0 =	simm.s32 @p0 $0x1  }
0x13: {  	[smem:$0x3FB3] =	sst s0;
	s0 =	simm.s32 @!p1 $0x0  }
0x14: {  	s2 =	sld [smem:$0x3F97];
	s0 =	simm.s32 @p1 $0x1  }
0x15: {  	[smem:$0x3FB4] =	sst s0;
	s0 =	simm.s32 @!p2 $0x0  }
0x16: {  	s3 =	sld [smem:$0x3FDB];
	s0 =	simm.s32 @p2 $0x1  }
0x17: {  	s4 =	simm.s32 $0x1BF5;
	[smem:$0x3FB6] =	sst s0  }
0x18: {  	s0 =	sld [smem:$0x3F99];
	_ =	swait.ge [sflag:s4], $0x0  }
0x19: {  	s7 =	sld [smem:$0x3F9A]  }
0x1a: {  	s8 =	sadd.s32 $0xFFFFE003, lr  }
0x1b: {  	s9 =	sadd.s32 $0xFFFFFEF7, lr;
	s5 =	simm.s32 $0xFFFFFFFF;
	p2 =	slt.u32 s8, $0xFFFFF086  }
0x1c: {  	p1 =	slt.u32 s9, $0xF7A;
	s5 =	simm.s32 @!p2 $0x0  }
0x1d: {  	s5 =	simm.s32 @p1 $0x1;
	p0 =	seq.s32 s7, s2  }
0x1e: {  	s7 =	smul.u32 @!p0 $0xF7A, s2;
	p2 =	seq.s32 @!p0 s5, $0x0  }
0x1f: {  	s9 =	smul.u32 $0xF7A, s1;
	s8 =	simm.s32 @!p0 $0x1BF5;
	p2 =	por !p2, p0  }
0x20: {  	[sflag:s8] =	ssyncset.s32 @!p0 $0xFFFFF086;
	s6 =	sadd.s32 @!p0 s3, s7;
	s7 =	simm.s32 @!p0 $0x108  }
0x21: {  	s3 =	sadd.s32 s3, s9;
	s6 =	sadd.s32 @!p0 $0x88, s6;
	s7 =	simm.s32 @p2 $0x1082  }
0x22: {  	[simem:s7], [sflag:s8] =	dma.local @!p0 [hbm:s6], $0xF7A  }
0x23: {  	s9 =	sor.u32 $0xD0000000, s2;
	s6 =	simm.s32 $0x108;
	_ =	swait.ge @!p0 [sflag:s8], $0x0  }
0x24: {  	s3 =	sadd.s32 $0x88, s3;
	s6 =	simm.s32 @!p1 $0x1082;
	[sflag:s4] =	ssyncset.s32 $0xFFFFF086  }
0x25: {  	[simem:s6], [sflag:s4] =	dma.local [hbm:s3], $0xF7A  }
0x26: {  	[smem:$0x3F9A] =	sst s1;
	(tag) =	ssettag s2;
	_ =	strace s9  }
0x27: {  	s1 =	sld [smem:$0x3FAA]  }
0x28: {  	s2 =	sld [smem:$0x3FAB]  }
0x29: {  	s4 =	sld [smem:$0x3FAD]  }
0x2a: {  	p0 =	seq.s32 s5, $0x0;
	s5 =	sld [smem:$0x3FAE]  }
0x2b: {  	s6 =	sld [smem:$0x3FAF]  }
0x2c: {  	s7 =	sld [smem:$0x3FB0]  }
0x2d: {  	s3 =	simm.s32 $0x108;
	s8 =	sld [smem:$0x3FB1]  }
0x2e: {  	s3 =	simm.s32 @!p0 $0x1082;
	s9 =	sld [smem:$0x3FB2]  }
0x2f: {  	lr =	sadd.s32 s0, s3;
	s0 =	sld [smem:$0x3FA9]  }
0x30: {  	s3 =	sld [smem:$0x3FAC]  }
0x31: {  	[smem:$0x3FB5] =	sst s10  }
0x32: {  	s10 =	sld [smem:$0x3FB3];
	_ =	sdelay $0x3  }
0x33: {  	p0 =	seq.s32 s10, $0x1;
	s10 =	sld [smem:$0x3FB5];
	_ =	sdelay $0x3  }
0x34: {  	[smem:$0x3FB5] =	sst s10  }
0x35: {  	s10 =	sld [smem:$0x3FB4];
	_ =	sdelay $0x3  }
0x36: {  	p1 =	seq.s32 s10, $0x1;
	s10 =	sld [smem:$0x3FB5];
	_ =	sdelay $0x3  }
0x37: {  	[smem:$0x3FB5] =	sst s10  }
0x38: {  	s10 =	sld [smem:$0x3FB6]  }
0x39: {  	_ = 	snop;
	(pc) =	sbr.ind lr, $3  }
0x3a: {  	_ = 	snop  }
0x3b: {  	_ = 	snop  }
0x3c: {  	p2 =	seq.s32 s10, $0x1;
	s10 =	sld [smem:$0x3FB5]  }
0x3d: {  	_ =	shalt  }
0x3e: {  	_ =	shalt  }
0x3f: {  	_ =	shalt  }
0x40: {  	_ =	shalt  }
0x41: {  	_ =	shalt  }
0x42: {  	_ =	shalt  }
0x43: {  	_ =	shalt  }
0x44: {  	_ =	shalt  }
0x45: {  	_ =	shalt  }
0x46: {  	_ =	shalt  }
0x47: {  	_ =	shalt  }
0x48: {  	_ =	shalt  }
0x49: {  	_ =	shalt  }
0x4a: {  	_ =	shalt  }
0x4b: {  	_ =	shalt  }
0x4c: {  	_ =	shalt  }
0x4d: {  	_ =	shalt  }
0x4e: {  	_ =	shalt  }
0x4f: {  	_ =	shalt  }
0x50: {  	_ =	shalt  }
0x51: {  	_ =	shalt  }
0x52: {  	_ =	shalt  }
0x53: {  	_ =	shalt  }
0x54: {  	_ =	shalt  }
0x55: {  	_ =	shalt  }
0x56: {  	_ =	shalt  }
0x57: {  	_ =	shalt  }
0x58: {  	_ =	shalt  }
0x59: {  	_ =	shalt  }
0x5a: {  	_ =	shalt  }
0x5b: {  	_ =	shalt  }
0x5c: {  	_ =	shalt  }
0x5d: {  	_ =	shalt  }
0x5e: {  	_ =	shalt  }
0x5f: {  	_ =	shalt  }
0x60: {  	_ =	shalt  }
0x61: {  	_ =	shalt  }
0x62: {  	_ =	shalt  }
0x63: {  	_ =	shalt  }
0x64: {  	_ =	shalt  }
0x65: {  	_ =	shalt  }
0x66: {  	_ =	shalt  }
0x67: {  	_ =	shalt  }
0x68: {  	_ =	shalt  }
0x69: {  	_ =	shalt  }
0x6a: {  	_ =	shalt  }
0x6b: {  	_ =	shalt  }
0x6c: {  	_ =	shalt  }
0x6d: {  	_ =	shalt  }
0x6e: {  	_ =	shalt  }
0x6f: {  	_ =	shalt  }
0x70: {  	_ =	shalt  }
0x71: {  	_ =	shalt  }
0x72: {  	_ =	shalt  }
0x73: {  	_ =	shalt  }
0x74: {  	_ =	shalt  }
0x75: {  	_ =	shalt  }
0x76: {  	_ =	shalt  }
0x77: {  	_ =	shalt  }
0x78: {  	_ =	shalt  }
0x79: {  	_ =	shalt  }
0x7a: {  	_ =	shalt  }
0x7b: {  	_ =	shalt  }
0x7c: {  	_ =	shalt  }
0x7d: {  	_ =	shalt  }
0x7e: {  	_ =	shalt  }
0x7f: {  	_ =	shalt  }
0x80: {  	_ =	shalt  }
0x81: {  	_ =	shalt  }
0x82: {  	_ =	shalt  }
0x83: {  	_ =	shalt  }
0x84: {  	_ =	shalt  }
0x85: {  	_ =	shalt  }
0x86: {  	_ =	shalt  }
0x87: {  	_ =	shalt  }
.Lfunc_end0:
.L_simem_size_0:
called_computation.1_lowered:
.L_overlay_start_0:
0x88: {  	s2 =	sld [smem:$0x3FD9]  }
0x89: {  	s3 =	sld [smem:$0x3FFE];
	_ =	sdelay $0x1  }
0x8a: {  	s1 =	srdreg.scid  }
0x8b: {  	s0 =	sand.u32 $0x1, s1  }
0x8c: {  	s17 =	sshll.u32 s0, $0xA;
	s2 =	sadd.s32 s3, s2  }
0x8d: {  	s2 =	sadd.s32 s2, s17  }
0x8e: {  	[smem:$0x3FC1] =	sst s2  }
0x8f: {  	_ = 	snop  }
0x90: {  	s2 =	sld [smem:$0x3FD0];
	(tm) =	ssettm $0x1  }
0x91: {  	s18 =	sld [smem:$0x3FFB];
	_ =	sdelay $0x3  }
0x92: {  	_ =	strace s18  }
0x93: {  	s3 =	sld [smem:$0x3FFC];
	_ =	sdelay $0x3  }
0x94: {  	_ =	strace s3  }
0x95: {  	s3 =	sld [smem:$0x3FFD];
	_ =	sdelay $0x3  }
0x96: {  	_ =	strace s3  }
0x97: {  	_ =	strace $0x8FFFFFFF  }
0x98: {  	s19 =	sld [smem:$0x3FDB];
	_ =	sdelay $0x1  }
0x99: {  	s4 =	simm.s32 $_scs_section_size  }
0x9a: {  	s5 =	simm.s32 $_size__tile_overlayer_lowered;
	s6 =	simm.s32 $_tile_overlayer_lowered  }
0x9b: {  	s22 =	simm.s32 $0x1BFF;
	s21 =	sshll.u32 s6, $0x1;
	s3 =	sadd.s32 s4, s19  }
0x9c: {  	s7 =	simm.s32 $0x0;
	s20 =	sshll.u32 s5, $0x1;
	s5 =	sadd.s32 s21, s3  }
0x9d: {  	[timem:s7], [sflag:s22] =	dma.local [hbm:s5], s20  }
0x9e: {  	_ =	swait.ge [sflag:s22], s20  }
0x9f: {  	s4 =	ssub.s32 $0x0, s20;
	[sflag:s22] =	ssyncset.done $0x0  }
0xa0: {  	[sflag:s22] =	ssyncadd.s32 s4;
	_ =	sdelay $0x1  }
0xa1: {  	s23 =	simm.s32 $0x1B8B  }
0xa2: {  	_ =	swait.ge [sflag:s23], $0x1  }
0xa3: {  	[sflag:s23] =	ssyncset.done $0x0  }
0xa4: {  	s25 =	simm.s32 $0x1B8E;
	s24 =	sld [smem:$0x3FFE];
	[sflag:s23] =	ssyncadd.s32 $0xFFFFFFFF  }
0xa5: {  	s26 =	simm.s32 $execute0_lowered;
	[smem:$0x3FD2] =	sst s25  }
0xa6: {  	s5 =	sshll.u32 s26, $0x1;
	_ =	strace $0x80000049;
	[dreg:$0x1] =	wrdreg $0xFFFFFFFF  }
0xa7: {  	s28 =	simm.s32 $_size_execute0_lowered;
	s3 =	sadd.s32 s3, s5;
	[dreg:$0x0] =	wrdreg $0x0  }
0xa8: {  	s5 =	sshll.u32 s28, $0x1;
	[dreg:$0x2] =	wrdreg s3  }
0xa9: {  	[dreg:$0x3] =	wrdreg s5  }
0xaa: {  	[dreg:$0x4] =	wrdreg $0xC0  }
0xab: {  	_ =	task [dreg:s7], $0x5FFFF  }
0xac: {  	[dreg:$0x1] =	wrdreg $0xFFFFFFFF  }
0xad: {  	[dreg:$0x0] =	wrdreg $0x60  }
0xae: {  	[dreg:$0x2] =	wrdreg s2  }
0xaf: {  	[dreg:$0x3] =	wrdreg s24  }
0xb0: {  	[dreg:$0x4] =	wrdreg $0xB7200  }
0xb1: {  	[dreg:$0x5] =	wrdreg $0x9  }
0xb2: {  	_ =	task.clear_ibuf [dreg:s7], $0x6FFFF;
	_ =	strace $0x90000049  }
0xb3: {  	s29 =	simm.s32 $0x9;
	_ =	strace $0x8000004B  }
0xb4: {  	_ =	swait.ge [sflag:s29], $0x1  }
0xb5: {  	[sflag:s29] =	ssyncadd.s32 $0xFFFFFFFF  }
0xb6: {  	_ =	strace $0x9000004B  }
0xb7: {  	_ =	sfence  }
0xb8: {  	s30 =	sld [smem:$0x0];
	_ =	sdelay $0x2  }
0xb9: {  	s31 =	sshll.u32 s1, $0xD;
	s1 =	sshrl.u32 s1, $0x2  }
0xba: {  	s3 =	sand.u32 $0x4000, s31;
	s1 =	sadd.s32 s1, s30  }
0xbb: {  	s0 =	sor.u32 s3, s0;
	s1 =	sshll.u32 s1, $0x11  }
0xbc: {  	s0 =	sor.u32 s1, s0  }
0xbd: {  	s0 =	sadd.s32 $0x8F2B, s0  }
0xbe: {  	[sflag:s0] =	ssyncadd.remote.s32 $0x1  }
0xbf: {  	_ =	sfence.sel $0xFFFF  }
0xc0: {  	[dreg:$0x0] =	wrdreg $0xFFFFFFFF;
	(pc) =	sbr.abs _section_cstart, $3  }
0xc1: {  	[dreg:$0x1] =	wrdreg $0xFFFFFFFF  }
0xc2: {  	_ =	task.clear_ibuf [dreg:s7], $0x2FFFF;
	_ =	strace $0x9FFFFFFF  }
0xc3: {  	(tm) =	ssettm $0x7FFFFFFF  }
tec
execute0_lowered:
.L_overlay_start_1:
0x0: {  	(tag) =	ssettag $0x1  }
0x1: {  	s0 =	srdreg.scid;
	s1 =	rddreg [dreg:$0x0]  }
0x2: {  	s5 =	stileid.u32;
	s7 =	rddreg [dreg:$0x1]  }
0x3: {  	s3 =	rddreg [dreg:$0x2];
	s4 =	simm.s32 $0x0;
	s30 =	simm.s32 $0x6  }
0x4: {  	s31 =	simm.s32 $0x6720;
	s0 =	sand.u32 $0x1, s0;
	s8 =	smul.u32 $0x14000, s5  }
0x5: {  	[smem:$0x7FF] =	sst s4;
	s6 =	sadd.s32 $0x15000, s7;
	s14 =	sadd.s32 $0x1400, s7  }
0x6: {  	s15 =	sshll.u32 s5, $0x6;
	s2 =	sshll.u32 s0, $0x4;
	s9 =	smul.u32 $0x140000, s0  }
0x7: {  	_ =	strace $0x8000004A;
	s12 =	ssub.s32 $0x2, s0;
	[dreg:$0x13] =	wrdreg s14  }
0x8: {  	s0 =	smul.u32 $0x27600, s0;
	[dreg:$0x12] =	wrdreg s6;
	s2 =	sor.u32 s5, s2  }
0x9: {  	s11 =	sshrl.u32 s8, $0x3;
	s13 =	sshrl.u32 s12, $0x1;
	s16 =	sadd.s32 s8, s3  }
0xa: {  	s2 =	smul.u32 $0x2760, s2;
	s9 =	sadd.s32 s8, s9;
	s11 =	sadd.s32 s11, s7  }
0xb: {  	[dreg:$0x14] =	wrdreg s16;
	s9 =	sshrl.u32 s9, $0x3;
	s17 =	sadd.s32 $0x1EE00, s11  }
0xc: {  	s2 =	sshrl.u32 s2, $0x3;
	[dreg:$0x15] =	wrdreg s17;
	s17 =	sor.u32 $0x1C0C, s15  }
0xd: {  	s10 =	sadd.s32 s2, s7;
	s19 =	sadd.s32 s6, s2;
	[dreg:$0x16] =	wrdreg s17  }
0xe: {  	s7 =	sadd.s32 s9, s7;
	s20 =	sadd.s32 s14, s2;
	[dreg:$0x18] =	wrdreg s19  }
0xf: {  	s2 =	sadd.s32 $0xA, s2;
	s18 =	sadd.s32 $0xB200, s10;
	[dreg:$0x19] =	wrdreg s20  }
0x10: {  	s9 =	ssub.s32 s12, s13;
	s22 =	sadd.s32 s6, s2;
	[dreg:$0x17] =	wrdreg s18  }
0x11: {  	s13 =	smul.u32 $0x2760, s5;
	s2 =	sadd.s32 s14, s2;
	[dreg:$0x1a] =	wrdreg s22  }
0x12: {  	s8 =	simm.s32 $0x28A0;
	s24 =	sadd.s32 $0x46E00, s7;
	[dreg:$0x1b] =	wrdreg s2  }
0x13: {  	s7 =	simm.s32 $0x4;
	s0 =	sadd.s32 s13, s0;
	[dreg:$0x1c] =	wrdreg s24  }
0x14: {  	s22 =	smax.u32 s9, $0x1;
	s9 =	simm.s32 $0x0;
	s21 =	sadd.s32 $0x230, s0  }
0x15: {  	s26 =	sadd.s32 $0x190, s0;
	s5 =	sadd.s32 $0x140, s0;
	s13 =	sadd.s32 $0xF0, s0  }
0x16: {  	s19 =	sadd.s32 $0xA0, s0;
	[dreg:$0x1d] =	wrdreg s22;
	s0 =	sadd.s32 $0x1E0, s0  }
0x17: {  	s23 =	sshrl.u32 s21, $0x3;
	s28 =	sshrl.u32 s26, $0x3;
	s11 =	sshrl.u32 s5, $0x3  }
0x18: {  	s16 =	sshrl.u32 s13, $0x3;
	[dreg:$0x1e] =	wrdreg s0;
	s26 =	simm.s32 $0x2A30  }
0x19: {  	s21 =	sshrl.u32 s19, $0x3;
	s25 =	sadd.s32 s23, s14;
	[dreg:$0xf] =	wrdreg s26  }
0x1a: {  	s19 =	simm.s32 $0x1;
	s2 =	sadd.s32 s23, s6;
	[dreg:$0x4] =	wrdreg s25  }
0x1b: {  	s0 =	simm.s32 $0x2;
	s29 =	sadd.s32 s28, s14;
	[dreg:$0x5] =	wrdreg s2  }
0x1c: {  	s13 =	simm.s32 $0x28F0;
	s10 =	sadd.s32 s28, s6;
	[dreg:$0x6] =	wrdreg s29  }
0x1d: {  	s12 =	sadd.s32 s11, s14;
	s15 =	sadd.s32 s11, s6;
	[dreg:$0x7] =	wrdreg s10  }
0x1e: {  	s18 =	sadd.s32 s16, s14;
	s20 =	sadd.s32 s16, s6;
	[dreg:$0x8] =	wrdreg s12  }
0x1f: {  	s23 =	sadd.s32 s21, s14;
	s24 =	sadd.s32 s21, s6;
	[dreg:$0x9] =	wrdreg s15  }
0x20: {  	s6 =	simm.s32 $0xC;
	s28 =	simm.s32 $0x2A80;
	[dreg:$0xa] =	wrdreg s18  }
0x21: {  	s26 =	simm.s32 $0x8F20;
	s11 =	simm.s32 $0x8;
	[dreg:$0xb] =	wrdreg s20  }
0x22: {  	s14 =	simm.s32 $0x9;
	s16 =	simm.s32 $0xB;
	[dreg:$0xc] =	wrdreg s23  }
0x23: {  	[dreg:$0xd] =	wrdreg s24;
	s20 =	simm.s32 $0x50;
	s25 =	simm.s32 $0x29E0  }
0x24: {  	[dreg:$0x10] =	wrdreg s28;
	s29 =	simm.s32 $0x2AD0;
	s2 =	simm.s32 $0x2850  }
0x25: {  	s23 =	simm.s32 $0x7;
	s10 =	simm.s32 $0x3;
	[dreg:$0xe] =	wrdreg s25  }
0x26: {  	s12 =	simm.s32 $0x5;
	s15 =	simm.s32 $0xA;
	[dreg:$0x11] =	wrdreg s29  }
.LBB2_1:
0x27: {  	[dreg:$0x1f] =	wrdreg s9  }
0x28: {  	s5 =	rddreg [dreg:$0x14]  }
0x29: {  	s22 =	rddreg [dreg:$0x15];
	s21 =	sshrl.u32 s5, $0x3  }
0x2a: {  	[smem:$0x7FD] =	sst s21  }
0x2b: {  	[spmem:s21], [sflag:s17] =	dma.local [hbm:s22], $0x2800  }
0x2c: {  	_ =	swait.ge [sflag:s6], $0x2800  }
0x2d: {  	[sflag:s6] =	ssyncset.done $0x0  }
0x2e: {  	s24 =	rddreg [dreg:$0x17];
	[sflag:s6] =	ssyncadd.s32 $0xFFFFD800  }
0x2f: {  	[tilespmem:s4], [sflag:$0x1] =	stream.linear.gather [hbm4b:s24+s4], $0x2760, $0x38;
	[tilespmem:$0x1F720] =	vst v63  }
0x30: {  	_ =	swait.ge [sflag:s19], $0x2760  }
0x31: {  	[sflag:s19] =	ssyncset.done $0x0  }
0x32: {  	[sflag:s19] =	ssyncadd.s32 $0xFFFFD8A0  }
0x33: {  	s6 =	simm.s32 $0x2B20;
	[bflag:$0x0] =	sbarrier.arrive $0xFFFF  }
0x34: {  	[tilespmem:s6], [sflag:$0x1] =	stream.indirect.gather [hbm4b:s1+s20], $0x40, s4, s20, $0xb8;
	[tilespmem:$0x1F720] =	vst v63  }
0x35: {  	s21 =	simm.s32 $0x2760;
	s25 =	rddreg [dreg:$0x18]  }
0x36: {  	[tilespmem:s21], [sflag:$0x6] =	stream.linear.gather [hbm4b:s25+s4], $0x50, $0x38;
	[tilespmem:$0x1F720] =	vst v63  }
0x37: {  	s29 =	simm.s32 $0x2940;
	s28 =	rddreg [dreg:$0x19]  }
0x38: {  	[tilespmem:s29], [sflag:$0x6] =	stream.linear.gather [hbm4b:s28+s4], $0x50, $0x38;
	[tilespmem:$0x1F720] =	vst v63  }
0x39: {  	s22 =	simm.s32 $0x3F20  }
0x3a: {  	[tilespmem:s22], [sflag:$0x2] =	stream.indirect.gather [hbm4b:s1+s20], $0x40, s20, s20, $0xb8;
	[tilespmem:$0x1F720] =	vst v63  }
0x3b: {  	p0 =	por $0x1, $0x1;
	s24 =	simm.s32 $0x27B0;
	s9 =	rddreg [dreg:$0x1a]  }
0x3c: {  	[tilespmem:s24], [sflag:$0x7] =	stream.linear.gather [hbm4b:s9+s4], $0x50, $0x38;
	[tilespmem:$0x1F720] =	vst v63  }
0x3d: {  	s18 =	simm.s32 $0x2990;
	s17 =	rddreg [dreg:$0x1b];
	s9 =	simm.s32 @!p0 $0x4  }
0x3e: {  	[tilespmem:s18], [sflag:$0x7] =	stream.linear.gather [hbm4b:s17+s4], $0x50, $0x38;
	[tilespmem:$0x1F720] =	vst v63  }
0x3f: {  	_ =	swait.ge @!p0 [sflag:s9], $0x2800  }
0x40: {  	s5 =	simm.s32 $0x5320;
	[sflag:s9] =	ssyncset.done @!p0 $0x0  }
0x41: {  	s18 =	simm.s32 $0xA0;
	s25 =	rddreg [dreg:$0xd];
	[sflag:s9] =	ssyncadd.s32 @!p0 $0xFFFFD800  }
0x42: {  	[tilespmem:s5], [sflag:$0x3] =	stream.indirect.gather [hbm4b:s1+s20], $0x40, s18, s20, $0xb8;
	[tilespmem:$0x1F720] =	vst v63  }
0x43: {  	s28 =	rddreg [dreg:$0xc];
	s17 =	sadd.s32 $0x0, s25;
	s25 =	simm.s32 $0x2800  }
0x44: {  	[tilespmem:s25], [sflag:$0x8] =	stream.linear.gather [hbm4b:s17+s4], $0x50, $0x38;
	[tilespmem:$0x1F720] =	vst v63  }
0x45: {  	s29 =	rddreg [dreg:$0xe];
	s9 =	sadd.s32 $0x0, s28  }
0x46: {  	[tilespmem:s29], [sflag:$0x8] =	stream.linear.gather [hbm4b:s9+s4], $0x50, $0x38;
	[tilespmem:$0x1F720] =	vst v63  }
0x47: {  	_ =	swait.ge [sflag:s19], $0x1400  }
0x48: {  	[sflag:s19] =	ssyncset.done $0x0  }
0x49: {  	[sflag:s19] =	ssyncadd.s32 $0xFFFFEC00  }
0x4a: {  	_ =	swait.ge [sflag:s30], $0x50  }
0x4b: {  	[sflag:s30] =	ssyncset.done $0x0  }
0x4c: {  	[sflag:s30] =	ssyncadd.s32 $0xFFFFFFB0  }
0x4d: {  	_ =	swait.ge [sflag:s30], $0x50  }
0x4e: {  	[sflag:s30] =	ssyncset.done $0x0  }
0x4f: {  	s9 =	simm.s32 @!p0 $0x5;
	[sflag:s30] =	ssyncadd.s32 $0xFFFFFFB0  }
0x50: {  	[spmem:s3] =	stream.indirect.scatter.add.f32 [tilespmem:s31], [sflag:$0x4], $0x80, s21, s20, $0xb8;
	[tilespmem:$0x1F720] =	vst v63  }
0x51: {  	_ =	swait.ge @!p0 [sflag:s9], $0x2800  }
0x52: {  	[sflag:s9] =	ssyncset.done @!p0 $0x0  }
0x53: {  	s28 =	simm.s32 $0xF0;
	s21 =	rddreg [dreg:$0xb];
	[sflag:s9] =	ssyncadd.s32 @!p0 $0xFFFFD800  }
0x54: {  	[tilespmem:s6], [sflag:$0x1] =	stream.indirect.gather [hbm4b:s1+s20], $0x40, s28, s20, $0xb8;
	[tilespmem:$0x1F720] =	vst v63  }
0x55: {  	s29 =	rddreg [dreg:$0xa];
	s17 =	sadd.s32 $0x0, s21  }
0x56: {  	[tilespmem:s2], [sflag:$0x9] =	stream.linear.gather [hbm4b:s17+s4], $0x50, $0x38;
	[tilespmem:$0x1F720] =	vst v63  }
0x57: {  	s21 =	rddreg [dreg:$0xf];
	s9 =	sadd.s32 $0x0, s29  }
0x58: {  	[tilespmem:s21], [sflag:$0x9] =	stream.linear.gather [hbm4b:s9+s4], $0x50, $0x38;
	[tilespmem:$0x1F720] =	vst v63  }
0x59: {  	_ =	swait.ge [sflag:s0], $0x1400  }
0x5a: {  	[sflag:s0] =	ssyncset.done $0x0  }
0x5b: {  	[sflag:s0] =	ssyncadd.s32 $0xFFFFEC00  }
0x5c: {  	_ =	swait.ge [sflag:s23], $0x50  }
0x5d: {  	[sflag:s23] =	ssyncset.done $0x0  }
0x5e: {  	[sflag:s23] =	ssyncadd.s32 $0xFFFFFFB0  }
0x5f: {  	_ =	swait.ge [sflag:s23], $0x50  }
0x60: {  	[sflag:s23] =	ssyncset.done $0x0  }
0x61: {  	[sflag:s23] =	ssyncadd.s32 $0xFFFFFFB0  }
0x62: {  	[spmem:s3] =	stream.indirect.scatter.add.f32 [tilespmem:s26], [sflag:$0x5], $0x80, s24, s20, $0xb8;
	[tilespmem:$0x1F720] =	vst v63  }
0x63: {  	_ =	swait.ge [sflag:s7], $0x2800  }
0x64: {  	[sflag:s7] =	ssyncset.done $0x0  }
0x65: {  	s28 =	simm.s32 $0x140;
	s24 =	rddreg [dreg:$0x9];
	[sflag:s7] =	ssyncadd.s32 $0xFFFFD800  }
0x66: {  	[tilespmem:s22], [sflag:$0x2] =	stream.indirect.gather [hbm4b:s1+s20], $0x40, s28, s20, $0xb8;
	[tilespmem:$0x1F720] =	vst v63  }
0x67: {  	s29 =	rddreg [dreg:$0x8];
	s9 =	sadd.s32 $0x0, s24  }
0x68: {  	[tilespmem:s8], [sflag:$0xA] =	stream.linear.gather [hbm4b:s9+s4], $0x50, $0x38;
	[tilespmem:$0x1F720] =	vst v63  }
0x69: {  	s6 =	rddreg [dreg:$0x10];
	s21 =	sadd.s32 $0x0, s29  }
0x6a: {  	[tilespmem:s6], [sflag:$0xA] =	stream.linear.gather [hbm4b:s21+s4], $0x50, $0x38;
	[tilespmem:$0x1F720] =	vst v63  }
0x6b: {  	_ =	swait.ge [sflag:s10], $0x1400  }
0x6c: {  	[sflag:s10] =	ssyncset.done $0x0  }
0x6d: {  	[sflag:s10] =	ssyncadd.s32 $0xFFFFEC00  }
0x6e: {  	_ =	swait.ge [sflag:s11], $0x50  }
0x6f: {  	[sflag:s11] =	ssyncset.done $0x0  }
0x70: {  	[sflag:s11] =	ssyncadd.s32 $0xFFFFFFB0  }
0x71: {  	_ =	swait.ge [sflag:s11], $0x50  }
0x72: {  	[sflag:s11] =	ssyncset.done $0x0  }
0x73: {  	[sflag:s11] =	ssyncadd.s32 $0xFFFFFFB0  }
0x74: {  	[spmem:s3] =	stream.indirect.scatter.add.f32 [tilespmem:s31], [sflag:$0x4], $0x80, s25, s20, $0xb8;
	[tilespmem:$0x1F720] =	vst v63  }
0x75: {  	_ =	swait.ge [sflag:s12], $0x2800  }
0x76: {  	[sflag:s12] =	ssyncset.done $0x0  }
0x77: {  	s24 =	simm.s32 $0x190;
	s22 =	rddreg [dreg:$0x7];
	[sflag:s12] =	ssyncadd.s32 $0xFFFFD800  }
0x78: {  	[tilespmem:s5], [sflag:$0x3] =	stream.indirect.gather [hbm4b:s1+s20], $0x40, s24, s20, $0xb8;
	[tilespmem:$0x1F720] =	vst v63  }
0x79: {  	s25 =	rddreg [dreg:$0x6];
	s9 =	sadd.s32 $0x0, s22  }
0x7a: {  	[tilespmem:s13], [sflag:$0xB] =	stream.linear.gather [hbm4b:s9+s4], $0x50, $0x38;
	[tilespmem:$0x1F720] =	vst v63  }
0x7b: {  	s28 =	rddreg [dreg:$0x11];
	s29 =	sadd.s32 $0x0, s25  }
0x7c: {  	[tilespmem:s28], [sflag:$0xB] =	stream.linear.gather [hbm4b:s29+s4], $0x50, $0x38;
	[tilespmem:$0x1F720] =	vst v63  }
0x7d: {  	_ =	swait.ge [sflag:s19], $0x1400  }
0x7e: {  	[sflag:s19] =	ssyncset.done $0x0  }
0x7f: {  	[sflag:s19] =	ssyncadd.s32 $0xFFFFEC00  }
0x80: {  	_ =	swait.ge [sflag:s14], $0x50  }
0x81: {  	[sflag:s14] =	ssyncset.done $0x0  }
0x82: {  	[sflag:s14] =	ssyncadd.s32 $0xFFFFFFB0  }
0x83: {  	_ =	swait.ge [sflag:s14], $0x50  }
0x84: {  	p0 =	por $0x0, $0x0;
	[sflag:s14] =	ssyncset.done $0x0  }
0x85: {  	s18 =	simm.s32 @!p0 $0x2B20;
	[sflag:s14] =	ssyncadd.s32 $0xFFFFFFB0  }
0x86: {  	[spmem:s3] =	stream.indirect.scatter.add.f32 [tilespmem:s26], [sflag:$0x5], $0x80, s2, s20, $0xb8;
	[tilespmem:$0x1F720] =	vst v63  }
0x87: {  	s17 =	simm.s32 @!p0 $0x50;
	s22 =	simm.s32 @!p0 $0x0;
	_ =	swait.ge [sflag:s7], $0x2800  }
0x88: {  	s9 =	simm.s32 @!p0 $0x1E0;
	[sflag:s7] =	ssyncset.done $0x0;
	s6 =	rddreg [dreg:$0x1e]  }
0x89: {  	s5 =	rddreg [dreg:$0x12];
	[sflag:s7] =	ssyncadd.s32 $0xFFFFD800;
	s21 =	sshrl.u32 @!p0 s6, $0x3  }
0x8a: {  	[tilespmem:s18], [sflag:$0x1] =	stream.indirect.gather @!p0 [hbm4b:s1+s17], $0x40, s9, s17, $0xb8;
	[tilespmem:$0x1F720] =	vst v63  }
0x8b: {  	s9 =	simm.s32 @!p0 $0x2760;
	s18 =	sadd.s32 @!p0 s5, s21;
	s5 =	rddreg [dreg:$0x13]  }
0x8c: {  	[tilespmem:s9], [sflag:$0x6] =	stream.linear.gather @!p0 [hbm4b:s18+s22], $0x50, $0x38;
	[tilespmem:$0x1F720] =	vst v63  }
0x8d: {  	s9 =	simm.s32 @!p0 $0x2940;
	s18 =	sadd.s32 @!p0 s5, s21  }
0x8e: {  	[tilespmem:s9], [sflag:$0x6] =	stream.linear.gather @!p0 [hbm4b:s18+s22], $0x50, $0x38;
	[tilespmem:$0x1F720] =	vst v63  }
0x8f: {  	_ =	swait.ge [sflag:s0], $0x1400  }
0x90: {  	[sflag:s0] =	ssyncset.done $0x0  }
0x91: {  	[sflag:s0] =	ssyncadd.s32 $0xFFFFEC00  }
0x92: {  	_ =	swait.ge [sflag:s15], $0x50  }
0x93: {  	[sflag:s15] =	ssyncset.done $0x0  }
0x94: {  	[sflag:s15] =	ssyncadd.s32 $0xFFFFFFB0  }
0x95: {  	_ =	swait.ge [sflag:s15], $0x50  }
0x96: {  	[sflag:s15] =	ssyncset.done $0x0  }
0x97: {  	[sflag:s15] =	ssyncadd.s32 $0xFFFFFFB0  }
0x98: {  	[spmem:s3] =	stream.indirect.scatter.add.f32 [tilespmem:s31], [sflag:$0x4], $0x80, s8, s20, $0xb8;
	[tilespmem:$0x1F720] =	vst v63  }
0x99: {  	_ =	swait.ge [sflag:s12], $0x2800  }
0x9a: {  	s9 =	simm.s32 $0x230;
	[sflag:s12] =	ssyncset.done $0x0  }
0x9b: {  	s18 =	simm.s32 @!p0 $0x3F20;
	s21 =	rddreg [dreg:$0x5];
	[sflag:s12] =	ssyncadd.s32 $0xFFFFD800  }
0x9c: {  	[tilespmem:s18], [sflag:$0x2] =	stream.indirect.gather @!p0 [hbm4b:s1+s17], $0x40, s9, s17, $0xb8;
	[tilespmem:$0x1F720] =	vst v63  }
0x9d: {  	s9 =	rddreg [dreg:$0x4];
	s17 =	sadd.s32 @!p0 $0x0, s21;
	s18 =	simm.s32 @!p0 $0x27B0  }
0x9e: {  	[tilespmem:s18], [sflag:$0x7] =	stream.linear.gather @!p0 [hbm4b:s17+s22], $0x50, $0x38;
	[tilespmem:$0x1F720] =	vst v63  }
0x9f: {  	s9 =	sadd.s32 @!p0 $0x0, s9;
	s17 =	simm.s32 @!p0 $0x2990  }
0xa0: {  	[tilespmem:s17], [sflag:$0x7] =	stream.linear.gather @!p0 [hbm4b:s9+s22], $0x50, $0x38;
	[tilespmem:$0x1F720] =	vst v63  }
0xa1: {  	_ =	swait.ge [sflag:s10], $0x1400  }
0xa2: {  	[sflag:s10] =	ssyncset.done $0x0  }
0xa3: {  	[sflag:s10] =	ssyncadd.s32 $0xFFFFEC00  }
0xa4: {  	p1 =	por $0x0, $0x0;
	_ =	swait.ge [sflag:s16], $0x50  }
0xa5: {  	s21 =	simm.s32 $0x78;
	s18 =	simm.s32 $0x3C;
	[sflag:s16] =	ssyncset.done $0x0  }
0xa6: {  	s17 =	simm.s32 $0x410;
	s9 =	sadd.s32 $0x1E0, s6;
	[sflag:s16] =	ssyncadd.s32 $0xFFFFFFB0  }
.LBB2_2:
0xa7: {  	_ =	swait.ge [sflag:s16], $0x50  }
0xa8: {  	[sflag:s16] =	ssyncset.done $0x0  }
0xa9: {  	s24 =	simm.s32 @!p1 $0x4;
	[sflag:s16] =	ssyncadd.s32 $0xFFFFFFB0  }
0xaa: {  	[spmem:s3] =	stream.indirect.scatter.add.f32 [tilespmem:s26], [sflag:$0x5], $0x80, s13, s20, $0xb8;
	[tilespmem:$0x1F720] =	vst v63  }
0xab: {  	_ =	swait.ge @!p1 [sflag:s24], $0x2800  }
0xac: {  	s25 =	sadd.s32 $0xFFFFFE70, s17;
	[sflag:s24] =	ssyncset.done @!p1 $0x0  }
0xad: {  	s28 =	simm.s32 $0x5320;
	s5 =	rddreg [dreg:$0xd];
	[sflag:s24] =	ssyncadd.s32 @!p1 $0xFFFFD800  }
0xae: {  	[tilespmem:s28], [sflag:$0x3] =	stream.indirect.gather [hbm4b:s1+s20], $0x40, s25, s20, $0xb8;
	[tilespmem:$0x1F720] =	vst v63  }
0xaf: {  	s29 =	simm.s32 $0x2800;
	s24 =	rddreg [dreg:$0xc];
	s5 =	sadd.s32 s18, s5  }
0xb0: {  	[tilespmem:s29], [sflag:$0x8] =	stream.linear.gather [hbm4b:s5+s4], $0x50, $0x38;
	[tilespmem:$0x1F720] =	vst v63  }
0xb1: {  	s6 =	rddreg [dreg:$0xe];
	s24 =	sadd.s32 s18, s24  }
0xb2: {  	[tilespmem:s6], [sflag:$0x8] =	stream.linear.gather [hbm4b:s24+s4], $0x50, $0x38;
	[tilespmem:$0x1F720] =	vst v63  }
0xb3: {  	_ =	swait.ge [sflag:s19], $0x1400  }
0xb4: {  	[sflag:s19] =	ssyncset.done $0x0  }
0xb5: {  	[sflag:s19] =	ssyncadd.s32 $0xFFFFEC00  }
0xb6: {  	_ =	swait.ge [sflag:s30], $0x50  }
0xb7: {  	[sflag:s30] =	ssyncset.done $0x0  }
0xb8: {  	[sflag:s30] =	ssyncadd.s32 $0xFFFFFFB0  }
0xb9: {  	_ =	swait.ge [sflag:s30], $0x50  }
0xba: {  	[sflag:s30] =	ssyncset.done $0x0  }
0xbb: {  	s5 =	simm.s32 @!p1 $0x5;
	s6 =	simm.s32 $0x2760;
	[sflag:s30] =	ssyncadd.s32 $0xFFFFFFB0  }
0xbc: {  	[spmem:s3] =	stream.indirect.scatter.add.f32 [tilespmem:s31], [sflag:$0x4], $0x80, s6, s20, $0xb8;
	[tilespmem:$0x1F720] =	vst v63  }
0xbd: {  	_ =	swait.ge @!p1 [sflag:s5], $0x2800  }
0xbe: {  	s24 =	sadd.s32 $0xFFFFFEC0, s17;
	[sflag:s5] =	ssyncset.done @!p1 $0x0  }
0xbf: {  	s6 =	simm.s32 $0x2B20;
	s25 =	rddreg [dreg:$0xb];
	[sflag:s5] =	ssyncadd.s32 @!p1 $0xFFFFD800  }
0xc0: {  	[tilespmem:s6], [sflag:$0x1] =	stream.indirect.gather [hbm4b:s1+s20], $0x40, s24, s20, $0xb8;
	[tilespmem:$0x1F720] =	vst v63  }
0xc1: {  	s5 =	rddreg [dreg:$0xa];
	s25 =	sadd.s32 s18, s25  }
0xc2: {  	[tilespmem:s2], [sflag:$0x9] =	stream.linear.gather [hbm4b:s25+s4], $0x50, $0x38;
	[tilespmem:$0x1F720] =	vst v63  }
0xc3: {  	s6 =	rddreg [dreg:$0xf];
	s5 =	sadd.s32 s18, s5  }
0xc4: {  	[tilespmem:s6], [sflag:$0x9] =	stream.linear.gather [hbm4b:s5+s4], $0x50, $0x38;
	[tilespmem:$0x1F720] =	vst v63  }
0xc5: {  	_ =	swait.ge [sflag:s0], $0x1400  }
0xc6: {  	[sflag:s0] =	ssyncset.done $0x0  }
0xc7: {  	[sflag:s0] =	ssyncadd.s32 $0xFFFFEC00  }
0xc8: {  	_ =	swait.ge [sflag:s23], $0x50  }
0xc9: {  	[sflag:s23] =	ssyncset.done $0x0  }
0xca: {  	[sflag:s23] =	ssyncadd.s32 $0xFFFFFFB0  }
0xcb: {  	_ =	swait.ge [sflag:s23], $0x50  }
0xcc: {  	[sflag:s23] =	ssyncset.done $0x0  }
0xcd: {  	s25 =	simm.s32 $0x27B0;
	[sflag:s23] =	ssyncadd.s32 $0xFFFFFFB0  }
0xce: {  	[spmem:s3] =	stream.indirect.scatter.add.f32 [tilespmem:s26], [sflag:$0x5], $0x80, s25, s20, $0xb8;
	[tilespmem:$0x1F720] =	vst v63  }
0xcf: {  	_ =	swait.ge [sflag:s7], $0x2800  }
0xd0: {  	s5 =	sadd.s32 $0xFFFFFF10, s17;
	[sflag:s7] =	ssyncset.done $0x0  }
0xd1: {  	s6 =	simm.s32 $0x3F20;
	s24 =	rddreg [dreg:$0x9];
	[sflag:s7] =	ssyncadd.s32 $0xFFFFD800  }
0xd2: {  	[tilespmem:s6], [sflag:$0x2] =	stream.indirect.gather [hbm4b:s1+s20], $0x40, s5, s20, $0xb8;
	[tilespmem:$0x1F720] =	vst v63  }
0xd3: {  	s25 =	rddreg [dreg:$0x8];
	s6 =	sadd.s32 s18, s24  }
0xd4: {  	[tilespmem:s8], [sflag:$0xA] =	stream.linear.gather [hbm4b:s6+s4], $0x50, $0x38;
	[tilespmem:$0x1F720] =	vst v63  }
0xd5: {  	s24 =	rddreg [dreg:$0x10];
	s6 =	sadd.s32 s18, s25  }
0xd6: {  	[tilespmem:s24], [sflag:$0xA] =	stream.linear.gather [hbm4b:s6+s4], $0x50, $0x38;
	[tilespmem:$0x1F720] =	vst v63  }
0xd7: {  	_ =	swait.ge [sflag:s10], $0x1400  }
0xd8: {  	[sflag:s10] =	ssyncset.done $0x0  }
0xd9: {  	[sflag:s10] =	ssyncadd.s32 $0xFFFFEC00  }
0xda: {  	_ =	swait.ge [sflag:s11], $0x50  }
0xdb: {  	[sflag:s11] =	ssyncset.done $0x0  }
0xdc: {  	[sflag:s11] =	ssyncadd.s32 $0xFFFFFFB0  }
0xdd: {  	_ =	swait.ge [sflag:s11], $0x50  }
0xde: {  	[sflag:s11] =	ssyncset.done $0x0  }
0xdf: {  	[sflag:s11] =	ssyncadd.s32 $0xFFFFFFB0  }
0xe0: {  	[spmem:s3] =	stream.indirect.scatter.add.f32 [tilespmem:s31], [sflag:$0x4], $0x80, s29, s20, $0xb8;
	[tilespmem:$0x1F720] =	vst v63  }
0xe1: {  	_ =	swait.ge [sflag:s12], $0x2800  }
0xe2: {  	[sflag:s12] =	ssyncset.done $0x0  }
0xe3: {  	s25 =	sadd.s32 $0xFFFFFF60, s17;
	s29 =	rddreg [dreg:$0x7];
	[sflag:s12] =	ssyncadd.s32 $0xFFFFD800  }
0xe4: {  	[tilespmem:s28], [sflag:$0x3] =	stream.indirect.gather [hbm4b:s1+s20], $0x40, s25, s20, $0xb8;
	[tilespmem:$0x1F720] =	vst v63  }
0xe5: {  	s6 =	rddreg [dreg:$0x6];
	s24 =	sadd.s32 s18, s29  }
0xe6: {  	[tilespmem:s13], [sflag:$0xB] =	stream.linear.gather [hbm4b:s24+s4], $0x50, $0x38;
	[tilespmem:$0x1F720] =	vst v63  }
0xe7: {  	s29 =	sadd.s32 s18, s6;
	s28 =	rddreg [dreg:$0x11]  }
0xe8: {  	[tilespmem:s28], [sflag:$0xB] =	stream.linear.gather [hbm4b:s29+s4], $0x50, $0x38;
	[tilespmem:$0x1F720] =	vst v63  }
0xe9: {  	_ =	swait.ge [sflag:s19], $0x1400  }
0xea: {  	[sflag:s19] =	ssyncset.done $0x0  }
0xeb: {  	[sflag:s19] =	ssyncadd.s32 $0xFFFFEC00  }
0xec: {  	_ =	swait.ge [sflag:s14], $0x50  }
0xed: {  	[sflag:s14] =	ssyncset.done $0x0  }
0xee: {  	[sflag:s14] =	ssyncadd.s32 $0xFFFFFFB0  }
0xef: {  	_ =	swait.ge [sflag:s14], $0x50  }
0xf0: {  	[sflag:s14] =	ssyncset.done $0x0  }
0xf1: {  	[sflag:s14] =	ssyncadd.s32 $0xFFFFFFB0  }
0xf2: {  	[spmem:s3] =	stream.indirect.scatter.add.f32 [tilespmem:s26], [sflag:$0x5], $0x80, s2, s20, $0xb8;
	[tilespmem:$0x1F720] =	vst v63  }
0xf3: {  	p1 =	seq.s32 s18, $0x4B0;
	_ =	swait.ge [sflag:s7], $0x2800  }
0xf4: {  	s5 =	sadd.s32 @!p1 $0xFFFFFFB0, s17;
	[sflag:s7] =	ssyncset.done $0x0  }
0xf5: {  	s25 =	simm.s32 @!p1 $0x2B20;
	s24 =	simm.s32 @!p1 $0x50;
	[sflag:s7] =	ssyncadd.s32 $0xFFFFD800  }
0xf6: {  	[tilespmem:s25], [sflag:$0x1] =	stream.indirect.gather @!p1 [hbm4b:s1+s24], $0x40, s5, s24, $0xb8;
	[tilespmem:$0x1F720] =	vst v63  }
0xf7: {  	s28 =	sshrl.u32 @!p1 s9, $0x3;
	s5 =	rddreg [dreg:$0x12]  }
0xf8: {  	s6 =	simm.s32 @!p1 $0x2760;
	s25 =	simm.s32 @!p1 $0x0;
	s5 =	sadd.s32 @!p1 s5, s28  }
0xf9: {  	[tilespmem:s6], [sflag:$0x6] =	stream.linear.gather @!p1 [hbm4b:s5+s25], $0x50, $0x38;
	[tilespmem:$0x1F720] =	vst v63  }
0xfa: {  	s5 =	rddreg [dreg:$0x13]  }
0xfb: {  	s29 =	simm.s32 @!p1 $0x2940;
	s5 =	sadd.s32 @!p1 s5, s28  }
0xfc: {  	[tilespmem:s29], [sflag:$0x6] =	stream.linear.gather @!p1 [hbm4b:s5+s25], $0x50, $0x38;
	[tilespmem:$0x1F720] =	vst v63  }
0xfd: {  	_ =	swait.ge [sflag:s0], $0x1400  }
0xfe: {  	[sflag:s0] =	ssyncset.done $0x0  }
0xff: {  	[sflag:s0] =	ssyncadd.s32 $0xFFFFEC00  }
0x100: {  	_ =	swait.ge [sflag:s15], $0x50  }
0x101: {  	[sflag:s15] =	ssyncset.done $0x0  }
0x102: {  	[sflag:s15] =	ssyncadd.s32 $0xFFFFFFB0  }
0x103: {  	_ =	swait.ge [sflag:s15], $0x50  }
0x104: {  	[sflag:s15] =	ssyncset.done $0x0  }
0x105: {  	[sflag:s15] =	ssyncadd.s32 $0xFFFFFFB0  }
0x106: {  	[spmem:s3] =	stream.indirect.scatter.add.f32 [tilespmem:s31], [sflag:$0x4], $0x80, s8, s20, $0xb8;
	[tilespmem:$0x1F720] =	vst v63  }
0x107: {  	_ =	swait.ge [sflag:s12], $0x2800  }
0x108: {  	s22 =	smov.u32 s21;
	[sflag:s12] =	ssyncset.done $0x0  }
0x109: {  	s5 =	simm.s32 @!p1 $0x3F20;
	s6 =	rddreg [dreg:$0x5];
	[sflag:s12] =	ssyncadd.s32 $0xFFFFD800  }
0x10a: {  	[tilespmem:s5], [sflag:$0x2] =	stream.indirect.gather @!p1 [hbm4b:s1+s24], $0x40, s17, s24, $0xb8;
	[tilespmem:$0x1F720] =	vst v63  }
0x10b: {  	s28 =	rddreg [dreg:$0x4];
	s5 =	sadd.s32 @!p1 s18, s6;
	s6 =	simm.s32 @!p1 $0x27B0  }
0x10c: {  	[tilespmem:s6], [sflag:$0x7] =	stream.linear.gather @!p1 [hbm4b:s5+s25], $0x50, $0x38;
	[tilespmem:$0x1F720] =	vst v63  }
0x10d: {  	s21 =	sadd.s32 $0x3C, s21;
	s24 =	simm.s32 @!p1 $0x2990;
	s5 =	sadd.s32 @!p1 s18, s28  }
0x10e: {  	[tilespmem:s24], [sflag:$0x7] =	stream.linear.gather @!p1 [hbm4b:s5+s25], $0x50, $0x38;
	[tilespmem:$0x1F720] =	vst v63  }
0x10f: {  	p0 =	sne.s32 s21, $0x4EC;
	_ =	swait.ge [sflag:s10], $0x1400  }
.Ltmp0:
0x110: {  	[sflag:s10] =	ssyncset.done $0x0;
	(pc) =	sbr.rel @p0 .LBB2_2-.Ltmp0, $4  }
0x111: {  	[sflag:s10] =	ssyncadd.s32 $0xFFFFEC00  }
0x112: {  	_ =	swait.ge [sflag:s16], $0x50  }
0x113: {  	s9 =	sadd.s32 $0x1E0, s9;
	s18 =	smov.u32 s22;
	[sflag:s16] =	ssyncset.done $0x0  }
0x114: {  	s17 =	sadd.s32 $0x1E0, s17;
	p1 =	seq.s32 s18, $0x0;
	[sflag:s16] =	ssyncadd.s32 $0xFFFFFFB0  }
0x115: {  	_ =	swait.ge [sflag:s16], $0x50  }
0x116: {  	[sflag:s16] =	ssyncset.done $0x0  }
0x117: {  	s5 =	simm.s32 @!p1 $0x4;
	[sflag:s16] =	ssyncadd.s32 $0xFFFFFFB0  }
0x118: {  	[spmem:s3] =	stream.indirect.scatter.add.f32 [tilespmem:s26], [sflag:$0x5], $0x80, s13, s20, $0xb8;
	[tilespmem:$0x1F720] =	vst v63  }
0x119: {  	_ =	swait.ge @!p1 [sflag:s5], $0x2800  }
0x11a: {  	s21 =	sadd.s32 $0xFFFFFE70, s17;
	[sflag:s5] =	ssyncset.done @!p1 $0x0  }
0x11b: {  	s24 =	simm.s32 $0x5320;
	s6 =	rddreg [dreg:$0xd];
	[sflag:s5] =	ssyncadd.s32 @!p1 $0xFFFFD800  }
0x11c: {  	[tilespmem:s24], [sflag:$0x3] =	stream.indirect.gather [hbm4b:s1+s20], $0x40, s21, s20, $0xb8;
	[tilespmem:$0x1F720] =	vst v63  }
0x11d: {  	s25 =	simm.s32 $0x2800;
	s28 =	rddreg [dreg:$0xc];
	s6 =	sadd.s32 s18, s6  }
0x11e: {  	[tilespmem:s25], [sflag:$0x8] =	stream.linear.gather [hbm4b:s6+s4], $0x50, $0x38;
	[tilespmem:$0x1F720] =	vst v63  }
0x11f: {  	s29 =	rddreg [dreg:$0xe];
	s5 =	sadd.s32 s18, s28  }
0x120: {  	[tilespmem:s29], [sflag:$0x8] =	stream.linear.gather [hbm4b:s5+s4], $0x50, $0x38;
	[tilespmem:$0x1F720] =	vst v63  }
0x121: {  	_ =	swait.ge [sflag:s19], $0x1400  }
0x122: {  	[sflag:s19] =	ssyncset.done $0x0  }
0x123: {  	[sflag:s19] =	ssyncadd.s32 $0xFFFFEC00  }
0x124: {  	_ =	swait.ge [sflag:s30], $0x50  }
0x125: {  	[sflag:s30] =	ssyncset.done $0x0  }
0x126: {  	[sflag:s30] =	ssyncadd.s32 $0xFFFFFFB0  }
0x127: {  	_ =	swait.ge [sflag:s30], $0x50  }
0x128: {  	[sflag:s30] =	ssyncset.done $0x0  }
0x129: {  	s22 =	simm.s32 $0x2760;
	s5 =	simm.s32 @!p1 $0x5;
	[sflag:s30] =	ssyncadd.s32 $0xFFFFFFB0  }
0x12a: {  	[spmem:s3] =	stream.indirect.scatter.add.f32 [tilespmem:s31], [sflag:$0x4], $0x80, s22, s20, $0xb8;
	[tilespmem:$0x1F720] =	vst v63  }
0x12b: {  	_ =	swait.ge @!p1 [sflag:s5], $0x2800  }
0x12c: {  	s28 =	sadd.s32 $0xFFFFFEC0, s17;
	[sflag:s5] =	ssyncset.done @!p1 $0x0  }
0x12d: {  	s22 =	simm.s32 $0x2B20;
	s6 =	rddreg [dreg:$0xb];
	[sflag:s5] =	ssyncadd.s32 @!p1 $0xFFFFD800  }
0x12e: {  	[tilespmem:s22], [sflag:$0x1] =	stream.indirect.gather [hbm4b:s1+s20], $0x40, s28, s20, $0xb8;
	[tilespmem:$0x1F720] =	vst v63  }
0x12f: {  	s29 =	rddreg [dreg:$0xa];
	s6 =	sadd.s32 s18, s6  }
0x130: {  	[tilespmem:s2], [sflag:$0x9] =	stream.linear.gather [hbm4b:s6+s4], $0x50, $0x38;
	[tilespmem:$0x1F720] =	vst v63  }
0x131: {  	s5 =	sadd.s32 s18, s29;
	s22 =	rddreg [dreg:$0xf]  }
0x132: {  	[tilespmem:s22], [sflag:$0x9] =	stream.linear.gather [hbm4b:s5+s4], $0x50, $0x38;
	[tilespmem:$0x1F720] =	vst v63  }
0x133: {  	_ =	swait.ge [sflag:s0], $0x1400  }
0x134: {  	[sflag:s0] =	ssyncset.done $0x0  }
0x135: {  	[sflag:s0] =	ssyncadd.s32 $0xFFFFEC00  }
0x136: {  	_ =	swait.ge [sflag:s23], $0x50  }
0x137: {  	[sflag:s23] =	ssyncset.done $0x0  }
0x138: {  	[sflag:s23] =	ssyncadd.s32 $0xFFFFFFB0  }
0x139: {  	_ =	swait.ge [sflag:s23], $0x50  }
0x13a: {  	[sflag:s23] =	ssyncset.done $0x0  }
0x13b: {  	s28 =	simm.s32 $0x27B0;
	[sflag:s23] =	ssyncadd.s32 $0xFFFFFFB0  }
0x13c: {  	[spmem:s3] =	stream.indirect.scatter.add.f32 [tilespmem:s26], [sflag:$0x5], $0x80, s28, s20, $0xb8;
	[tilespmem:$0x1F720] =	vst v63  }
0x13d: {  	_ =	swait.ge [sflag:s7], $0x2800  }
0x13e: {  	s22 =	sadd.s32 $0xFFFFFF10, s17;
	[sflag:s7] =	ssyncset.done $0x0  }
0x13f: {  	s28 =	simm.s32 $0x3F20;
	s29 =	rddreg [dreg:$0x9];
	[sflag:s7] =	ssyncadd.s32 $0xFFFFD800  }
0x140: {  	[tilespmem:s28], [sflag:$0x2] =	stream.indirect.gather [hbm4b:s1+s20], $0x40, s22, s20, $0xb8;
	[tilespmem:$0x1F720] =	vst v63  }
0x141: {  	s21 =	rddreg [dreg:$0x8];
	s5 =	sadd.s32 s18, s29  }
0x142: {  	[tilespmem:s8], [sflag:$0xA] =	stream.linear.gather [hbm4b:s5+s4], $0x50, $0x38;
	[tilespmem:$0x1F720] =	vst v63  }
0x143: {  	s29 =	rddreg [dreg:$0x10];
	s21 =	sadd.s32 s18, s21  }
0x144: {  	[tilespmem:s29], [sflag:$0xA] =	stream.linear.gather [hbm4b:s21+s4], $0x50, $0x38;
	[tilespmem:$0x1F720] =	vst v63  }
0x145: {  	_ =	swait.ge [sflag:s10], $0x1400  }
0x146: {  	[sflag:s10] =	ssyncset.done $0x0  }
0x147: {  	[sflag:s10] =	ssyncadd.s32 $0xFFFFEC00  }
0x148: {  	_ =	swait.ge [sflag:s11], $0x50  }
0x149: {  	[sflag:s11] =	ssyncset.done $0x0  }
0x14a: {  	[sflag:s11] =	ssyncadd.s32 $0xFFFFFFB0  }
0x14b: {  	_ =	swait.ge [sflag:s11], $0x50  }
0x14c: {  	[sflag:s11] =	ssyncset.done $0x0  }
0x14d: {  	[sflag:s11] =	ssyncadd.s32 $0xFFFFFFB0  }
0x14e: {  	[spmem:s3] =	stream.indirect.scatter.add.f32 [tilespmem:s31], [sflag:$0x4], $0x80, s25, s20, $0xb8;
	[tilespmem:$0x1F720] =	vst v63  }
0x14f: {  	_ =	swait.ge [sflag:s12], $0x2800  }
0x150: {  	[sflag:s12] =	ssyncset.done $0x0  }
0x151: {  	s25 =	sadd.s32 $0xFFFFFF60, s17;
	s22 =	rddreg [dreg:$0x7];
	[sflag:s12] =	ssyncadd.s32 $0xFFFFD800  }
0x152: {  	[tilespmem:s24], [sflag:$0x3] =	stream.indirect.gather [hbm4b:s1+s20], $0x40, s25, s20, $0xb8;
	[tilespmem:$0x1F720] =	vst v63  }
0x153: {  	s28 =	rddreg [dreg:$0x6];
	s5 =	sadd.s32 s18, s22  }
0x154: {  	[tilespmem:s13], [sflag:$0xB] =	stream.linear.gather [hbm4b:s5+s4], $0x50, $0x38;
	[tilespmem:$0x1F720] =	vst v63  }
0x155: {  	s29 =	rddreg [dreg:$0x11];
	s22 =	sadd.s32 s18, s28  }
0x156: {  	[tilespmem:s29], [sflag:$0xB] =	stream.linear.gather [hbm4b:s22+s4], $0x50, $0x38;
	[tilespmem:$0x1F720] =	vst v63  }
0x157: {  	_ =	swait.ge [sflag:s19], $0x1400  }
0x158: {  	[sflag:s19] =	ssyncset.done $0x0  }
0x159: {  	[sflag:s19] =	ssyncadd.s32 $0xFFFFEC00  }
0x15a: {  	_ =	swait.ge [sflag:s14], $0x50  }
0x15b: {  	[sflag:s14] =	ssyncset.done $0x0  }
0x15c: {  	[sflag:s14] =	ssyncadd.s32 $0xFFFFFFB0  }
0x15d: {  	_ =	swait.ge [sflag:s14], $0x50  }
0x15e: {  	[sflag:s14] =	ssyncset.done $0x0  }
0x15f: {  	[sflag:s14] =	ssyncadd.s32 $0xFFFFFFB0  }
0x160: {  	[spmem:s3] =	stream.indirect.scatter.add.f32 [tilespmem:s26], [sflag:$0x5], $0x80, s2, s20, $0xb8;
	[tilespmem:$0x1F720] =	vst v63  }
0x161: {  	p0 =	seq.s32 s18, $0x4B0;
	_ =	swait.ge [sflag:s7], $0x2800  }
0x162: {  	s6 =	simm.s32 @!p0 $0x50;
	[sflag:s7] =	ssyncset.done $0x0  }
0x163: {  	s21 =	simm.s32 @!p0 $0x2B20;
	s5 =	sadd.s32 @!p0 $0xFFFFFFB0, s17;
	[sflag:s7] =	ssyncadd.s32 $0xFFFFD800  }
0x164: {  	[tilespmem:s21], [sflag:$0x1] =	stream.indirect.gather @!p0 [hbm4b:s1+s6], $0x40, s5, s6, $0xb8;
	[tilespmem:$0x1F720] =	vst v63  }
0x165: {  	s9 =	sshrl.u32 @!p0 s9, $0x3;
	s21 =	rddreg [dreg:$0x12]  }
0x166: {  	s22 =	simm.s32 @!p0 $0x0;
	s5 =	simm.s32 @!p0 $0x2760;
	s21 =	sadd.s32 @!p0 s21, s9  }
0x167: {  	[tilespmem:s5], [sflag:$0x6] =	stream.linear.gather @!p0 [hbm4b:s21+s22], $0x50, $0x38;
	[tilespmem:$0x1F720] =	vst v63  }
0x168: {  	s21 =	rddreg [dreg:$0x13]  }
0x169: {  	s5 =	simm.s32 @!p0 $0x2940;
	s9 =	sadd.s32 @!p0 s21, s9  }
0x16a: {  	[tilespmem:s5], [sflag:$0x6] =	stream.linear.gather @!p0 [hbm4b:s9+s22], $0x50, $0x38;
	[tilespmem:$0x1F720] =	vst v63  }
0x16b: {  	_ =	swait.ge [sflag:s0], $0x1400  }
0x16c: {  	[sflag:s0] =	ssyncset.done $0x0  }
0x16d: {  	[sflag:s0] =	ssyncadd.s32 $0xFFFFEC00  }
0x16e: {  	_ =	swait.ge [sflag:s15], $0x50  }
0x16f: {  	[sflag:s15] =	ssyncset.done $0x0  }
0x170: {  	[sflag:s15] =	ssyncadd.s32 $0xFFFFFFB0  }
0x171: {  	_ =	swait.ge [sflag:s15], $0x50  }
0x172: {  	[sflag:s15] =	ssyncset.done $0x0  }
0x173: {  	[sflag:s15] =	ssyncadd.s32 $0xFFFFFFB0  }
0x174: {  	[spmem:s3] =	stream.indirect.scatter.add.f32 [tilespmem:s31], [sflag:$0x4], $0x80, s8, s20, $0xb8;
	[tilespmem:$0x1F720] =	vst v63  }
0x175: {  	_ =	swait.ge [sflag:s12], $0x2800  }
0x176: {  	[sflag:s12] =	ssyncset.done $0x0  }
0x177: {  	s5 =	simm.s32 @!p0 $0x3F20;
	s9 =	rddreg [dreg:$0x5];
	[sflag:s12] =	ssyncadd.s32 $0xFFFFD800  }
0x178: {  	[tilespmem:s5], [sflag:$0x2] =	stream.indirect.gather @!p0 [hbm4b:s1+s6], $0x40, s17, s6, $0xb8;
	[tilespmem:$0x1F720] =	vst v63  }
0x179: {  	s5 =	rddreg [dreg:$0x4];
	s6 =	sadd.s32 @!p0 s18, s9;
	s9 =	simm.s32 @!p0 $0x27B0  }
0x17a: {  	[tilespmem:s9], [sflag:$0x7] =	stream.linear.gather @!p0 [hbm4b:s6+s22], $0x50, $0x38;
	[tilespmem:$0x1F720] =	vst v63  }
0x17b: {  	s5 =	sadd.s32 @!p0 s18, s5;
	s6 =	simm.s32 @!p0 $0x2990  }
0x17c: {  	[tilespmem:s6], [sflag:$0x7] =	stream.linear.gather @!p0 [hbm4b:s5+s22], $0x50, $0x38;
	[tilespmem:$0x1F720] =	vst v63  }
0x17d: {  	_ =	swait.ge [sflag:s10], $0x1400  }
0x17e: {  	[sflag:s10] =	ssyncset.done $0x0  }
0x17f: {  	[sflag:s10] =	ssyncadd.s32 $0xFFFFEC00  }
0x180: {  	_ =	swait.ge [sflag:s16], $0x50  }
0x181: {  	[sflag:s16] =	ssyncset.done $0x0  }
0x182: {  	[sflag:s16] =	ssyncadd.s32 $0xFFFFFFB0  }
0x183: {  	_ =	swait.ge [sflag:s16], $0x50  }
0x184: {  	[sflag:s16] =	ssyncset.done $0x0  }
0x185: {  	[sflag:s16] =	ssyncadd.s32 $0xFFFFFFB0  }
0x186: {  	[spmem:s3] =	stream.indirect.scatter.add.f32 [tilespmem:s26], [sflag:$0x5], $0x80, s13, s20, $0xb8;
	[tilespmem:$0x1F720] =	vst v63  }
0x187: {  	_ =	swait.ge [sflag:s7], $0x2800  }
0x188: {  	[sflag:s7] =	ssyncset.done $0x0  }
0x189: {  	[sflag:s7] =	ssyncadd.s32 $0xFFFFD800  }
0x18a: {  	_ =	swait.ge [sflag:s12], $0x2800  }
0x18b: {  	[sflag:s12] =	ssyncset.done $0x0  }
0x18c: {  	[sflag:s12] =	ssyncadd.s32 $0xFFFFD800  }
0x18d: {  	[bflag:$0x0] =	sbarrier.arrive $0xFFFF  }
0x18e: {  	s25 =	sld [smem:$0x7FD]  }
0x18f: {  	s17 =	rddreg [dreg:$0x16]  }
0x190: {  	s6 =	simm.s32 $0xC;
	s24 =	rddreg [dreg:$0x1c]  }
0x191: {  	[hbm:s24], [sflag:s17] =	dma.local [spmem:s25], $0x2800  }
0x192: {  	_ =	swait.ge [sflag:s6], $0x2800  }
0x193: {  	s28 =	rddreg [dreg:$0x1f]  }
0x194: {  	s29 =	rddreg [dreg:$0x1d];
	s9 =	sadd.s32 $0x1, s28  }
0x195: {  	p0 =	sne.s32 s9, s29  }
.Ltmp1:
0x196: {  	_ = 	snop;
	(pc) =	sbr.rel @p0 .LBB2_1-.Ltmp1, $3  }
0x197: {  	_ =	sdelay $0x1  }
0x198: {  	[sflag:s6] =	ssyncset.done $0x0  }
0x199: {  	[sflag:s6] =	ssyncadd.s32 $0xFFFFD800  }
0x19a: {  	_ =	sfence.sel $0x180000  }
0x19b: {  	[bflag:$0x0] =	sbarrier.arrive $0xFFFF  }
0x19c: {  	_ =	strace $0x9000004A  }
0x19d: {  	s0 =	stileid.u32;
	[bflag:$0x2] =	sbarrier.arrive $0xFFFF  }
0x19e: {  	p0 =	sne.s32 s0, $0x0;
	s0 =	rddreg [dreg:$0x3]  }
0x19f: {  	s0 =	sadd.s32 @!p0 $0x100000, s0  }
0x1a0: {  	[sflag:s0] =	ssyncadd.tile.s32 @!p0 $0x1;
	_ =	shalt  }
.Lfunc_end2:
_tile_overlayer_lowered:
.L_overlay_start_2:
0x1a1: {  	(tag) =	ssettag $0x2  }
0x1a2: {  	s0 =	rddreg [dreg:$0x0];
	s2 =	stileid.u32  }
0x1a3: {  	s1 =	rddreg [dreg:$0x1];
	p0 =	sne.s32 s2, $0x0  }
0x1a4: {  	s3 =	rddreg [dreg:$0x2];
	[bflag:$0x3] =	sbarrier.arrive $0xFFFF;
	s2 =	simm.s32 @!p0 $0x1C0C  }
0x1a5: {  	[timem:s3], [sflag:s2] =	dma.local @!p0 [hbm:s0], s1  }
0x1a6: {  	s0 =	simm.s32 @!p0 $0xC  }
0x1a7: {  	_ =	swait.ge @!p0 [sflag:s0], s1  }
0x1a8: {  	s1 =	ssub.s32 @!p0 $0x0, s1;
	[sflag:s0] =	ssyncset.done @!p0 $0x0  }
0x1a9: {  	[sflag:s0] =	ssyncadd.s32 @!p0 s1  }
0x1aa: {  	[bflag:$0x3] =	sbarrier.arrive $0xFFFF  }
0x1ab: {  	_ =	shalt  }

// kernel: kernel.14.cloned.1.call-start
scs
__scs_entry_jumppad:
0x0: {  	(pc) =	sbr.rel $0x88, $3  }
0x1: {  	(tag) =	ssettag $0x0;
	lr =	simm.s32 $0x1  }
0x2: {  	[smem:$0x3F9A] =	sst lr;
	_ =	strace $0xD0000000  }
0x3: {  	_ = 	snop  }
0x4: {  	_ = 	snop  }
0x5: {  	_ = 	snop  }
0x6: {  	_ = 	snop  }
0x7: {  	_ = 	snop  }
__scs_overlays_trampoline_lowered:
0x8: {  	[smem:$0x3FA9] =	sst s0  }
0x9: {  	[smem:$0x3FAA] =	sst s1  }
0xa: {  	[smem:$0x3FAB] =	sst s2  }
0xb: {  	[smem:$0x3FAC] =	sst s3  }
0xc: {  	[smem:$0x3FAD] =	sst s4  }
0xd: {  	[smem:$0x3FAE] =	sst s5  }
0xe: {  	[smem:$0x3FAF] =	sst s6  }
0xf: {  	[smem:$0x3FB0] =	sst s7  }
0x10: {  	[smem:$0x3FB1] =	sst s8  }
0x11: {  	[smem:$0x3FB2] =	sst s9;
	s0 =	simm.s32 @!p0 $0x0  }
0x12: {  	s1 =	sld [smem:$0x3F98];
	s0 =	simm.s32 @p0 $0x1  }
0x13: {  	[smem:$0x3FB3] =	sst s0;
	s0 =	simm.s32 @!p1 $0x0  }
0x14: {  	s2 =	sld [smem:$0x3F97];
	s0 =	simm.s32 @p1 $0x1  }
0x15: {  	[smem:$0x3FB4] =	sst s0;
	s0 =	simm.s32 @!p2 $0x0  }
0x16: {  	s3 =	sld [smem:$0x3FDB];
	s0 =	simm.s32 @p2 $0x1  }
0x17: {  	s4 =	simm.s32 $0x1BF5;
	[smem:$0x3FB6] =	sst s0  }
0x18: {  	s0 =	sld [smem:$0x3F99];
	_ =	swait.ge [sflag:s4], $0x0  }
0x19: {  	s7 =	sld [smem:$0x3F9A]  }
0x1a: {  	s8 =	sadd.s32 $0xFFFFE003, lr  }
0x1b: {  	s9 =	sadd.s32 $0xFFFFFEF7, lr;
	s5 =	simm.s32 $0xFFFFFFFF;
	p2 =	slt.u32 s8, $0xFFFFF086  }
0x1c: {  	p1 =	slt.u32 s9, $0xF7A;
	s5 =	simm.s32 @!p2 $0x0  }
0x1d: {  	s5 =	simm.s32 @p1 $0x1;
	p0 =	seq.s32 s7, s2  }
0x1e: {  	s7 =	smul.u32 @!p0 $0xF7A, s2;
	p2 =	seq.s32 @!p0 s5, $0x0  }
0x1f: {  	s9 =	smul.u32 $0xF7A, s1;
	s8 =	simm.s32 @!p0 $0x1BF5;
	p2 =	por !p2, p0  }
0x20: {  	[sflag:s8] =	ssyncset.s32 @!p0 $0xFFFFF086;
	s6 =	sadd.s32 @!p0 s3, s7;
	s7 =	simm.s32 @!p0 $0x108  }
0x21: {  	s3 =	sadd.s32 s3, s9;
	s6 =	sadd.s32 @!p0 $0x88, s6;
	s7 =	simm.s32 @p2 $0x1082  }
0x22: {  	[simem:s7], [sflag:s8] =	dma.local @!p0 [hbm:s6], $0xF7A  }
0x23: {  	s9 =	sor.u32 $0xD0000000, s2;
	s6 =	simm.s32 $0x108;
	_ =	swait.ge @!p0 [sflag:s8], $0x0  }
0x24: {  	s3 =	sadd.s32 $0x88, s3;
	s6 =	simm.s32 @!p1 $0x1082;
	[sflag:s4] =	ssyncset.s32 $0xFFFFF086  }
0x25: {  	[simem:s6], [sflag:s4] =	dma.local [hbm:s3], $0xF7A  }
0x26: {  	[smem:$0x3F9A] =	sst s1;
	(tag) =	ssettag s2;
	_ =	strace s9  }
0x27: {  	s1 =	sld [smem:$0x3FAA]  }
0x28: {  	s2 =	sld [smem:$0x3FAB]  }
0x29: {  	s4 =	sld [smem:$0x3FAD]  }
0x2a: {  	p0 =	seq.s32 s5, $0x0;
	s5 =	sld [smem:$0x3FAE]  }
0x2b: {  	s6 =	sld [smem:$0x3FAF]  }
0x2c: {  	s7 =	sld [smem:$0x3FB0]  }
0x2d: {  	s3 =	simm.s32 $0x108;
	s8 =	sld [smem:$0x3FB1]  }
0x2e: {  	s3 =	simm.s32 @!p0 $0x1082;
	s9 =	sld [smem:$0x3FB2]  }
0x2f: {  	lr =	sadd.s32 s0, s3;
	s0 =	sld [smem:$0x3FA9]  }
0x30: {  	s3 =	sld [smem:$0x3FAC]  }
0x31: {  	[smem:$0x3FB5] =	sst s10  }
0x32: {  	s10 =	sld [smem:$0x3FB3];
	_ =	sdelay $0x3  }
0x33: {  	p0 =	seq.s32 s10, $0x1;
	s10 =	sld [smem:$0x3FB5];
	_ =	sdelay $0x3  }
0x34: {  	[smem:$0x3FB5] =	sst s10  }
0x35: {  	s10 =	sld [smem:$0x3FB4];
	_ =	sdelay $0x3  }
0x36: {  	p1 =	seq.s32 s10, $0x1;
	s10 =	sld [smem:$0x3FB5];
	_ =	sdelay $0x3  }
0x37: {  	[smem:$0x3FB5] =	sst s10  }
0x38: {  	s10 =	sld [smem:$0x3FB6]  }
0x39: {  	_ = 	snop;
	(pc) =	sbr.ind lr, $3  }
0x3a: {  	_ = 	snop  }
0x3b: {  	_ = 	snop  }
0x3c: {  	p2 =	seq.s32 s10, $0x1;
	s10 =	sld [smem:$0x3FB5]  }
0x3d: {  	_ =	shalt  }
0x3e: {  	_ =	shalt  }
0x3f: {  	_ =	shalt  }
0x40: {  	_ =	shalt  }
0x41: {  	_ =	shalt  }
0x42: {  	_ =	shalt  }
0x43: {  	_ =	shalt  }
0x44: {  	_ =	shalt  }
0x45: {  	_ =	shalt  }
0x46: {  	_ =	shalt  }
0x47: {  	_ =	shalt  }
0x48: {  	_ =	shalt  }
0x49: {  	_ =	shalt  }
0x4a: {  	_ =	shalt  }
0x4b: {  	_ =	shalt  }
0x4c: {  	_ =	shalt  }
0x4d: {  	_ =	shalt  }
0x4e: {  	_ =	shalt  }
0x4f: {  	_ =	shalt  }
0x50: {  	_ =	shalt  }
0x51: {  	_ =	shalt  }
0x52: {  	_ =	shalt  }
0x53: {  	_ =	shalt  }
0x54: {  	_ =	shalt  }
0x55: {  	_ =	shalt  }
0x56: {  	_ =	shalt  }
0x57: {  	_ =	shalt  }
0x58: {  	_ =	shalt  }
0x59: {  	_ =	shalt  }
0x5a: {  	_ =	shalt  }
0x5b: {  	_ =	shalt  }
0x5c: {  	_ =	shalt  }
0x5d: {  	_ =	shalt  }
0x5e: {  	_ =	shalt  }
0x5f: {  	_ =	shalt  }
0x60: {  	_ =	shalt  }
0x61: {  	_ =	shalt  }
0x62: {  	_ =	shalt  }
0x63: {  	_ =	shalt  }
0x64: {  	_ =	shalt  }
0x65: {  	_ =	shalt  }
0x66: {  	_ =	shalt  }
0x67: {  	_ =	shalt  }
0x68: {  	_ =	shalt  }
0x69: {  	_ =	shalt  }
0x6a: {  	_ =	shalt  }
0x6b: {  	_ =	shalt  }
0x6c: {  	_ =	shalt  }
0x6d: {  	_ =	shalt  }
0x6e: {  	_ =	shalt  }
0x6f: {  	_ =	shalt  }
0x70: {  	_ =	shalt  }
0x71: {  	_ =	shalt  }
0x72: {  	_ =	shalt  }
0x73: {  	_ =	shalt  }
0x74: {  	_ =	shalt  }
0x75: {  	_ =	shalt  }
0x76: {  	_ =	shalt  }
0x77: {  	_ =	shalt  }
0x78: {  	_ =	shalt  }
0x79: {  	_ =	shalt  }
0x7a: {  	_ =	shalt  }
0x7b: {  	_ =	shalt  }
0x7c: {  	_ =	shalt  }
0x7d: {  	_ =	shalt  }
0x7e: {  	_ =	shalt  }
0x7f: {  	_ =	shalt  }
0x80: {  	_ =	shalt  }
0x81: {  	_ =	shalt  }
0x82: {  	_ =	shalt  }
0x83: {  	_ =	shalt  }
0x84: {  	_ =	shalt  }
0x85: {  	_ =	shalt  }
0x86: {  	_ =	shalt  }
0x87: {  	_ =	shalt  }
.Lfunc_end0:
.L_simem_size_0:
called_computation.2_lowered:
.L_overlay_start_0:
0x88: {  	s2 =	sld [smem:$0x3FD9]  }
0x89: {  	s3 =	sld [smem:$0x3FFE];
	_ =	sdelay $0x1  }
0x8a: {  	s1 =	srdreg.scid  }
0x8b: {  	s0 =	sand.u32 $0x1, s1  }
0x8c: {  	s17 =	sshll.u32 s0, $0xA;
	s2 =	sadd.s32 s3, s2  }
0x8d: {  	s2 =	sadd.s32 s2, s17  }
0x8e: {  	[smem:$0x3FC1] =	sst s2  }
0x8f: {  	_ = 	snop  }
0x90: {  	s2 =	sld [smem:$0x3FD0];
	(tm) =	ssettm $0x1  }
0x91: {  	s18 =	sld [smem:$0x3FFB];
	_ =	sdelay $0x3  }
0x92: {  	_ =	strace s18  }
0x93: {  	s3 =	sld [smem:$0x3FFC];
	_ =	sdelay $0x3  }
0x94: {  	_ =	strace s3  }
0x95: {  	s3 =	sld [smem:$0x3FFD];
	_ =	sdelay $0x3  }
0x96: {  	_ =	strace s3  }
0x97: {  	_ =	strace $0x8FFFFFFF  }
0x98: {  	s19 =	sld [smem:$0x3FDB];
	_ =	sdelay $0x1  }
0x99: {  	s4 =	simm.s32 $_scs_section_size  }
0x9a: {  	s5 =	simm.s32 $_size__tile_overlayer_lowered;
	s6 =	simm.s32 $_tile_overlayer_lowered  }
0x9b: {  	s22 =	simm.s32 $0x1BFF;
	s21 =	sshll.u32 s6, $0x1;
	s3 =	sadd.s32 s4, s19  }
0x9c: {  	s7 =	simm.s32 $0x0;
	s20 =	sshll.u32 s5, $0x1;
	s5 =	sadd.s32 s21, s3  }
0x9d: {  	[timem:s7], [sflag:s22] =	dma.local [hbm:s5], s20  }
0x9e: {  	_ =	swait.ge [sflag:s22], s20  }
0x9f: {  	s4 =	ssub.s32 $0x0, s20;
	[sflag:s22] =	ssyncset.done $0x0  }
0xa0: {  	[sflag:s22] =	ssyncadd.s32 s4;
	_ =	sdelay $0x1  }
0xa1: {  	s23 =	simm.s32 $0x1B8B  }
0xa2: {  	_ =	swait.ge [sflag:s23], $0x1  }
0xa3: {  	[sflag:s23] =	ssyncset.done $0x0  }
0xa4: {  	s25 =	simm.s32 $0x1B8E;
	s24 =	sld [smem:$0x3FFE];
	[sflag:s23] =	ssyncadd.s32 $0xFFFFFFFF  }
0xa5: {  	s26 =	simm.s32 $execute0_lowered;
	[smem:$0x3FD2] =	sst s25  }
0xa6: {  	s5 =	sshll.u32 s26, $0x1;
	_ =	strace $0x8000004C;
	[dreg:$0x1] =	wrdreg $0xFFFFFFFF  }
0xa7: {  	s28 =	simm.s32 $_size_execute0_lowered;
	s3 =	sadd.s32 s3, s5;
	[dreg:$0x0] =	wrdreg $0x0  }
0xa8: {  	s5 =	sshll.u32 s28, $0x1;
	[dreg:$0x2] =	wrdreg s3  }
0xa9: {  	[dreg:$0x3] =	wrdreg s5  }
0xaa: {  	[dreg:$0x4] =	wrdreg $0xC0  }
0xab: {  	_ =	task [dreg:s7], $0x5FFFF  }
0xac: {  	[dreg:$0x1] =	wrdreg $0xFFFFFFFF  }
0xad: {  	[dreg:$0x0] =	wrdreg $0x60  }
0xae: {  	[dreg:$0x2] =	wrdreg s2  }
0xaf: {  	[dreg:$0x3] =	wrdreg s24  }
0xb0: {  	[dreg:$0x4] =	wrdreg $0xB7200  }
0xb1: {  	[dreg:$0x5] =	wrdreg $0x9  }
0xb2: {  	_ =	task.clear_ibuf [dreg:s7], $0x6FFFF;
	_ =	strace $0x9000004C  }
0xb3: {  	s29 =	simm.s32 $0x9;
	_ =	strace $0x8000004E  }
0xb4: {  	_ =	swait.ge [sflag:s29], $0x1  }
0xb5: {  	[sflag:s29] =	ssyncadd.s32 $0xFFFFFFFF  }
0xb6: {  	_ =	strace $0x9000004E  }
0xb7: {  	_ =	sfence  }
0xb8: {  	s30 =	sld [smem:$0x0];
	_ =	sdelay $0x2  }
0xb9: {  	s31 =	sshll.u32 s1, $0xD;
	s1 =	sshrl.u32 s1, $0x2  }
0xba: {  	s3 =	sand.u32 $0x4000, s31;
	s1 =	sadd.s32 s1, s30  }
0xbb: {  	s0 =	sor.u32 s3, s0;
	s1 =	sshll.u32 s1, $0x11  }
0xbc: {  	s0 =	sor.u32 s1, s0  }
0xbd: {  	s0 =	sadd.s32 $0x8F2B, s0  }
0xbe: {  	[sflag:s0] =	ssyncadd.remote.s32 $0x1  }
0xbf: {  	_ =	sfence.sel $0xFFFF  }
0xc0: {  	[dreg:$0x0] =	wrdreg $0xFFFFFFFF;
	(pc) =	sbr.abs _section_cstart, $3  }
0xc1: {  	[dreg:$0x1] =	wrdreg $0xFFFFFFFF  }
0xc2: {  	_ =	task.clear_ibuf [dreg:s7], $0x2FFFF;
	_ =	strace $0x9FFFFFFF  }
0xc3: {  	(tm) =	ssettm $0x7FFFFFFF  }
tec
execute0_lowered:
.L_overlay_start_1:
0x0: {  	(tag) =	ssettag $0x1  }
0x1: {  	s0 =	srdreg.scid;
	s1 =	rddreg [dreg:$0x0]  }
0x2: {  	s5 =	stileid.u32;
	s7 =	rddreg [dreg:$0x1]  }
0x3: {  	s3 =	rddreg [dreg:$0x2];
	s4 =	simm.s32 $0x0;
	s30 =	simm.s32 $0x6  }
0x4: {  	s31 =	simm.s32 $0x6720;
	s0 =	sand.u32 $0x1, s0;
	s8 =	smul.u32 $0x14000, s5  }
0x5: {  	[smem:$0x7FF] =	sst s4;
	s6 =	sadd.s32 $0x15000, s7;
	s14 =	sadd.s32 $0x1400, s7  }
0x6: {  	s15 =	sshll.u32 s5, $0x6;
	s2 =	sshll.u32 s0, $0x4;
	s9 =	smul.u32 $0x140000, s0  }
0x7: {  	_ =	strace $0x8000004D;
	s12 =	ssub.s32 $0x2, s0;
	[dreg:$0x13] =	wrdreg s14  }
0x8: {  	s0 =	smul.u32 $0x27600, s0;
	[dreg:$0x12] =	wrdreg s6;
	s2 =	sor.u32 s5, s2  }
0x9: {  	s11 =	sshrl.u32 s8, $0x3;
	s13 =	sshrl.u32 s12, $0x1;
	s16 =	sadd.s32 s8, s3  }
0xa: {  	s2 =	smul.u32 $0x2760, s2;
	s9 =	sadd.s32 s8, s9;
	s11 =	sadd.s32 s11, s7  }
0xb: {  	[dreg:$0x14] =	wrdreg s16;
	s9 =	sshrl.u32 s9, $0x3;
	s17 =	sadd.s32 $0x1EE00, s11  }
0xc: {  	s2 =	sshrl.u32 s2, $0x3;
	[dreg:$0x15] =	wrdreg s17;
	s17 =	sor.u32 $0x1C0C, s15  }
0xd: {  	s10 =	sadd.s32 s2, s7;
	s19 =	sadd.s32 s6, s2;
	[dreg:$0x16] =	wrdreg s17  }
0xe: {  	s7 =	sadd.s32 s9, s7;
	s20 =	sadd.s32 s14, s2;
	[dreg:$0x18] =	wrdreg s19  }
0xf: {  	s2 =	sadd.s32 $0xA, s2;
	s18 =	sadd.s32 $0xB200, s10;
	[dreg:$0x19] =	wrdreg s20  }
0x10: {  	s9 =	ssub.s32 s12, s13;
	s22 =	sadd.s32 s6, s2;
	[dreg:$0x17] =	wrdreg s18  }
0x11: {  	s13 =	smul.u32 $0x2760, s5;
	s2 =	sadd.s32 s14, s2;
	[dreg:$0x1a] =	wrdreg s22  }
0x12: {  	s8 =	simm.s32 $0x28A0;
	s24 =	sadd.s32 $0x46E00, s7;
	[dreg:$0x1b] =	wrdreg s2  }
0x13: {  	s7 =	simm.s32 $0x4;
	s0 =	sadd.s32 s13, s0;
	[dreg:$0x1c] =	wrdreg s24  }
0x14: {  	s22 =	smax.u32 s9, $0x1;
	s9 =	simm.s32 $0x0;
	s21 =	sadd.s32 $0x230, s0  }
0x15: {  	s26 =	sadd.s32 $0x190, s0;
	s5 =	sadd.s32 $0x140, s0;
	s13 =	sadd.s32 $0xF0, s0  }
0x16: {  	s19 =	sadd.s32 $0xA0, s0;
	[dreg:$0x1d] =	wrdreg s22;
	s0 =	sadd.s32 $0x1E0, s0  }
0x17: {  	s23 =	sshrl.u32 s21, $0x3;
	s28 =	sshrl.u32 s26, $0x3;
	s11 =	sshrl.u32 s5, $0x3  }
0x18: {  	s16 =	sshrl.u32 s13, $0x3;
	[dreg:$0x1e] =	wrdreg s0;
	s26 =	simm.s32 $0x2A30  }
0x19: {  	s21 =	sshrl.u32 s19, $0x3;
	s25 =	sadd.s32 s23, s14;
	[dreg:$0xf] =	wrdreg s26  }
0x1a: {  	s19 =	simm.s32 $0x1;
	s2 =	sadd.s32 s23, s6;
	[dreg:$0x4] =	wrdreg s25  }
0x1b: {  	s0 =	simm.s32 $0x2;
	s29 =	sadd.s32 s28, s14;
	[dreg:$0x5] =	wrdreg s2  }
0x1c: {  	s13 =	simm.s32 $0x28F0;
	s10 =	sadd.s32 s28, s6;
	[dreg:$0x6] =	wrdreg s29  }
0x1d: {  	s12 =	sadd.s32 s11, s14;
	s15 =	sadd.s32 s11, s6;
	[dreg:$0x7] =	wrdreg s10  }
0x1e: {  	s18 =	sadd.s32 s16, s14;
	s20 =	sadd.s32 s16, s6;
	[dreg:$0x8] =	wrdreg s12  }
0x1f: {  	s23 =	sadd.s32 s21, s14;
	s24 =	sadd.s32 s21, s6;
	[dreg:$0x9] =	wrdreg s15  }
0x20: {  	s6 =	simm.s32 $0xC;
	s28 =	simm.s32 $0x2A80;
	[dreg:$0xa] =	wrdreg s18  }
0x21: {  	s26 =	simm.s32 $0x8F20;
	s11 =	simm.s32 $0x8;
	[dreg:$0xb] =	wrdreg s20  }
0x22: {  	s14 =	simm.s32 $0x9;
	s16 =	simm.s32 $0xB;
	[dreg:$0xc] =	wrdreg s23  }
0x23: {  	[dreg:$0xd] =	wrdreg s24;
	s20 =	simm.s32 $0x50;
	s25 =	simm.s32 $0x29E0  }
0x24: {  	[dreg:$0x10] =	wrdreg s28;
	s29 =	simm.s32 $0x2AD0;
	s2 =	simm.s32 $0x2850  }
0x25: {  	s23 =	simm.s32 $0x7;
	s10 =	simm.s32 $0x3;
	[dreg:$0xe] =	wrdreg s25  }
0x26: {  	s12 =	simm.s32 $0x5;
	s15 =	simm.s32 $0xA;
	[dreg:$0x11] =	wrdreg s29  }
.LBB2_1:
0x27: {  	[dreg:$0x1f] =	wrdreg s9  }
0x28: {  	s5 =	rddreg [dreg:$0x14]  }
0x29: {  	s22 =	rddreg [dreg:$0x15];
	s21 =	sshrl.u32 s5, $0x3  }
0x2a: {  	[smem:$0x7FD] =	sst s21  }
0x2b: {  	[spmem:s21], [sflag:s17] =	dma.local [hbm:s22], $0x2800  }
0x2c: {  	_ =	swait.ge [sflag:s6], $0x2800  }
0x2d: {  	[sflag:s6] =	ssyncset.done $0x0  }
0x2e: {  	s24 =	rddreg [dreg:$0x17];
	[sflag:s6] =	ssyncadd.s32 $0xFFFFD800  }
0x2f: {  	[tilespmem:s4], [sflag:$0x1] =	stream.linear.gather [hbm4b:s24+s4], $0x2760, $0x38;
	[tilespmem:$0x1F720] =	vst v63  }
0x30: {  	_ =	swait.ge [sflag:s19], $0x2760  }
0x31: {  	[sflag:s19] =	ssyncset.done $0x0  }
0x32: {  	[sflag:s19] =	ssyncadd.s32 $0xFFFFD8A0  }
0x33: {  	s6 =	simm.s32 $0x2B20;
	[bflag:$0x0] =	sbarrier.arrive $0xFFFF  }
0x34: {  	[tilespmem:s6], [sflag:$0x1] =	stream.indirect.gather [hbm4b:s1+s20], $0x40, s4, s20, $0xb8;
	[tilespmem:$0x1F720] =	vst v63  }
0x35: {  	s21 =	simm.s32 $0x2760;
	s25 =	rddreg [dreg:$0x18]  }
0x36: {  	[tilespmem:s21], [sflag:$0x6] =	stream.linear.gather [hbm4b:s25+s4], $0x50, $0x38;
	[tilespmem:$0x1F720] =	vst v63  }
0x37: {  	s29 =	simm.s32 $0x2940;
	s28 =	rddreg [dreg:$0x19]  }
0x38: {  	[tilespmem:s29], [sflag:$0x6] =	stream.linear.gather [hbm4b:s28+s4], $0x50, $0x38;
	[tilespmem:$0x1F720] =	vst v63  }
0x39: {  	s22 =	simm.s32 $0x3F20  }
0x3a: {  	[tilespmem:s22], [sflag:$0x2] =	stream.indirect.gather [hbm4b:s1+s20], $0x40, s20, s20, $0xb8;
	[tilespmem:$0x1F720] =	vst v63  }
0x3b: {  	p0 =	por $0x1, $0x1;
	s24 =	simm.s32 $0x27B0;
	s9 =	rddreg [dreg:$0x1a]  }
0x3c: {  	[tilespmem:s24], [sflag:$0x7] =	stream.linear.gather [hbm4b:s9+s4], $0x50, $0x38;
	[tilespmem:$0x1F720] =	vst v63  }
0x3d: {  	s18 =	simm.s32 $0x2990;
	s17 =	rddreg [dreg:$0x1b];
	s9 =	simm.s32 @!p0 $0x4  }
0x3e: {  	[tilespmem:s18], [sflag:$0x7] =	stream.linear.gather [hbm4b:s17+s4], $0x50, $0x38;
	[tilespmem:$0x1F720] =	vst v63  }
0x3f: {  	_ =	swait.ge @!p0 [sflag:s9], $0x2800  }
0x40: {  	s5 =	simm.s32 $0x5320;
	[sflag:s9] =	ssyncset.done @!p0 $0x0  }
0x41: {  	s18 =	simm.s32 $0xA0;
	s25 =	rddreg [dreg:$0xd];
	[sflag:s9] =	ssyncadd.s32 @!p0 $0xFFFFD800  }
0x42: {  	[tilespmem:s5], [sflag:$0x3] =	stream.indirect.gather [hbm4b:s1+s20], $0x40, s18, s20, $0xb8;
	[tilespmem:$0x1F720] =	vst v63  }
0x43: {  	s28 =	rddreg [dreg:$0xc];
	s17 =	sadd.s32 $0x0, s25;
	s25 =	simm.s32 $0x2800  }
0x44: {  	[tilespmem:s25], [sflag:$0x8] =	stream.linear.gather [hbm4b:s17+s4], $0x50, $0x38;
	[tilespmem:$0x1F720] =	vst v63  }
0x45: {  	s29 =	rddreg [dreg:$0xe];
	s9 =	sadd.s32 $0x0, s28  }
0x46: {  	[tilespmem:s29], [sflag:$0x8] =	stream.linear.gather [hbm4b:s9+s4], $0x50, $0x38;
	[tilespmem:$0x1F720] =	vst v63  }
0x47: {  	_ =	swait.ge [sflag:s19], $0x1400  }
0x48: {  	[sflag:s19] =	ssyncset.done $0x0  }
0x49: {  	[sflag:s19] =	ssyncadd.s32 $0xFFFFEC00  }
0x4a: {  	_ =	swait.ge [sflag:s30], $0x50  }
0x4b: {  	[sflag:s30] =	ssyncset.done $0x0  }
0x4c: {  	[sflag:s30] =	ssyncadd.s32 $0xFFFFFFB0  }
0x4d: {  	_ =	swait.ge [sflag:s30], $0x50  }
0x4e: {  	[sflag:s30] =	ssyncset.done $0x0  }
0x4f: {  	s9 =	simm.s32 @!p0 $0x5;
	[sflag:s30] =	ssyncadd.s32 $0xFFFFFFB0  }
0x50: {  	[spmem:s3] =	stream.indirect.scatter.add.f32 [tilespmem:s31], [sflag:$0x4], $0x80, s21, s20, $0xb8;
	[tilespmem:$0x1F720] =	vst v63  }
0x51: {  	_ =	swait.ge @!p0 [sflag:s9], $0x2800  }
0x52: {  	[sflag:s9] =	ssyncset.done @!p0 $0x0  }
0x53: {  	s28 =	simm.s32 $0xF0;
	s21 =	rddreg [dreg:$0xb];
	[sflag:s9] =	ssyncadd.s32 @!p0 $0xFFFFD800  }
0x54: {  	[tilespmem:s6], [sflag:$0x1] =	stream.indirect.gather [hbm4b:s1+s20], $0x40, s28, s20, $0xb8;
	[tilespmem:$0x1F720] =	vst v63  }
0x55: {  	s29 =	rddreg [dreg:$0xa];
	s17 =	sadd.s32 $0x0, s21  }
0x56: {  	[tilespmem:s2], [sflag:$0x9] =	stream.linear.gather [hbm4b:s17+s4], $0x50, $0x38;
	[tilespmem:$0x1F720] =	vst v63  }
0x57: {  	s21 =	rddreg [dreg:$0xf];
	s9 =	sadd.s32 $0x0, s29  }
0x58: {  	[tilespmem:s21], [sflag:$0x9] =	stream.linear.gather [hbm4b:s9+s4], $0x50, $0x38;
	[tilespmem:$0x1F720] =	vst v63  }
0x59: {  	_ =	swait.ge [sflag:s0], $0x1400  }
0x5a: {  	[sflag:s0] =	ssyncset.done $0x0  }
0x5b: {  	[sflag:s0] =	ssyncadd.s32 $0xFFFFEC00  }
0x5c: {  	_ =	swait.ge [sflag:s23], $0x50  }
0x5d: {  	[sflag:s23] =	ssyncset.done $0x0  }
0x5e: {  	[sflag:s23] =	ssyncadd.s32 $0xFFFFFFB0  }
0x5f: {  	_ =	swait.ge [sflag:s23], $0x50  }
0x60: {  	[sflag:s23] =	ssyncset.done $0x0  }
0x61: {  	[sflag:s23] =	ssyncadd.s32 $0xFFFFFFB0  }
0x62: {  	[spmem:s3] =	stream.indirect.scatter.add.f32 [tilespmem:s26], [sflag:$0x5], $0x80, s24, s20, $0xb8;
	[tilespmem:$0x1F720] =	vst v63  }
0x63: {  	_ =	swait.ge [sflag:s7], $0x2800  }
0x64: {  	[sflag:s7] =	ssyncset.done $0x0  }
0x65: {  	s28 =	simm.s32 $0x140;
	s24 =	rddreg [dreg:$0x9];
	[sflag:s7] =	ssyncadd.s32 $0xFFFFD800  }
0x66: {  	[tilespmem:s22], [sflag:$0x2] =	stream.indirect.gather [hbm4b:s1+s20], $0x40, s28, s20, $0xb8;
	[tilespmem:$0x1F720] =	vst v63  }
0x67: {  	s29 =	rddreg [dreg:$0x8];
	s9 =	sadd.s32 $0x0, s24  }
0x68: {  	[tilespmem:s8], [sflag:$0xA] =	stream.linear.gather [hbm4b:s9+s4], $0x50, $0x38;
	[tilespmem:$0x1F720] =	vst v63  }
0x69: {  	s6 =	rddreg [dreg:$0x10];
	s21 =	sadd.s32 $0x0, s29  }
0x6a: {  	[tilespmem:s6], [sflag:$0xA] =	stream.linear.gather [hbm4b:s21+s4], $0x50, $0x38;
	[tilespmem:$0x1F720] =	vst v63  }
0x6b: {  	_ =	swait.ge [sflag:s10], $0x1400  }
0x6c: {  	[sflag:s10] =	ssyncset.done $0x0  }
0x6d: {  	[sflag:s10] =	ssyncadd.s32 $0xFFFFEC00  }
0x6e: {  	_ =	swait.ge [sflag:s11], $0x50  }
0x6f: {  	[sflag:s11] =	ssyncset.done $0x0  }
0x70: {  	[sflag:s11] =	ssyncadd.s32 $0xFFFFFFB0  }
0x71: {  	_ =	swait.ge [sflag:s11], $0x50  }
0x72: {  	[sflag:s11] =	ssyncset.done $0x0  }
0x73: {  	[sflag:s11] =	ssyncadd.s32 $0xFFFFFFB0  }
0x74: {  	[spmem:s3] =	stream.indirect.scatter.add.f32 [tilespmem:s31], [sflag:$0x4], $0x80, s25, s20, $0xb8;
	[tilespmem:$0x1F720] =	vst v63  }
0x75: {  	_ =	swait.ge [sflag:s12], $0x2800  }
0x76: {  	[sflag:s12] =	ssyncset.done $0x0  }
0x77: {  	s24 =	simm.s32 $0x190;
	s22 =	rddreg [dreg:$0x7];
	[sflag:s12] =	ssyncadd.s32 $0xFFFFD800  }
0x78: {  	[tilespmem:s5], [sflag:$0x3] =	stream.indirect.gather [hbm4b:s1+s20], $0x40, s24, s20, $0xb8;
	[tilespmem:$0x1F720] =	vst v63  }
0x79: {  	s25 =	rddreg [dreg:$0x6];
	s9 =	sadd.s32 $0x0, s22  }
0x7a: {  	[tilespmem:s13], [sflag:$0xB] =	stream.linear.gather [hbm4b:s9+s4], $0x50, $0x38;
	[tilespmem:$0x1F720] =	vst v63  }
0x7b: {  	s28 =	rddreg [dreg:$0x11];
	s29 =	sadd.s32 $0x0, s25  }
0x7c: {  	[tilespmem:s28], [sflag:$0xB] =	stream.linear.gather [hbm4b:s29+s4], $0x50, $0x38;
	[tilespmem:$0x1F720] =	vst v63  }
0x7d: {  	_ =	swait.ge [sflag:s19], $0x1400  }
0x7e: {  	[sflag:s19] =	ssyncset.done $0x0  }
0x7f: {  	[sflag:s19] =	ssyncadd.s32 $0xFFFFEC00  }
0x80: {  	_ =	swait.ge [sflag:s14], $0x50  }
0x81: {  	[sflag:s14] =	ssyncset.done $0x0  }
0x82: {  	[sflag:s14] =	ssyncadd.s32 $0xFFFFFFB0  }
0x83: {  	_ =	swait.ge [sflag:s14], $0x50  }
0x84: {  	p0 =	por $0x0, $0x0;
	[sflag:s14] =	ssyncset.done $0x0  }
0x85: {  	s18 =	simm.s32 @!p0 $0x2B20;
	[sflag:s14] =	ssyncadd.s32 $0xFFFFFFB0  }
0x86: {  	[spmem:s3] =	stream.indirect.scatter.add.f32 [tilespmem:s26], [sflag:$0x5], $0x80, s2, s20, $0xb8;
	[tilespmem:$0x1F720] =	vst v63  }
0x87: {  	s17 =	simm.s32 @!p0 $0x50;
	s22 =	simm.s32 @!p0 $0x0;
	_ =	swait.ge [sflag:s7], $0x2800  }
0x88: {  	s9 =	simm.s32 @!p0 $0x1E0;
	[sflag:s7] =	ssyncset.done $0x0;
	s6 =	rddreg [dreg:$0x1e]  }
0x89: {  	s5 =	rddreg [dreg:$0x12];
	[sflag:s7] =	ssyncadd.s32 $0xFFFFD800;
	s21 =	sshrl.u32 @!p0 s6, $0x3  }
0x8a: {  	[tilespmem:s18], [sflag:$0x1] =	stream.indirect.gather @!p0 [hbm4b:s1+s17], $0x40, s9, s17, $0xb8;
	[tilespmem:$0x1F720] =	vst v63  }
0x8b: {  	s9 =	simm.s32 @!p0 $0x2760;
	s18 =	sadd.s32 @!p0 s5, s21;
	s5 =	rddreg [dreg:$0x13]  }
0x8c: {  	[tilespmem:s9], [sflag:$0x6] =	stream.linear.gather @!p0 [hbm4b:s18+s22], $0x50, $0x38;
	[tilespmem:$0x1F720] =	vst v63  }
0x8d: {  	s9 =	simm.s32 @!p0 $0x2940;
	s18 =	sadd.s32 @!p0 s5, s21  }
0x8e: {  	[tilespmem:s9], [sflag:$0x6] =	stream.linear.gather @!p0 [hbm4b:s18+s22], $0x50, $0x38;
	[tilespmem:$0x1F720] =	vst v63  }
0x8f: {  	_ =	swait.ge [sflag:s0], $0x1400  }
0x90: {  	[sflag:s0] =	ssyncset.done $0x0  }
0x91: {  	[sflag:s0] =	ssyncadd.s32 $0xFFFFEC00  }
0x92: {  	_ =	swait.ge [sflag:s15], $0x50  }
0x93: {  	[sflag:s15] =	ssyncset.done $0x0  }
0x94: {  	[sflag:s15] =	ssyncadd.s32 $0xFFFFFFB0  }
0x95: {  	_ =	swait.ge [sflag:s15], $0x50  }
0x96: {  	[sflag:s15] =	ssyncset.done $0x0  }
0x97: {  	[sflag:s15] =	ssyncadd.s32 $0xFFFFFFB0  }
0x98: {  	[spmem:s3] =	stream.indirect.scatter.add.f32 [tilespmem:s31], [sflag:$0x4], $0x80, s8, s20, $0xb8;
	[tilespmem:$0x1F720] =	vst v63  }
0x99: {  	_ =	swait.ge [sflag:s12], $0x2800  }
0x9a: {  	s9 =	simm.s32 $0x230;
	[sflag:s12] =	ssyncset.done $0x0  }
0x9b: {  	s18 =	simm.s32 @!p0 $0x3F20;
	s21 =	rddreg [dreg:$0x5];
	[sflag:s12] =	ssyncadd.s32 $0xFFFFD800  }
0x9c: {  	[tilespmem:s18], [sflag:$0x2] =	stream.indirect.gather @!p0 [hbm4b:s1+s17], $0x40, s9, s17, $0xb8;
	[tilespmem:$0x1F720] =	vst v63  }
0x9d: {  	s9 =	rddreg [dreg:$0x4];
	s17 =	sadd.s32 @!p0 $0x0, s21;
	s18 =	simm.s32 @!p0 $0x27B0  }
0x9e: {  	[tilespmem:s18], [sflag:$0x7] =	stream.linear.gather @!p0 [hbm4b:s17+s22], $0x50, $0x38;
	[tilespmem:$0x1F720] =	vst v63  }
0x9f: {  	s9 =	sadd.s32 @!p0 $0x0, s9;
	s17 =	simm.s32 @!p0 $0x2990  }
0xa0: {  	[tilespmem:s17], [sflag:$0x7] =	stream.linear.gather @!p0 [hbm4b:s9+s22], $0x50, $0x38;
	[tilespmem:$0x1F720] =	vst v63  }
0xa1: {  	_ =	swait.ge [sflag:s10], $0x1400  }
0xa2: {  	[sflag:s10] =	ssyncset.done $0x0  }
0xa3: {  	[sflag:s10] =	ssyncadd.s32 $0xFFFFEC00  }
0xa4: {  	p1 =	por $0x0, $0x0;
	_ =	swait.ge [sflag:s16], $0x50  }
0xa5: {  	s21 =	simm.s32 $0x78;
	s18 =	simm.s32 $0x3C;
	[sflag:s16] =	ssyncset.done $0x0  }
0xa6: {  	s17 =	simm.s32 $0x410;
	s9 =	sadd.s32 $0x1E0, s6;
	[sflag:s16] =	ssyncadd.s32 $0xFFFFFFB0  }
.LBB2_2:
0xa7: {  	_ =	swait.ge [sflag:s16], $0x50  }
0xa8: {  	[sflag:s16] =	ssyncset.done $0x0  }
0xa9: {  	s24 =	simm.s32 @!p1 $0x4;
	[sflag:s16] =	ssyncadd.s32 $0xFFFFFFB0  }
0xaa: {  	[spmem:s3] =	stream.indirect.scatter.add.f32 [tilespmem:s26], [sflag:$0x5], $0x80, s13, s20, $0xb8;
	[tilespmem:$0x1F720] =	vst v63  }
0xab: {  	_ =	swait.ge @!p1 [sflag:s24], $0x2800  }
0xac: {  	s25 =	sadd.s32 $0xFFFFFE70, s17;
	[sflag:s24] =	ssyncset.done @!p1 $0x0  }
0xad: {  	s28 =	simm.s32 $0x5320;
	s5 =	rddreg [dreg:$0xd];
	[sflag:s24] =	ssyncadd.s32 @!p1 $0xFFFFD800  }
0xae: {  	[tilespmem:s28], [sflag:$0x3] =	stream.indirect.gather [hbm4b:s1+s20], $0x40, s25, s20, $0xb8;
	[tilespmem:$0x1F720] =	vst v63  }
0xaf: {  	s29 =	simm.s32 $0x2800;
	s24 =	rddreg [dreg:$0xc];
	s5 =	sadd.s32 s18, s5  }
0xb0: {  	[tilespmem:s29], [sflag:$0x8] =	stream.linear.gather [hbm4b:s5+s4], $0x50, $0x38;
	[tilespmem:$0x1F720] =	vst v63  }
0xb1: {  	s6 =	rddreg [dreg:$0xe];
	s24 =	sadd.s32 s18, s24  }
0xb2: {  	[tilespmem:s6], [sflag:$0x8] =	stream.linear.gather [hbm4b:s24+s4], $0x50, $0x38;
	[tilespmem:$0x1F720] =	vst v63  }
0xb3: {  	_ =	swait.ge [sflag:s19], $0x1400  }
0xb4: {  	[sflag:s19] =	ssyncset.done $0x0  }
0xb5: {  	[sflag:s19] =	ssyncadd.s32 $0xFFFFEC00  }
0xb6: {  	_ =	swait.ge [sflag:s30], $0x50  }
0xb7: {  	[sflag:s30] =	ssyncset.done $0x0  }
0xb8: {  	[sflag:s30] =	ssyncadd.s32 $0xFFFFFFB0  }
0xb9: {  	_ =	swait.ge [sflag:s30], $0x50  }
0xba: {  	[sflag:s30] =	ssyncset.done $0x0  }
0xbb: {  	s5 =	simm.s32 @!p1 $0x5;
	s6 =	simm.s32 $0x2760;
	[sflag:s30] =	ssyncadd.s32 $0xFFFFFFB0  }
0xbc: {  	[spmem:s3] =	stream.indirect.scatter.add.f32 [tilespmem:s31], [sflag:$0x4], $0x80, s6, s20, $0xb8;
	[tilespmem:$0x1F720] =	vst v63  }
0xbd: {  	_ =	swait.ge @!p1 [sflag:s5], $0x2800  }
0xbe: {  	s24 =	sadd.s32 $0xFFFFFEC0, s17;
	[sflag:s5] =	ssyncset.done @!p1 $0x0  }
0xbf: {  	s6 =	simm.s32 $0x2B20;
	s25 =	rddreg [dreg:$0xb];
	[sflag:s5] =	ssyncadd.s32 @!p1 $0xFFFFD800  }
0xc0: {  	[tilespmem:s6], [sflag:$0x1] =	stream.indirect.gather [hbm4b:s1+s20], $0x40, s24, s20, $0xb8;
	[tilespmem:$0x1F720] =	vst v63  }
0xc1: {  	s5 =	rddreg [dreg:$0xa];
	s25 =	sadd.s32 s18, s25  }
0xc2: {  	[tilespmem:s2], [sflag:$0x9] =	stream.linear.gather [hbm4b:s25+s4], $0x50, $0x38;
	[tilespmem:$0x1F720] =	vst v63  }
0xc3: {  	s6 =	rddreg [dreg:$0xf];
	s5 =	sadd.s32 s18, s5  }
0xc4: {  	[tilespmem:s6], [sflag:$0x9] =	stream.linear.gather [hbm4b:s5+s4], $0x50, $0x38;
	[tilespmem:$0x1F720] =	vst v63  }
0xc5: {  	_ =	swait.ge [sflag:s0], $0x1400  }
0xc6: {  	[sflag:s0] =	ssyncset.done $0x0  }
0xc7: {  	[sflag:s0] =	ssyncadd.s32 $0xFFFFEC00  }
0xc8: {  	_ =	swait.ge [sflag:s23], $0x50  }
0xc9: {  	[sflag:s23] =	ssyncset.done $0x0  }
0xca: {  	[sflag:s23] =	ssyncadd.s32 $0xFFFFFFB0  }
0xcb: {  	_ =	swait.ge [sflag:s23], $0x50  }
0xcc: {  	[sflag:s23] =	ssyncset.done $0x0  }
0xcd: {  	s25 =	simm.s32 $0x27B0;
	[sflag:s23] =	ssyncadd.s32 $0xFFFFFFB0  }
0xce: {  	[spmem:s3] =	stream.indirect.scatter.add.f32 [tilespmem:s26], [sflag:$0x5], $0x80, s25, s20, $0xb8;
	[tilespmem:$0x1F720] =	vst v63  }
0xcf: {  	_ =	swait.ge [sflag:s7], $0x2800  }
0xd0: {  	s5 =	sadd.s32 $0xFFFFFF10, s17;
	[sflag:s7] =	ssyncset.done $0x0  }
0xd1: {  	s6 =	simm.s32 $0x3F20;
	s24 =	rddreg [dreg:$0x9];
	[sflag:s7] =	ssyncadd.s32 $0xFFFFD800  }
0xd2: {  	[tilespmem:s6], [sflag:$0x2] =	stream.indirect.gather [hbm4b:s1+s20], $0x40, s5, s20, $0xb8;
	[tilespmem:$0x1F720] =	vst v63  }
0xd3: {  	s25 =	rddreg [dreg:$0x8];
	s6 =	sadd.s32 s18, s24  }
0xd4: {  	[tilespmem:s8], [sflag:$0xA] =	stream.linear.gather [hbm4b:s6+s4], $0x50, $0x38;
	[tilespmem:$0x1F720] =	vst v63  }
0xd5: {  	s24 =	rddreg [dreg:$0x10];
	s6 =	sadd.s32 s18, s25  }
0xd6: {  	[tilespmem:s24], [sflag:$0xA] =	stream.linear.gather [hbm4b:s6+s4], $0x50, $0x38;
	[tilespmem:$0x1F720] =	vst v63  }
0xd7: {  	_ =	swait.ge [sflag:s10], $0x1400  }
0xd8: {  	[sflag:s10] =	ssyncset.done $0x0  }
0xd9: {  	[sflag:s10] =	ssyncadd.s32 $0xFFFFEC00  }
0xda: {  	_ =	swait.ge [sflag:s11], $0x50  }
0xdb: {  	[sflag:s11] =	ssyncset.done $0x0  }
0xdc: {  	[sflag:s11] =	ssyncadd.s32 $0xFFFFFFB0  }
0xdd: {  	_ =	swait.ge [sflag:s11], $0x50  }
0xde: {  	[sflag:s11] =	ssyncset.done $0x0  }
0xdf: {  	[sflag:s11] =	ssyncadd.s32 $0xFFFFFFB0  }
0xe0: {  	[spmem:s3] =	stream.indirect.scatter.add.f32 [tilespmem:s31], [sflag:$0x4], $0x80, s29, s20, $0xb8;
	[tilespmem:$0x1F720] =	vst v63  }
0xe1: {  	_ =	swait.ge [sflag:s12], $0x2800  }
0xe2: {  	[sflag:s12] =	ssyncset.done $0x0  }
0xe3: {  	s25 =	sadd.s32 $0xFFFFFF60, s17;
	s29 =	rddreg [dreg:$0x7];
	[sflag:s12] =	ssyncadd.s32 $0xFFFFD800  }
0xe4: {  	[tilespmem:s28], [sflag:$0x3] =	stream.indirect.gather [hbm4b:s1+s20], $0x40, s25, s20, $0xb8;
	[tilespmem:$0x1F720] =	vst v63  }
0xe5: {  	s6 =	rddreg [dreg:$0x6];
	s24 =	sadd.s32 s18, s29  }
0xe6: {  	[tilespmem:s13], [sflag:$0xB] =	stream.linear.gather [hbm4b:s24+s4], $0x50, $0x38;
	[tilespmem:$0x1F720] =	vst v63  }
0xe7: {  	s29 =	sadd.s32 s18, s6;
	s28 =	rddreg [dreg:$0x11]  }
0xe8: {  	[tilespmem:s28], [sflag:$0xB] =	stream.linear.gather [hbm4b:s29+s4], $0x50, $0x38;
	[tilespmem:$0x1F720] =	vst v63  }
0xe9: {  	_ =	swait.ge [sflag:s19], $0x1400  }
0xea: {  	[sflag:s19] =	ssyncset.done $0x0  }
0xeb: {  	[sflag:s19] =	ssyncadd.s32 $0xFFFFEC00  }
0xec: {  	_ =	swait.ge [sflag:s14], $0x50  }
0xed: {  	[sflag:s14] =	ssyncset.done $0x0  }
0xee: {  	[sflag:s14] =	ssyncadd.s32 $0xFFFFFFB0  }
0xef: {  	_ =	swait.ge [sflag:s14], $0x50  }
0xf0: {  	[sflag:s14] =	ssyncset.done $0x0  }
0xf1: {  	[sflag:s14] =	ssyncadd.s32 $0xFFFFFFB0  }
0xf2: {  	[spmem:s3] =	stream.indirect.scatter.add.f32 [tilespmem:s26], [sflag:$0x5], $0x80, s2, s20, $0xb8;
	[tilespmem:$0x1F720] =	vst v63  }
0xf3: {  	p1 =	seq.s32 s18, $0x4B0;
	_ =	swait.ge [sflag:s7], $0x2800  }
0xf4: {  	s5 =	sadd.s32 @!p1 $0xFFFFFFB0, s17;
	[sflag:s7] =	ssyncset.done $0x0  }
0xf5: {  	s25 =	simm.s32 @!p1 $0x2B20;
	s24 =	simm.s32 @!p1 $0x50;
	[sflag:s7] =	ssyncadd.s32 $0xFFFFD800  }
0xf6: {  	[tilespmem:s25], [sflag:$0x1] =	stream.indirect.gather @!p1 [hbm4b:s1+s24], $0x40, s5, s24, $0xb8;
	[tilespmem:$0x1F720] =	vst v63  }
0xf7: {  	s28 =	sshrl.u32 @!p1 s9, $0x3;
	s5 =	rddreg [dreg:$0x12]  }
0xf8: {  	s6 =	simm.s32 @!p1 $0x2760;
	s25 =	simm.s32 @!p1 $0x0;
	s5 =	sadd.s32 @!p1 s5, s28  }
0xf9: {  	[tilespmem:s6], [sflag:$0x6] =	stream.linear.gather @!p1 [hbm4b:s5+s25], $0x50, $0x38;
	[tilespmem:$0x1F720] =	vst v63  }
0xfa: {  	s5 =	rddreg [dreg:$0x13]  }
0xfb: {  	s29 =	simm.s32 @!p1 $0x2940;
	s5 =	sadd.s32 @!p1 s5, s28  }
0xfc: {  	[tilespmem:s29], [sflag:$0x6] =	stream.linear.gather @!p1 [hbm4b:s5+s25], $0x50, $0x38;
	[tilespmem:$0x1F720] =	vst v63  }
0xfd: {  	_ =	swait.ge [sflag:s0], $0x1400  }
0xfe: {  	[sflag:s0] =	ssyncset.done $0x0  }
0xff: {  	[sflag:s0] =	ssyncadd.s32 $0xFFFFEC00  }
0x100: {  	_ =	swait.ge [sflag:s15], $0x50  }
0x101: {  	[sflag:s15] =	ssyncset.done $0x0  }
0x102: {  	[sflag:s15] =	ssyncadd.s32 $0xFFFFFFB0  }
0x103: {  	_ =	swait.ge [sflag:s15], $0x50  }
0x104: {  	[sflag:s15] =	ssyncset.done $0x0  }
0x105: {  	[sflag:s15] =	ssyncadd.s32 $0xFFFFFFB0  }
0x106: {  	[spmem:s3] =	stream.indirect.scatter.add.f32 [tilespmem:s31], [sflag:$0x4], $0x80, s8, s20, $0xb8;
	[tilespmem:$0x1F720] =	vst v63  }
0x107: {  	_ =	swait.ge [sflag:s12], $0x2800  }
0x108: {  	s22 =	smov.u32 s21;
	[sflag:s12] =	ssyncset.done $0x0  }
0x109: {  	s5 =	simm.s32 @!p1 $0x3F20;
	s6 =	rddreg [dreg:$0x5];
	[sflag:s12] =	ssyncadd.s32 $0xFFFFD800  }
0x10a: {  	[tilespmem:s5], [sflag:$0x2] =	stream.indirect.gather @!p1 [hbm4b:s1+s24], $0x40, s17, s24, $0xb8;
	[tilespmem:$0x1F720] =	vst v63  }
0x10b: {  	s28 =	rddreg [dreg:$0x4];
	s5 =	sadd.s32 @!p1 s18, s6;
	s6 =	simm.s32 @!p1 $0x27B0  }
0x10c: {  	[tilespmem:s6], [sflag:$0x7] =	stream.linear.gather @!p1 [hbm4b:s5+s25], $0x50, $0x38;
	[tilespmem:$0x1F720] =	vst v63  }
0x10d: {  	s21 =	sadd.s32 $0x3C, s21;
	s24 =	simm.s32 @!p1 $0x2990;
	s5 =	sadd.s32 @!p1 s18, s28  }
0x10e: {  	[tilespmem:s24], [sflag:$0x7] =	stream.linear.gather @!p1 [hbm4b:s5+s25], $0x50, $0x38;
	[tilespmem:$0x1F720] =	vst v63  }
0x10f: {  	p0 =	sne.s32 s21, $0x4EC;
	_ =	swait.ge [sflag:s10], $0x1400  }
.Ltmp0:
0x110: {  	[sflag:s10] =	ssyncset.done $0x0;
	(pc) =	sbr.rel @p0 .LBB2_2-.Ltmp0, $4  }
0x111: {  	[sflag:s10] =	ssyncadd.s32 $0xFFFFEC00  }
0x112: {  	_ =	swait.ge [sflag:s16], $0x50  }
0x113: {  	s9 =	sadd.s32 $0x1E0, s9;
	s18 =	smov.u32 s22;
	[sflag:s16] =	ssyncset.done $0x0  }
0x114: {  	s17 =	sadd.s32 $0x1E0, s17;
	p1 =	seq.s32 s18, $0x0;
	[sflag:s16] =	ssyncadd.s32 $0xFFFFFFB0  }
0x115: {  	_ =	swait.ge [sflag:s16], $0x50  }
0x116: {  	[sflag:s16] =	ssyncset.done $0x0  }
0x117: {  	s5 =	simm.s32 @!p1 $0x4;
	[sflag:s16] =	ssyncadd.s32 $0xFFFFFFB0  }
0x118: {  	[spmem:s3] =	stream.indirect.scatter.add.f32 [tilespmem:s26], [sflag:$0x5], $0x80, s13, s20, $0xb8;
	[tilespmem:$0x1F720] =	vst v63  }
0x119: {  	_ =	swait.ge @!p1 [sflag:s5], $0x2800  }
0x11a: {  	s21 =	sadd.s32 $0xFFFFFE70, s17;
	[sflag:s5] =	ssyncset.done @!p1 $0x0  }
0x11b: {  	s24 =	simm.s32 $0x5320;
	s6 =	rddreg [dreg:$0xd];
	[sflag:s5] =	ssyncadd.s32 @!p1 $0xFFFFD800  }
0x11c: {  	[tilespmem:s24], [sflag:$0x3] =	stream.indirect.gather [hbm4b:s1+s20], $0x40, s21, s20, $0xb8;
	[tilespmem:$0x1F720] =	vst v63  }
0x11d: {  	s25 =	simm.s32 $0x2800;
	s28 =	rddreg [dreg:$0xc];
	s6 =	sadd.s32 s18, s6  }
0x11e: {  	[tilespmem:s25], [sflag:$0x8] =	stream.linear.gather [hbm4b:s6+s4], $0x50, $0x38;
	[tilespmem:$0x1F720] =	vst v63  }
0x11f: {  	s29 =	rddreg [dreg:$0xe];
	s5 =	sadd.s32 s18, s28  }
0x120: {  	[tilespmem:s29], [sflag:$0x8] =	stream.linear.gather [hbm4b:s5+s4], $0x50, $0x38;
	[tilespmem:$0x1F720] =	vst v63  }
0x121: {  	_ =	swait.ge [sflag:s19], $0x1400  }
0x122: {  	[sflag:s19] =	ssyncset.done $0x0  }
0x123: {  	[sflag:s19] =	ssyncadd.s32 $0xFFFFEC00  }
0x124: {  	_ =	swait.ge [sflag:s30], $0x50  }
0x125: {  	[sflag:s30] =	ssyncset.done $0x0  }
0x126: {  	[sflag:s30] =	ssyncadd.s32 $0xFFFFFFB0  }
0x127: {  	_ =	swait.ge [sflag:s30], $0x50  }
0x128: {  	[sflag:s30] =	ssyncset.done $0x0  }
0x129: {  	s22 =	simm.s32 $0x2760;
	s5 =	simm.s32 @!p1 $0x5;
	[sflag:s30] =	ssyncadd.s32 $0xFFFFFFB0  }
0x12a: {  	[spmem:s3] =	stream.indirect.scatter.add.f32 [tilespmem:s31], [sflag:$0x4], $0x80, s22, s20, $0xb8;
	[tilespmem:$0x1F720] =	vst v63  }
0x12b: {  	_ =	swait.ge @!p1 [sflag:s5], $0x2800  }
0x12c: {  	s28 =	sadd.s32 $0xFFFFFEC0, s17;
	[sflag:s5] =	ssyncset.done @!p1 $0x0  }
0x12d: {  	s22 =	simm.s32 $0x2B20;
	s6 =	rddreg [dreg:$0xb];
	[sflag:s5] =	ssyncadd.s32 @!p1 $0xFFFFD800  }
0x12e: {  	[tilespmem:s22], [sflag:$0x1] =	stream.indirect.gather [hbm4b:s1+s20], $0x40, s28, s20, $0xb8;
	[tilespmem:$0x1F720] =	vst v63  }
0x12f: {  	s29 =	rddreg [dreg:$0xa];
	s6 =	sadd.s32 s18, s6  }
0x130: {  	[tilespmem:s2], [sflag:$0x9] =	stream.linear.gather [hbm4b:s6+s4], $0x50, $0x38;
	[tilespmem:$0x1F720] =	vst v63  }
0x131: {  	s5 =	sadd.s32 s18, s29;
	s22 =	rddreg [dreg:$0xf]  }
0x132: {  	[tilespmem:s22], [sflag:$0x9] =	stream.linear.gather [hbm4b:s5+s4], $0x50, $0x38;
	[tilespmem:$0x1F720] =	vst v63  }
0x133: {  	_ =	swait.ge [sflag:s0], $0x1400  }
0x134: {  	[sflag:s0] =	ssyncset.done $0x0  }
0x135: {  	[sflag:s0] =	ssyncadd.s32 $0xFFFFEC00  }
0x136: {  	_ =	swait.ge [sflag:s23], $0x50  }
0x137: {  	[sflag:s23] =	ssyncset.done $0x0  }
0x138: {  	[sflag:s23] =	ssyncadd.s32 $0xFFFFFFB0  }
0x139: {  	_ =	swait.ge [sflag:s23], $0x50  }
0x13a: {  	[sflag:s23] =	ssyncset.done $0x0  }
0x13b: {  	s28 =	simm.s32 $0x27B0;
	[sflag:s23] =	ssyncadd.s32 $0xFFFFFFB0  }
0x13c: {  	[spmem:s3] =	stream.indirect.scatter.add.f32 [tilespmem:s26], [sflag:$0x5], $0x80, s28, s20, $0xb8;
	[tilespmem:$0x1F720] =	vst v63  }
0x13d: {  	_ =	swait.ge [sflag:s7], $0x2800  }
0x13e: {  	s22 =	sadd.s32 $0xFFFFFF10, s17;
	[sflag:s7] =	ssyncset.done $0x0  }
0x13f: {  	s28 =	simm.s32 $0x3F20;
	s29 =	rddreg [dreg:$0x9];
	[sflag:s7] =	ssyncadd.s32 $0xFFFFD800  }
0x140: {  	[tilespmem:s28], [sflag:$0x2] =	stream.indirect.gather [hbm4b:s1+s20], $0x40, s22, s20, $0xb8;
	[tilespmem:$0x1F720] =	vst v63  }
0x141: {  	s21 =	rddreg [dreg:$0x8];
	s5 =	sadd.s32 s18, s29  }
0x142: {  	[tilespmem:s8], [sflag:$0xA] =	stream.linear.gather [hbm4b:s5+s4], $0x50, $0x38;
	[tilespmem:$0x1F720] =	vst v63  }
0x143: {  	s29 =	rddreg [dreg:$0x10];
	s21 =	sadd.s32 s18, s21  }
0x144: {  	[tilespmem:s29], [sflag:$0xA] =	stream.linear.gather [hbm4b:s21+s4], $0x50, $0x38;
	[tilespmem:$0x1F720] =	vst v63  }
0x145: {  	_ =	swait.ge [sflag:s10], $0x1400  }
0x146: {  	[sflag:s10] =	ssyncset.done $0x0  }
0x147: {  	[sflag:s10] =	ssyncadd.s32 $0xFFFFEC00  }
0x148: {  	_ =	swait.ge [sflag:s11], $0x50  }
0x149: {  	[sflag:s11] =	ssyncset.done $0x0  }
0x14a: {  	[sflag:s11] =	ssyncadd.s32 $0xFFFFFFB0  }
0x14b: {  	_ =	swait.ge [sflag:s11], $0x50  }
0x14c: {  	[sflag:s11] =	ssyncset.done $0x0  }
0x14d: {  	[sflag:s11] =	ssyncadd.s32 $0xFFFFFFB0  }
0x14e: {  	[spmem:s3] =	stream.indirect.scatter.add.f32 [tilespmem:s31], [sflag:$0x4], $0x80, s25, s20, $0xb8;
	[tilespmem:$0x1F720] =	vst v63  }
0x14f: {  	_ =	swait.ge [sflag:s12], $0x2800  }
0x150: {  	[sflag:s12] =	ssyncset.done $0x0  }
0x151: {  	s25 =	sadd.s32 $0xFFFFFF60, s17;
	s22 =	rddreg [dreg:$0x7];
	[sflag:s12] =	ssyncadd.s32 $0xFFFFD800  }
0x152: {  	[tilespmem:s24], [sflag:$0x3] =	stream.indirect.gather [hbm4b:s1+s20], $0x40, s25, s20, $0xb8;
	[tilespmem:$0x1F720] =	vst v63  }
0x153: {  	s28 =	rddreg [dreg:$0x6];
	s5 =	sadd.s32 s18, s22  }
0x154: {  	[tilespmem:s13], [sflag:$0xB] =	stream.linear.gather [hbm4b:s5+s4], $0x50, $0x38;
	[tilespmem:$0x1F720] =	vst v63  }
0x155: {  	s29 =	rddreg [dreg:$0x11];
	s22 =	sadd.s32 s18, s28  }
0x156: {  	[tilespmem:s29], [sflag:$0xB] =	stream.linear.gather [hbm4b:s22+s4], $0x50, $0x38;
	[tilespmem:$0x1F720] =	vst v63  }
0x157: {  	_ =	swait.ge [sflag:s19], $0x1400  }
0x158: {  	[sflag:s19] =	ssyncset.done $0x0  }
0x159: {  	[sflag:s19] =	ssyncadd.s32 $0xFFFFEC00  }
0x15a: {  	_ =	swait.ge [sflag:s14], $0x50  }
0x15b: {  	[sflag:s14] =	ssyncset.done $0x0  }
0x15c: {  	[sflag:s14] =	ssyncadd.s32 $0xFFFFFFB0  }
0x15d: {  	_ =	swait.ge [sflag:s14], $0x50  }
0x15e: {  	[sflag:s14] =	ssyncset.done $0x0  }
0x15f: {  	[sflag:s14] =	ssyncadd.s32 $0xFFFFFFB0  }
0x160: {  	[spmem:s3] =	stream.indirect.scatter.add.f32 [tilespmem:s26], [sflag:$0x5], $0x80, s2, s20, $0xb8;
	[tilespmem:$0x1F720] =	vst v63  }
0x161: {  	p0 =	seq.s32 s18, $0x4B0;
	_ =	swait.ge [sflag:s7], $0x2800  }
0x162: {  	s6 =	simm.s32 @!p0 $0x50;
	[sflag:s7] =	ssyncset.done $0x0  }
0x163: {  	s21 =	simm.s32 @!p0 $0x2B20;
	s5 =	sadd.s32 @!p0 $0xFFFFFFB0, s17;
	[sflag:s7] =	ssyncadd.s32 $0xFFFFD800  }
0x164: {  	[tilespmem:s21], [sflag:$0x1] =	stream.indirect.gather @!p0 [hbm4b:s1+s6], $0x40, s5, s6, $0xb8;
	[tilespmem:$0x1F720] =	vst v63  }
0x165: {  	s9 =	sshrl.u32 @!p0 s9, $0x3;
	s21 =	rddreg [dreg:$0x12]  }
0x166: {  	s22 =	simm.s32 @!p0 $0x0;
	s5 =	simm.s32 @!p0 $0x2760;
	s21 =	sadd.s32 @!p0 s21, s9  }
0x167: {  	[tilespmem:s5], [sflag:$0x6] =	stream.linear.gather @!p0 [hbm4b:s21+s22], $0x50, $0x38;
	[tilespmem:$0x1F720] =	vst v63  }
0x168: {  	s21 =	rddreg [dreg:$0x13]  }
0x169: {  	s5 =	simm.s32 @!p0 $0x2940;
	s9 =	sadd.s32 @!p0 s21, s9  }
0x16a: {  	[tilespmem:s5], [sflag:$0x6] =	stream.linear.gather @!p0 [hbm4b:s9+s22], $0x50, $0x38;
	[tilespmem:$0x1F720] =	vst v63  }
0x16b: {  	_ =	swait.ge [sflag:s0], $0x1400  }
0x16c: {  	[sflag:s0] =	ssyncset.done $0x0  }
0x16d: {  	[sflag:s0] =	ssyncadd.s32 $0xFFFFEC00  }
0x16e: {  	_ =	swait.ge [sflag:s15], $0x50  }
0x16f: {  	[sflag:s15] =	ssyncset.done $0x0  }
0x170: {  	[sflag:s15] =	ssyncadd.s32 $0xFFFFFFB0  }
0x171: {  	_ =	swait.ge [sflag:s15], $0x50  }
0x172: {  	[sflag:s15] =	ssyncset.done $0x0  }
0x173: {  	[sflag:s15] =	ssyncadd.s32 $0xFFFFFFB0  }
0x174: {  	[spmem:s3] =	stream.indirect.scatter.add.f32 [tilespmem:s31], [sflag:$0x4], $0x80, s8, s20, $0xb8;
	[tilespmem:$0x1F720] =	vst v63  }
0x175: {  	_ =	swait.ge [sflag:s12], $0x2800  }
0x176: {  	[sflag:s12] =	ssyncset.done $0x0  }
0x177: {  	s5 =	simm.s32 @!p0 $0x3F20;
	s9 =	rddreg [dreg:$0x5];
	[sflag:s12] =	ssyncadd.s32 $0xFFFFD800  }
0x178: {  	[tilespmem:s5], [sflag:$0x2] =	stream.indirect.gather @!p0 [hbm4b:s1+s6], $0x40, s17, s6, $0xb8;
	[tilespmem:$0x1F720] =	vst v63  }
0x179: {  	s5 =	rddreg [dreg:$0x4];
	s6 =	sadd.s32 @!p0 s18, s9;
	s9 =	simm.s32 @!p0 $0x27B0  }
0x17a: {  	[tilespmem:s9], [sflag:$0x7] =	stream.linear.gather @!p0 [hbm4b:s6+s22], $0x50, $0x38;
	[tilespmem:$0x1F720] =	vst v63  }
0x17b: {  	s5 =	sadd.s32 @!p0 s18, s5;
	s6 =	simm.s32 @!p0 $0x2990  }
0x17c: {  	[tilespmem:s6], [sflag:$0x7] =	stream.linear.gather @!p0 [hbm4b:s5+s22], $0x50, $0x38;
	[tilespmem:$0x1F720] =	vst v63  }
0x17d: {  	_ =	swait.ge [sflag:s10], $0x1400  }
0x17e: {  	[sflag:s10] =	ssyncset.done $0x0  }
0x17f: {  	[sflag:s10] =	ssyncadd.s32 $0xFFFFEC00  }
0x180: {  	_ =	swait.ge [sflag:s16], $0x50  }
0x181: {  	[sflag:s16] =	ssyncset.done $0x0  }
0x182: {  	[sflag:s16] =	ssyncadd.s32 $0xFFFFFFB0  }
0x183: {  	_ =	swait.ge [sflag:s16], $0x50  }
0x184: {  	[sflag:s16] =	ssyncset.done $0x0  }
0x185: {  	[sflag:s16] =	ssyncadd.s32 $0xFFFFFFB0  }
0x186: {  	[spmem:s3] =	stream.indirect.scatter.add.f32 [tilespmem:s26], [sflag:$0x5], $0x80, s13, s20, $0xb8;
	[tilespmem:$0x1F720] =	vst v63  }
0x187: {  	_ =	swait.ge [sflag:s7], $0x2800  }
0x188: {  	[sflag:s7] =	ssyncset.done $0x0  }
0x189: {  	[sflag:s7] =	ssyncadd.s32 $0xFFFFD800  }
0x18a: {  	_ =	swait.ge [sflag:s12], $0x2800  }
0x18b: {  	[sflag:s12] =	ssyncset.done $0x0  }
0x18c: {  	[sflag:s12] =	ssyncadd.s32 $0xFFFFD800  }
0x18d: {  	[bflag:$0x0] =	sbarrier.arrive $0xFFFF  }
0x18e: {  	s25 =	sld [smem:$0x7FD]  }
0x18f: {  	s17 =	rddreg [dreg:$0x16]  }
0x190: {  	s6 =	simm.s32 $0xC;
	s24 =	rddreg [dreg:$0x1c]  }
0x191: {  	[hbm:s24], [sflag:s17] =	dma.local [spmem:s25], $0x2800  }
0x192: {  	_ =	swait.ge [sflag:s6], $0x2800  }
0x193: {  	s28 =	rddreg [dreg:$0x1f]  }
0x194: {  	s29 =	rddreg [dreg:$0x1d];
	s9 =	sadd.s32 $0x1, s28  }
0x195: {  	p0 =	sne.s32 s9, s29  }
.Ltmp1:
0x196: {  	_ = 	snop;
	(pc) =	sbr.rel @p0 .LBB2_1-.Ltmp1, $3  }
0x197: {  	_ =	sdelay $0x1  }
0x198: {  	[sflag:s6] =	ssyncset.done $0x0  }
0x199: {  	[sflag:s6] =	ssyncadd.s32 $0xFFFFD800  }
0x19a: {  	_ =	sfence.sel $0x180000  }
0x19b: {  	[bflag:$0x0] =	sbarrier.arrive $0xFFFF  }
0x19c: {  	_ =	strace $0x9000004D  }
0x19d: {  	s0 =	stileid.u32;
	[bflag:$0x2] =	sbarrier.arrive $0xFFFF  }
0x19e: {  	p0 =	sne.s32 s0, $0x0;
	s0 =	rddreg [dreg:$0x3]  }
0x19f: {  	s0 =	sadd.s32 @!p0 $0x100000, s0  }
0x1a0: {  	[sflag:s0] =	ssyncadd.tile.s32 @!p0 $0x1;
	_ =	shalt  }
.Lfunc_end2:
_tile_overlayer_lowered:
.L_overlay_start_2:
0x1a1: {  	(tag) =	ssettag $0x2  }
0x1a2: {  	s0 =	rddreg [dreg:$0x0];
	s2 =	stileid.u32  }
0x1a3: {  	s1 =	rddreg [dreg:$0x1];
	p0 =	sne.s32 s2, $0x0  }
0x1a4: {  	s3 =	rddreg [dreg:$0x2];
	[bflag:$0x3] =	sbarrier.arrive $0xFFFF;
	s2 =	simm.s32 @!p0 $0x1C0C  }
0x1a5: {  	[timem:s3], [sflag:s2] =	dma.local @!p0 [hbm:s0], s1  }
0x1a6: {  	s0 =	simm.s32 @!p0 $0xC  }
0x1a7: {  	_ =	swait.ge @!p0 [sflag:s0], s1  }
0x1a8: {  	s1 =	ssub.s32 @!p0 $0x0, s1;
	[sflag:s0] =	ssyncset.done @!p0 $0x0  }
0x1a9: {  	[sflag:s0] =	ssyncadd.s32 @!p0 s1  }
0x1aa: {  	[bflag:$0x3] =	sbarrier.arrive $0xFFFF  }
0x1ab: {  	_ =	shalt  }

// kernel: kernel.8.cloned.1.call-start
scs
__scs_entry_jumppad:
0x0: {  	(pc) =	sbr.rel $0x88, $3  }
0x1: {  	(tag) =	ssettag $0x0;
	lr =	simm.s32 $0x1  }
0x2: {  	[smem:$0x3F9A] =	sst lr;
	_ =	strace $0xD0000000  }
0x3: {  	_ = 	snop  }
0x4: {  	_ = 	snop  }
0x5: {  	_ = 	snop  }
0x6: {  	_ = 	snop  }
0x7: {  	_ = 	snop  }
__scs_overlays_trampoline_lowered:
0x8: {  	[smem:$0x3FA9] =	sst s0  }
0x9: {  	[smem:$0x3FAA] =	sst s1  }
0xa: {  	[smem:$0x3FAB] =	sst s2  }
0xb: {  	[smem:$0x3FAC] =	sst s3  }
0xc: {  	[smem:$0x3FAD] =	sst s4  }
0xd: {  	[smem:$0x3FAE] =	sst s5  }
0xe: {  	[smem:$0x3FAF] =	sst s6  }
0xf: {  	[smem:$0x3FB0] =	sst s7  }
0x10: {  	[smem:$0x3FB1] =	sst s8  }
0x11: {  	[smem:$0x3FB2] =	sst s9;
	s0 =	simm.s32 @!p0 $0x0  }
0x12: {  	s1 =	sld [smem:$0x3F98];
	s0 =	simm.s32 @p0 $0x1  }
0x13: {  	[smem:$0x3FB3] =	sst s0;
	s0 =	simm.s32 @!p1 $0x0  }
0x14: {  	s2 =	sld [smem:$0x3F97];
	s0 =	simm.s32 @p1 $0x1  }
0x15: {  	[smem:$0x3FB4] =	sst s0;
	s0 =	simm.s32 @!p2 $0x0  }
0x16: {  	s3 =	sld [smem:$0x3FDB];
	s0 =	simm.s32 @p2 $0x1  }
0x17: {  	s4 =	simm.s32 $0x1BF5;
	[smem:$0x3FB6] =	sst s0  }
0x18: {  	s0 =	sld [smem:$0x3F99];
	_ =	swait.ge [sflag:s4], $0x0  }
0x19: {  	s7 =	sld [smem:$0x3F9A]  }
0x1a: {  	s8 =	sadd.s32 $0xFFFFE003, lr  }
0x1b: {  	s9 =	sadd.s32 $0xFFFFFEF7, lr;
	s5 =	simm.s32 $0xFFFFFFFF;
	p2 =	slt.u32 s8, $0xFFFFF086  }
0x1c: {  	p1 =	slt.u32 s9, $0xF7A;
	s5 =	simm.s32 @!p2 $0x0  }
0x1d: {  	s5 =	simm.s32 @p1 $0x1;
	p0 =	seq.s32 s7, s2  }
0x1e: {  	s7 =	smul.u32 @!p0 $0xF7A, s2;
	p2 =	seq.s32 @!p0 s5, $0x0  }
0x1f: {  	s9 =	smul.u32 $0xF7A, s1;
	s8 =	simm.s32 @!p0 $0x1BF5;
	p2 =	por !p2, p0  }
0x20: {  	[sflag:s8] =	ssyncset.s32 @!p0 $0xFFFFF086;
	s6 =	sadd.s32 @!p0 s3, s7;
	s7 =	simm.s32 @!p0 $0x108  }
0x21: {  	s3 =	sadd.s32 s3, s9;
	s6 =	sadd.s32 @!p0 $0x88, s6;
	s7 =	simm.s32 @p2 $0x1082  }
0x22: {  	[simem:s7], [sflag:s8] =	dma.local @!p0 [hbm:s6], $0xF7A  }
0x23: {  	s9 =	sor.u32 $0xD0000000, s2;
	s6 =	simm.s32 $0x108;
	_ =	swait.ge @!p0 [sflag:s8], $0x0  }
0x24: {  	s3 =	sadd.s32 $0x88, s3;
	s6 =	simm.s32 @!p1 $0x1082;
	[sflag:s4] =	ssyncset.s32 $0xFFFFF086  }
0x25: {  	[simem:s6], [sflag:s4] =	dma.local [hbm:s3], $0xF7A  }
0x26: {  	[smem:$0x3F9A] =	sst s1;
	(tag) =	ssettag s2;
	_ =	strace s9  }
0x27: {  	s1 =	sld [smem:$0x3FAA]  }
0x28: {  	s2 =	sld [smem:$0x3FAB]  }
0x29: {  	s4 =	sld [smem:$0x3FAD]  }
0x2a: {  	p0 =	seq.s32 s5, $0x0;
	s5 =	sld [smem:$0x3FAE]  }
0x2b: {  	s6 =	sld [smem:$0x3FAF]  }
0x2c: {  	s7 =	sld [smem:$0x3FB0]  }
0x2d: {  	s3 =	simm.s32 $0x108;
	s8 =	sld [smem:$0x3FB1]  }
0x2e: {  	s3 =	simm.s32 @!p0 $0x1082;
	s9 =	sld [smem:$0x3FB2]  }
0x2f: {  	lr =	sadd.s32 s0, s3;
	s0 =	sld [smem:$0x3FA9]  }
0x30: {  	s3 =	sld [smem:$0x3FAC]  }
0x31: {  	[smem:$0x3FB5] =	sst s10  }
0x32: {  	s10 =	sld [smem:$0x3FB3];
	_ =	sdelay $0x3  }
0x33: {  	p0 =	seq.s32 s10, $0x1;
	s10 =	sld [smem:$0x3FB5];
	_ =	sdelay $0x3  }
0x34: {  	[smem:$0x3FB5] =	sst s10  }
0x35: {  	s10 =	sld [smem:$0x3FB4];
	_ =	sdelay $0x3  }
0x36: {  	p1 =	seq.s32 s10, $0x1;
	s10 =	sld [smem:$0x3FB5];
	_ =	sdelay $0x3  }
0x37: {  	[smem:$0x3FB5] =	sst s10  }
0x38: {  	s10 =	sld [smem:$0x3FB6]  }
0x39: {  	_ = 	snop;
	(pc) =	sbr.ind lr, $3  }
0x3a: {  	_ = 	snop  }
0x3b: {  	_ = 	snop  }
0x3c: {  	p2 =	seq.s32 s10, $0x1;
	s10 =	sld [smem:$0x3FB5]  }
0x3d: {  	_ =	shalt  }
0x3e: {  	_ =	shalt  }
0x3f: {  	_ =	shalt  }
0x40: {  	_ =	shalt  }
0x41: {  	_ =	shalt  }
0x42: {  	_ =	shalt  }
0x43: {  	_ =	shalt  }
0x44: {  	_ =	shalt  }
0x45: {  	_ =	shalt  }
0x46: {  	_ =	shalt  }
0x47: {  	_ =	shalt  }
0x48: {  	_ =	shalt  }
0x49: {  	_ =	shalt  }
0x4a: {  	_ =	shalt  }
0x4b: {  	_ =	shalt  }
0x4c: {  	_ =	shalt  }
0x4d: {  	_ =	shalt  }
0x4e: {  	_ =	shalt  }
0x4f: {  	_ =	shalt  }
0x50: {  	_ =	shalt  }
0x51: {  	_ =	shalt  }
0x52: {  	_ =	shalt  }
0x53: {  	_ =	shalt  }
0x54: {  	_ =	shalt  }
0x55: {  	_ =	shalt  }
0x56: {  	_ =	shalt  }
0x57: {  	_ =	shalt  }
0x58: {  	_ =	shalt  }
0x59: {  	_ =	shalt  }
0x5a: {  	_ =	shalt  }
0x5b: {  	_ =	shalt  }
0x5c: {  	_ =	shalt  }
0x5d: {  	_ =	shalt  }
0x5e: {  	_ =	shalt  }
0x5f: {  	_ =	shalt  }
0x60: {  	_ =	shalt  }
0x61: {  	_ =	shalt  }
0x62: {  	_ =	shalt  }
0x63: {  	_ =	shalt  }
0x64: {  	_ =	shalt  }
0x65: {  	_ =	shalt  }
0x66: {  	_ =	shalt  }
0x67: {  	_ =	shalt  }
0x68: {  	_ =	shalt  }
0x69: {  	_ =	shalt  }
0x6a: {  	_ =	shalt  }
0x6b: {  	_ =	shalt  }
0x6c: {  	_ =	shalt  }
0x6d: {  	_ =	shalt  }
0x6e: {  	_ =	shalt  }
0x6f: {  	_ =	shalt  }
0x70: {  	_ =	shalt  }
0x71: {  	_ =	shalt  }
0x72: {  	_ =	shalt  }
0x73: {  	_ =	shalt  }
0x74: {  	_ =	shalt  }
0x75: {  	_ =	shalt  }
0x76: {  	_ =	shalt  }
0x77: {  	_ =	shalt  }
0x78: {  	_ =	shalt  }
0x79: {  	_ =	shalt  }
0x7a: {  	_ =	shalt  }
0x7b: {  	_ =	shalt  }
0x7c: {  	_ =	shalt  }
0x7d: {  	_ =	shalt  }
0x7e: {  	_ =	shalt  }
0x7f: {  	_ =	shalt  }
0x80: {  	_ =	shalt  }
0x81: {  	_ =	shalt  }
0x82: {  	_ =	shalt  }
0x83: {  	_ =	shalt  }
0x84: {  	_ =	shalt  }
0x85: {  	_ =	shalt  }
0x86: {  	_ =	shalt  }
0x87: {  	_ =	shalt  }
.Lfunc_end0:
.L_simem_size_0:
called_computation_lowered:
.L_overlay_start_0:
0x88: {  	s2 =	sld [smem:$0x3FD9]  }
0x89: {  	s3 =	sld [smem:$0x3FFE];
	_ =	sdelay $0x1  }
0x8a: {  	s1 =	srdreg.scid  }
0x8b: {  	s0 =	sand.u32 $0x1, s1  }
0x8c: {  	s17 =	sshll.u32 s0, $0xA;
	s2 =	sadd.s32 s3, s2  }
0x8d: {  	s2 =	sadd.s32 s2, s17  }
0x8e: {  	[smem:$0x3FC1] =	sst s2  }
0x8f: {  	_ = 	snop  }
0x90: {  	s2 =	sld [smem:$0x3FD0];
	(tm) =	ssettm $0x1  }
0x91: {  	s18 =	sld [smem:$0x3FFB];
	_ =	sdelay $0x3  }
0x92: {  	_ =	strace s18  }
0x93: {  	s3 =	sld [smem:$0x3FFC];
	_ =	sdelay $0x3  }
0x94: {  	_ =	strace s3  }
0x95: {  	s3 =	sld [smem:$0x3FFD];
	_ =	sdelay $0x3  }
0x96: {  	_ =	strace s3  }
0x97: {  	_ =	strace $0x8FFFFFFF  }
0x98: {  	s19 =	sld [smem:$0x3FDB];
	_ =	sdelay $0x1  }
0x99: {  	s4 =	simm.s32 $_scs_section_size  }
0x9a: {  	s5 =	simm.s32 $_size__tile_overlayer_lowered;
	s6 =	simm.s32 $_tile_overlayer_lowered  }
0x9b: {  	s22 =	simm.s32 $0x1BFF;
	s21 =	sshll.u32 s6, $0x1;
	s3 =	sadd.s32 s4, s19  }
0x9c: {  	s7 =	simm.s32 $0x0;
	s20 =	sshll.u32 s5, $0x1;
	s5 =	sadd.s32 s21, s3  }
0x9d: {  	[timem:s7], [sflag:s22] =	dma.local [hbm:s5], s20  }
0x9e: {  	_ =	swait.ge [sflag:s22], s20  }
0x9f: {  	s4 =	ssub.s32 $0x0, s20;
	[sflag:s22] =	ssyncset.done $0x0  }
0xa0: {  	[sflag:s22] =	ssyncadd.s32 s4;
	_ =	sdelay $0x1  }
0xa1: {  	s23 =	simm.s32 $0x1B8B  }
0xa2: {  	_ =	swait.ge [sflag:s23], $0x1  }
0xa3: {  	[sflag:s23] =	ssyncset.done $0x0  }
0xa4: {  	s25 =	simm.s32 $0x1B8E;
	s24 =	sld [smem:$0x3FFE];
	[sflag:s23] =	ssyncadd.s32 $0xFFFFFFFF  }
0xa5: {  	s26 =	simm.s32 $execute0_lowered;
	[smem:$0x3FD2] =	sst s25  }
0xa6: {  	s5 =	sshll.u32 s26, $0x1;
	_ =	strace $0x80000046;
	[dreg:$0x1] =	wrdreg $0xFFFFFFFF  }
0xa7: {  	s28 =	simm.s32 $_size_execute0_lowered;
	s3 =	sadd.s32 s3, s5;
	[dreg:$0x0] =	wrdreg $0x0  }
0xa8: {  	s5 =	sshll.u32 s28, $0x1;
	[dreg:$0x2] =	wrdreg s3  }
0xa9: {  	[dreg:$0x3] =	wrdreg s5  }
0xaa: {  	[dreg:$0x4] =	wrdreg $0xC0  }
0xab: {  	_ =	task [dreg:s7], $0x5FFFF  }
0xac: {  	[dreg:$0x1] =	wrdreg $0xFFFFFFFF  }
0xad: {  	[dreg:$0x0] =	wrdreg $0x60  }
0xae: {  	[dreg:$0x2] =	wrdreg s24  }
0xaf: {  	[dreg:$0x3] =	wrdreg s2  }
0xb0: {  	[dreg:$0x4] =	wrdreg $0x4000  }
0xb1: {  	[dreg:$0x5] =	wrdreg $0x9  }
0xb2: {  	_ =	task.clear_ibuf [dreg:s7], $0x6FFFF;
	_ =	strace $0x90000046  }
0xb3: {  	s29 =	simm.s32 $0x9;
	_ =	strace $0x80000048  }
0xb4: {  	_ =	swait.ge [sflag:s29], $0x1  }
0xb5: {  	[sflag:s29] =	ssyncadd.s32 $0xFFFFFFFF  }
0xb6: {  	_ =	strace $0x90000048  }
0xb7: {  	_ =	sfence  }
0xb8: {  	s30 =	sld [smem:$0x0];
	_ =	sdelay $0x2  }
0xb9: {  	s31 =	sshll.u32 s1, $0xD;
	s1 =	sshrl.u32 s1, $0x2  }
0xba: {  	s3 =	sand.u32 $0x4000, s31;
	s1 =	sadd.s32 s1, s30  }
0xbb: {  	s0 =	sor.u32 s3, s0;
	s1 =	sshll.u32 s1, $0x11  }
0xbc: {  	s0 =	sor.u32 s1, s0  }
0xbd: {  	s0 =	sadd.s32 $0x8F2B, s0  }
0xbe: {  	[sflag:s0] =	ssyncadd.remote.s32 $0x1  }
0xbf: {  	_ =	sfence.sel $0xFFFF  }
0xc0: {  	[dreg:$0x0] =	wrdreg $0xFFFFFFFF;
	(pc) =	sbr.abs _section_cstart, $3  }
0xc1: {  	[dreg:$0x1] =	wrdreg $0xFFFFFFFF  }
0xc2: {  	_ =	task.clear_ibuf [dreg:s7], $0x2FFFF;
	_ =	strace $0x9FFFFFFF  }
0xc3: {  	(tm) =	ssettm $0x7FFFFFFF  }
tec
execute0_lowered:
.L_overlay_start_1:
0x0: {  	(tag) =	ssettag $0x1  }
0x1: {  	s0 =	rddreg [dreg:$0x0]  }
0x2: {  	s1 =	rddreg [dreg:$0x1]  }
0x3: {  	s2 =	rddreg [dreg:$0x2]  }
0x4: {  	s3 =	simm.s32 $0x0;
	s16 =	stileid.u32;
	s4 =	srdreg.scid  }
0x5: {  	s30 =	simm.s32 $0x0;
	[smem:$0x7FF] =	sst s3;
	s6 =	smul.u32 $0x280, s16  }
0x6: {  	s12 =	sand.u32 $0x1, s4;
	s4 =	sadd.s32 $0x15000, s0;
	s5 =	sadd.s32 $0x1400, s0  }
0x7: {  	s20 =	sshll.u32 s16, $0x6;
	s14 =	smul.u32 $0x2760, s16;
	_ =	strace $0x80000047  }
0x8: {  	s7 =	sshll.u32 s12, $0x4;
	s9 =	ssub.s32 $0x2, s12;
	s10 =	smul.u32 $0x27600, s12  }
0x9: {  	s24 =	sshll.u32 s12, $0x7;
	s8 =	sshrl.u32 s6, $0x3;
	s7 =	sor.u32 s16, s7  }
0xa: {  	s19 =	sshrl.u32 s9, $0x1;
	s15 =	sadd.s32 s6, s2;
	s16 =	smul.u32 $0x500, s16  }
0xb: {  	s0 =	sadd.s32 s8, s0;
	s7 =	smul.u32 $0x2760, s7;
	s13 =	ssub.s32 s9, s19  }
0xc: {  	s14 =	sadd.s32 s14, s10;
	s15 =	sshrl.u32 s15, $0x3;
	s0 =	sadd.s32 $0x1EE00, s0  }
0xd: {  	s17 =	sadd.s32 $0x140, s14;
	s28 =	sadd.s32 $0xA0, s14;
	s13 =	smax.u32 s13, $0x1  }
0xe: {  	s14 =	sadd.s32 $0xF0, s14;
	s11 =	sshrl.u32 s7, $0x3;
	[dreg:$0x8] =	wrdreg s0  }
0xf: {  	s7 =	sor.u32 $0x1C07, s20;
	s25 =	sshrl.u32 s17, $0x3;
	s0 =	sor.u32 s24, s16  }
0x10: {  	s29 =	sshrl.u32 s28, $0x3;
	s16 =	simm.s32 $0x7;
	s20 =	simm.s32 $0x100  }
0x11: {  	s24 =	simm.s32 $0x1;
	s21 =	sadd.s32 s4, s11;
	s22 =	sadd.s32 s5, s11  }
0x12: {  	s23 =	sadd.s32 $0xA, s11;
	s26 =	sadd.s32 s25, s5;
	[dreg:$0x9] =	wrdreg s21  }
0x13: {  	s12 =	sadd.s32 s25, s4;
	s0 =	sshrl.u32 s0, $0x3;
	[dreg:$0xa] =	wrdreg s22  }
0x14: {  	s17 =	sadd.s32 s29, s5;
	s31 =	sadd.s32 s29, s4;
	[dreg:$0x7] =	wrdreg s26  }
0x15: {  	s25 =	simm.s32 $0x6;
	s10 =	sadd.s32 s4, s23;
	[dreg:$0x6] =	wrdreg s12  }
0x16: {  	s11 =	sadd.s32 s5, s23;
	s12 =	sadd.s32 s1, s0;
	[dreg:$0x5] =	wrdreg s17  }
0x17: {  	[dreg:$0x4] =	wrdreg s31;
	s17 =	simm.s32 $0x200;
	s21 =	simm.s32 $0x300  }
0x18: {  	s22 =	simm.s32 $0x4;
	s23 =	simm.s32 $0x50;
	s26 =	simm.s32 $0x3  }
.LBB2_1:
0x19: {  	s0 =	rddreg [dreg:$0x8]  }
0x1a: {  	[spmem:s15], [sflag:s7] =	dma.local [hbm:s0], $0x50  }
0x1b: {  	_ =	swait.ge [sflag:s16], $0x50  }
0x1c: {  	[sflag:s16] =	ssyncset.done $0x0  }
0x1d: {  	[sflag:s16] =	ssyncadd.s32 $0xFFFFFFB0  }
0x1e: {  	[bflag:$0x0] =	sbarrier.arrive $0xFFFF  }
0x1f: {  	s8 =	rddreg [dreg:$0x9]  }
0x20: {  	[tilespmem:s3], [sflag:$0x4] =	stream.linear.gather [hbm4b:s8+s3], $0x50, $0x38;
	[tilespmem:$0x680] =	vst v63  }
0x21: {  	s9 =	rddreg [dreg:$0xa]  }
0x22: {  	[tilespmem:s17], [sflag:$0x4] =	stream.linear.gather [hbm4b:s9+s3], $0x50, $0x38;
	[tilespmem:$0x680] =	vst v63  }
0x23: {  	s18 =	simm.s32 $0x80;
	p0 =	por $0x1, $0x1  }
0x24: {  	[tilespmem:s18], [sflag:$0x5] =	stream.linear.gather [hbm4b:s10+s3], $0x50, $0x38;
	[tilespmem:$0x680] =	vst v63  }
0x25: {  	s19 =	simm.s32 $0x280;
	s0 =	simm.s32 @!p0 $0x3  }
0x26: {  	[tilespmem:s19], [sflag:$0x5] =	stream.linear.gather [hbm4b:s11+s3], $0x50, $0x38;
	[tilespmem:$0x680] =	vst v63  }
0x27: {  	_ =	swait.ge @!p0 [sflag:s0], $0x50  }
0x28: {  	s1 =	rddreg [dreg:$0x4];
	[sflag:s0] =	ssyncset.done @!p0 $0x0  }
0x29: {  	s18 =	rddreg [dreg:$0x5];
	[sflag:s0] =	ssyncadd.s32 @!p0 $0xFFFFFFB0;
	s28 =	sadd.s32 $0x0, s1  }
0x2a: {  	[tilespmem:s20], [sflag:$0x6] =	stream.linear.gather [hbm4b:s28+s3], $0x50, $0x38;
	[tilespmem:$0x680] =	vst v63  }
0x2b: {  	s29 =	sadd.s32 $0x0, s18  }
0x2c: {  	[tilespmem:s21], [sflag:$0x6] =	stream.linear.gather [hbm4b:s29+s3], $0x50, $0x38;
	[tilespmem:$0x680] =	vst v63  }
0x2d: {  	_ =	swait.ge [sflag:s22], $0x50  }
0x2e: {  	[sflag:s22] =	ssyncset.done $0x0  }
0x2f: {  	[sflag:s22] =	ssyncadd.s32 $0xFFFFFFB0  }
0x30: {  	_ =	swait.ge [sflag:s22], $0x50  }
0x31: {  	[sflag:s22] =	ssyncset.done $0x0  }
0x32: {  	[sflag:s22] =	ssyncadd.s32 $0xFFFFFFB0  }
0x33: {  	[spmem:s2] =	stream.indirect.scatter.add.f32 [tilespmem:s17], [sflag:$0x1], $0x1, s3, s23, $0xb8;
	[tilespmem:$0x680] =	vst v63  }
0x34: {  	_ =	swait.ge [sflag:s24], $0x50  }
0x35: {  	p0 =	por $0x0, $0x0;
	[sflag:s24] =	ssyncset.done $0x0  }
0x36: {  	s0 =	simm.s32 @p0 $0x5;
	[sflag:s24] =	ssyncadd.s32 $0xFFFFFFB0  }
0x37: {  	_ =	swait.ge @p0 [sflag:s0], $0x50  }
0x38: {  	[sflag:s0] =	ssyncset.done @p0 $0x0  }
0x39: {  	[sflag:s0] =	ssyncadd.s32 @p0 $0xFFFFFFB0  }
0x3a: {  	_ =	swait.ge @p0 [sflag:s0], $0x50  }
0x3b: {  	s1 =	simm.s32 @p0 $0x280;
	s18 =	simm.s32 @p0 $0x2;
	[sflag:s0] =	ssyncset.done @p0 $0x0  }
0x3c: {  	s31 =	simm.s32 @p0 $0x80;
	[sflag:s0] =	ssyncadd.s32 @p0 $0xFFFFFFB0;
	s0 =	simm.s32 @p0 $0x50  }
0x3d: {  	[spmem:s2] =	stream.indirect.scatter.add.f32 @p0 [tilespmem:s1], [sflag:$0x2], $0x1, s31, s0, $0xb8;
	[tilespmem:$0x680] =	vst v63  }
0x3e: {  	_ =	swait.ge @p0 [sflag:s18], $0x50  }
0x3f: {  	s0 =	sshrl.u32 @!p0 s14, $0x3;
	[sflag:s18] =	ssyncset.done @p0 $0x0  }
0x40: {  	s1 =	sadd.s32 @!p0 s4, s0;
	[sflag:s18] =	ssyncadd.s32 @p0 $0xFFFFFFB0;
	s18 =	simm.s32 @!p0 $0x0  }
0x41: {  	[tilespmem:s18], [sflag:$0x4] =	stream.linear.gather @!p0 [hbm4b:s1+s18], $0x50, $0x38;
	[tilespmem:$0x680] =	vst v63  }
0x42: {  	s31 =	simm.s32 @!p0 $0x5;
	s0 =	sadd.s32 @!p0 s5, s0;
	s1 =	simm.s32 @!p0 $0x200  }
0x43: {  	[tilespmem:s1], [sflag:$0x4] =	stream.linear.gather @!p0 [hbm4b:s0+s18], $0x50, $0x38;
	[tilespmem:$0x680] =	vst v63  }
0x44: {  	_ =	swait.ge @!p0 [sflag:s31], $0x50  }
0x45: {  	[sflag:s31] =	ssyncset.done @!p0 $0x0  }
0x46: {  	[sflag:s31] =	ssyncadd.s32 @!p0 $0xFFFFFFB0  }
0x47: {  	_ =	swait.ge @!p0 [sflag:s31], $0x50  }
0x48: {  	s19 =	simm.s32 @!p0 $0x80;
	s0 =	simm.s32 @!p0 $0x280;
	[sflag:s31] =	ssyncset.done @!p0 $0x0  }
0x49: {  	s1 =	simm.s32 @!p0 $0x2;
	[sflag:s31] =	ssyncadd.s32 @!p0 $0xFFFFFFB0;
	s31 =	simm.s32 @!p0 $0x50  }
0x4a: {  	[spmem:s2] =	stream.indirect.scatter.add.f32 @!p0 [tilespmem:s0], [sflag:$0x2], $0x1, s19, s31, $0xb8;
	[tilespmem:$0x680] =	vst v63  }
0x4b: {  	_ =	swait.ge @!p0 [sflag:s1], $0x50  }
0x4c: {  	s31 =	rddreg [dreg:$0x6];
	[sflag:s1] =	ssyncset.done @!p0 $0x0  }
0x4d: {  	s28 =	rddreg [dreg:$0x7];
	[sflag:s1] =	ssyncadd.s32 @!p0 $0xFFFFFFB0;
	s1 =	sadd.s32 @!p0 $0x0, s31  }
0x4e: {  	[tilespmem:s19], [sflag:$0x5] =	stream.linear.gather @!p0 [hbm4b:s1+s18], $0x50, $0x38;
	[tilespmem:$0x680] =	vst v63  }
0x4f: {  	s1 =	sadd.s32 @!p0 $0x0, s28  }
0x50: {  	[tilespmem:s0], [sflag:$0x5] =	stream.linear.gather @!p0 [hbm4b:s1+s18], $0x50, $0x38;
	[tilespmem:$0x680] =	vst v63  }
0x51: {  	_ =	swait.ge [sflag:s25], $0x50  }
0x52: {  	[sflag:s25] =	ssyncset.done $0x0  }
0x53: {  	[sflag:s25] =	ssyncadd.s32 $0xFFFFFFB0  }
0x54: {  	p1 =	por $0x0, $0x0;
	s31 =	simm.s32 $0x1E;
	_ =	swait.ge [sflag:s25], $0x50  }
0x55: {  	s1 =	simm.s32 $0x3C;
	s0 =	sadd.s32 $0xF0, s14;
	[sflag:s25] =	ssyncset.done $0x0  }
.LBB2_2:
0x56: {  	s19 =	simm.s32 @!p1 $0x3;
	[sflag:s25] =	ssyncadd.s32 $0xFFFFFFB0  }
0x57: {  	[spmem:s2] =	stream.indirect.scatter.add.f32 [tilespmem:s21], [sflag:$0x3], $0x1, s20, s23, $0xb8;
	[tilespmem:$0x680] =	vst v63  }
0x58: {  	_ =	swait.ge @!p1 [sflag:s19], $0x50  }
0x59: {  	[sflag:s19] =	ssyncset.done @!p1 $0x0;
	s28 =	rddreg [dreg:$0x4]  }
0x5a: {  	s29 =	rddreg [dreg:$0x5];
	[sflag:s19] =	ssyncadd.s32 @!p1 $0xFFFFFFB0;
	s28 =	sadd.s32 s31, s28  }
0x5b: {  	[tilespmem:s20], [sflag:$0x6] =	stream.linear.gather [hbm4b:s28+s3], $0x50, $0x38;
	[tilespmem:$0x680] =	vst v63  }
0x5c: {  	s19 =	sadd.s32 s31, s29  }
0x5d: {  	[tilespmem:s21], [sflag:$0x6] =	stream.linear.gather [hbm4b:s19+s3], $0x50, $0x38;
	[tilespmem:$0x680] =	vst v63  }
0x5e: {  	_ =	swait.ge [sflag:s22], $0x50  }
0x5f: {  	[sflag:s22] =	ssyncset.done $0x0  }
0x60: {  	[sflag:s22] =	ssyncadd.s32 $0xFFFFFFB0  }
0x61: {  	_ =	swait.ge [sflag:s22], $0x50  }
0x62: {  	[sflag:s22] =	ssyncset.done $0x0  }
0x63: {  	[sflag:s22] =	ssyncadd.s32 $0xFFFFFFB0  }
0x64: {  	[spmem:s2] =	stream.indirect.scatter.add.f32 [tilespmem:s17], [sflag:$0x1], $0x1, s3, s23, $0xb8;
	[tilespmem:$0x680] =	vst v63  }
0x65: {  	_ =	swait.ge [sflag:s24], $0x50  }
0x66: {  	p1 =	seq.s32 s31, $0x4CE;
	[sflag:s24] =	ssyncset.done $0x0  }
0x67: {  	s19 =	simm.s32 @p1 $0x5;
	[sflag:s24] =	ssyncadd.s32 $0xFFFFFFB0  }
0x68: {  	_ =	swait.ge @p1 [sflag:s19], $0x50  }
0x69: {  	[sflag:s19] =	ssyncset.done @p1 $0x0  }
0x6a: {  	[sflag:s19] =	ssyncadd.s32 @p1 $0xFFFFFFB0  }
0x6b: {  	_ =	swait.ge @p1 [sflag:s19], $0x50  }
0x6c: {  	s6 =	simm.s32 @p1 $0x280;
	s8 =	simm.s32 @p1 $0x2;
	[sflag:s19] =	ssyncset.done @p1 $0x0  }
0x6d: {  	s9 =	simm.s32 @p1 $0x80;
	[sflag:s19] =	ssyncadd.s32 @p1 $0xFFFFFFB0;
	s19 =	simm.s32 @p1 $0x50  }
0x6e: {  	[spmem:s2] =	stream.indirect.scatter.add.f32 @p1 [tilespmem:s6], [sflag:$0x2], $0x1, s9, s19, $0xb8;
	[tilespmem:$0x680] =	vst v63  }
0x6f: {  	_ =	swait.ge @p1 [sflag:s8], $0x50  }
0x70: {  	s28 =	sshrl.u32 @!p1 s0, $0x3;
	[sflag:s8] =	ssyncset.done @p1 $0x0  }
0x71: {  	s29 =	sadd.s32 @!p1 s4, s28;
	s6 =	simm.s32 @!p1 $0x0;
	[sflag:s8] =	ssyncadd.s32 @p1 $0xFFFFFFB0  }
0x72: {  	[tilespmem:s6], [sflag:$0x4] =	stream.linear.gather @!p1 [hbm4b:s29+s6], $0x50, $0x38;
	[tilespmem:$0x680] =	vst v63  }
0x73: {  	s28 =	sadd.s32 @!p1 s5, s28;
	s9 =	simm.s32 @!p1 $0x5;
	s8 =	simm.s32 @!p1 $0x200  }
0x74: {  	[tilespmem:s8], [sflag:$0x4] =	stream.linear.gather @!p1 [hbm4b:s28+s6], $0x50, $0x38;
	[tilespmem:$0x680] =	vst v63  }
0x75: {  	_ =	swait.ge @!p1 [sflag:s9], $0x50  }
0x76: {  	[sflag:s9] =	ssyncset.done @!p1 $0x0  }
0x77: {  	[sflag:s9] =	ssyncadd.s32 @!p1 $0xFFFFFFB0  }
0x78: {  	_ =	swait.ge @!p1 [sflag:s9], $0x50  }
0x79: {  	s19 =	simm.s32 @!p1 $0x2;
	s8 =	simm.s32 @!p1 $0x280;
	[sflag:s9] =	ssyncset.done @!p1 $0x0  }
0x7a: {  	s28 =	simm.s32 @!p1 $0x80;
	[sflag:s9] =	ssyncadd.s32 @!p1 $0xFFFFFFB0;
	s9 =	simm.s32 @!p1 $0x50  }
0x7b: {  	[spmem:s2] =	stream.indirect.scatter.add.f32 @!p1 [tilespmem:s8], [sflag:$0x2], $0x1, s28, s9, $0xb8;
	[tilespmem:$0x680] =	vst v63  }
0x7c: {  	s18 =	smov.u32 s1;
	_ =	swait.ge @!p1 [sflag:s19], $0x50  }
0x7d: {  	s1 =	sadd.s32 $0x1E, s1;
	s9 =	rddreg [dreg:$0x6];
	[sflag:s19] =	ssyncset.done @!p1 $0x0  }
0x7e: {  	s29 =	rddreg [dreg:$0x7];
	[sflag:s19] =	ssyncadd.s32 @!p1 $0xFFFFFFB0;
	s9 =	sadd.s32 @!p1 s31, s9  }
0x7f: {  	[tilespmem:s28], [sflag:$0x5] =	stream.linear.gather @!p1 [hbm4b:s9+s6], $0x50, $0x38;
	[tilespmem:$0x680] =	vst v63  }
0x80: {  	p0 =	sne.s32 s1, $0x4EC;
	s9 =	sadd.s32 @!p1 s31, s29  }
0x81: {  	[tilespmem:s8], [sflag:$0x5] =	stream.linear.gather @!p1 [hbm4b:s9+s6], $0x50, $0x38;
	[tilespmem:$0x680] =	vst v63  }
.Ltmp0:
0x82: {  	_ =	swait.ge [sflag:s25], $0x50;
	(pc) =	sbr.rel @p0 .LBB2_2-.Ltmp0, $4  }
0x83: {  	[sflag:s25] =	ssyncset.done $0x0  }
0x84: {  	[sflag:s25] =	ssyncadd.s32 $0xFFFFFFB0  }
0x85: {  	s31 =	smov.u32 s18;
	_ =	swait.ge [sflag:s25], $0x50  }
0x86: {  	s0 =	sadd.s32 $0xF0, s0;
	p1 =	seq.s32 s31, $0x0;
	[sflag:s25] =	ssyncset.done $0x0  }
0x87: {  	s1 =	simm.s32 @!p1 $0x3;
	[sflag:s25] =	ssyncadd.s32 $0xFFFFFFB0  }
0x88: {  	[spmem:s2] =	stream.indirect.scatter.add.f32 [tilespmem:s21], [sflag:$0x3], $0x1, s20, s23, $0xb8;
	[tilespmem:$0x680] =	vst v63  }
0x89: {  	_ =	swait.ge @!p1 [sflag:s1], $0x50  }
0x8a: {  	s6 =	rddreg [dreg:$0x4];
	[sflag:s1] =	ssyncset.done @!p1 $0x0  }
0x8b: {  	s8 =	rddreg [dreg:$0x5];
	[sflag:s1] =	ssyncadd.s32 @!p1 $0xFFFFFFB0;
	s19 =	sadd.s32 s31, s6  }
0x8c: {  	[tilespmem:s20], [sflag:$0x6] =	stream.linear.gather [hbm4b:s19+s3], $0x50, $0x38;
	[tilespmem:$0x680] =	vst v63  }
0x8d: {  	s28 =	sadd.s32 s31, s8  }
0x8e: {  	[tilespmem:s21], [sflag:$0x6] =	stream.linear.gather [hbm4b:s28+s3], $0x50, $0x38;
	[tilespmem:$0x680] =	vst v63  }
0x8f: {  	_ =	swait.ge [sflag:s22], $0x50  }
0x90: {  	[sflag:s22] =	ssyncset.done $0x0  }
0x91: {  	[sflag:s22] =	ssyncadd.s32 $0xFFFFFFB0  }
0x92: {  	_ =	swait.ge [sflag:s22], $0x50  }
0x93: {  	[sflag:s22] =	ssyncset.done $0x0  }
0x94: {  	[sflag:s22] =	ssyncadd.s32 $0xFFFFFFB0  }
0x95: {  	[spmem:s2] =	stream.indirect.scatter.add.f32 [tilespmem:s17], [sflag:$0x1], $0x1, s3, s23, $0xb8;
	[tilespmem:$0x680] =	vst v63  }
0x96: {  	_ =	swait.ge [sflag:s24], $0x50  }
0x97: {  	p0 =	seq.s32 s31, $0x4CE;
	[sflag:s24] =	ssyncset.done $0x0  }
0x98: {  	s1 =	simm.s32 @p0 $0x5;
	[sflag:s24] =	ssyncadd.s32 $0xFFFFFFB0  }
0x99: {  	_ =	swait.ge @p0 [sflag:s1], $0x50  }
0x9a: {  	[sflag:s1] =	ssyncset.done @p0 $0x0  }
0x9b: {  	[sflag:s1] =	ssyncadd.s32 @p0 $0xFFFFFFB0  }
0x9c: {  	_ =	swait.ge @p0 [sflag:s1], $0x50  }
0x9d: {  	s9 =	simm.s32 @p0 $0x80;
	s6 =	simm.s32 @p0 $0x280;
	[sflag:s1] =	ssyncset.done @p0 $0x0  }
0x9e: {  	s8 =	simm.s32 @p0 $0x2;
	[sflag:s1] =	ssyncadd.s32 @p0 $0xFFFFFFB0;
	s1 =	simm.s32 @p0 $0x50  }
0x9f: {  	[spmem:s2] =	stream.indirect.scatter.add.f32 @p0 [tilespmem:s6], [sflag:$0x2], $0x1, s9, s1, $0xb8;
	[tilespmem:$0x680] =	vst v63  }
0xa0: {  	_ =	swait.ge @p0 [sflag:s8], $0x50  }
0xa1: {  	s0 =	sshrl.u32 @!p0 s0, $0x3;
	[sflag:s8] =	ssyncset.done @p0 $0x0  }
0xa2: {  	s1 =	sadd.s32 @!p0 s4, s0;
	s6 =	simm.s32 @!p0 $0x0;
	[sflag:s8] =	ssyncadd.s32 @p0 $0xFFFFFFB0  }
0xa3: {  	[tilespmem:s6], [sflag:$0x4] =	stream.linear.gather @!p0 [hbm4b:s1+s6], $0x50, $0x38;
	[tilespmem:$0x680] =	vst v63  }
0xa4: {  	s0 =	sadd.s32 @!p0 s5, s0;
	s8 =	simm.s32 @!p0 $0x5;
	s1 =	simm.s32 @!p0 $0x200  }
0xa5: {  	[tilespmem:s1], [sflag:$0x4] =	stream.linear.gather @!p0 [hbm4b:s0+s6], $0x50, $0x38;
	[tilespmem:$0x680] =	vst v63  }
0xa6: {  	_ =	swait.ge @!p0 [sflag:s8], $0x50  }
0xa7: {  	[sflag:s8] =	ssyncset.done @!p0 $0x0  }
0xa8: {  	[sflag:s8] =	ssyncadd.s32 @!p0 $0xFFFFFFB0  }
0xa9: {  	_ =	swait.ge @!p0 [sflag:s8], $0x50  }
0xaa: {  	s9 =	simm.s32 @!p0 $0x80;
	s0 =	simm.s32 @!p0 $0x280;
	[sflag:s8] =	ssyncset.done @!p0 $0x0  }
0xab: {  	s1 =	simm.s32 @!p0 $0x2;
	[sflag:s8] =	ssyncadd.s32 @!p0 $0xFFFFFFB0;
	s8 =	simm.s32 @!p0 $0x50  }
0xac: {  	[spmem:s2] =	stream.indirect.scatter.add.f32 @!p0 [tilespmem:s0], [sflag:$0x2], $0x1, s9, s8, $0xb8;
	[tilespmem:$0x680] =	vst v63  }
0xad: {  	_ =	swait.ge @!p0 [sflag:s1], $0x50  }
0xae: {  	s8 =	rddreg [dreg:$0x6];
	[sflag:s1] =	ssyncset.done @!p0 $0x0  }
0xaf: {  	s18 =	rddreg [dreg:$0x7];
	[sflag:s1] =	ssyncadd.s32 @!p0 $0xFFFFFFB0;
	s1 =	sadd.s32 @!p0 s31, s8  }
0xb0: {  	[tilespmem:s9], [sflag:$0x5] =	stream.linear.gather @!p0 [hbm4b:s1+s6], $0x50, $0x38;
	[tilespmem:$0x680] =	vst v63  }
0xb1: {  	s1 =	sadd.s32 @!p0 s31, s18  }
0xb2: {  	[tilespmem:s0], [sflag:$0x5] =	stream.linear.gather @!p0 [hbm4b:s1+s6], $0x50, $0x38;
	[tilespmem:$0x680] =	vst v63  }
0xb3: {  	_ =	swait.ge [sflag:s25], $0x50  }
0xb4: {  	[sflag:s25] =	ssyncset.done $0x0  }
0xb5: {  	[sflag:s25] =	ssyncadd.s32 $0xFFFFFFB0  }
0xb6: {  	_ =	swait.ge [sflag:s25], $0x50  }
0xb7: {  	[sflag:s25] =	ssyncset.done $0x0  }
0xb8: {  	[sflag:s25] =	ssyncadd.s32 $0xFFFFFFB0  }
0xb9: {  	[spmem:s2] =	stream.indirect.scatter.add.f32 [tilespmem:s21], [sflag:$0x3], $0x1, s20, s23, $0xb8;
	[tilespmem:$0x680] =	vst v63  }
0xba: {  	_ =	swait.ge [sflag:s26], $0x50  }
0xbb: {  	s30 =	sadd.s32 $0x1, s30;
	[sflag:s26] =	ssyncset.done $0x0  }
0xbc: {  	s29 =	simm.s32 $0x20;
	p0 =	sne.s32 s30, s13;
	[sflag:s26] =	ssyncadd.s32 $0xFFFFFFB0  }
.Ltmp1:
0xbd: {  	s31 =	simm.s32 $0x10;
	[bflag:$0x0] =	sbarrier.arrive $0xFFFF;
	(pc) =	sbr.rel @p0 .LBB2_1-.Ltmp1, $4  }
0xbe: {  	[hbm:s12@s29], [sflag:s7] =	dma.strided [spmem:s15@s31], $0x50, s24, $0x10   }
0xbf: {  	_ =	swait.ge [sflag:s16], $0x50  }
0xc0: {  	[sflag:s16] =	ssyncset.done $0x0  }
0xc1: {  	[sflag:s16] =	ssyncadd.s32 $0xFFFFFFB0  }
0xc2: {  	_ =	sfence.sel $0x180000  }
0xc3: {  	[bflag:$0x0] =	sbarrier.arrive $0xFFFF  }
0xc4: {  	_ =	strace $0x90000047  }
0xc5: {  	s0 =	stileid.u32;
	[bflag:$0x2] =	sbarrier.arrive $0xFFFF  }
0xc6: {  	p0 =	sne.s32 s0, $0x0;
	s0 =	rddreg [dreg:$0x3]  }
0xc7: {  	s0 =	sadd.s32 @!p0 $0x100000, s0  }
0xc8: {  	[sflag:s0] =	ssyncadd.tile.s32 @!p0 $0x1;
	_ =	shalt  }
.Lfunc_end2:
_tile_overlayer_lowered:
.L_overlay_start_2:
0xc9: {  	(tag) =	ssettag $0x2  }
0xca: {  	s0 =	rddreg [dreg:$0x0];
	s2 =	stileid.u32  }
0xcb: {  	s1 =	rddreg [dreg:$0x1];
	p0 =	sne.s32 s2, $0x0  }
0xcc: {  	s3 =	rddreg [dreg:$0x2];
	[bflag:$0x3] =	sbarrier.arrive $0xFFFF;
	s2 =	simm.s32 @!p0 $0x1C07  }
0xcd: {  	[timem:s3], [sflag:s2] =	dma.local @!p0 [hbm:s0], s1  }
0xce: {  	s0 =	simm.s32 @!p0 $0x7  }
0xcf: {  	_ =	swait.ge @!p0 [sflag:s0], s1  }
0xd0: {  	s1 =	ssub.s32 @!p0 $0x0, s1;
	[sflag:s0] =	ssyncset.done @!p0 $0x0  }
0xd1: {  	[sflag:s0] =	ssyncadd.s32 @!p0 s1  }
0xd2: {  	[bflag:$0x3] =	sbarrier.arrive $0xFFFF  }
0xd3: {  	_ =	shalt  }

</sc_bundles>
